<compile_context>
chip_gen: v7x
topology: tpu7x:2x2x1
jax: 0.10.2.dev20260603
libtpu: 0.0.44.dev20260713+nightly
codegen_flags: <defaults>
</compile_context>

<pallas_src>
import functools

import jax
import jax.numpy as jnp
from jax.experimental import pallas as pl
from jax.experimental.pallas import tpu as pltpu
from jax.experimental.pallas import tpu_sc as plsc

_ACT = 768
_TOPK = 64
_L1_COEFF = 0.0008
_INF_BITS = 0x7F800000

_BM = 512
_BN = 1536
_BK = 1536

_LADDER = (0, 0x3F000000, 0x3F628F5C, 0x3F6CCCCD, 0x3FC00000, 0x41000000)
_D = len(_LADDER)

_G = 16
_NW = 32
_NB = 1024
_CH = 128


def _encode_kernel(x_ref, w_ref, b_ref, sel_ref, acts_ref, gmax_ref,
                   cnt_ref):
    i = pl.program_id(0)
    j = pl.program_id(1)
    xc = x_ref[...] - b_ref[...]
    a = jnp.maximum(
        jnp.dot(xc, w_ref[...], preferred_element_type=jnp.float32), 0.0
    )
    acts_ref[...] = a

    m = a
    for sh in (8, 4, 2, 1):
        m = jnp.maximum(m, pltpu.roll(m, sh, axis=1))
    gmax_ref[...] = jnp.dot(m, sel_ref[...],
                            preferred_element_type=jnp.float32)[None]

    @pl.when(jnp.logical_and(i == 0, j == 0))
    def _init():
        for t in range(_D):
            cnt_ref[t] = 0

    bits = jax.lax.bitcast_convert_type(a, jnp.int32)
    for t in range(_D):
        cnt_ref[t] += jnp.sum(bits > _LADDER[t], dtype=jnp.int32)


def _sc_select_body(params_hbm, gmax_hbm, acts_hbm, hist_hbm,
                    params_v, gmaxs_v, idx_v, rows_v, hist_v, outb_v, sem):
    gpw = gmax_hbm.shape[0] // _NW
    cid = jax.lax.axis_index("c")
    sid = jax.lax.axis_index("s")
    wid = sid * 2 + cid
    lane = jax.lax.iota(jnp.int32, 16)

    pltpu.sync_copy(params_hbm, params_v)
    pv = params_v[...]
    zero = jnp.int32(0)
    lo = jnp.sum(jnp.where(lane == 0, pv, zero))
    s = jnp.sum(jnp.where(lane == 1, pv, zero))

    pltpu.sync_copy(gmax_hbm.at[pl.ds(wid * gpw, gpw)], gmaxs_v)

    def zh(i, c):
        hist_v[pl.ds(i * 16, 16)] = jnp.zeros((16,), jnp.int32)
        return c

    jax.lax.fori_loop(0, (16 * _NB) // 16, zh, 0, unroll=8)

    def scan(i, off_v):
        g = plsc.bitcast(gmaxs_v[pl.ds(i * 16, 16)], jnp.int32)
        m = g > lo
        inc = jnp.where(m, jnp.int32(1), jnp.int32(0))
        pos = off_v + plsc.cumsum(inc) - 1
        ids = (wid * gpw + i * 16) + lane
        plsc.store_scatter(idx_v, [pos], ids, mask=m)
        return off_v + plsc.all_reduce_population_count(m)

    off_v = jax.lax.fori_loop(
        0, gpw // 16, scan, jnp.zeros((16,), jnp.int32), unroll=4
    )
    n = jnp.sum(jnp.where(lane == 0, off_v, zero))

    padv = jnp.full((16,), wid * gpw, jnp.int32)
    for pj in range(_CH // 16):
        posp = n + pj * 16 + lane
        plsc.store_scatter(idx_v, [posp], padv, mask=posp < gpw)

    ntrip = (n + _CH - 1) // _CH
    ones = jnp.ones((16,), jnp.int32)
    lanenb = lane * _NB

    def chunk(c2, carry):
        pltpu.async_copy(
            acts_hbm.at[idx_v.at[pl.ds(c2 * _CH, _CH)]], rows_v, sem
        ).wait()
        nvalid = n - c2 * _CH

        def hrow(j, c3):
            v = plsc.bitcast(rows_v[j, :], jnp.int32)
            m = jnp.logical_and(v > lo, j < nvalid)
            rel = v - (lo + 1)
            b = jnp.minimum(jax.lax.shift_right_logical(rel, s), _NB - 1)
            plsc.addupdate_scatter(hist_v, [b + lanenb], ones, mask=m)
            return c3

        jax.lax.fori_loop(0, _CH, hrow, 0, unroll=8)
        return carry

    jax.lax.fori_loop(0, ntrip, chunk, 0)

    def merge(q, c):
        acc = jnp.zeros((16,), jnp.int32)
        for l in range(16):
            acc = acc + hist_v[pl.ds(l * _NB + q * 16, 16)]
        outb_v[pl.ds(q * 16, 16)] = acc
        return c

    jax.lax.fori_loop(0, _NB // 16, merge, 0)
    pltpu.sync_copy(outb_v, hist_hbm.at[wid])


def _decode_kernel(vk_ref, acts_ref, w_ref, b_ref, x_ref,
                   topk_ref, sae_ref, stat_ref, acc_ref, nbt, nkt):
    i = pl.program_id(0)
    kt = pl.program_id(1)
    a = acts_ref[...]
    bits = jax.lax.bitcast_convert_type(a, jnp.int32)
    m = jnp.where(bits >= vk_ref[0], a, 0.0)
    topk_ref[...] = m

    @pl.when(kt == 0)
    def _zero_acc():
        acc_ref[...] = jnp.zeros_like(acc_ref)

    acc_ref[...] += jnp.dot(m, w_ref[...], preferred_element_type=jnp.float32)

    @pl.when(jnp.logical_and(i == 0, kt == 0))
    def _init_stats():
        stat_ref[0] = 0.0
        stat_ref[1] = 0.0
        stat_ref[2] = jnp.inf
        stat_ref[3] = 0.0

    stat_ref[0] += jnp.sum(m)
    stat_ref[1] += jnp.sum(m > 0, dtype=jnp.float32)
    stat_ref[2] = jnp.minimum(
        stat_ref[2], jnp.min(jnp.where(m > 0, m, jnp.inf))
    )

    @pl.when(kt == nkt - 1)
    def _finish_row():
        sae = acc_ref[...] + b_ref[...]
        sae_ref[...] = sae
        d = sae - x_ref[...]
        stat_ref[3] += jnp.sum(d * d)


def _bracket_update(thrs, hi, counts, k, dead):
    ge = counts >= k
    idx = jnp.arange(_D, dtype=jnp.int32)
    jstar = jnp.max(jnp.where(ge, idx, -1))
    dead = jnp.logical_or(dead, jstar < 0)
    js = jnp.maximum(jstar, 0)
    new_lo = thrs[js]
    new_hi = jnp.where(js < _D - 1, thrs[jnp.minimum(js + 1, _D - 1)], hi)
    return new_lo, new_hi, dead


def _sc_update(lo, hi, s, hist, k, dead):
    tot = jnp.sum(hist, axis=0)
    suf = jnp.cumsum(tot[::-1])[::-1]
    ge = suf >= k
    idx = jnp.arange(_NB, dtype=jnp.int32)
    b = jnp.max(jnp.where(ge, idx, -1))
    dead = jnp.logical_or(dead, b < 0)
    bs = jnp.maximum(b, 0)
    w = hi - lo
    new_lo = lo + (bs << s)
    new_hi = lo + jnp.minimum((bs + 1) << s, w)
    return new_lo, new_hi, dead


def kernel(x, W_enc, W_dec, b_dec):
    batch = x.shape[0]
    dict_size = W_enc.shape[1]
    k = _TOPK * batch
    b2 = b_dec.reshape(1, _ACT)

    nbt = batch // _BM
    ndt = dict_size // _BN
    ng = _BN // _G
    cidx = jnp.arange(ng)
    sel = jnp.zeros((_BN, ng), jnp.float32).at[cidx * _G + _G - 1, cidx].set(1.0)

    acts, gmax, cnt0 = pl.pallas_call(
        _encode_kernel,
        grid=(nbt, ndt),
        in_specs=[
            pl.BlockSpec((_BM, _ACT), lambda i, j: (i, 0)),
            pl.BlockSpec((_ACT, _BN), lambda i, j: (0, j)),
            pl.BlockSpec((1, _ACT), lambda i, j: (0, 0)),
            pl.BlockSpec((_BN, ng), lambda i, j: (0, 0)),
        ],
        out_specs=[
            pl.BlockSpec((_BM, _BN), lambda i, j: (i, j)),
            pl.BlockSpec((1, _BM, ng), lambda i, j: (j, i, 0)),
            pl.BlockSpec(memory_space=pltpu.SMEM),
        ],
        out_shape=[
            jax.ShapeDtypeStruct((batch, dict_size), jnp.float32),
            jax.ShapeDtypeStruct((ndt, batch, ng), jnp.float32),
            jax.ShapeDtypeStruct((_D,), jnp.int32),
        ],
    )(x, W_enc, b2, sel)

    thrs0 = jnp.array(_LADDER, dtype=jnp.int32)
    lo, hi, dead = _bracket_update(
        thrs0, jnp.int32(_INF_BITS), cnt0, k, jnp.bool_(False)
    )

    ngrp = (batch * dict_size) // _G
    acts2d = acts.reshape(ngrp, _G)
    gmaxf = gmax.transpose(1, 0, 2).reshape(ngrp)

    sc_round = pl.kernel(
        _sc_select_body,
        out_type=jax.ShapeDtypeStruct((_NW, _NB), jnp.int32),
        mesh=plsc.VectorSubcoreMesh(core_axis_name="c", subcore_axis_name="s"),
        compiler_params=pltpu.CompilerParams(
            needs_layout_passes=False, use_tc_tiling_on_sc=False),
        scratch_types=[
            pltpu.VMEM((16,), jnp.int32),
            pltpu.VMEM((ngrp // _NW,), jnp.float32),
            pltpu.VMEM((ngrp // _NW,), jnp.int32),
            pltpu.VMEM((_CH, _G), jnp.float32),
            pltpu.VMEM((16 * _NB,), jnp.int32),
            pltpu.VMEM((_NB,), jnp.int32),
            pltpu.SemaphoreType.DMA,
        ],
    )

    for _ in range(3):
        w = hi - lo
        s = jnp.maximum(0, (32 - jax.lax.clz(w - 1)) - 10)
        params = jnp.zeros((16,), jnp.int32).at[0].set(lo).at[1].set(s)
        hist = sc_round(params, gmaxf, acts2d)
        lo, hi, dead = _sc_update(lo, hi, s, hist, k, dead)

    vk_bits = jnp.where(dead, jnp.int32(0), hi)

    nkt = dict_size // _BK
    topk, sae, stats = pl.pallas_call(
        functools.partial(_decode_kernel, nbt=nbt, nkt=nkt),
        grid=(nbt, nkt),
        in_specs=[
            pl.BlockSpec(memory_space=pltpu.SMEM),
            pl.BlockSpec((_BM, _BK), lambda i, t: (i, t)),
            pl.BlockSpec((_BK, _ACT), lambda i, t: (t, 0)),
            pl.BlockSpec((1, _ACT), lambda i, t: (0, 0)),
            pl.BlockSpec((_BM, _ACT), lambda i, t: (i, 0)),
        ],
        out_specs=[
            pl.BlockSpec((_BM, _BK), lambda i, t: (i, t)),
            pl.BlockSpec((_BM, _ACT), lambda i, t: (i, 0)),
            pl.BlockSpec(memory_space=pltpu.SMEM),
        ],
        out_shape=[
            jax.ShapeDtypeStruct((batch, dict_size), jnp.float32),
            jax.ShapeDtypeStruct((batch, _ACT), jnp.float32),
            jax.ShapeDtypeStruct((8,), jnp.float32),
        ],
        scratch_shapes=[pltpu.VMEM((_BM, _ACT), jnp.float32)],
    )(vk_bits.reshape(1), acts, W_dec, b2, x)

    l1_norm = stats[0] / batch
    l0_norm = stats[1] / batch
    minpos = stats[2]
    l2_loss = stats[3] / (batch * _ACT)
    l1_loss = jnp.float32(_L1_COEFF) * l1_norm
    loss = l2_loss + l1_loss
    threshold = jnp.where(jnp.isfinite(minpos), minpos, jnp.float32(0.0))

    return (sae, topk, loss, l2_loss, l1_loss, l0_norm, l1_norm, threshold)

# --- scband reference (transcript-rebuilt; emitter-appended) ---
"""Pipeline reference for scband-batch-top-ksae-2568390443167 (READ-ONLY COPY).

The authoritative reference and input builder live on the scoring server;
editing this copy changes nothing except your own understanding.
"""

import jax, jax.numpy as jnp
import numpy as np

ACT_SIZE = 768
DICT_SIZE = 12288
TOP_K = 64
L1_COEFF = 0.0008
BATCH = 1024


def setup_inputs(seed: int = 0) -> dict:
    key = jax.random.key(seed)
    k1, k2 = jax.random.split(key, 2)
    x = jax.random.normal(k1, (BATCH, ACT_SIZE), dtype=jnp.float32)
    # kaiming_uniform_ on tensor of shape (act_size, dict_size): torch fan_in = size(1) = dict_size
    bound = float(np.sqrt(6.0 / DICT_SIZE))
    W_enc = jax.random.uniform(k2, (ACT_SIZE, DICT_SIZE), dtype=jnp.float32, minval=-bound, maxval=bound)
    W_dec = W_enc.T
    W_dec = W_dec / jnp.linalg.norm(W_dec, axis=-1, keepdims=True)
    b_dec = jnp.zeros((ACT_SIZE,), dtype=jnp.float32)
    return {"x": x, "W_enc": W_enc, "W_dec": W_dec, "b_dec": b_dec}


def reference(x, W_enc, W_dec, b_dec):
    # preprocess_input: input_unit_norm=False -> identity
    # encode (threshold=None path)
    x_cent = x - b_dec
    acts = jax.nn.relu(x_cent @ W_enc)
    flat = acts.reshape(-1)
    k = TOP_K * x.shape[0]
    vals, idx = jax.lax.top_k(flat, k)
    acts_topk = jnp.zeros_like(flat).at[idx].set(vals).reshape(acts.shape)
    # decode
    x_reconstruct = acts_topk @ W_dec + b_dec
    # get_loss_dict (num_batches_not_active all zero -> no dead features; cosine_penalty=0)
    l2_loss = jnp.mean((x_reconstruct.astype(jnp.float32) - x.astype(jnp.float32)) ** 2)
    l1_norm = jnp.mean(jnp.sum(jnp.abs(acts_topk.astype(jnp.float32)), axis=-1))
    l1_loss = L1_COEFF * l1_norm
    l0_norm = jnp.mean(jnp.sum((acts_topk > 0).astype(jnp.float32), axis=-1))
    aux_loss = jnp.asarray(0.0, dtype=x.dtype)
    loss = l2_loss + l1_loss + aux_loss
    threshold = jnp.where(
        jnp.sum(acts_topk) > 0,
        jnp.min(jnp.where(acts_topk > 0, acts_topk, jnp.inf)),
        jnp.asarray(0.0, dtype=x.dtype),
    )
    # postprocess_output: identity (input_unit_norm=False)
    sae_out = x_reconstruct
    return (sae_out, acts_topk, loss, l2_loss, l1_loss, l0_norm, l1_norm, threshold)

if __name__ == "__main__":
    import jax
    _d = setup_inputs()
    print(jax.jit(kernel)(*tuple(_d.values())))

</pallas_src>

<mosaic_0001>
#map = affine_map<(d0, d1) -> (0)>
#map1 = affine_map<(d0, d1) -> (0, 0)>
module attributes {stable_mosaic.version = 14 : i64} {
  func.func @_sc_select_body(%arg0: i32, %arg1: i32, %arg2: memref<16xi32, #tpu.memory_space<hbm>>, %arg3: memref<786432xf32, #tpu.memory_space<hbm>>, %arg4: memref<786432x16xf32, #tpu.memory_space<hbm>>, %arg5: memref<32x1024xi32, #tpu.memory_space<hbm>>, %arg6: memref<16xi32, #tpu.memory_space<vmem>>, %arg7: memref<24576xf32, #tpu.memory_space<vmem>>, %arg8: memref<24576xi32, #tpu.memory_space<vmem>>, %arg9: memref<128x16xf32, #tpu.memory_space<vmem>>, %arg10: memref<16384xi32, #tpu.memory_space<vmem>>, %arg11: memref<1024xi32, #tpu.memory_space<vmem>>, %arg12: memref<!tpu.dma_semaphore, #tpu.memory_space<semaphore_mem>>) attributes {dimension_semantics = [#tpu.dimension_semantics<core_parallel>, #tpu.dimension_semantics<subcore_parallel>], iteration_bounds = array<i64: 2, 16>, scalar_prefetch = 0 : i64, scratch_operands = 7 : i64, tpu.core_type = #tpu.core_type<sc_vector_subcore>, window_params = [{transform_indices = #map}, {transform_indices = #map}, {transform_indices = #map1}, {transform_indices = #map1}]} {
    %mul3A = arith.constant 2 : i32
    %mul3A_0 = arith.muli %arg1, %mul3A : i32
    %add3A = arith.addi %mul3A_0, %arg0 : i32
    %iota3A = tpu.iota {dimensions = array<i32: 0>} : vector<16xi32>
    "tpu.region"() ({
      %run_scoped3A = tpu.sem_alloc : memref<!tpu.dma_semaphore, #tpu.memory_space<semaphore_mem>>
      tpu.enqueue_dma source(%arg2 : memref<16xi32, #tpu.memory_space<hbm>>) target(%arg6 : memref<16xi32, #tpu.memory_space<vmem>>) target_semaphore(%run_scoped3A : memref<!tpu.dma_semaphore, #tpu.memory_space<semaphore_mem>>)
      tpu.wait_dma2 semaphore(%run_scoped3A : memref<!tpu.dma_semaphore, #tpu.memory_space<semaphore_mem>>) src(%arg2 : memref<16xi32, #tpu.memory_space<hbm>>) dst(%arg6 : memref<16xi32, #tpu.memory_space<vmem>>)
      tpu.yield
    }) : () -> ()
    %get3A = arith.constant 0 : index
    %get3A_1 = tpu.vector_load %arg6[%get3A] {strides = array<i32>} : memref<16xi32, #tpu.memory_space<vmem>>, vector<16xi32>,
    %eq3A = arith.constant 0 : i32
    %eq3A_2 = vector.broadcast %eq3A : i32 to vector<16xi32>
    %eq3A_3 = arith.cmpi eq, %iota3A, %eq3A_2 : vector<16xi32>
    %jit3A = arith.constant 0 : i32
    %broadcast_in_dim3A = vector.broadcast %jit3A : i32 to vector<16xi32>
    %select_n3A = arith.select %eq3A_3, %get3A_1, %broadcast_in_dim3A : vector<16xi1>, vector<16xi32>
    %reduce_sum3A = arith.constant true
    %reduce_sum3A_4 = vector.broadcast %reduce_sum3A : i1 to vector<16xi1>
    %reduce_sum3A_5 = tpu.scan <sum>, %select_n3A masked %reduce_sum3A_4 : vector<16xi32>, vector<16xi1> -> vector<16xi32>
    %reduce_sum3A_6 = vector.extract %reduce_sum3A_5[15] : i32 from vector<16xi32>
    %eq3A_7 = arith.constant 1 : i32
    %eq3A_8 = vector.broadcast %eq3A_7 : i32 to vector<16xi32>
    %eq3A_9 = arith.cmpi eq, %iota3A, %eq3A_8 : vector<16xi32>
    %jit3A_10 = arith.constant 0 : i32
    %broadcast_in_dim3A_11 = vector.broadcast %jit3A_10 : i32 to vector<16xi32>
    %select_n3A_12 = arith.select %eq3A_9, %get3A_1, %broadcast_in_dim3A_11 : vector<16xi1>, vector<16xi32>
    %reduce_sum3A_13 = arith.constant true
    %reduce_sum3A_14 = vector.broadcast %reduce_sum3A_13 : i1 to vector<16xi1>
    %reduce_sum3A_15 = tpu.scan <sum>, %select_n3A_12 masked %reduce_sum3A_14 : vector<16xi32>, vector<16xi1> -> vector<16xi32>
    %reduce_sum3A_16 = vector.extract %reduce_sum3A_15[15] : i32 from vector<16xi32>
    %mul3A_17 = arith.constant 24576 : i32
    %mul3A_18 = arith.muli %add3A, %mul3A_17 : i32
    "tpu.region"() ({
      %run_scoped3A = tpu.sem_alloc : memref<!tpu.dma_semaphore, #tpu.memory_space<semaphore_mem>>
      %dma_start3A = tpu.memref_slice %arg3[%mul3A_18] : memref<786432xf32, #tpu.memory_space<hbm>> -> memref<24576xf32, #tpu.memory_space<hbm>>
      %dma_start3A_142 = tpu.memref_slice %arg3[%mul3A_18] : memref<786432xf32, #tpu.memory_space<hbm>> -> memref<24576xf32, #tpu.memory_space<hbm>>
      tpu.enqueue_dma source(%dma_start3A_142 : memref<24576xf32, #tpu.memory_space<hbm>>) target(%arg7 : memref<24576xf32, #tpu.memory_space<vmem>>) target_semaphore(%run_scoped3A : memref<!tpu.dma_semaphore, #tpu.memory_space<semaphore_mem>>)
      %dma_wait3A = tpu.memref_slice %arg3[%mul3A_18] : memref<786432xf32, #tpu.memory_space<hbm>> -> memref<24576xf32, #tpu.memory_space<hbm>>
      %dma_wait3A_143 = tpu.memref_slice %arg3[%mul3A_18] : memref<786432xf32, #tpu.memory_space<hbm>> -> memref<24576xf32, #tpu.memory_space<hbm>>
      tpu.wait_dma2 semaphore(%run_scoped3A : memref<!tpu.dma_semaphore, #tpu.memory_space<semaphore_mem>>) src(%dma_wait3A_143 : memref<24576xf32, #tpu.memory_space<hbm>>) dst(%arg7 : memref<24576xf32, #tpu.memory_space<vmem>>)
      tpu.yield
    }) : () -> ()
    %scan3A = arith.constant 0 : i32
    %scan3A_19 = arith.constant 0 : i32
    %scan3A_20 = arith.constant 1024 : i32
    %scan3A_21 = arith.addi %scan3A_19, %scan3A_20 : i32
    %scan3A_22 = arith.constant 8 : i32
    scf.for %scan3A_142 = %scan3A_19 to %scan3A_21 step %scan3A_22  : i32 {
      %broadcast_in_dim3A_143 = arith.constant 0 : i32
      %broadcast_in_dim3A_144 = vector.broadcast %broadcast_in_dim3A_143 : i32 to vector<16xi32>
      %mul3A_145 = arith.constant 16 : i32
      %mul3A_146 = arith.muli %scan3A_142, %mul3A_145 : i32
      %swap3A = arith.index_cast %mul3A_146 : i32 to index
      %swap3A_147 = tpu.vector_load %arg10[%swap3A] {strides = array<i32>} : memref<16384xi32, #tpu.memory_space<vmem>>, vector<16xi32>,
      tpu.vector_store %arg10[%swap3A], %broadcast_in_dim3A_144 {strides = array<i32>} : memref<16384xi32, #tpu.memory_space<vmem>>, vector<16xi32>,
      %scan3A_148 = arith.constant 1 : i32
      %scan3A_149 = arith.addi %scan3A_142, %scan3A_148 : i32
      %broadcast_in_dim3A_150 = arith.constant 0 : i32
      %broadcast_in_dim3A_151 = vector.broadcast %broadcast_in_dim3A_150 : i32 to vector<16xi32>
      %mul3A_152 = arith.constant 16 : i32
      %mul3A_153 = arith.muli %scan3A_149, %mul3A_152 : i32
      %swap3A_154 = arith.index_cast %mul3A_153 : i32 to index
      %swap3A_155 = tpu.vector_load %arg10[%swap3A_154] {strides = array<i32>} : memref<16384xi32, #tpu.memory_space<vmem>>, vector<16xi32>,
      tpu.vector_store %arg10[%swap3A_154], %broadcast_in_dim3A_151 {strides = array<i32>} : memref<16384xi32, #tpu.memory_space<vmem>>, vector<16xi32>,
      %scan3A_156 = arith.constant 2 : i32
      %scan3A_157 = arith.addi %scan3A_142, %scan3A_156 : i32
      %broadcast_in_dim3A_158 = arith.constant 0 : i32
      %broadcast_in_dim3A_159 = vector.broadcast %broadcast_in_dim3A_158 : i32 to vector<16xi32>
      %mul3A_160 = arith.constant 16 : i32
      %mul3A_161 = arith.muli %scan3A_157, %mul3A_160 : i32
      %swap3A_162 = arith.index_cast %mul3A_161 : i32 to index
      %swap3A_163 = tpu.vector_load %arg10[%swap3A_162] {strides = array<i32>} : memref<16384xi32, #tpu.memory_space<vmem>>, vector<16xi32>,
      tpu.vector_store %arg10[%swap3A_162], %broadcast_in_dim3A_159 {strides = array<i32>} : memref<16384xi32, #tpu.memory_space<vmem>>, vector<16xi32>,
      %scan3A_164 = arith.constant 3 : i32
      %scan3A_165 = arith.addi %scan3A_142, %scan3A_164 : i32
      %broadcast_in_dim3A_166 = arith.constant 0 : i32
      %broadcast_in_dim3A_167 = vector.broadcast %broadcast_in_dim3A_166 : i32 to vector<16xi32>
      %mul3A_168 = arith.constant 16 : i32
      %mul3A_169 = arith.muli %scan3A_165, %mul3A_168 : i32
      %swap3A_170 = arith.index_cast %mul3A_169 : i32 to index
      %swap3A_171 = tpu.vector_load %arg10[%swap3A_170] {strides = array<i32>} : memref<16384xi32, #tpu.memory_space<vmem>>, vector<16xi32>,
      tpu.vector_store %arg10[%swap3A_170], %broadcast_in_dim3A_167 {strides = array<i32>} : memref<16384xi32, #tpu.memory_space<vmem>>, vector<16xi32>,
      %scan3A_172 = arith.constant 4 : i32
      %scan3A_173 = arith.addi %scan3A_142, %scan3A_172 : i32
      %broadcast_in_dim3A_174 = arith.constant 0 : i32
      %broadcast_in_dim3A_175 = vector.broadcast %broadcast_in_dim3A_174 : i32 to vector<16xi32>
      %mul3A_176 = arith.constant 16 : i32
      %mul3A_177 = arith.muli %scan3A_173, %mul3A_176 : i32
      %swap3A_178 = arith.index_cast %mul3A_177 : i32 to index
      %swap3A_179 = tpu.vector_load %arg10[%swap3A_178] {strides = array<i32>} : memref<16384xi32, #tpu.memory_space<vmem>>, vector<16xi32>,
      tpu.vector_store %arg10[%swap3A_178], %broadcast_in_dim3A_175 {strides = array<i32>} : memref<16384xi32, #tpu.memory_space<vmem>>, vector<16xi32>,
      %scan3A_180 = arith.constant 5 : i32
      %scan3A_181 = arith.addi %scan3A_142, %scan3A_180 : i32
      %broadcast_in_dim3A_182 = arith.constant 0 : i32
      %broadcast_in_dim3A_183 = vector.broadcast %broadcast_in_dim3A_182 : i32 to vector<16xi32>
      %mul3A_184 = arith.constant 16 : i32
      %mul3A_185 = arith.muli %scan3A_181, %mul3A_184 : i32
      %swap3A_186 = arith.index_cast %mul3A_185 : i32 to index
      %swap3A_187 = tpu.vector_load %arg10[%swap3A_186] {strides = array<i32>} : memref<16384xi32, #tpu.memory_space<vmem>>, vector<16xi32>,
      tpu.vector_store %arg10[%swap3A_186], %broadcast_in_dim3A_183 {strides = array<i32>} : memref<16384xi32, #tpu.memory_space<vmem>>, vector<16xi32>,
      %scan3A_188 = arith.constant 6 : i32
      %scan3A_189 = arith.addi %scan3A_142, %scan3A_188 : i32
      %broadcast_in_dim3A_190 = arith.constant 0 : i32
      %broadcast_in_dim3A_191 = vector.broadcast %broadcast_in_dim3A_190 : i32 to vector<16xi32>
      %mul3A_192 = arith.constant 16 : i32
      %mul3A_193 = arith.muli %scan3A_189, %mul3A_192 : i32
      %swap3A_194 = arith.index_cast %mul3A_193 : i32 to index
      %swap3A_195 = tpu.vector_load %arg10[%swap3A_194] {strides = array<i32>} : memref<16384xi32, #tpu.memory_space<vmem>>, vector<16xi32>,
      tpu.vector_store %arg10[%swap3A_194], %broadcast_in_dim3A_191 {strides = array<i32>} : memref<16384xi32, #tpu.memory_space<vmem>>, vector<16xi32>,
      %scan3A_196 = arith.constant 7 : i32
      %scan3A_197 = arith.addi %scan3A_142, %scan3A_196 : i32
      %broadcast_in_dim3A_198 = arith.constant 0 : i32
      %broadcast_in_dim3A_199 = vector.broadcast %broadcast_in_dim3A_198 : i32 to vector<16xi32>
      %mul3A_200 = arith.constant 16 : i32
      %mul3A_201 = arith.muli %scan3A_197, %mul3A_200 : i32
      %swap3A_202 = arith.index_cast %mul3A_201 : i32 to index
      %swap3A_203 = tpu.vector_load %arg10[%swap3A_202] {strides = array<i32>} : memref<16384xi32, #tpu.memory_space<vmem>>, vector<16xi32>,
      tpu.vector_store %arg10[%swap3A_202], %broadcast_in_dim3A_199 {strides = array<i32>} : memref<16384xi32, #tpu.memory_space<vmem>>, vector<16xi32>,
    }
    %scan3A_23 = arith.constant 1024 : i32
    %broadcast_in_dim3A_24 = arith.constant 0 : i32
    %broadcast_in_dim3A_25 = vector.broadcast %broadcast_in_dim3A_24 : i32 to vector<16xi32>
    %scan3A_26 = arith.constant 0 : i32
    %scan3A_27 = arith.constant 1536 : i32
    %scan3A_28 = arith.addi %scan3A_26, %scan3A_27 : i32
    %scan3A_29 = arith.constant 4 : i32
    %scan3A_30 = scf.for %scan3A_142 = %scan3A_26 to %scan3A_28 step %scan3A_29 iter_args(%scan3A_143 = %broadcast_in_dim3A_25) -> (vector<16xi32>)  : i32 {
      %mul3A_144 = arith.constant 16 : i32
      %mul3A_145 = arith.muli %scan3A_142, %mul3A_144 : i32
      %get3A_146 = arith.index_cast %mul3A_145 : i32 to index
      %get3A_147 = tpu.vector_load %arg7[%get3A_146] {strides = array<i32>} : memref<24576xf32, #tpu.memory_space<vmem>>, vector<16xf32>,
      %bitcast3A = vector.bitcast %get3A_147 : vector<16xf32> to vector<16xi32>
      %gt3A = vector.broadcast %reduce_sum3A_6 : i32 to vector<16xi32>
      %gt3A_148 = arith.cmpi sgt, %bitcast3A, %gt3A : vector<16xi32>
      %jit3A_149 = arith.constant 1 : i32
      %jit3A_150 = arith.constant 0 : i32
      %broadcast_in_dim3A_151 = vector.broadcast %jit3A_149 : i32 to vector<16xi32>
      %broadcast_in_dim3A_152 = vector.broadcast %jit3A_150 : i32 to vector<16xi32>
      %select_n3A_153 = arith.select %gt3A_148, %broadcast_in_dim3A_151, %broadcast_in_dim3A_152 : vector<16xi1>, vector<16xi32>
      %broadcast_in_dim3A_154 = arith.constant true
      %broadcast_in_dim3A_155 = vector.broadcast %broadcast_in_dim3A_154 : i1 to vector<16xi1>
      %masked_cumsum3A = tpu.scan <sum>, %select_n3A_153 masked %broadcast_in_dim3A_155 : vector<16xi32>, vector<16xi1> -> vector<16xi32>
      %add3A_156 = arith.addi %scan3A_143, %masked_cumsum3A : vector<16xi32>
      %sub3A_157 = arith.constant 1 : i32
      %sub3A_158 = vector.broadcast %sub3A_157 : i32 to vector<16xi32>
      %sub3A_159 = arith.subi %add3A_156, %sub3A_158 : vector<16xi32>
      %mul3A_160 = arith.constant 24576 : i32
      %mul3A_161 = arith.muli %add3A, %mul3A_160 : i32
      %mul3A_162 = arith.constant 16 : i32
      %mul3A_163 = arith.muli %scan3A_142, %mul3A_162 : i32
      %add3A_164 = arith.addi %mul3A_161, %mul3A_163 : i32
      %add3A_165 = vector.broadcast %add3A_164 : i32 to vector<16xi32>
      %add3A_166 = arith.addi %add3A_165, %iota3A : vector<16xi32>
      tpu.vector_store_idx %arg8[%sub3A_159], %add3A_166 masked %gt3A_148 : memref<24576xi32, #tpu.memory_space<vmem>>[vector<16xi32>], vector<16xi32>, vector<16xi1>
      %all_reduce_population_count3A = tpu.all_reduce %gt3A_148 {dim = 0 : i64, kind = #tpu.reduction_kind<sum>} : vector<16xi1> -> vector<16xi32>
      %add3A_167 = arith.addi %scan3A_143, %all_reduce_population_count3A : vector<16xi32>
      %scan3A_168 = arith.constant 1 : i32
      %scan3A_169 = arith.addi %scan3A_142, %scan3A_168 : i32
      %mul3A_170 = arith.constant 16 : i32
      %mul3A_171 = arith.muli %scan3A_169, %mul3A_170 : i32
      %get3A_172 = arith.index_cast %mul3A_171 : i32 to index
      %get3A_173 = tpu.vector_load %arg7[%get3A_172] {strides = array<i32>} : memref<24576xf32, #tpu.memory_space<vmem>>, vector<16xf32>,
      %bitcast3A_174 = vector.bitcast %get3A_173 : vector<16xf32> to vector<16xi32>
      %gt3A_175 = vector.broadcast %reduce_sum3A_6 : i32 to vector<16xi32>
      %gt3A_176 = arith.cmpi sgt, %bitcast3A_174, %gt3A_175 : vector<16xi32>
      %jit3A_177 = arith.constant 1 : i32
      %jit3A_178 = arith.constant 0 : i32
      %broadcast_in_dim3A_179 = vector.broadcast %jit3A_177 : i32 to vector<16xi32>
      %broadcast_in_dim3A_180 = vector.broadcast %jit3A_178 : i32 to vector<16xi32>
      %select_n3A_181 = arith.select %gt3A_176, %broadcast_in_dim3A_179, %broadcast_in_dim3A_180 : vector<16xi1>, vector<16xi32>
      %broadcast_in_dim3A_182 = arith.constant true
      %broadcast_in_dim3A_183 = vector.broadcast %broadcast_in_dim3A_182 : i1 to vector<16xi1>
      %masked_cumsum3A_184 = tpu.scan <sum>, %select_n3A_181 masked %broadcast_in_dim3A_183 : vector<16xi32>, vector<16xi1> -> vector<16xi32>
      %add3A_185 = arith.addi %add3A_167, %masked_cumsum3A_184 : vector<16xi32>
      %sub3A_186 = arith.constant 1 : i32
      %sub3A_187 = vector.broadcast %sub3A_186 : i32 to vector<16xi32>
      %sub3A_188 = arith.subi %add3A_185, %sub3A_187 : vector<16xi32>
      %mul3A_189 = arith.constant 24576 : i32
      %mul3A_190 = arith.muli %add3A, %mul3A_189 : i32
      %mul3A_191 = arith.constant 16 : i32
      %mul3A_192 = arith.muli %scan3A_169, %mul3A_191 : i32
      %add3A_193 = arith.addi %mul3A_190, %mul3A_192 : i32
      %add3A_194 = vector.broadcast %add3A_193 : i32 to vector<16xi32>
      %add3A_195 = arith.addi %add3A_194, %iota3A : vector<16xi32>
      tpu.vector_store_idx %arg8[%sub3A_188], %add3A_195 masked %gt3A_176 : memref<24576xi32, #tpu.memory_space<vmem>>[vector<16xi32>], vector<16xi32>, vector<16xi1>
      %all_reduce_population_count3A_196 = tpu.all_reduce %gt3A_176 {dim = 0 : i64, kind = #tpu.reduction_kind<sum>} : vector<16xi1> -> vector<16xi32>
      %add3A_197 = arith.addi %add3A_167, %all_reduce_population_count3A_196 : vector<16xi32>
      %scan3A_198 = arith.constant 2 : i32
      %scan3A_199 = arith.addi %scan3A_142, %scan3A_198 : i32
      %mul3A_200 = arith.constant 16 : i32
      %mul3A_201 = arith.muli %scan3A_199, %mul3A_200 : i32
      %get3A_202 = arith.index_cast %mul3A_201 : i32 to index
      %get3A_203 = tpu.vector_load %arg7[%get3A_202] {strides = array<i32>} : memref<24576xf32, #tpu.memory_space<vmem>>, vector<16xf32>,
      %bitcast3A_204 = vector.bitcast %get3A_203 : vector<16xf32> to vector<16xi32>
      %gt3A_205 = vector.broadcast %reduce_sum3A_6 : i32 to vector<16xi32>
      %gt3A_206 = arith.cmpi sgt, %bitcast3A_204, %gt3A_205 : vector<16xi32>
      %jit3A_207 = arith.constant 1 : i32
      %jit3A_208 = arith.constant 0 : i32
      %broadcast_in_dim3A_209 = vector.broadcast %jit3A_207 : i32 to vector<16xi32>
      %broadcast_in_dim3A_210 = vector.broadcast %jit3A_208 : i32 to vector<16xi32>
      %select_n3A_211 = arith.select %gt3A_206, %broadcast_in_dim3A_209, %broadcast_in_dim3A_210 : vector<16xi1>, vector<16xi32>
      %broadcast_in_dim3A_212 = arith.constant true
      %broadcast_in_dim3A_213 = vector.broadcast %broadcast_in_dim3A_212 : i1 to vector<16xi1>
      %masked_cumsum3A_214 = tpu.scan <sum>, %select_n3A_211 masked %broadcast_in_dim3A_213 : vector<16xi32>, vector<16xi1> -> vector<16xi32>
      %add3A_215 = arith.addi %add3A_197, %masked_cumsum3A_214 : vector<16xi32>
      %sub3A_216 = arith.constant 1 : i32
      %sub3A_217 = vector.broadcast %sub3A_216 : i32 to vector<16xi32>
      %sub3A_218 = arith.subi %add3A_215, %sub3A_217 : vector<16xi32>
      %mul3A_219 = arith.constant 24576 : i32
      %mul3A_220 = arith.muli %add3A, %mul3A_219 : i32
      %mul3A_221 = arith.constant 16 : i32
      %mul3A_222 = arith.muli %scan3A_199, %mul3A_221 : i32
      %add3A_223 = arith.addi %mul3A_220, %mul3A_222 : i32
      %add3A_224 = vector.broadcast %add3A_223 : i32 to vector<16xi32>
      %add3A_225 = arith.addi %add3A_224, %iota3A : vector<16xi32>
      tpu.vector_store_idx %arg8[%sub3A_218], %add3A_225 masked %gt3A_206 : memref<24576xi32, #tpu.memory_space<vmem>>[vector<16xi32>], vector<16xi32>, vector<16xi1>
      %all_reduce_population_count3A_226 = tpu.all_reduce %gt3A_206 {dim = 0 : i64, kind = #tpu.reduction_kind<sum>} : vector<16xi1> -> vector<16xi32>
      %add3A_227 = arith.addi %add3A_197, %all_reduce_population_count3A_226 : vector<16xi32>
      %scan3A_228 = arith.constant 3 : i32
      %scan3A_229 = arith.addi %scan3A_142, %scan3A_228 : i32
      %mul3A_230 = arith.constant 16 : i32
      %mul3A_231 = arith.muli %scan3A_229, %mul3A_230 : i32
      %get3A_232 = arith.index_cast %mul3A_231 : i32 to index
      %get3A_233 = tpu.vector_load %arg7[%get3A_232] {strides = array<i32>} : memref<24576xf32, #tpu.memory_space<vmem>>, vector<16xf32>,
      %bitcast3A_234 = vector.bitcast %get3A_233 : vector<16xf32> to vector<16xi32>
      %gt3A_235 = vector.broadcast %reduce_sum3A_6 : i32 to vector<16xi32>
      %gt3A_236 = arith.cmpi sgt, %bitcast3A_234, %gt3A_235 : vector<16xi32>
      %jit3A_237 = arith.constant 1 : i32
      %jit3A_238 = arith.constant 0 : i32
      %broadcast_in_dim3A_239 = vector.broadcast %jit3A_237 : i32 to vector<16xi32>
      %broadcast_in_dim3A_240 = vector.broadcast %jit3A_238 : i32 to vector<16xi32>
      %select_n3A_241 = arith.select %gt3A_236, %broadcast_in_dim3A_239, %broadcast_in_dim3A_240 : vector<16xi1>, vector<16xi32>
      %broadcast_in_dim3A_242 = arith.constant true
      %broadcast_in_dim3A_243 = vector.broadcast %broadcast_in_dim3A_242 : i1 to vector<16xi1>
      %masked_cumsum3A_244 = tpu.scan <sum>, %select_n3A_241 masked %broadcast_in_dim3A_243 : vector<16xi32>, vector<16xi1> -> vector<16xi32>
      %add3A_245 = arith.addi %add3A_227, %masked_cumsum3A_244 : vector<16xi32>
      %sub3A_246 = arith.constant 1 : i32
      %sub3A_247 = vector.broadcast %sub3A_246 : i32 to vector<16xi32>
      %sub3A_248 = arith.subi %add3A_245, %sub3A_247 : vector<16xi32>
      %mul3A_249 = arith.constant 24576 : i32
      %mul3A_250 = arith.muli %add3A, %mul3A_249 : i32
      %mul3A_251 = arith.constant 16 : i32
      %mul3A_252 = arith.muli %scan3A_229, %mul3A_251 : i32
      %add3A_253 = arith.addi %mul3A_250, %mul3A_252 : i32
      %add3A_254 = vector.broadcast %add3A_253 : i32 to vector<16xi32>
      %add3A_255 = arith.addi %add3A_254, %iota3A : vector<16xi32>
      tpu.vector_store_idx %arg8[%sub3A_248], %add3A_255 masked %gt3A_236 : memref<24576xi32, #tpu.memory_space<vmem>>[vector<16xi32>], vector<16xi32>, vector<16xi1>
      %all_reduce_population_count3A_256 = tpu.all_reduce %gt3A_236 {dim = 0 : i64, kind = #tpu.reduction_kind<sum>} : vector<16xi1> -> vector<16xi32>
      %add3A_257 = arith.addi %add3A_227, %all_reduce_population_count3A_256 : vector<16xi32>
      scf.yield %add3A_257 : vector<16xi32>
    }
    %scan3A_31 = arith.constant 1536 : i32
    %eq3A_32 = arith.constant 0 : i32
    %eq3A_33 = vector.broadcast %eq3A_32 : i32 to vector<16xi32>
    %eq3A_34 = arith.cmpi eq, %iota3A, %eq3A_33 : vector<16xi32>
    %jit3A_35 = arith.constant 0 : i32
    %broadcast_in_dim3A_36 = vector.broadcast %jit3A_35 : i32 to vector<16xi32>
    %select_n3A_37 = arith.select %eq3A_34, %scan3A_30, %broadcast_in_dim3A_36 : vector<16xi1>, vector<16xi32>
    %reduce_sum3A_38 = arith.constant true
    %reduce_sum3A_39 = vector.broadcast %reduce_sum3A_38 : i1 to vector<16xi1>
    %reduce_sum3A_40 = tpu.scan <sum>, %select_n3A_37 masked %reduce_sum3A_39 : vector<16xi32>, vector<16xi1> -> vector<16xi32>
    %reduce_sum3A_41 = vector.extract %reduce_sum3A_40[15] : i32 from vector<16xi32>
    %mul3A_42 = arith.constant 24576 : i32
    %mul3A_43 = arith.muli %add3A, %mul3A_42 : i32
    %broadcast_in_dim3A_44 = vector.broadcast %mul3A_43 : i32 to vector<16xi32>
    %add3A_45 = arith.constant 0 : i32
    %add3A_46 = arith.addi %reduce_sum3A_41, %add3A_45 : i32
    %add3A_47 = vector.broadcast %add3A_46 : i32 to vector<16xi32>
    %add3A_48 = arith.addi %add3A_47, %iota3A : vector<16xi32>
    %lt3A = arith.constant 24576 : i32
    %lt3A_49 = vector.broadcast %lt3A : i32 to vector<16xi32>
    %lt3A_50 = arith.cmpi slt, %add3A_48, %lt3A_49 : vector<16xi32>
    tpu.vector_store_idx %arg8[%add3A_48], %broadcast_in_dim3A_44 masked %lt3A_50 : memref<24576xi32, #tpu.memory_space<vmem>>[vector<16xi32>], vector<16xi32>, vector<16xi1>
    %add3A_51 = arith.constant 16 : i32
    %add3A_52 = arith.addi %reduce_sum3A_41, %add3A_51 : i32
    %add3A_53 = vector.broadcast %add3A_52 : i32 to vector<16xi32>
    %add3A_54 = arith.addi %add3A_53, %iota3A : vector<16xi32>
    %lt3A_55 = arith.constant 24576 : i32
    %lt3A_56 = vector.broadcast %lt3A_55 : i32 to vector<16xi32>
    %lt3A_57 = arith.cmpi slt, %add3A_54, %lt3A_56 : vector<16xi32>
    tpu.vector_store_idx %arg8[%add3A_54], %broadcast_in_dim3A_44 masked %lt3A_57 : memref<24576xi32, #tpu.memory_space<vmem>>[vector<16xi32>], vector<16xi32>, vector<16xi1>
    %add3A_58 = arith.constant 32 : i32
    %add3A_59 = arith.addi %reduce_sum3A_41, %add3A_58 : i32
    %add3A_60 = vector.broadcast %add3A_59 : i32 to vector<16xi32>
    %add3A_61 = arith.addi %add3A_60, %iota3A : vector<16xi32>
    %lt3A_62 = arith.constant 24576 : i32
    %lt3A_63 = vector.broadcast %lt3A_62 : i32 to vector<16xi32>
    %lt3A_64 = arith.cmpi slt, %add3A_61, %lt3A_63 : vector<16xi32>
    tpu.vector_store_idx %arg8[%add3A_61], %broadcast_in_dim3A_44 masked %lt3A_64 : memref<24576xi32, #tpu.memory_space<vmem>>[vector<16xi32>], vector<16xi32>, vector<16xi1>
    %add3A_65 = arith.constant 48 : i32
    %add3A_66 = arith.addi %reduce_sum3A_41, %add3A_65 : i32
    %add3A_67 = vector.broadcast %add3A_66 : i32 to vector<16xi32>
    %add3A_68 = arith.addi %add3A_67, %iota3A : vector<16xi32>
    %lt3A_69 = arith.constant 24576 : i32
    %lt3A_70 = vector.broadcast %lt3A_69 : i32 to vector<16xi32>
    %lt3A_71 = arith.cmpi slt, %add3A_68, %lt3A_70 : vector<16xi32>
    tpu.vector_store_idx %arg8[%add3A_68], %broadcast_in_dim3A_44 masked %lt3A_71 : memref<24576xi32, #tpu.memory_space<vmem>>[vector<16xi32>], vector<16xi32>, vector<16xi1>
    %add3A_72 = arith.constant 64 : i32
    %add3A_73 = arith.addi %reduce_sum3A_41, %add3A_72 : i32
    %add3A_74 = vector.broadcast %add3A_73 : i32 to vector<16xi32>
    %add3A_75 = arith.addi %add3A_74, %iota3A : vector<16xi32>
    %lt3A_76 = arith.constant 24576 : i32
    %lt3A_77 = vector.broadcast %lt3A_76 : i32 to vector<16xi32>
    %lt3A_78 = arith.cmpi slt, %add3A_75, %lt3A_77 : vector<16xi32>
    tpu.vector_store_idx %arg8[%add3A_75], %broadcast_in_dim3A_44 masked %lt3A_78 : memref<24576xi32, #tpu.memory_space<vmem>>[vector<16xi32>], vector<16xi32>, vector<16xi1>
    %add3A_79 = arith.constant 80 : i32
    %add3A_80 = arith.addi %reduce_sum3A_41, %add3A_79 : i32
    %add3A_81 = vector.broadcast %add3A_80 : i32 to vector<16xi32>
    %add3A_82 = arith.addi %add3A_81, %iota3A : vector<16xi32>
    %lt3A_83 = arith.constant 24576 : i32
    %lt3A_84 = vector.broadcast %lt3A_83 : i32 to vector<16xi32>
    %lt3A_85 = arith.cmpi slt, %add3A_82, %lt3A_84 : vector<16xi32>
    tpu.vector_store_idx %arg8[%add3A_82], %broadcast_in_dim3A_44 masked %lt3A_85 : memref<24576xi32, #tpu.memory_space<vmem>>[vector<16xi32>], vector<16xi32>, vector<16xi1>
    %add3A_86 = arith.constant 96 : i32
    %add3A_87 = arith.addi %reduce_sum3A_41, %add3A_86 : i32
    %add3A_88 = vector.broadcast %add3A_87 : i32 to vector<16xi32>
    %add3A_89 = arith.addi %add3A_88, %iota3A : vector<16xi32>
    %lt3A_90 = arith.constant 24576 : i32
    %lt3A_91 = vector.broadcast %lt3A_90 : i32 to vector<16xi32>
    %lt3A_92 = arith.cmpi slt, %add3A_89, %lt3A_91 : vector<16xi32>
    tpu.vector_store_idx %arg8[%add3A_89], %broadcast_in_dim3A_44 masked %lt3A_92 : memref<24576xi32, #tpu.memory_space<vmem>>[vector<16xi32>], vector<16xi32>, vector<16xi1>
    %add3A_93 = arith.constant 112 : i32
    %add3A_94 = arith.addi %reduce_sum3A_41, %add3A_93 : i32
    %add3A_95 = vector.broadcast %add3A_94 : i32 to vector<16xi32>
    %add3A_96 = arith.addi %add3A_95, %iota3A : vector<16xi32>
    %lt3A_97 = arith.constant 24576 : i32
    %lt3A_98 = vector.broadcast %lt3A_97 : i32 to vector<16xi32>
    %lt3A_99 = arith.cmpi slt, %add3A_96, %lt3A_98 : vector<16xi32>
    tpu.vector_store_idx %arg8[%add3A_96], %broadcast_in_dim3A_44 masked %lt3A_99 : memref<24576xi32, #tpu.memory_space<vmem>>[vector<16xi32>], vector<16xi32>, vector<16xi1>
    %add3A_100 = arith.constant 128 : i32
    %add3A_101 = arith.addi %reduce_sum3A_41, %add3A_100 : i32
    %sub3A = arith.constant 1 : i32
    %sub3A_102 = arith.subi %add3A_101, %sub3A : i32
    %jit3A_103 = arith.constant 128 : i32
    %div3A = arith.divsi %sub3A_102, %jit3A_103 : i32
    %sign3A = arith.constant 0 : i32
    %sign3A_104 = arith.cmpi sgt, %sub3A_102, %sign3A : i32
    %sign3A_105 = arith.extui %sign3A_104 : i1 to i32
    %sign3A_106 = arith.constant 0 : i32
    %sign3A_107 = arith.cmpi slt, %sub3A_102, %sign3A_106 : i32
    %sign3A_108 = arith.extui %sign3A_107 : i1 to i32
    %sign3A_109 = arith.subi %sign3A_105, %sign3A_108 : i32
    %sign3A_110 = arith.constant 0 : i32
    %sign3A_111 = arith.cmpi sgt, %jit3A_103, %sign3A_110 : i32
    %sign3A_112 = arith.extui %sign3A_111 : i1 to i32
    %sign3A_113 = arith.constant 0 : i32
    %sign3A_114 = arith.cmpi slt, %jit3A_103, %sign3A_113 : i32
    %sign3A_115 = arith.extui %sign3A_114 : i1 to i32
    %sign3A_116 = arith.subi %sign3A_112, %sign3A_115 : i32
    %ne3A = arith.cmpi ne, %sign3A_109, %sign3A_116 : i32
    %rem3A = arith.remsi %sub3A_102, %jit3A_103 : i32
    %ne3A_117 = arith.constant 0 : i32
    %ne3A_118 = arith.cmpi ne, %rem3A, %ne3A_117 : i32
    %and3A = arith.andi %ne3A, %ne3A_118 : i1
    %sub3A_119 = arith.constant 1 : i32
    %sub3A_120 = arith.subi %div3A, %sub3A_119 : i32
    %select_n3A_121 = arith.select %and3A, %sub3A_120, %div3A : i32
    %broadcast_in_dim3A_122 = arith.constant 1 : i32
    %broadcast_in_dim3A_123 = vector.broadcast %broadcast_in_dim3A_122 : i32 to vector<16xi32>
    %mul3A_124 = arith.constant 1024 : i32
    %mul3A_125 = vector.broadcast %mul3A_124 : i32 to vector<16xi32>
    %mul3A_126 = arith.muli %iota3A, %mul3A_125 : vector<16xi32>
    %while3A = arith.constant 0 : i32
    %while3A_127 = arith.constant 0 : i32
    %while3A_128 = arith.subi %select_n3A_121, %while3A_127 : i32
    %while3A_129 = arith.addi %while3A_127, %while3A_128 : i32
    %while3A_130 = arith.constant 1 : i32
    %while3A_131 = arith.divsi %while3A_128, %while3A_130 : i32
    %while3A_132 = arith.muli %while3A_131, %while3A_130 : i32
    %while3A_133 = arith.addi %while3A_127, %while3A_132 : i32
    %while3A_134 = arith.constant 1 : i32
    scf.for %while3A_142 = %while3A_127 to %while3A_133 step %while3A_134  : i32 {
      %mul3A_143 = arith.constant 128 : i32
      %mul3A_144 = arith.muli %while3A_142, %mul3A_143 : i32
      %dma_start3A = tpu.memref_slice %arg8[%mul3A_144] : memref<24576xi32, #tpu.memory_space<vmem>> -> memref<128xi32, #tpu.memory_space<vmem>>
      %dma_start3A_145 = arith.constant 0 : i32
      %dma_start3A_146 = arith.constant 0 : i32
      %dma_start3A_147 = tpu.memref_slice %arg4[%dma_start3A_145, %dma_start3A_146] : memref<786432x16xf32, #tpu.memory_space<hbm>> -> memref<786432x16xf32, #tpu.memory_space<hbm>>
      tpu.enqueue_indirect_dma source(%dma_start3A_147 : memref<786432x16xf32, #tpu.memory_space<hbm>>) target(%arg9 : memref<128x16xf32, #tpu.memory_space<vmem>>) offsets(%dma_start3A : memref<128xi32, #tpu.memory_space<vmem>>) semaphore(%arg12 : memref<!tpu.dma_semaphore, #tpu.memory_space<semaphore_mem>>)
      %dma_wait3A = tpu.memref_slice %arg8[%mul3A_144] : memref<24576xi32, #tpu.memory_space<vmem>> -> memref<128xi32, #tpu.memory_space<vmem>>
      %dma_wait3A_148 = arith.constant 0 : i32
      %dma_wait3A_149 = arith.constant 0 : i32
      %dma_wait3A_150 = tpu.memref_slice %arg4[%dma_wait3A_148, %dma_wait3A_149] : memref<786432x16xf32, #tpu.memory_space<hbm>> -> memref<786432x16xf32, #tpu.memory_space<hbm>>
      tpu.wait_indirect_dma semaphore(%arg12 : memref<!tpu.dma_semaphore, #tpu.memory_space<semaphore_mem>>) src(%dma_wait3A_150 : memref<786432x16xf32, #tpu.memory_space<hbm>>) dst(%arg9 : memref<128x16xf32, #tpu.memory_space<vmem>>)
      %mul3A_151 = arith.constant 128 : i32
      %mul3A_152 = arith.muli %while3A_142, %mul3A_151 : i32
      %sub3A_153 = arith.subi %reduce_sum3A_41, %mul3A_152 : i32
      %scan3A_154 = arith.constant 0 : i32
      %scan3A_155 = arith.constant 0 : i32
      %scan3A_156 = arith.constant 128 : i32
      %scan3A_157 = arith.addi %scan3A_155, %scan3A_156 : i32
      %scan3A_158 = arith.constant 8 : i32
      scf.for %scan3A_160 = %scan3A_155 to %scan3A_157 step %scan3A_158  : i32 {
        %get3A_161 = arith.index_cast %scan3A_160 : i32 to index
        %get3A_162 = arith.constant 0 : index
        %get3A_163 = tpu.vector_load %arg9[%get3A_161, %get3A_162] {strides = array<i32>} : memref<128x16xf32, #tpu.memory_space<vmem>>, vector<16xf32>,
        %bitcast3A = vector.bitcast %get3A_163 : vector<16xf32> to vector<16xi32>
        %gt3A = vector.broadcast %reduce_sum3A_6 : i32 to vector<16xi32>
        %gt3A_164 = arith.cmpi sgt, %bitcast3A, %gt3A : vector<16xi32>
        %lt3A_165 = arith.cmpi slt, %scan3A_160, %sub3A_153 : i32
        %and3A_166 = vector.broadcast %lt3A_165 : i1 to vector<16xi1>
        %and3A_167 = arith.andi %gt3A_164, %and3A_166 : vector<16xi1>
        %add3A_168 = arith.constant 1 : i32
        %add3A_169 = arith.addi %reduce_sum3A_6, %add3A_168 : i32
        %sub3A_170 = vector.broadcast %add3A_169 : i32 to vector<16xi32>
        %sub3A_171 = arith.subi %bitcast3A, %sub3A_170 : vector<16xi32>
        %shift_right_logical3A = vector.broadcast %reduce_sum3A_16 : i32 to vector<16xi32>
        %shift_right_logical3A_172 = arith.shrui %sub3A_171, %shift_right_logical3A : vector<16xi32>
        %min3A = arith.constant 1023 : i32
        %min3A_173 = vector.broadcast %min3A : i32 to vector<16xi32>
        %min3A_174 = arith.minsi %shift_right_logical3A_172, %min3A_173 : vector<16xi32>
        %add3A_175 = arith.addi %min3A_174, %mul3A_126 : vector<16xi32>
        tpu.vector_store_idx %arg10[%add3A_175], %broadcast_in_dim3A_123 masked %and3A_167 {add = true} : memref<16384xi32, #tpu.memory_space<vmem>>[vector<16xi32>], vector<16xi32>, vector<16xi1>
        %scan3A_176 = arith.constant 1 : i32
        %scan3A_177 = arith.addi %scan3A_160, %scan3A_176 : i32
        %get3A_178 = arith.index_cast %scan3A_177 : i32 to index
        %get3A_179 = arith.constant 0 : index
        %get3A_180 = tpu.vector_load %arg9[%get3A_178, %get3A_179] {strides = array<i32>} : memref<128x16xf32, #tpu.memory_space<vmem>>, vector<16xf32>,
        %bitcast3A_181 = vector.bitcast %get3A_180 : vector<16xf32> to vector<16xi32>
        %gt3A_182 = vector.broadcast %reduce_sum3A_6 : i32 to vector<16xi32>
        %gt3A_183 = arith.cmpi sgt, %bitcast3A_181, %gt3A_182 : vector<16xi32>
        %lt3A_184 = arith.cmpi slt, %scan3A_177, %sub3A_153 : i32
        %and3A_185 = vector.broadcast %lt3A_184 : i1 to vector<16xi1>
        %and3A_186 = arith.andi %gt3A_183, %and3A_185 : vector<16xi1>
        %add3A_187 = arith.constant 1 : i32
        %add3A_188 = arith.addi %reduce_sum3A_6, %add3A_187 : i32
        %sub3A_189 = vector.broadcast %add3A_188 : i32 to vector<16xi32>
        %sub3A_190 = arith.subi %bitcast3A_181, %sub3A_189 : vector<16xi32>
        %shift_right_logical3A_191 = vector.broadcast %reduce_sum3A_16 : i32 to vector<16xi32>
        %shift_right_logical3A_192 = arith.shrui %sub3A_190, %shift_right_logical3A_191 : vector<16xi32>
        %min3A_193 = arith.constant 1023 : i32
        %min3A_194 = vector.broadcast %min3A_193 : i32 to vector<16xi32>
        %min3A_195 = arith.minsi %shift_right_logical3A_192, %min3A_194 : vector<16xi32>
        %add3A_196 = arith.addi %min3A_195, %mul3A_126 : vector<16xi32>
        tpu.vector_store_idx %arg10[%add3A_196], %broadcast_in_dim3A_123 masked %and3A_186 {add = true} : memref<16384xi32, #tpu.memory_space<vmem>>[vector<16xi32>], vector<16xi32>, vector<16xi1>
        %scan3A_197 = arith.constant 2 : i32
        %scan3A_198 = arith.addi %scan3A_160, %scan3A_197 : i32
        %get3A_199 = arith.index_cast %scan3A_198 : i32 to index
        %get3A_200 = arith.constant 0 : index
        %get3A_201 = tpu.vector_load %arg9[%get3A_199, %get3A_200] {strides = array<i32>} : memref<128x16xf32, #tpu.memory_space<vmem>>, vector<16xf32>,
        %bitcast3A_202 = vector.bitcast %get3A_201 : vector<16xf32> to vector<16xi32>
        %gt3A_203 = vector.broadcast %reduce_sum3A_6 : i32 to vector<16xi32>
        %gt3A_204 = arith.cmpi sgt, %bitcast3A_202, %gt3A_203 : vector<16xi32>
        %lt3A_205 = arith.cmpi slt, %scan3A_198, %sub3A_153 : i32
        %and3A_206 = vector.broadcast %lt3A_205 : i1 to vector<16xi1>
        %and3A_207 = arith.andi %gt3A_204, %and3A_206 : vector<16xi1>
        %add3A_208 = arith.constant 1 : i32
        %add3A_209 = arith.addi %reduce_sum3A_6, %add3A_208 : i32
        %sub3A_210 = vector.broadcast %add3A_209 : i32 to vector<16xi32>
        %sub3A_211 = arith.subi %bitcast3A_202, %sub3A_210 : vector<16xi32>
        %shift_right_logical3A_212 = vector.broadcast %reduce_sum3A_16 : i32 to vector<16xi32>
        %shift_right_logical3A_213 = arith.shrui %sub3A_211, %shift_right_logical3A_212 : vector<16xi32>
        %min3A_214 = arith.constant 1023 : i32
        %min3A_215 = vector.broadcast %min3A_214 : i32 to vector<16xi32>
        %min3A_216 = arith.minsi %shift_right_logical3A_213, %min3A_215 : vector<16xi32>
        %add3A_217 = arith.addi %min3A_216, %mul3A_126 : vector<16xi32>
        tpu.vector_store_idx %arg10[%add3A_217], %broadcast_in_dim3A_123 masked %and3A_207 {add = true} : memref<16384xi32, #tpu.memory_space<vmem>>[vector<16xi32>], vector<16xi32>, vector<16xi1>
        %scan3A_218 = arith.constant 3 : i32
        %scan3A_219 = arith.addi %scan3A_160, %scan3A_218 : i32
        %get3A_220 = arith.index_cast %scan3A_219 : i32 to index
        %get3A_221 = arith.constant 0 : index
        %get3A_222 = tpu.vector_load %arg9[%get3A_220, %get3A_221] {strides = array<i32>} : memref<128x16xf32, #tpu.memory_space<vmem>>, vector<16xf32>,
        %bitcast3A_223 = vector.bitcast %get3A_222 : vector<16xf32> to vector<16xi32>
        %gt3A_224 = vector.broadcast %reduce_sum3A_6 : i32 to vector<16xi32>
        %gt3A_225 = arith.cmpi sgt, %bitcast3A_223, %gt3A_224 : vector<16xi32>
        %lt3A_226 = arith.cmpi slt, %scan3A_219, %sub3A_153 : i32
        %and3A_227 = vector.broadcast %lt3A_226 : i1 to vector<16xi1>
        %and3A_228 = arith.andi %gt3A_225, %and3A_227 : vector<16xi1>
        %add3A_229 = arith.constant 1 : i32
        %add3A_230 = arith.addi %reduce_sum3A_6, %add3A_229 : i32
        %sub3A_231 = vector.broadcast %add3A_230 : i32 to vector<16xi32>
        %sub3A_232 = arith.subi %bitcast3A_223, %sub3A_231 : vector<16xi32>
        %shift_right_logical3A_233 = vector.broadcast %reduce_sum3A_16 : i32 to vector<16xi32>
        %shift_right_logical3A_234 = arith.shrui %sub3A_232, %shift_right_logical3A_233 : vector<16xi32>
        %min3A_235 = arith.constant 1023 : i32
        %min3A_236 = vector.broadcast %min3A_235 : i32 to vector<16xi32>
        %min3A_237 = arith.minsi %shift_right_logical3A_234, %min3A_236 : vector<16xi32>
        %add3A_238 = arith.addi %min3A_237, %mul3A_126 : vector<16xi32>
        tpu.vector_store_idx %arg10[%add3A_238], %broadcast_in_dim3A_123 masked %and3A_228 {add = true} : memref<16384xi32, #tpu.memory_space<vmem>>[vector<16xi32>], vector<16xi32>, vector<16xi1>
        %scan3A_239 = arith.constant 4 : i32
        %scan3A_240 = arith.addi %scan3A_160, %scan3A_239 : i32
        %get3A_241 = arith.index_cast %scan3A_240 : i32 to index
        %get3A_242 = arith.constant 0 : index
        %get3A_243 = tpu.vector_load %arg9[%get3A_241, %get3A_242] {strides = array<i32>} : memref<128x16xf32, #tpu.memory_space<vmem>>, vector<16xf32>,
        %bitcast3A_244 = vector.bitcast %get3A_243 : vector<16xf32> to vector<16xi32>
        %gt3A_245 = vector.broadcast %reduce_sum3A_6 : i32 to vector<16xi32>
        %gt3A_246 = arith.cmpi sgt, %bitcast3A_244, %gt3A_245 : vector<16xi32>
        %lt3A_247 = arith.cmpi slt, %scan3A_240, %sub3A_153 : i32
        %and3A_248 = vector.broadcast %lt3A_247 : i1 to vector<16xi1>
        %and3A_249 = arith.andi %gt3A_246, %and3A_248 : vector<16xi1>
        %add3A_250 = arith.constant 1 : i32
        %add3A_251 = arith.addi %reduce_sum3A_6, %add3A_250 : i32
        %sub3A_252 = vector.broadcast %add3A_251 : i32 to vector<16xi32>
        %sub3A_253 = arith.subi %bitcast3A_244, %sub3A_252 : vector<16xi32>
        %shift_right_logical3A_254 = vector.broadcast %reduce_sum3A_16 : i32 to vector<16xi32>
        %shift_right_logical3A_255 = arith.shrui %sub3A_253, %shift_right_logical3A_254 : vector<16xi32>
        %min3A_256 = arith.constant 1023 : i32
        %min3A_257 = vector.broadcast %min3A_256 : i32 to vector<16xi32>
        %min3A_258 = arith.minsi %shift_right_logical3A_255, %min3A_257 : vector<16xi32>
        %add3A_259 = arith.addi %min3A_258, %mul3A_126 : vector<16xi32>
        tpu.vector_store_idx %arg10[%add3A_259], %broadcast_in_dim3A_123 masked %and3A_249 {add = true} : memref<16384xi32, #tpu.memory_space<vmem>>[vector<16xi32>], vector<16xi32>, vector<16xi1>
        %scan3A_260 = arith.constant 5 : i32
        %scan3A_261 = arith.addi %scan3A_160, %scan3A_260 : i32
        %get3A_262 = arith.index_cast %scan3A_261 : i32 to index
        %get3A_263 = arith.constant 0 : index
        %get3A_264 = tpu.vector_load %arg9[%get3A_262, %get3A_263] {strides = array<i32>} : memref<128x16xf32, #tpu.memory_space<vmem>>, vector<16xf32>,
        %bitcast3A_265 = vector.bitcast %get3A_264 : vector<16xf32> to vector<16xi32>
        %gt3A_266 = vector.broadcast %reduce_sum3A_6 : i32 to vector<16xi32>
        %gt3A_267 = arith.cmpi sgt, %bitcast3A_265, %gt3A_266 : vector<16xi32>
        %lt3A_268 = arith.cmpi slt, %scan3A_261, %sub3A_153 : i32
        %and3A_269 = vector.broadcast %lt3A_268 : i1 to vector<16xi1>
        %and3A_270 = arith.andi %gt3A_267, %and3A_269 : vector<16xi1>
        %add3A_271 = arith.constant 1 : i32
        %add3A_272 = arith.addi %reduce_sum3A_6, %add3A_271 : i32
        %sub3A_273 = vector.broadcast %add3A_272 : i32 to vector<16xi32>
        %sub3A_274 = arith.subi %bitcast3A_265, %sub3A_273 : vector<16xi32>
        %shift_right_logical3A_275 = vector.broadcast %reduce_sum3A_16 : i32 to vector<16xi32>
        %shift_right_logical3A_276 = arith.shrui %sub3A_274, %shift_right_logical3A_275 : vector<16xi32>
        %min3A_277 = arith.constant 1023 : i32
        %min3A_278 = vector.broadcast %min3A_277 : i32 to vector<16xi32>
        %min3A_279 = arith.minsi %shift_right_logical3A_276, %min3A_278 : vector<16xi32>
        %add3A_280 = arith.addi %min3A_279, %mul3A_126 : vector<16xi32>
        tpu.vector_store_idx %arg10[%add3A_280], %broadcast_in_dim3A_123 masked %and3A_270 {add = true} : memref<16384xi32, #tpu.memory_space<vmem>>[vector<16xi32>], vector<16xi32>, vector<16xi1>
        %scan3A_281 = arith.constant 6 : i32
        %scan3A_282 = arith.addi %scan3A_160, %scan3A_281 : i32
        %get3A_283 = arith.index_cast %scan3A_282 : i32 to index
        %get3A_284 = arith.constant 0 : index
        %get3A_285 = tpu.vector_load %arg9[%get3A_283, %get3A_284] {strides = array<i32>} : memref<128x16xf32, #tpu.memory_space<vmem>>, vector<16xf32>,
        %bitcast3A_286 = vector.bitcast %get3A_285 : vector<16xf32> to vector<16xi32>
        %gt3A_287 = vector.broadcast %reduce_sum3A_6 : i32 to vector<16xi32>
        %gt3A_288 = arith.cmpi sgt, %bitcast3A_286, %gt3A_287 : vector<16xi32>
        %lt3A_289 = arith.cmpi slt, %scan3A_282, %sub3A_153 : i32
        %and3A_290 = vector.broadcast %lt3A_289 : i1 to vector<16xi1>
        %and3A_291 = arith.andi %gt3A_288, %and3A_290 : vector<16xi1>
        %add3A_292 = arith.constant 1 : i32
        %add3A_293 = arith.addi %reduce_sum3A_6, %add3A_292 : i32
        %sub3A_294 = vector.broadcast %add3A_293 : i32 to vector<16xi32>
        %sub3A_295 = arith.subi %bitcast3A_286, %sub3A_294 : vector<16xi32>
        %shift_right_logical3A_296 = vector.broadcast %reduce_sum3A_16 : i32 to vector<16xi32>
        %shift_right_logical3A_297 = arith.shrui %sub3A_295, %shift_right_logical3A_296 : vector<16xi32>
        %min3A_298 = arith.constant 1023 : i32
        %min3A_299 = vector.broadcast %min3A_298 : i32 to vector<16xi32>
        %min3A_300 = arith.minsi %shift_right_logical3A_297, %min3A_299 : vector<16xi32>
        %add3A_301 = arith.addi %min3A_300, %mul3A_126 : vector<16xi32>
        tpu.vector_store_idx %arg10[%add3A_301], %broadcast_in_dim3A_123 masked %and3A_291 {add = true} : memref<16384xi32, #tpu.memory_space<vmem>>[vector<16xi32>], vector<16xi32>, vector<16xi1>
        %scan3A_302 = arith.constant 7 : i32
        %scan3A_303 = arith.addi %scan3A_160, %scan3A_302 : i32
        %get3A_304 = arith.index_cast %scan3A_303 : i32 to index
        %get3A_305 = arith.constant 0 : index
        %get3A_306 = tpu.vector_load %arg9[%get3A_304, %get3A_305] {strides = array<i32>} : memref<128x16xf32, #tpu.memory_space<vmem>>, vector<16xf32>,
        %bitcast3A_307 = vector.bitcast %get3A_306 : vector<16xf32> to vector<16xi32>
        %gt3A_308 = vector.broadcast %reduce_sum3A_6 : i32 to vector<16xi32>
        %gt3A_309 = arith.cmpi sgt, %bitcast3A_307, %gt3A_308 : vector<16xi32>
        %lt3A_310 = arith.cmpi slt, %scan3A_303, %sub3A_153 : i32
        %and3A_311 = vector.broadcast %lt3A_310 : i1 to vector<16xi1>
        %and3A_312 = arith.andi %gt3A_309, %and3A_311 : vector<16xi1>
        %add3A_313 = arith.constant 1 : i32
        %add3A_314 = arith.addi %reduce_sum3A_6, %add3A_313 : i32
        %sub3A_315 = vector.broadcast %add3A_314 : i32 to vector<16xi32>
        %sub3A_316 = arith.subi %bitcast3A_307, %sub3A_315 : vector<16xi32>
        %shift_right_logical3A_317 = vector.broadcast %reduce_sum3A_16 : i32 to vector<16xi32>
        %shift_right_logical3A_318 = arith.shrui %sub3A_316, %shift_right_logical3A_317 : vector<16xi32>
        %min3A_319 = arith.constant 1023 : i32
        %min3A_320 = vector.broadcast %min3A_319 : i32 to vector<16xi32>
        %min3A_321 = arith.minsi %shift_right_logical3A_318, %min3A_320 : vector<16xi32>
        %add3A_322 = arith.addi %min3A_321, %mul3A_126 : vector<16xi32>
        tpu.vector_store_idx %arg10[%add3A_322], %broadcast_in_dim3A_123 masked %and3A_312 {add = true} : memref<16384xi32, #tpu.memory_space<vmem>>[vector<16xi32>], vector<16xi32>, vector<16xi1>
      }
      %scan3A_159 = arith.constant 128 : i32
    }
    %while3A_135 = arith.constant 1 : i32
    scf.for %while3A_142 = %while3A_133 to %while3A_129 step %while3A_135  : i32 {
      %mul3A_143 = arith.constant 128 : i32
      %mul3A_144 = arith.muli %while3A_142, %mul3A_143 : i32
      %dma_start3A = tpu.memref_slice %arg8[%mul3A_144] : memref<24576xi32, #tpu.memory_space<vmem>> -> memref<128xi32, #tpu.memory_space<vmem>>
      %dma_start3A_145 = arith.constant 0 : i32
      %dma_start3A_146 = arith.constant 0 : i32
      %dma_start3A_147 = tpu.memref_slice %arg4[%dma_start3A_145, %dma_start3A_146] : memref<786432x16xf32, #tpu.memory_space<hbm>> -> memref<786432x16xf32, #tpu.memory_space<hbm>>
      tpu.enqueue_indirect_dma source(%dma_start3A_147 : memref<786432x16xf32, #tpu.memory_space<hbm>>) target(%arg9 : memref<128x16xf32, #tpu.memory_space<vmem>>) offsets(%dma_start3A : memref<128xi32, #tpu.memory_space<vmem>>) semaphore(%arg12 : memref<!tpu.dma_semaphore, #tpu.memory_space<semaphore_mem>>)
      %dma_wait3A = tpu.memref_slice %arg8[%mul3A_144] : memref<24576xi32, #tpu.memory_space<vmem>> -> memref<128xi32, #tpu.memory_space<vmem>>
      %dma_wait3A_148 = arith.constant 0 : i32
      %dma_wait3A_149 = arith.constant 0 : i32
      %dma_wait3A_150 = tpu.memref_slice %arg4[%dma_wait3A_148, %dma_wait3A_149] : memref<786432x16xf32, #tpu.memory_space<hbm>> -> memref<786432x16xf32, #tpu.memory_space<hbm>>
      tpu.wait_indirect_dma semaphore(%arg12 : memref<!tpu.dma_semaphore, #tpu.memory_space<semaphore_mem>>) src(%dma_wait3A_150 : memref<786432x16xf32, #tpu.memory_space<hbm>>) dst(%arg9 : memref<128x16xf32, #tpu.memory_space<vmem>>)
      %mul3A_151 = arith.constant 128 : i32
      %mul3A_152 = arith.muli %while3A_142, %mul3A_151 : i32
      %sub3A_153 = arith.subi %reduce_sum3A_41, %mul3A_152 : i32
      %scan3A_154 = arith.constant 0 : i32
      %scan3A_155 = arith.constant 0 : i32
      %scan3A_156 = arith.constant 128 : i32
      %scan3A_157 = arith.addi %scan3A_155, %scan3A_156 : i32
      %scan3A_158 = arith.constant 8 : i32
      scf.for %scan3A_160 = %scan3A_155 to %scan3A_157 step %scan3A_158  : i32 {
        %get3A_161 = arith.index_cast %scan3A_160 : i32 to index
        %get3A_162 = arith.constant 0 : index
        %get3A_163 = tpu.vector_load %arg9[%get3A_161, %get3A_162] {strides = array<i32>} : memref<128x16xf32, #tpu.memory_space<vmem>>, vector<16xf32>,
        %bitcast3A = vector.bitcast %get3A_163 : vector<16xf32> to vector<16xi32>
        %gt3A = vector.broadcast %reduce_sum3A_6 : i32 to vector<16xi32>
        %gt3A_164 = arith.cmpi sgt, %bitcast3A, %gt3A : vector<16xi32>
        %lt3A_165 = arith.cmpi slt, %scan3A_160, %sub3A_153 : i32
        %and3A_166 = vector.broadcast %lt3A_165 : i1 to vector<16xi1>
        %and3A_167 = arith.andi %gt3A_164, %and3A_166 : vector<16xi1>
        %add3A_168 = arith.constant 1 : i32
        %add3A_169 = arith.addi %reduce_sum3A_6, %add3A_168 : i32
        %sub3A_170 = vector.broadcast %add3A_169 : i32 to vector<16xi32>
        %sub3A_171 = arith.subi %bitcast3A, %sub3A_170 : vector<16xi32>
        %shift_right_logical3A = vector.broadcast %reduce_sum3A_16 : i32 to vector<16xi32>
        %shift_right_logical3A_172 = arith.shrui %sub3A_171, %shift_right_logical3A : vector<16xi32>
        %min3A = arith.constant 1023 : i32
        %min3A_173 = vector.broadcast %min3A : i32 to vector<16xi32>
        %min3A_174 = arith.minsi %shift_right_logical3A_172, %min3A_173 : vector<16xi32>
        %add3A_175 = arith.addi %min3A_174, %mul3A_126 : vector<16xi32>
        tpu.vector_store_idx %arg10[%add3A_175], %broadcast_in_dim3A_123 masked %and3A_167 {add = true} : memref<16384xi32, #tpu.memory_space<vmem>>[vector<16xi32>], vector<16xi32>, vector<16xi1>
        %scan3A_176 = arith.constant 1 : i32
        %scan3A_177 = arith.addi %scan3A_160, %scan3A_176 : i32
        %get3A_178 = arith.index_cast %scan3A_177 : i32 to index
        %get3A_179 = arith.constant 0 : index
        %get3A_180 = tpu.vector_load %arg9[%get3A_178, %get3A_179] {strides = array<i32>} : memref<128x16xf32, #tpu.memory_space<vmem>>, vector<16xf32>,
        %bitcast3A_181 = vector.bitcast %get3A_180 : vector<16xf32> to vector<16xi32>
        %gt3A_182 = vector.broadcast %reduce_sum3A_6 : i32 to vector<16xi32>
        %gt3A_183 = arith.cmpi sgt, %bitcast3A_181, %gt3A_182 : vector<16xi32>
        %lt3A_184 = arith.cmpi slt, %scan3A_177, %sub3A_153 : i32
        %and3A_185 = vector.broadcast %lt3A_184 : i1 to vector<16xi1>
        %and3A_186 = arith.andi %gt3A_183, %and3A_185 : vector<16xi1>
        %add3A_187 = arith.constant 1 : i32
        %add3A_188 = arith.addi %reduce_sum3A_6, %add3A_187 : i32
        %sub3A_189 = vector.broadcast %add3A_188 : i32 to vector<16xi32>
        %sub3A_190 = arith.subi %bitcast3A_181, %sub3A_189 : vector<16xi32>
        %shift_right_logical3A_191 = vector.broadcast %reduce_sum3A_16 : i32 to vector<16xi32>
        %shift_right_logical3A_192 = arith.shrui %sub3A_190, %shift_right_logical3A_191 : vector<16xi32>
        %min3A_193 = arith.constant 1023 : i32
        %min3A_194 = vector.broadcast %min3A_193 : i32 to vector<16xi32>
        %min3A_195 = arith.minsi %shift_right_logical3A_192, %min3A_194 : vector<16xi32>
        %add3A_196 = arith.addi %min3A_195, %mul3A_126 : vector<16xi32>
        tpu.vector_store_idx %arg10[%add3A_196], %broadcast_in_dim3A_123 masked %and3A_186 {add = true} : memref<16384xi32, #tpu.memory_space<vmem>>[vector<16xi32>], vector<16xi32>, vector<16xi1>
        %scan3A_197 = arith.constant 2 : i32
        %scan3A_198 = arith.addi %scan3A_160, %scan3A_197 : i32
        %get3A_199 = arith.index_cast %scan3A_198 : i32 to index
        %get3A_200 = arith.constant 0 : index
        %get3A_201 = tpu.vector_load %arg9[%get3A_199, %get3A_200] {strides = array<i32>} : memref<128x16xf32, #tpu.memory_space<vmem>>, vector<16xf32>,
        %bitcast3A_202 = vector.bitcast %get3A_201 : vector<16xf32> to vector<16xi32>
        %gt3A_203 = vector.broadcast %reduce_sum3A_6 : i32 to vector<16xi32>
        %gt3A_204 = arith.cmpi sgt, %bitcast3A_202, %gt3A_203 : vector<16xi32>
        %lt3A_205 = arith.cmpi slt, %scan3A_198, %sub3A_153 : i32
        %and3A_206 = vector.broadcast %lt3A_205 : i1 to vector<16xi1>
        %and3A_207 = arith.andi %gt3A_204, %and3A_206 : vector<16xi1>
        %add3A_208 = arith.constant 1 : i32
        %add3A_209 = arith.addi %reduce_sum3A_6, %add3A_208 : i32
        %sub3A_210 = vector.broadcast %add3A_209 : i32 to vector<16xi32>
        %sub3A_211 = arith.subi %bitcast3A_202, %sub3A_210 : vector<16xi32>
        %shift_right_logical3A_212 = vector.broadcast %reduce_sum3A_16 : i32 to vector<16xi32>
        %shift_right_logical3A_213 = arith.shrui %sub3A_211, %shift_right_logical3A_212 : vector<16xi32>
        %min3A_214 = arith.constant 1023 : i32
        %min3A_215 = vector.broadcast %min3A_214 : i32 to vector<16xi32>
        %min3A_216 = arith.minsi %shift_right_logical3A_213, %min3A_215 : vector<16xi32>
        %add3A_217 = arith.addi %min3A_216, %mul3A_126 : vector<16xi32>
        tpu.vector_store_idx %arg10[%add3A_217], %broadcast_in_dim3A_123 masked %and3A_207 {add = true} : memref<16384xi32, #tpu.memory_space<vmem>>[vector<16xi32>], vector<16xi32>, vector<16xi1>
        %scan3A_218 = arith.constant 3 : i32
        %scan3A_219 = arith.addi %scan3A_160, %scan3A_218 : i32
        %get3A_220 = arith.index_cast %scan3A_219 : i32 to index
        %get3A_221 = arith.constant 0 : index
        %get3A_222 = tpu.vector_load %arg9[%get3A_220, %get3A_221] {strides = array<i32>} : memref<128x16xf32, #tpu.memory_space<vmem>>, vector<16xf32>,
        %bitcast3A_223 = vector.bitcast %get3A_222 : vector<16xf32> to vector<16xi32>
        %gt3A_224 = vector.broadcast %reduce_sum3A_6 : i32 to vector<16xi32>
        %gt3A_225 = arith.cmpi sgt, %bitcast3A_223, %gt3A_224 : vector<16xi32>
        %lt3A_226 = arith.cmpi slt, %scan3A_219, %sub3A_153 : i32
        %and3A_227 = vector.broadcast %lt3A_226 : i1 to vector<16xi1>
        %and3A_228 = arith.andi %gt3A_225, %and3A_227 : vector<16xi1>
        %add3A_229 = arith.constant 1 : i32
        %add3A_230 = arith.addi %reduce_sum3A_6, %add3A_229 : i32
        %sub3A_231 = vector.broadcast %add3A_230 : i32 to vector<16xi32>
        %sub3A_232 = arith.subi %bitcast3A_223, %sub3A_231 : vector<16xi32>
        %shift_right_logical3A_233 = vector.broadcast %reduce_sum3A_16 : i32 to vector<16xi32>
        %shift_right_logical3A_234 = arith.shrui %sub3A_232, %shift_right_logical3A_233 : vector<16xi32>
        %min3A_235 = arith.constant 1023 : i32
        %min3A_236 = vector.broadcast %min3A_235 : i32 to vector<16xi32>
        %min3A_237 = arith.minsi %shift_right_logical3A_234, %min3A_236 : vector<16xi32>
        %add3A_238 = arith.addi %min3A_237, %mul3A_126 : vector<16xi32>
        tpu.vector_store_idx %arg10[%add3A_238], %broadcast_in_dim3A_123 masked %and3A_228 {add = true} : memref<16384xi32, #tpu.memory_space<vmem>>[vector<16xi32>], vector<16xi32>, vector<16xi1>
        %scan3A_239 = arith.constant 4 : i32
        %scan3A_240 = arith.addi %scan3A_160, %scan3A_239 : i32
        %get3A_241 = arith.index_cast %scan3A_240 : i32 to index
        %get3A_242 = arith.constant 0 : index
        %get3A_243 = tpu.vector_load %arg9[%get3A_241, %get3A_242] {strides = array<i32>} : memref<128x16xf32, #tpu.memory_space<vmem>>, vector<16xf32>,
        %bitcast3A_244 = vector.bitcast %get3A_243 : vector<16xf32> to vector<16xi32>
        %gt3A_245 = vector.broadcast %reduce_sum3A_6 : i32 to vector<16xi32>
        %gt3A_246 = arith.cmpi sgt, %bitcast3A_244, %gt3A_245 : vector<16xi32>
        %lt3A_247 = arith.cmpi slt, %scan3A_240, %sub3A_153 : i32
        %and3A_248 = vector.broadcast %lt3A_247 : i1 to vector<16xi1>
        %and3A_249 = arith.andi %gt3A_246, %and3A_248 : vector<16xi1>
        %add3A_250 = arith.constant 1 : i32
        %add3A_251 = arith.addi %reduce_sum3A_6, %add3A_250 : i32
        %sub3A_252 = vector.broadcast %add3A_251 : i32 to vector<16xi32>
        %sub3A_253 = arith.subi %bitcast3A_244, %sub3A_252 : vector<16xi32>
        %shift_right_logical3A_254 = vector.broadcast %reduce_sum3A_16 : i32 to vector<16xi32>
        %shift_right_logical3A_255 = arith.shrui %sub3A_253, %shift_right_logical3A_254 : vector<16xi32>
        %min3A_256 = arith.constant 1023 : i32
        %min3A_257 = vector.broadcast %min3A_256 : i32 to vector<16xi32>
        %min3A_258 = arith.minsi %shift_right_logical3A_255, %min3A_257 : vector<16xi32>
        %add3A_259 = arith.addi %min3A_258, %mul3A_126 : vector<16xi32>
        tpu.vector_store_idx %arg10[%add3A_259], %broadcast_in_dim3A_123 masked %and3A_249 {add = true} : memref<16384xi32, #tpu.memory_space<vmem>>[vector<16xi32>], vector<16xi32>, vector<16xi1>
        %scan3A_260 = arith.constant 5 : i32
        %scan3A_261 = arith.addi %scan3A_160, %scan3A_260 : i32
        %get3A_262 = arith.index_cast %scan3A_261 : i32 to index
        %get3A_263 = arith.constant 0 : index
        %get3A_264 = tpu.vector_load %arg9[%get3A_262, %get3A_263] {strides = array<i32>} : memref<128x16xf32, #tpu.memory_space<vmem>>, vector<16xf32>,
        %bitcast3A_265 = vector.bitcast %get3A_264 : vector<16xf32> to vector<16xi32>
        %gt3A_266 = vector.broadcast %reduce_sum3A_6 : i32 to vector<16xi32>
        %gt3A_267 = arith.cmpi sgt, %bitcast3A_265, %gt3A_266 : vector<16xi32>
        %lt3A_268 = arith.cmpi slt, %scan3A_261, %sub3A_153 : i32
        %and3A_269 = vector.broadcast %lt3A_268 : i1 to vector<16xi1>
        %and3A_270 = arith.andi %gt3A_267, %and3A_269 : vector<16xi1>
        %add3A_271 = arith.constant 1 : i32
        %add3A_272 = arith.addi %reduce_sum3A_6, %add3A_271 : i32
        %sub3A_273 = vector.broadcast %add3A_272 : i32 to vector<16xi32>
        %sub3A_274 = arith.subi %bitcast3A_265, %sub3A_273 : vector<16xi32>
        %shift_right_logical3A_275 = vector.broadcast %reduce_sum3A_16 : i32 to vector<16xi32>
        %shift_right_logical3A_276 = arith.shrui %sub3A_274, %shift_right_logical3A_275 : vector<16xi32>
        %min3A_277 = arith.constant 1023 : i32
        %min3A_278 = vector.broadcast %min3A_277 : i32 to vector<16xi32>
        %min3A_279 = arith.minsi %shift_right_logical3A_276, %min3A_278 : vector<16xi32>
        %add3A_280 = arith.addi %min3A_279, %mul3A_126 : vector<16xi32>
        tpu.vector_store_idx %arg10[%add3A_280], %broadcast_in_dim3A_123 masked %and3A_270 {add = true} : memref<16384xi32, #tpu.memory_space<vmem>>[vector<16xi32>], vector<16xi32>, vector<16xi1>
        %scan3A_281 = arith.constant 6 : i32
        %scan3A_282 = arith.addi %scan3A_160, %scan3A_281 : i32
        %get3A_283 = arith.index_cast %scan3A_282 : i32 to index
        %get3A_284 = arith.constant 0 : index
        %get3A_285 = tpu.vector_load %arg9[%get3A_283, %get3A_284] {strides = array<i32>} : memref<128x16xf32, #tpu.memory_space<vmem>>, vector<16xf32>,
        %bitcast3A_286 = vector.bitcast %get3A_285 : vector<16xf32> to vector<16xi32>
        %gt3A_287 = vector.broadcast %reduce_sum3A_6 : i32 to vector<16xi32>
        %gt3A_288 = arith.cmpi sgt, %bitcast3A_286, %gt3A_287 : vector<16xi32>
        %lt3A_289 = arith.cmpi slt, %scan3A_282, %sub3A_153 : i32
        %and3A_290 = vector.broadcast %lt3A_289 : i1 to vector<16xi1>
        %and3A_291 = arith.andi %gt3A_288, %and3A_290 : vector<16xi1>
        %add3A_292 = arith.constant 1 : i32
        %add3A_293 = arith.addi %reduce_sum3A_6, %add3A_292 : i32
        %sub3A_294 = vector.broadcast %add3A_293 : i32 to vector<16xi32>
        %sub3A_295 = arith.subi %bitcast3A_286, %sub3A_294 : vector<16xi32>
        %shift_right_logical3A_296 = vector.broadcast %reduce_sum3A_16 : i32 to vector<16xi32>
        %shift_right_logical3A_297 = arith.shrui %sub3A_295, %shift_right_logical3A_296 : vector<16xi32>
        %min3A_298 = arith.constant 1023 : i32
        %min3A_299 = vector.broadcast %min3A_298 : i32 to vector<16xi32>
        %min3A_300 = arith.minsi %shift_right_logical3A_297, %min3A_299 : vector<16xi32>
        %add3A_301 = arith.addi %min3A_300, %mul3A_126 : vector<16xi32>
        tpu.vector_store_idx %arg10[%add3A_301], %broadcast_in_dim3A_123 masked %and3A_291 {add = true} : memref<16384xi32, #tpu.memory_space<vmem>>[vector<16xi32>], vector<16xi32>, vector<16xi1>
        %scan3A_302 = arith.constant 7 : i32
        %scan3A_303 = arith.addi %scan3A_160, %scan3A_302 : i32
        %get3A_304 = arith.index_cast %scan3A_303 : i32 to index
        %get3A_305 = arith.constant 0 : index
        %get3A_306 = tpu.vector_load %arg9[%get3A_304, %get3A_305] {strides = array<i32>} : memref<128x16xf32, #tpu.memory_space<vmem>>, vector<16xf32>,
        %bitcast3A_307 = vector.bitcast %get3A_306 : vector<16xf32> to vector<16xi32>
        %gt3A_308 = vector.broadcast %reduce_sum3A_6 : i32 to vector<16xi32>
        %gt3A_309 = arith.cmpi sgt, %bitcast3A_307, %gt3A_308 : vector<16xi32>
        %lt3A_310 = arith.cmpi slt, %scan3A_303, %sub3A_153 : i32
        %and3A_311 = vector.broadcast %lt3A_310 : i1 to vector<16xi1>
        %and3A_312 = arith.andi %gt3A_309, %and3A_311 : vector<16xi1>
        %add3A_313 = arith.constant 1 : i32
        %add3A_314 = arith.addi %reduce_sum3A_6, %add3A_313 : i32
        %sub3A_315 = vector.broadcast %add3A_314 : i32 to vector<16xi32>
        %sub3A_316 = arith.subi %bitcast3A_307, %sub3A_315 : vector<16xi32>
        %shift_right_logical3A_317 = vector.broadcast %reduce_sum3A_16 : i32 to vector<16xi32>
        %shift_right_logical3A_318 = arith.shrui %sub3A_316, %shift_right_logical3A_317 : vector<16xi32>
        %min3A_319 = arith.constant 1023 : i32
        %min3A_320 = vector.broadcast %min3A_319 : i32 to vector<16xi32>
        %min3A_321 = arith.minsi %shift_right_logical3A_318, %min3A_320 : vector<16xi32>
        %add3A_322 = arith.addi %min3A_321, %mul3A_126 : vector<16xi32>
        tpu.vector_store_idx %arg10[%add3A_322], %broadcast_in_dim3A_123 masked %and3A_312 {add = true} : memref<16384xi32, #tpu.memory_space<vmem>>[vector<16xi32>], vector<16xi32>, vector<16xi1>
      }
      %scan3A_159 = arith.constant 128 : i32
    }
    %scan3A_136 = arith.constant 0 : i32
    %scan3A_137 = arith.constant 0 : i32
    %scan3A_138 = arith.constant 64 : i32
    %scan3A_139 = arith.addi %scan3A_137, %scan3A_138 : i32
    %scan3A_140 = arith.constant 1 : i32
    scf.for %scan3A_142 = %scan3A_137 to %scan3A_139 step %scan3A_140  : i32 {
      %broadcast_in_dim3A_143 = arith.constant 0 : i32
      %broadcast_in_dim3A_144 = vector.broadcast %broadcast_in_dim3A_143 : i32 to vector<16xi32>
      %mul3A_145 = arith.constant 16 : i32
      %mul3A_146 = arith.muli %scan3A_142, %mul3A_145 : i32
      %add3A_147 = arith.constant 0 : i32
      %add3A_148 = arith.addi %add3A_147, %mul3A_146 : i32
      %get3A_149 = arith.index_cast %add3A_148 : i32 to index
      %get3A_150 = tpu.vector_load %arg10[%get3A_149] {strides = array<i32>} : memref<16384xi32, #tpu.memory_space<vmem>>, vector<16xi32>,
      %add3A_151 = arith.addi %broadcast_in_dim3A_144, %get3A_150 : vector<16xi32>
      %mul3A_152 = arith.constant 16 : i32
      %mul3A_153 = arith.muli %scan3A_142, %mul3A_152 : i32
      %add3A_154 = arith.constant 1024 : i32
      %add3A_155 = arith.addi %add3A_154, %mul3A_153 : i32
      %get3A_156 = arith.index_cast %add3A_155 : i32 to index
      %get3A_157 = tpu.vector_load %arg10[%get3A_156] {strides = array<i32>} : memref<16384xi32, #tpu.memory_space<vmem>>, vector<16xi32>,
      %add3A_158 = arith.addi %add3A_151, %get3A_157 : vector<16xi32>
      %mul3A_159 = arith.constant 16 : i32
      %mul3A_160 = arith.muli %scan3A_142, %mul3A_159 : i32
      %add3A_161 = arith.constant 2048 : i32
      %add3A_162 = arith.addi %add3A_161, %mul3A_160 : i32
      %get3A_163 = arith.index_cast %add3A_162 : i32 to index
      %get3A_164 = tpu.vector_load %arg10[%get3A_163] {strides = array<i32>} : memref<16384xi32, #tpu.memory_space<vmem>>, vector<16xi32>,
      %add3A_165 = arith.addi %add3A_158, %get3A_164 : vector<16xi32>
      %mul3A_166 = arith.constant 16 : i32
      %mul3A_167 = arith.muli %scan3A_142, %mul3A_166 : i32
      %add3A_168 = arith.constant 3072 : i32
      %add3A_169 = arith.addi %add3A_168, %mul3A_167 : i32
      %get3A_170 = arith.index_cast %add3A_169 : i32 to index
      %get3A_171 = tpu.vector_load %arg10[%get3A_170] {strides = array<i32>} : memref<16384xi32, #tpu.memory_space<vmem>>, vector<16xi32>,
      %add3A_172 = arith.addi %add3A_165, %get3A_171 : vector<16xi32>
      %mul3A_173 = arith.constant 16 : i32
      %mul3A_174 = arith.muli %scan3A_142, %mul3A_173 : i32
      %add3A_175 = arith.constant 4096 : i32
      %add3A_176 = arith.addi %add3A_175, %mul3A_174 : i32
      %get3A_177 = arith.index_cast %add3A_176 : i32 to index
      %get3A_178 = tpu.vector_load %arg10[%get3A_177] {strides = array<i32>} : memref<16384xi32, #tpu.memory_space<vmem>>, vector<16xi32>,
      %add3A_179 = arith.addi %add3A_172, %get3A_178 : vector<16xi32>
      %mul3A_180 = arith.constant 16 : i32
      %mul3A_181 = arith.muli %scan3A_142, %mul3A_180 : i32
      %add3A_182 = arith.constant 5120 : i32
      %add3A_183 = arith.addi %add3A_182, %mul3A_181 : i32
      %get3A_184 = arith.index_cast %add3A_183 : i32 to index
      %get3A_185 = tpu.vector_load %arg10[%get3A_184] {strides = array<i32>} : memref<16384xi32, #tpu.memory_space<vmem>>, vector<16xi32>,
      %add3A_186 = arith.addi %add3A_179, %get3A_185 : vector<16xi32>
      %mul3A_187 = arith.constant 16 : i32
      %mul3A_188 = arith.muli %scan3A_142, %mul3A_187 : i32
      %add3A_189 = arith.constant 6144 : i32
      %add3A_190 = arith.addi %add3A_189, %mul3A_188 : i32
      %get3A_191 = arith.index_cast %add3A_190 : i32 to index
      %get3A_192 = tpu.vector_load %arg10[%get3A_191] {strides = array<i32>} : memref<16384xi32, #tpu.memory_space<vmem>>, vector<16xi32>,
      %add3A_193 = arith.addi %add3A_186, %get3A_192 : vector<16xi32>
      %mul3A_194 = arith.constant 16 : i32
      %mul3A_195 = arith.muli %scan3A_142, %mul3A_194 : i32
      %add3A_196 = arith.constant 7168 : i32
      %add3A_197 = arith.addi %add3A_196, %mul3A_195 : i32
      %get3A_198 = arith.index_cast %add3A_197 : i32 to index
      %get3A_199 = tpu.vector_load %arg10[%get3A_198] {strides = array<i32>} : memref<16384xi32, #tpu.memory_space<vmem>>, vector<16xi32>,
      %add3A_200 = arith.addi %add3A_193, %get3A_199 : vector<16xi32>
      %mul3A_201 = arith.constant 16 : i32
      %mul3A_202 = arith.muli %scan3A_142, %mul3A_201 : i32
      %add3A_203 = arith.constant 8192 : i32
      %add3A_204 = arith.addi %add3A_203, %mul3A_202 : i32
      %get3A_205 = arith.index_cast %add3A_204 : i32 to index
      %get3A_206 = tpu.vector_load %arg10[%get3A_205] {strides = array<i32>} : memref<16384xi32, #tpu.memory_space<vmem>>, vector<16xi32>,
      %add3A_207 = arith.addi %add3A_200, %get3A_206 : vector<16xi32>
      %mul3A_208 = arith.constant 16 : i32
      %mul3A_209 = arith.muli %scan3A_142, %mul3A_208 : i32
      %add3A_210 = arith.constant 9216 : i32
      %add3A_211 = arith.addi %add3A_210, %mul3A_209 : i32
      %get3A_212 = arith.index_cast %add3A_211 : i32 to index
      %get3A_213 = tpu.vector_load %arg10[%get3A_212] {strides = array<i32>} : memref<16384xi32, #tpu.memory_space<vmem>>, vector<16xi32>,
      %add3A_214 = arith.addi %add3A_207, %get3A_213 : vector<16xi32>
      %mul3A_215 = arith.constant 16 : i32
      %mul3A_216 = arith.muli %scan3A_142, %mul3A_215 : i32
      %add3A_217 = arith.constant 10240 : i32
      %add3A_218 = arith.addi %add3A_217, %mul3A_216 : i32
      %get3A_219 = arith.index_cast %add3A_218 : i32 to index
      %get3A_220 = tpu.vector_load %arg10[%get3A_219] {strides = array<i32>} : memref<16384xi32, #tpu.memory_space<vmem>>, vector<16xi32>,
      %add3A_221 = arith.addi %add3A_214, %get3A_220 : vector<16xi32>
      %mul3A_222 = arith.constant 16 : i32
      %mul3A_223 = arith.muli %scan3A_142, %mul3A_222 : i32
      %add3A_224 = arith.constant 11264 : i32
      %add3A_225 = arith.addi %add3A_224, %mul3A_223 : i32
      %get3A_226 = arith.index_cast %add3A_225 : i32 to index
      %get3A_227 = tpu.vector_load %arg10[%get3A_226] {strides = array<i32>} : memref<16384xi32, #tpu.memory_space<vmem>>, vector<16xi32>,
      %add3A_228 = arith.addi %add3A_221, %get3A_227 : vector<16xi32>
      %mul3A_229 = arith.constant 16 : i32
      %mul3A_230 = arith.muli %scan3A_142, %mul3A_229 : i32
      %add3A_231 = arith.constant 12288 : i32
      %add3A_232 = arith.addi %add3A_231, %mul3A_230 : i32
      %get3A_233 = arith.index_cast %add3A_232 : i32 to index
      %get3A_234 = tpu.vector_load %arg10[%get3A_233] {strides = array<i32>} : memref<16384xi32, #tpu.memory_space<vmem>>, vector<16xi32>,
      %add3A_235 = arith.addi %add3A_228, %get3A_234 : vector<16xi32>
      %mul3A_236 = arith.constant 16 : i32
      %mul3A_237 = arith.muli %scan3A_142, %mul3A_236 : i32
      %add3A_238 = arith.constant 13312 : i32
      %add3A_239 = arith.addi %add3A_238, %mul3A_237 : i32
      %get3A_240 = arith.index_cast %add3A_239 : i32 to index
      %get3A_241 = tpu.vector_load %arg10[%get3A_240] {strides = array<i32>} : memref<16384xi32, #tpu.memory_space<vmem>>, vector<16xi32>,
      %add3A_242 = arith.addi %add3A_235, %get3A_241 : vector<16xi32>
      %mul3A_243 = arith.constant 16 : i32
      %mul3A_244 = arith.muli %scan3A_142, %mul3A_243 : i32
      %add3A_245 = arith.constant 14336 : i32
      %add3A_246 = arith.addi %add3A_245, %mul3A_244 : i32
      %get3A_247 = arith.index_cast %add3A_246 : i32 to index
      %get3A_248 = tpu.vector_load %arg10[%get3A_247] {strides = array<i32>} : memref<16384xi32, #tpu.memory_space<vmem>>, vector<16xi32>,
      %add3A_249 = arith.addi %add3A_242, %get3A_248 : vector<16xi32>
      %mul3A_250 = arith.constant 16 : i32
      %mul3A_251 = arith.muli %scan3A_142, %mul3A_250 : i32
      %add3A_252 = arith.constant 15360 : i32
      %add3A_253 = arith.addi %add3A_252, %mul3A_251 : i32
      %get3A_254 = arith.index_cast %add3A_253 : i32 to index
      %get3A_255 = tpu.vector_load %arg10[%get3A_254] {strides = array<i32>} : memref<16384xi32, #tpu.memory_space<vmem>>, vector<16xi32>,
      %add3A_256 = arith.addi %add3A_249, %get3A_255 : vector<16xi32>
      %mul3A_257 = arith.constant 16 : i32
      %mul3A_258 = arith.muli %scan3A_142, %mul3A_257 : i32
      %swap3A = arith.index_cast %mul3A_258 : i32 to index
      %swap3A_259 = tpu.vector_load %arg11[%swap3A] {strides = array<i32>} : memref<1024xi32, #tpu.memory_space<vmem>>, vector<16xi32>,
      tpu.vector_store %arg11[%swap3A], %add3A_256 {strides = array<i32>} : memref<1024xi32, #tpu.memory_space<vmem>>, vector<16xi32>,
    }
    %scan3A_141 = arith.constant 64 : i32
    "tpu.region"() ({
      %run_scoped3A = tpu.sem_alloc : memref<!tpu.dma_semaphore, #tpu.memory_space<semaphore_mem>>
      %dma_start3A = arith.constant 0 : i32
      %dma_start3A_142 = tpu.memref_slice %arg5[%add3A, %dma_start3A] : memref<32x1024xi32, #tpu.memory_space<hbm>> -> memref<1x1024xi32, #tpu.memory_space<hbm>>
      %dma_start3A_143 = tpu.memref_squeeze %dma_start3A_142 : memref<1x1024xi32, #tpu.memory_space<hbm>> -> memref<1024xi32, #tpu.memory_space<hbm>>
      %dma_start3A_144 = arith.constant 0 : i32
      %dma_start3A_145 = tpu.memref_slice %arg5[%add3A, %dma_start3A_144] : memref<32x1024xi32, #tpu.memory_space<hbm>> -> memref<1x1024xi32, #tpu.memory_space<hbm>>
      %dma_start3A_146 = tpu.memref_squeeze %dma_start3A_145 : memref<1x1024xi32, #tpu.memory_space<hbm>> -> memref<1024xi32, #tpu.memory_space<hbm>>
      tpu.enqueue_dma source(%arg11 : memref<1024xi32, #tpu.memory_space<vmem>>) target(%dma_start3A_146 : memref<1024xi32, #tpu.memory_space<hbm>>) target_semaphore(%run_scoped3A : memref<!tpu.dma_semaphore, #tpu.memory_space<semaphore_mem>>)
      %dma_wait3A = arith.constant 0 : i32
      %dma_wait3A_147 = tpu.memref_slice %arg5[%add3A, %dma_wait3A] : memref<32x1024xi32, #tpu.memory_space<hbm>> -> memref<1x1024xi32, #tpu.memory_space<hbm>>
      %dma_wait3A_148 = tpu.memref_squeeze %dma_wait3A_147 : memref<1x1024xi32, #tpu.memory_space<hbm>> -> memref<1024xi32, #tpu.memory_space<hbm>>
      %dma_wait3A_149 = arith.constant 0 : i32
      %dma_wait3A_150 = tpu.memref_slice %arg5[%add3A, %dma_wait3A_149] : memref<32x1024xi32, #tpu.memory_space<hbm>> -> memref<1x1024xi32, #tpu.memory_space<hbm>>
      %dma_wait3A_151 = tpu.memref_squeeze %dma_wait3A_150 : memref<1x1024xi32, #tpu.memory_space<hbm>> -> memref<1024xi32, #tpu.memory_space<hbm>>
      tpu.wait_dma2 semaphore(%run_scoped3A : memref<!tpu.dma_semaphore, #tpu.memory_space<semaphore_mem>>) src(%arg11 : memref<1024xi32, #tpu.memory_space<vmem>>) dst(%dma_wait3A_151 : memref<1024xi32, #tpu.memory_space<hbm>>)
      tpu.yield
    }) : () -> ()
    return
  }
}

#map = affine_map<(d0, d1) -> (0)>
#map1 = affine_map<(d0, d1) -> (0, 0)>
module attributes {stable_mosaic.version = 14 : i64} {
  func.func @_sc_select_body(%arg0: i32, %arg1: i32, %arg2: memref<16xi32, #tpu.memory_space<hbm>>, %arg3: memref<786432xf32, #tpu.memory_space<hbm>>, %arg4: memref<786432x16xf32, #tpu.memory_space<hbm>>, %arg5: memref<32x1024xi32, #tpu.memory_space<hbm>>, %arg6: memref<16xi32, #tpu.memory_space<vmem>>, %arg7: memref<24576xf32, #tpu.memory_space<vmem>>, %arg8: memref<24576xi32, #tpu.memory_space<vmem>>, %arg9: memref<128x16xf32, #tpu.memory_space<vmem>>, %arg10: memref<16384xi32, #tpu.memory_space<vmem>>, %arg11: memref<1024xi32, #tpu.memory_space<vmem>>, %arg12: memref<!tpu.dma_semaphore, #tpu.memory_space<semaphore_mem>>) attributes {dimension_semantics = [#tpu.dimension_semantics<core_parallel>, #tpu.dimension_semantics<subcore_parallel>], iteration_bounds = array<i64: 2, 16>, scalar_prefetch = 0 : i64, scratch_operands = 7 : i64, tpu.core_type = #tpu.core_type<sc_vector_subcore>, window_params = [{transform_indices = #map}, {transform_indices = #map}, {transform_indices = #map1}, {transform_indices = #map1}]} {
    %mul3A = arith.constant 2 : i32
    %mul3A_0 = arith.muli %arg1, %mul3A : i32
    %add3A = arith.addi %mul3A_0, %arg0 : i32
    %iota3A = tpu.iota {dimensions = array<i32: 0>} : vector<16xi32>
    "tpu.region"() ({
      %run_scoped3A = tpu.sem_alloc : memref<!tpu.dma_semaphore, #tpu.memory_space<semaphore_mem>>
      tpu.enqueue_dma source(%arg2 : memref<16xi32, #tpu.memory_space<hbm>>) target(%arg6 : memref<16xi32, #tpu.memory_space<vmem>>) target_semaphore(%run_scoped3A : memref<!tpu.dma_semaphore, #tpu.memory_space<semaphore_mem>>)
      tpu.wait_dma2 semaphore(%run_scoped3A : memref<!tpu.dma_semaphore, #tpu.memory_space<semaphore_mem>>) src(%arg2 : memref<16xi32, #tpu.memory_space<hbm>>) dst(%arg6 : memref<16xi32, #tpu.memory_space<vmem>>)
      tpu.yield
    }) : () -> ()
    %get3A = arith.constant 0 : index
    %get3A_1 = tpu.vector_load %arg6[%get3A] {strides = array<i32>} : memref<16xi32, #tpu.memory_space<vmem>>, vector<16xi32>,
    %eq3A = arith.constant 0 : i32
    %eq3A_2 = vector.broadcast %eq3A : i32 to vector<16xi32>
    %eq3A_3 = arith.cmpi eq, %iota3A, %eq3A_2 : vector<16xi32>
    %jit3A = arith.constant 0 : i32
    %broadcast_in_dim3A = vector.broadcast %jit3A : i32 to vector<16xi32>
    %select_n3A = arith.select %eq3A_3, %get3A_1, %broadcast_in_dim3A : vector<16xi1>, vector<16xi32>
    %reduce_sum3A = arith.constant true
    %reduce_sum3A_4 = vector.broadcast %reduce_sum3A : i1 to vector<16xi1>
    %reduce_sum3A_5 = tpu.scan <sum>, %select_n3A masked %reduce_sum3A_4 : vector<16xi32>, vector<16xi1> -> vector<16xi32>
    %reduce_sum3A_6 = vector.extract %reduce_sum3A_5[15] : i32 from vector<16xi32>
    %eq3A_7 = arith.constant 1 : i32
    %eq3A_8 = vector.broadcast %eq3A_7 : i32 to vector<16xi32>
    %eq3A_9 = arith.cmpi eq, %iota3A, %eq3A_8 : vector<16xi32>
    %jit3A_10 = arith.constant 0 : i32
    %broadcast_in_dim3A_11 = vector.broadcast %jit3A_10 : i32 to vector<16xi32>
    %select_n3A_12 = arith.select %eq3A_9, %get3A_1, %broadcast_in_dim3A_11 : vector<16xi1>, vector<16xi32>
    %reduce_sum3A_13 = arith.constant true
    %reduce_sum3A_14 = vector.broadcast %reduce_sum3A_13 : i1 to vector<16xi1>
    %reduce_sum3A_15 = tpu.scan <sum>, %select_n3A_12 masked %reduce_sum3A_14 : vector<16xi32>, vector<16xi1> -> vector<16xi32>
    %reduce_sum3A_16 = vector.extract %reduce_sum3A_15[15] : i32 from vector<16xi32>
    %mul3A_17 = arith.constant 24576 : i32
    %mul3A_18 = arith.muli %add3A, %mul3A_17 : i32
    "tpu.region"() ({
      %run_scoped3A = tpu.sem_alloc : memref<!tpu.dma_semaphore, #tpu.memory_space<semaphore_mem>>
      %dma_start3A = tpu.memref_slice %arg3[%mul3A_18] : memref<786432xf32, #tpu.memory_space<hbm>> -> memref<24576xf32, #tpu.memory_space<hbm>>
      %dma_start3A_142 = tpu.memref_slice %arg3[%mul3A_18] : memref<786432xf32, #tpu.memory_space<hbm>> -> memref<24576xf32, #tpu.memory_space<hbm>>
      tpu.enqueue_dma source(%dma_start3A_142 : memref<24576xf32, #tpu.memory_space<hbm>>) target(%arg7 : memref<24576xf32, #tpu.memory_space<vmem>>) target_semaphore(%run_scoped3A : memref<!tpu.dma_semaphore, #tpu.memory_space<semaphore_mem>>)
      %dma_wait3A = tpu.memref_slice %arg3[%mul3A_18] : memref<786432xf32, #tpu.memory_space<hbm>> -> memref<24576xf32, #tpu.memory_space<hbm>>
      %dma_wait3A_143 = tpu.memref_slice %arg3[%mul3A_18] : memref<786432xf32, #tpu.memory_space<hbm>> -> memref<24576xf32, #tpu.memory_space<hbm>>
      tpu.wait_dma2 semaphore(%run_scoped3A : memref<!tpu.dma_semaphore, #tpu.memory_space<semaphore_mem>>) src(%dma_wait3A_143 : memref<24576xf32, #tpu.memory_space<hbm>>) dst(%arg7 : memref<24576xf32, #tpu.memory_space<vmem>>)
      tpu.yield
    }) : () -> ()
    %scan3A = arith.constant 0 : i32
    %scan3A_19 = arith.constant 0 : i32
    %scan3A_20 = arith.constant 1024 : i32
    %scan3A_21 = arith.addi %scan3A_19, %scan3A_20 : i32
    %scan3A_22 = arith.constant 8 : i32
    scf.for %scan3A_142 = %scan3A_19 to %scan3A_21 step %scan3A_22  : i32 {
      %broadcast_in_dim3A_143 = arith.constant 0 : i32
      %broadcast_in_dim3A_144 = vector.broadcast %broadcast_in_dim3A_143 : i32 to vector<16xi32>
      %mul3A_145 = arith.constant 16 : i32
      %mul3A_146 = arith.muli %scan3A_142, %mul3A_145 : i32
      %swap3A = arith.index_cast %mul3A_146 : i32 to index
      %swap3A_147 = tpu.vector_load %arg10[%swap3A] {strides = array<i32>} : memref<16384xi32, #tpu.memory_space<vmem>>, vector<16xi32>,
      tpu.vector_store %arg10[%swap3A], %broadcast_in_dim3A_144 {strides = array<i32>} : memref<16384xi32, #tpu.memory_space<vmem>>, vector<16xi32>,
      %scan3A_148 = arith.constant 1 : i32
      %scan3A_149 = arith.addi %scan3A_142, %scan3A_148 : i32
      %broadcast_in_dim3A_150 = arith.constant 0 : i32
      %broadcast_in_dim3A_151 = vector.broadcast %broadcast_in_dim3A_150 : i32 to vector<16xi32>
      %mul3A_152 = arith.constant 16 : i32
      %mul3A_153 = arith.muli %scan3A_149, %mul3A_152 : i32
      %swap3A_154 = arith.index_cast %mul3A_153 : i32 to index
      %swap3A_155 = tpu.vector_load %arg10[%swap3A_154] {strides = array<i32>} : memref<16384xi32, #tpu.memory_space<vmem>>, vector<16xi32>,
      tpu.vector_store %arg10[%swap3A_154], %broadcast_in_dim3A_151 {strides = array<i32>} : memref<16384xi32, #tpu.memory_space<vmem>>, vector<16xi32>,
      %scan3A_156 = arith.constant 2 : i32
      %scan3A_157 = arith.addi %scan3A_142, %scan3A_156 : i32
      %broadcast_in_dim3A_158 = arith.constant 0 : i32
      %broadcast_in_dim3A_159 = vector.broadcast %broadcast_in_dim3A_158 : i32 to vector<16xi32>
      %mul3A_160 = arith.constant 16 : i32
      %mul3A_161 = arith.muli %scan3A_157, %mul3A_160 : i32
      %swap3A_162 = arith.index_cast %mul3A_161 : i32 to index
      %swap3A_163 = tpu.vector_load %arg10[%swap3A_162] {strides = array<i32>} : memref<16384xi32, #tpu.memory_space<vmem>>, vector<16xi32>,
      tpu.vector_store %arg10[%swap3A_162], %broadcast_in_dim3A_159 {strides = array<i32>} : memref<16384xi32, #tpu.memory_space<vmem>>, vector<16xi32>,
      %scan3A_164 = arith.constant 3 : i32
      %scan3A_165 = arith.addi %scan3A_142, %scan3A_164 : i32
      %broadcast_in_dim3A_166 = arith.constant 0 : i32
      %broadcast_in_dim3A_167 = vector.broadcast %broadcast_in_dim3A_166 : i32 to vector<16xi32>
      %mul3A_168 = arith.constant 16 : i32
      %mul3A_169 = arith.muli %scan3A_165, %mul3A_168 : i32
      %swap3A_170 = arith.index_cast %mul3A_169 : i32 to index
      %swap3A_171 = tpu.vector_load %arg10[%swap3A_170] {strides = array<i32>} : memref<16384xi32, #tpu.memory_space<vmem>>, vector<16xi32>,
      tpu.vector_store %arg10[%swap3A_170], %broadcast_in_dim3A_167 {strides = array<i32>} : memref<16384xi32, #tpu.memory_space<vmem>>, vector<16xi32>,
      %scan3A_172 = arith.constant 4 : i32
      %scan3A_173 = arith.addi %scan3A_142, %scan3A_172 : i32
      %broadcast_in_dim3A_174 = arith.constant 0 : i32
      %broadcast_in_dim3A_175 = vector.broadcast %broadcast_in_dim3A_174 : i32 to vector<16xi32>
      %mul3A_176 = arith.constant 16 : i32
      %mul3A_177 = arith.muli %scan3A_173, %mul3A_176 : i32
      %swap3A_178 = arith.index_cast %mul3A_177 : i32 to index
      %swap3A_179 = tpu.vector_load %arg10[%swap3A_178] {strides = array<i32>} : memref<16384xi32, #tpu.memory_space<vmem>>, vector<16xi32>,
      tpu.vector_store %arg10[%swap3A_178], %broadcast_in_dim3A_175 {strides = array<i32>} : memref<16384xi32, #tpu.memory_space<vmem>>, vector<16xi32>,
      %scan3A_180 = arith.constant 5 : i32
      %scan3A_181 = arith.addi %scan3A_142, %scan3A_180 : i32
      %broadcast_in_dim3A_182 = arith.constant 0 : i32
      %broadcast_in_dim3A_183 = vector.broadcast %broadcast_in_dim3A_182 : i32 to vector<16xi32>
      %mul3A_184 = arith.constant 16 : i32
      %mul3A_185 = arith.muli %scan3A_181, %mul3A_184 : i32
      %swap3A_186 = arith.index_cast %mul3A_185 : i32 to index
      %swap3A_187 = tpu.vector_load %arg10[%swap3A_186] {strides = array<i32>} : memref<16384xi32, #tpu.memory_space<vmem>>, vector<16xi32>,
      tpu.vector_store %arg10[%swap3A_186], %broadcast_in_dim3A_183 {strides = array<i32>} : memref<16384xi32, #tpu.memory_space<vmem>>, vector<16xi32>,
      %scan3A_188 = arith.constant 6 : i32
      %scan3A_189 = arith.addi %scan3A_142, %scan3A_188 : i32
      %broadcast_in_dim3A_190 = arith.constant 0 : i32
      %broadcast_in_dim3A_191 = vector.broadcast %broadcast_in_dim3A_190 : i32 to vector<16xi32>
      %mul3A_192 = arith.constant 16 : i32
      %mul3A_193 = arith.muli %scan3A_189, %mul3A_192 : i32
      %swap3A_194 = arith.index_cast %mul3A_193 : i32 to index
      %swap3A_195 = tpu.vector_load %arg10[%swap3A_194] {strides = array<i32>} : memref<16384xi32, #tpu.memory_space<vmem>>, vector<16xi32>,
      tpu.vector_store %arg10[%swap3A_194], %broadcast_in_dim3A_191 {strides = array<i32>} : memref<16384xi32, #tpu.memory_space<vmem>>, vector<16xi32>,
      %scan3A_196 = arith.constant 7 : i32
      %scan3A_197 = arith.addi %scan3A_142, %scan3A_196 : i32
      %broadcast_in_dim3A_198 = arith.constant 0 : i32
      %broadcast_in_dim3A_199 = vector.broadcast %broadcast_in_dim3A_198 : i32 to vector<16xi32>
      %mul3A_200 = arith.constant 16 : i32
      %mul3A_201 = arith.muli %scan3A_197, %mul3A_200 : i32
      %swap3A_202 = arith.index_cast %mul3A_201 : i32 to index
      %swap3A_203 = tpu.vector_load %arg10[%swap3A_202] {strides = array<i32>} : memref<16384xi32, #tpu.memory_space<vmem>>, vector<16xi32>,
      tpu.vector_store %arg10[%swap3A_202], %broadcast_in_dim3A_199 {strides = array<i32>} : memref<16384xi32, #tpu.memory_space<vmem>>, vector<16xi32>,
    }
    %scan3A_23 = arith.constant 1024 : i32
    %broadcast_in_dim3A_24 = arith.constant 0 : i32
    %broadcast_in_dim3A_25 = vector.broadcast %broadcast_in_dim3A_24 : i32 to vector<16xi32>
    %scan3A_26 = arith.constant 0 : i32
    %scan3A_27 = arith.constant 1536 : i32
    %scan3A_28 = arith.addi %scan3A_26, %scan3A_27 : i32
    %scan3A_29 = arith.constant 4 : i32
    %scan3A_30 = scf.for %scan3A_142 = %scan3A_26 to %scan3A_28 step %scan3A_29 iter_args(%scan3A_143 = %broadcast_in_dim3A_25) -> (vector<16xi32>)  : i32 {
      %mul3A_144 = arith.constant 16 : i32
      %mul3A_145 = arith.muli %scan3A_142, %mul3A_144 : i32
      %get3A_146 = arith.index_cast %mul3A_145 : i32 to index
      %get3A_147 = tpu.vector_load %arg7[%get3A_146] {strides = array<i32>} : memref<24576xf32, #tpu.memory_space<vmem>>, vector<16xf32>,
      %bitcast3A = vector.bitcast %get3A_147 : vector<16xf32> to vector<16xi32>
      %gt3A = vector.broadcast %reduce_sum3A_6 : i32 to vector<16xi32>
      %gt3A_148 = arith.cmpi sgt, %bitcast3A, %gt3A : vector<16xi32>
      %jit3A_149 = arith.constant 1 : i32
      %jit3A_150 = arith.constant 0 : i32
      %broadcast_in_dim3A_151 = vector.broadcast %jit3A_149 : i32 to vector<16xi32>
      %broadcast_in_dim3A_152 = vector.broadcast %jit3A_150 : i32 to vector<16xi32>
      %select_n3A_153 = arith.select %gt3A_148, %broadcast_in_dim3A_151, %broadcast_in_dim3A_152 : vector<16xi1>, vector<16xi32>
      %broadcast_in_dim3A_154 = arith.constant true
      %broadcast_in_dim3A_155 = vector.broadcast %broadcast_in_dim3A_154 : i1 to vector<16xi1>
      %masked_cumsum3A = tpu.scan <sum>, %select_n3A_153 masked %broadcast_in_dim3A_155 : vector<16xi32>, vector<16xi1> -> vector<16xi32>
      %add3A_156 = arith.addi %scan3A_143, %masked_cumsum3A : vector<16xi32>
      %sub3A_157 = arith.constant 1 : i32
      %sub3A_158 = vector.broadcast %sub3A_157 : i32 to vector<16xi32>
      %sub3A_159 = arith.subi %add3A_156, %sub3A_158 : vector<16xi32>
      %mul3A_160 = arith.constant 24576 : i32
      %mul3A_161 = arith.muli %add3A, %mul3A_160 : i32
      %mul3A_162 = arith.constant 16 : i32
      %mul3A_163 = arith.muli %scan3A_142, %mul3A_162 : i32
      %add3A_164 = arith.addi %mul3A_161, %mul3A_163 : i32
      %add3A_165 = vector.broadcast %add3A_164 : i32 to vector<16xi32>
      %add3A_166 = arith.addi %add3A_165, %iota3A : vector<16xi32>
      tpu.vector_store_idx %arg8[%sub3A_159], %add3A_166 masked %gt3A_148 : memref<24576xi32, #tpu.memory_space<vmem>>[vector<16xi32>], vector<16xi32>, vector<16xi1>
      %all_reduce_population_count3A = tpu.all_reduce %gt3A_148 {dim = 0 : i64, kind = #tpu.reduction_kind<sum>} : vector<16xi1> -> vector<16xi32>
      %add3A_167 = arith.addi %scan3A_143, %all_reduce_population_count3A : vector<16xi32>
      %scan3A_168 = arith.constant 1 : i32
      %scan3A_169 = arith.addi %scan3A_142, %scan3A_168 : i32
      %mul3A_170 = arith.constant 16 : i32
      %mul3A_171 = arith.muli %scan3A_169, %mul3A_170 : i32
      %get3A_172 = arith.index_cast %mul3A_171 : i32 to index
      %get3A_173 = tpu.vector_load %arg7[%get3A_172] {strides = array<i32>} : memref<24576xf32, #tpu.memory_space<vmem>>, vector<16xf32>,
      %bitcast3A_174 = vector.bitcast %get3A_173 : vector<16xf32> to vector<16xi32>
      %gt3A_175 = vector.broadcast %reduce_sum3A_6 : i32 to vector<16xi32>
      %gt3A_176 = arith.cmpi sgt, %bitcast3A_174, %gt3A_175 : vector<16xi32>
      %jit3A_177 = arith.constant 1 : i32
      %jit3A_178 = arith.constant 0 : i32
      %broadcast_in_dim3A_179 = vector.broadcast %jit3A_177 : i32 to vector<16xi32>
      %broadcast_in_dim3A_180 = vector.broadcast %jit3A_178 : i32 to vector<16xi32>
      %select_n3A_181 = arith.select %gt3A_176, %broadcast_in_dim3A_179, %broadcast_in_dim3A_180 : vector<16xi1>, vector<16xi32>
      %broadcast_in_dim3A_182 = arith.constant true
      %broadcast_in_dim3A_183 = vector.broadcast %broadcast_in_dim3A_182 : i1 to vector<16xi1>
      %masked_cumsum3A_184 = tpu.scan <sum>, %select_n3A_181 masked %broadcast_in_dim3A_183 : vector<16xi32>, vector<16xi1> -> vector<16xi32>
      %add3A_185 = arith.addi %add3A_167, %masked_cumsum3A_184 : vector<16xi32>
      %sub3A_186 = arith.constant 1 : i32
      %sub3A_187 = vector.broadcast %sub3A_186 : i32 to vector<16xi32>
      %sub3A_188 = arith.subi %add3A_185, %sub3A_187 : vector<16xi32>
      %mul3A_189 = arith.constant 24576 : i32
      %mul3A_190 = arith.muli %add3A, %mul3A_189 : i32
      %mul3A_191 = arith.constant 16 : i32
      %mul3A_192 = arith.muli %scan3A_169, %mul3A_191 : i32
      %add3A_193 = arith.addi %mul3A_190, %mul3A_192 : i32
      %add3A_194 = vector.broadcast %add3A_193 : i32 to vector<16xi32>
      %add3A_195 = arith.addi %add3A_194, %iota3A : vector<16xi32>
      tpu.vector_store_idx %arg8[%sub3A_188], %add3A_195 masked %gt3A_176 : memref<24576xi32, #tpu.memory_space<vmem>>[vector<16xi32>], vector<16xi32>, vector<16xi1>
      %all_reduce_population_count3A_196 = tpu.all_reduce %gt3A_176 {dim = 0 : i64, kind = #tpu.reduction_kind<sum>} : vector<16xi1> -> vector<16xi32>
      %add3A_197 = arith.addi %add3A_167, %all_reduce_population_count3A_196 : vector<16xi32>
      %scan3A_198 = arith.constant 2 : i32
      %scan3A_199 = arith.addi %scan3A_142, %scan3A_198 : i32
      %mul3A_200 = arith.constant 16 : i32
      %mul3A_201 = arith.muli %scan3A_199, %mul3A_200 : i32
      %get3A_202 = arith.index_cast %mul3A_201 : i32 to index
      %get3A_203 = tpu.vector_load %arg7[%get3A_202] {strides = array<i32>} : memref<24576xf32, #tpu.memory_space<vmem>>, vector<16xf32>,
      %bitcast3A_204 = vector.bitcast %get3A_203 : vector<16xf32> to vector<16xi32>
      %gt3A_205 = vector.broadcast %reduce_sum3A_6 : i32 to vector<16xi32>
      %gt3A_206 = arith.cmpi sgt, %bitcast3A_204, %gt3A_205 : vector<16xi32>
      %jit3A_207 = arith.constant 1 : i32
      %jit3A_208 = arith.constant 0 : i32
      %broadcast_in_dim3A_209 = vector.broadcast %jit3A_207 : i32 to vector<16xi32>
      %broadcast_in_dim3A_210 = vector.broadcast %jit3A_208 : i32 to vector<16xi32>
      %select_n3A_211 = arith.select %gt3A_206, %broadcast_in_dim3A_209, %broadcast_in_dim3A_210 : vector<16xi1>, vector<16xi32>
      %broadcast_in_dim3A_212 = arith.constant true
      %broadcast_in_dim3A_213 = vector.broadcast %broadcast_in_dim3A_212 : i1 to vector<16xi1>
      %masked_cumsum3A_214 = tpu.scan <sum>, %select_n3A_211 masked %broadcast_in_dim3A_213 : vector<16xi32>, vector<16xi1> -> vector<16xi32>
      %add3A_215 = arith.addi %add3A_197, %masked_cumsum3A_214 : vector<16xi32>
      %sub3A_216 = arith.constant 1 : i32
      %sub3A_217 = vector.broadcast %sub3A_216 : i32 to vector<16xi32>
      %sub3A_218 = arith.subi %add3A_215, %sub3A_217 : vector<16xi32>
      %mul3A_219 = arith.constant 24576 : i32
      %mul3A_220 = arith.muli %add3A, %mul3A_219 : i32
      %mul3A_221 = arith.constant 16 : i32
      %mul3A_222 = arith.muli %scan3A_199, %mul3A_221 : i32
      %add3A_223 = arith.addi %mul3A_220, %mul3A_222 : i32
      %add3A_224 = vector.broadcast %add3A_223 : i32 to vector<16xi32>
      %add3A_225 = arith.addi %add3A_224, %iota3A : vector<16xi32>
      tpu.vector_store_idx %arg8[%sub3A_218], %add3A_225 masked %gt3A_206 : memref<24576xi32, #tpu.memory_space<vmem>>[vector<16xi32>], vector<16xi32>, vector<16xi1>
      %all_reduce_population_count3A_226 = tpu.all_reduce %gt3A_206 {dim = 0 : i64, kind = #tpu.reduction_kind<sum>} : vector<16xi1> -> vector<16xi32>
      %add3A_227 = arith.addi %add3A_197, %all_reduce_population_count3A_226 : vector<16xi32>
      %scan3A_228 = arith.constant 3 : i32
      %scan3A_229 = arith.addi %scan3A_142, %scan3A_228 : i32
      %mul3A_230 = arith.constant 16 : i32
      %mul3A_231 = arith.muli %scan3A_229, %mul3A_230 : i32
      %get3A_232 = arith.index_cast %mul3A_231 : i32 to index
      %get3A_233 = tpu.vector_load %arg7[%get3A_232] {strides = array<i32>} : memref<24576xf32, #tpu.memory_space<vmem>>, vector<16xf32>,
      %bitcast3A_234 = vector.bitcast %get3A_233 : vector<16xf32> to vector<16xi32>
      %gt3A_235 = vector.broadcast %reduce_sum3A_6 : i32 to vector<16xi32>
      %gt3A_236 = arith.cmpi sgt, %bitcast3A_234, %gt3A_235 : vector<16xi32>
      %jit3A_237 = arith.constant 1 : i32
      %jit3A_238 = arith.constant 0 : i32
      %broadcast_in_dim3A_239 = vector.broadcast %jit3A_237 : i32 to vector<16xi32>
      %broadcast_in_dim3A_240 = vector.broadcast %jit3A_238 : i32 to vector<16xi32>
      %select_n3A_241 = arith.select %gt3A_236, %broadcast_in_dim3A_239, %broadcast_in_dim3A_240 : vector<16xi1>, vector<16xi32>
      %broadcast_in_dim3A_242 = arith.constant true
      %broadcast_in_dim3A_243 = vector.broadcast %broadcast_in_dim3A_242 : i1 to vector<16xi1>
      %masked_cumsum3A_244 = tpu.scan <sum>, %select_n3A_241 masked %broadcast_in_dim3A_243 : vector<16xi32>, vector<16xi1> -> vector<16xi32>
      %add3A_245 = arith.addi %add3A_227, %masked_cumsum3A_244 : vector<16xi32>
      %sub3A_246 = arith.constant 1 : i32
      %sub3A_247 = vector.broadcast %sub3A_246 : i32 to vector<16xi32>
      %sub3A_248 = arith.subi %add3A_245, %sub3A_247 : vector<16xi32>
      %mul3A_249 = arith.constant 24576 : i32
      %mul3A_250 = arith.muli %add3A, %mul3A_249 : i32
      %mul3A_251 = arith.constant 16 : i32
      %mul3A_252 = arith.muli %scan3A_229, %mul3A_251 : i32
      %add3A_253 = arith.addi %mul3A_250, %mul3A_252 : i32
      %add3A_254 = vector.broadcast %add3A_253 : i32 to vector<16xi32>
      %add3A_255 = arith.addi %add3A_254, %iota3A : vector<16xi32>
      tpu.vector_store_idx %arg8[%sub3A_248], %add3A_255 masked %gt3A_236 : memref<24576xi32, #tpu.memory_space<vmem>>[vector<16xi32>], vector<16xi32>, vector<16xi1>
      %all_reduce_population_count3A_256 = tpu.all_reduce %gt3A_236 {dim = 0 : i64, kind = #tpu.reduction_kind<sum>} : vector<16xi1> -> vector<16xi32>
      %add3A_257 = arith.addi %add3A_227, %all_reduce_population_count3A_256 : vector<16xi32>
      scf.yield %add3A_257 : vector<16xi32>
    }
    %scan3A_31 = arith.constant 1536 : i32
    %eq3A_32 = arith.constant 0 : i32
    %eq3A_33 = vector.broadcast %eq3A_32 : i32 to vector<16xi32>
    %eq3A_34 = arith.cmpi eq, %iota3A, %eq3A_33 : vector<16xi32>
    %jit3A_35 = arith.constant 0 : i32
    %broadcast_in_dim3A_36 = vector.broadcast %jit3A_35 : i32 to vector<16xi32>
    %select_n3A_37 = arith.select %eq3A_34, %scan3A_30, %broadcast_in_dim3A_36 : vector<16xi1>, vector<16xi32>
    %reduce_sum3A_38 = arith.constant true
    %reduce_sum3A_39 = vector.broadcast %reduce_sum3A_38 : i1 to vector<16xi1>
    %reduce_sum3A_40 = tpu.scan <sum>, %select_n3A_37 masked %reduce_sum3A_39 : vector<16xi32>, vector<16xi1> -> vector<16xi32>
    %reduce_sum3A_41 = vector.extract %reduce_sum3A_40[15] : i32 from vector<16xi32>
    %mul3A_42 = arith.constant 24576 : i32
    %mul3A_43 = arith.muli %add3A, %mul3A_42 : i32
    %broadcast_in_dim3A_44 = vector.broadcast %mul3A_43 : i32 to vector<16xi32>
    %add3A_45 = arith.constant 0 : i32
    %add3A_46 = arith.addi %reduce_sum3A_41, %add3A_45 : i32
    %add3A_47 = vector.broadcast %add3A_46 : i32 to vector<16xi32>
    %add3A_48 = arith.addi %add3A_47, %iota3A : vector<16xi32>
    %lt3A = arith.constant 24576 : i32
    %lt3A_49 = vector.broadcast %lt3A : i32 to vector<16xi32>
    %lt3A_50 = arith.cmpi slt, %add3A_48, %lt3A_49 : vector<16xi32>
    tpu.vector_store_idx %arg8[%add3A_48], %broadcast_in_dim3A_44 masked %lt3A_50 : memref<24576xi32, #tpu.memory_space<vmem>>[vector<16xi32>], vector<16xi32>, vector<16xi1>
    %add3A_51 = arith.constant 16 : i32
    %add3A_52 = arith.addi %reduce_sum3A_41, %add3A_51 : i32
    %add3A_53 = vector.broadcast %add3A_52 : i32 to vector<16xi32>
    %add3A_54 = arith.addi %add3A_53, %iota3A : vector<16xi32>
    %lt3A_55 = arith.constant 24576 : i32
    %lt3A_56 = vector.broadcast %lt3A_55 : i32 to vector<16xi32>
    %lt3A_57 = arith.cmpi slt, %add3A_54, %lt3A_56 : vector<16xi32>
    tpu.vector_store_idx %arg8[%add3A_54], %broadcast_in_dim3A_44 masked %lt3A_57 : memref<24576xi32, #tpu.memory_space<vmem>>[vector<16xi32>], vector<16xi32>, vector<16xi1>
    %add3A_58 = arith.constant 32 : i32
    %add3A_59 = arith.addi %reduce_sum3A_41, %add3A_58 : i32
    %add3A_60 = vector.broadcast %add3A_59 : i32 to vector<16xi32>
    %add3A_61 = arith.addi %add3A_60, %iota3A : vector<16xi32>
    %lt3A_62 = arith.constant 24576 : i32
    %lt3A_63 = vector.broadcast %lt3A_62 : i32 to vector<16xi32>
    %lt3A_64 = arith.cmpi slt, %add3A_61, %lt3A_63 : vector<16xi32>
    tpu.vector_store_idx %arg8[%add3A_61], %broadcast_in_dim3A_44 masked %lt3A_64 : memref<24576xi32, #tpu.memory_space<vmem>>[vector<16xi32>], vector<16xi32>, vector<16xi1>
    %add3A_65 = arith.constant 48 : i32
    %add3A_66 = arith.addi %reduce_sum3A_41, %add3A_65 : i32
    %add3A_67 = vector.broadcast %add3A_66 : i32 to vector<16xi32>
    %add3A_68 = arith.addi %add3A_67, %iota3A : vector<16xi32>
    %lt3A_69 = arith.constant 24576 : i32
    %lt3A_70 = vector.broadcast %lt3A_69 : i32 to vector<16xi32>
    %lt3A_71 = arith.cmpi slt, %add3A_68, %lt3A_70 : vector<16xi32>
    tpu.vector_store_idx %arg8[%add3A_68], %broadcast_in_dim3A_44 masked %lt3A_71 : memref<24576xi32, #tpu.memory_space<vmem>>[vector<16xi32>], vector<16xi32>, vector<16xi1>
    %add3A_72 = arith.constant 64 : i32
    %add3A_73 = arith.addi %reduce_sum3A_41, %add3A_72 : i32
    %add3A_74 = vector.broadcast %add3A_73 : i32 to vector<16xi32>
    %add3A_75 = arith.addi %add3A_74, %iota3A : vector<16xi32>
    %lt3A_76 = arith.constant 24576 : i32
    %lt3A_77 = vector.broadcast %lt3A_76 : i32 to vector<16xi32>
    %lt3A_78 = arith.cmpi slt, %add3A_75, %lt3A_77 : vector<16xi32>
    tpu.vector_store_idx %arg8[%add3A_75], %broadcast_in_dim3A_44 masked %lt3A_78 : memref<24576xi32, #tpu.memory_space<vmem>>[vector<16xi32>], vector<16xi32>, vector<16xi1>
    %add3A_79 = arith.constant 80 : i32
    %add3A_80 = arith.addi %reduce_sum3A_41, %add3A_79 : i32
    %add3A_81 = vector.broadcast %add3A_80 : i32 to vector<16xi32>
    %add3A_82 = arith.addi %add3A_81, %iota3A : vector<16xi32>
    %lt3A_83 = arith.constant 24576 : i32
    %lt3A_84 = vector.broadcast %lt3A_83 : i32 to vector<16xi32>
    %lt3A_85 = arith.cmpi slt, %add3A_82, %lt3A_84 : vector<16xi32>
    tpu.vector_store_idx %arg8[%add3A_82], %broadcast_in_dim3A_44 masked %lt3A_85 : memref<24576xi32, #tpu.memory_space<vmem>>[vector<16xi32>], vector<16xi32>, vector<16xi1>
    %add3A_86 = arith.constant 96 : i32
    %add3A_87 = arith.addi %reduce_sum3A_41, %add3A_86 : i32
    %add3A_88 = vector.broadcast %add3A_87 : i32 to vector<16xi32>
    %add3A_89 = arith.addi %add3A_88, %iota3A : vector<16xi32>
    %lt3A_90 = arith.constant 24576 : i32
    %lt3A_91 = vector.broadcast %lt3A_90 : i32 to vector<16xi32>
    %lt3A_92 = arith.cmpi slt, %add3A_89, %lt3A_91 : vector<16xi32>
    tpu.vector_store_idx %arg8[%add3A_89], %broadcast_in_dim3A_44 masked %lt3A_92 : memref<24576xi32, #tpu.memory_space<vmem>>[vector<16xi32>], vector<16xi32>, vector<16xi1>
    %add3A_93 = arith.constant 112 : i32
    %add3A_94 = arith.addi %reduce_sum3A_41, %add3A_93 : i32
    %add3A_95 = vector.broadcast %add3A_94 : i32 to vector<16xi32>
    %add3A_96 = arith.addi %add3A_95, %iota3A : vector<16xi32>
    %lt3A_97 = arith.constant 24576 : i32
    %lt3A_98 = vector.broadcast %lt3A_97 : i32 to vector<16xi32>
    %lt3A_99 = arith.cmpi slt, %add3A_96, %lt3A_98 : vector<16xi32>
    tpu.vector_store_idx %arg8[%add3A_96], %broadcast_in_dim3A_44 masked %lt3A_99 : memref<24576xi32, #tpu.memory_space<vmem>>[vector<16xi32>], vector<16xi32>, vector<16xi1>
    %add3A_100 = arith.constant 128 : i32
    %add3A_101 = arith.addi %reduce_sum3A_41, %add3A_100 : i32
    %sub3A = arith.constant 1 : i32
    %sub3A_102 = arith.subi %add3A_101, %sub3A : i32
    %jit3A_103 = arith.constant 128 : i32
    %div3A = arith.divsi %sub3A_102, %jit3A_103 : i32
    %sign3A = arith.constant 0 : i32
    %sign3A_104 = arith.cmpi sgt, %sub3A_102, %sign3A : i32
    %sign3A_105 = arith.extui %sign3A_104 : i1 to i32
    %sign3A_106 = arith.constant 0 : i32
    %sign3A_107 = arith.cmpi slt, %sub3A_102, %sign3A_106 : i32
    %sign3A_108 = arith.extui %sign3A_107 : i1 to i32
    %sign3A_109 = arith.subi %sign3A_105, %sign3A_108 : i32
    %sign3A_110 = arith.constant 0 : i32
    %sign3A_111 = arith.cmpi sgt, %jit3A_103, %sign3A_110 : i32
    %sign3A_112 = arith.extui %sign3A_111 : i1 to i32
    %sign3A_113 = arith.constant 0 : i32
    %sign3A_114 = arith.cmpi slt, %jit3A_103, %sign3A_113 : i32
    %sign3A_115 = arith.extui %sign3A_114 : i1 to i32
    %sign3A_116 = arith.subi %sign3A_112, %sign3A_115 : i32
    %ne3A = arith.cmpi ne, %sign3A_109, %sign3A_116 : i32
    %rem3A = arith.remsi %sub3A_102, %jit3A_103 : i32
    %ne3A_117 = arith.constant 0 : i32
    %ne3A_118 = arith.cmpi ne, %rem3A, %ne3A_117 : i32
    %and3A = arith.andi %ne3A, %ne3A_118 : i1
    %sub3A_119 = arith.constant 1 : i32
    %sub3A_120 = arith.subi %div3A, %sub3A_119 : i32
    %select_n3A_121 = arith.select %and3A, %sub3A_120, %div3A : i32
    %broadcast_in_dim3A_122 = arith.constant 1 : i32
    %broadcast_in_dim3A_123 = vector.broadcast %broadcast_in_dim3A_122 : i32 to vector<16xi32>
    %mul3A_124 = arith.constant 1024 : i32
    %mul3A_125 = vector.broadcast %mul3A_124 : i32 to vector<16xi32>
    %mul3A_126 = arith.muli %iota3A, %mul3A_125 : vector<16xi32>
    %while3A = arith.constant 0 : i32
    %while3A_127 = arith.constant 0 : i32
    %while3A_128 = arith.subi %select_n3A_121, %while3A_127 : i32
    %while3A_129 = arith.addi %while3A_127, %while3A_128 : i32
    %while3A_130 = arith.constant 1 : i32
    %while3A_131 = arith.divsi %while3A_128, %while3A_130 : i32
    %while3A_132 = arith.muli %while3A_131, %while3A_130 : i32
    %while3A_133 = arith.addi %while3A_127, %while3A_132 : i32
    %while3A_134 = arith.constant 1 : i32
    scf.for %while3A_142 = %while3A_127 to %while3A_133 step %while3A_134  : i32 {
      %mul3A_143 = arith.constant 128 : i32
      %mul3A_144 = arith.muli %while3A_142, %mul3A_143 : i32
      %dma_start3A = tpu.memref_slice %arg8[%mul3A_144] : memref<24576xi32, #tpu.memory_space<vmem>> -> memref<128xi32, #tpu.memory_space<vmem>>
      %dma_start3A_145 = arith.constant 0 : i32
      %dma_start3A_146 = arith.constant 0 : i32
      %dma_start3A_147 = tpu.memref_slice %arg4[%dma_start3A_145, %dma_start3A_146] : memref<786432x16xf32, #tpu.memory_space<hbm>> -> memref<786432x16xf32, #tpu.memory_space<hbm>>
      tpu.enqueue_indirect_dma source(%dma_start3A_147 : memref<786432x16xf32, #tpu.memory_space<hbm>>) target(%arg9 : memref<128x16xf32, #tpu.memory_space<vmem>>) offsets(%dma_start3A : memref<128xi32, #tpu.memory_space<vmem>>) semaphore(%arg12 : memref<!tpu.dma_semaphore, #tpu.memory_space<semaphore_mem>>)
      %dma_wait3A = tpu.memref_slice %arg8[%mul3A_144] : memref<24576xi32, #tpu.memory_space<vmem>> -> memref<128xi32, #tpu.memory_space<vmem>>
      %dma_wait3A_148 = arith.constant 0 : i32
      %dma_wait3A_149 = arith.constant 0 : i32
      %dma_wait3A_150 = tpu.memref_slice %arg4[%dma_wait3A_148, %dma_wait3A_149] : memref<786432x16xf32, #tpu.memory_space<hbm>> -> memref<786432x16xf32, #tpu.memory_space<hbm>>
      tpu.wait_indirect_dma semaphore(%arg12 : memref<!tpu.dma_semaphore, #tpu.memory_space<semaphore_mem>>) src(%dma_wait3A_150 : memref<786432x16xf32, #tpu.memory_space<hbm>>) dst(%arg9 : memref<128x16xf32, #tpu.memory_space<vmem>>)
      %mul3A_151 = arith.constant 128 : i32
      %mul3A_152 = arith.muli %while3A_142, %mul3A_151 : i32
      %sub3A_153 = arith.subi %reduce_sum3A_41, %mul3A_152 : i32
      %scan3A_154 = arith.constant 0 : i32
      %scan3A_155 = arith.constant 0 : i32
      %scan3A_156 = arith.constant 128 : i32
      %scan3A_157 = arith.addi %scan3A_155, %scan3A_156 : i32
      %scan3A_158 = arith.constant 8 : i32
      scf.for %scan3A_160 = %scan3A_155 to %scan3A_157 step %scan3A_158  : i32 {
        %get3A_161 = arith.index_cast %scan3A_160 : i32 to index
        %get3A_162 = arith.constant 0 : index
        %get3A_163 = tpu.vector_load %arg9[%get3A_161, %get3A_162] {strides = array<i32>} : memref<128x16xf32, #tpu.memory_space<vmem>>, vector<16xf32>,
        %bitcast3A = vector.bitcast %get3A_163 : vector<16xf32> to vector<16xi32>
        %gt3A = vector.broadcast %reduce_sum3A_6 : i32 to vector<16xi32>
        %gt3A_164 = arith.cmpi sgt, %bitcast3A, %gt3A : vector<16xi32>
        %lt3A_165 = arith.cmpi slt, %scan3A_160, %sub3A_153 : i32
        %and3A_166 = vector.broadcast %lt3A_165 : i1 to vector<16xi1>
        %and3A_167 = arith.andi %gt3A_164, %and3A_166 : vector<16xi1>
        %add3A_168 = arith.constant 1 : i32
        %add3A_169 = arith.addi %reduce_sum3A_6, %add3A_168 : i32
        %sub3A_170 = vector.broadcast %add3A_169 : i32 to vector<16xi32>
        %sub3A_171 = arith.subi %bitcast3A, %sub3A_170 : vector<16xi32>
        %shift_right_logical3A = vector.broadcast %reduce_sum3A_16 : i32 to vector<16xi32>
        %shift_right_logical3A_172 = arith.shrui %sub3A_171, %shift_right_logical3A : vector<16xi32>
        %min3A = arith.constant 1023 : i32
        %min3A_173 = vector.broadcast %min3A : i32 to vector<16xi32>
        %min3A_174 = arith.minsi %shift_right_logical3A_172, %min3A_173 : vector<16xi32>
        %add3A_175 = arith.addi %min3A_174, %mul3A_126 : vector<16xi32>
        tpu.vector_store_idx %arg10[%add3A_175], %broadcast_in_dim3A_123 masked %and3A_167 {add = true} : memref<16384xi32, #tpu.memory_space<vmem>>[vector<16xi32>], vector<16xi32>, vector<16xi1>
        %scan3A_176 = arith.constant 1 : i32
        %scan3A_177 = arith.addi %scan3A_160, %scan3A_176 : i32
        %get3A_178 = arith.index_cast %scan3A_177 : i32 to index
        %get3A_179 = arith.constant 0 : index
        %get3A_180 = tpu.vector_load %arg9[%get3A_178, %get3A_179] {strides = array<i32>} : memref<128x16xf32, #tpu.memory_space<vmem>>, vector<16xf32>,
        %bitcast3A_181 = vector.bitcast %get3A_180 : vector<16xf32> to vector<16xi32>
        %gt3A_182 = vector.broadcast %reduce_sum3A_6 : i32 to vector<16xi32>
        %gt3A_183 = arith.cmpi sgt, %bitcast3A_181, %gt3A_182 : vector<16xi32>
        %lt3A_184 = arith.cmpi slt, %scan3A_177, %sub3A_153 : i32
        %and3A_185 = vector.broadcast %lt3A_184 : i1 to vector<16xi1>
        %and3A_186 = arith.andi %gt3A_183, %and3A_185 : vector<16xi1>
        %add3A_187 = arith.constant 1 : i32
        %add3A_188 = arith.addi %reduce_sum3A_6, %add3A_187 : i32
        %sub3A_189 = vector.broadcast %add3A_188 : i32 to vector<16xi32>
        %sub3A_190 = arith.subi %bitcast3A_181, %sub3A_189 : vector<16xi32>
        %shift_right_logical3A_191 = vector.broadcast %reduce_sum3A_16 : i32 to vector<16xi32>
        %shift_right_logical3A_192 = arith.shrui %sub3A_190, %shift_right_logical3A_191 : vector<16xi32>
        %min3A_193 = arith.constant 1023 : i32
        %min3A_194 = vector.broadcast %min3A_193 : i32 to vector<16xi32>
        %min3A_195 = arith.minsi %shift_right_logical3A_192, %min3A_194 : vector<16xi32>
        %add3A_196 = arith.addi %min3A_195, %mul3A_126 : vector<16xi32>
        tpu.vector_store_idx %arg10[%add3A_196], %broadcast_in_dim3A_123 masked %and3A_186 {add = true} : memref<16384xi32, #tpu.memory_space<vmem>>[vector<16xi32>], vector<16xi32>, vector<16xi1>
        %scan3A_197 = arith.constant 2 : i32
        %scan3A_198 = arith.addi %scan3A_160, %scan3A_197 : i32
        %get3A_199 = arith.index_cast %scan3A_198 : i32 to index
        %get3A_200 = arith.constant 0 : index
        %get3A_201 = tpu.vector_load %arg9[%get3A_199, %get3A_200] {strides = array<i32>} : memref<128x16xf32, #tpu.memory_space<vmem>>, vector<16xf32>,
        %bitcast3A_202 = vector.bitcast %get3A_201 : vector<16xf32> to vector<16xi32>
        %gt3A_203 = vector.broadcast %reduce_sum3A_6 : i32 to vector<16xi32>
        %gt3A_204 = arith.cmpi sgt, %bitcast3A_202, %gt3A_203 : vector<16xi32>
        %lt3A_205 = arith.cmpi slt, %scan3A_198, %sub3A_153 : i32
        %and3A_206 = vector.broadcast %lt3A_205 : i1 to vector<16xi1>
        %and3A_207 = arith.andi %gt3A_204, %and3A_206 : vector<16xi1>
        %add3A_208 = arith.constant 1 : i32
        %add3A_209 = arith.addi %reduce_sum3A_6, %add3A_208 : i32
        %sub3A_210 = vector.broadcast %add3A_209 : i32 to vector<16xi32>
        %sub3A_211 = arith.subi %bitcast3A_202, %sub3A_210 : vector<16xi32>
        %shift_right_logical3A_212 = vector.broadcast %reduce_sum3A_16 : i32 to vector<16xi32>
        %shift_right_logical3A_213 = arith.shrui %sub3A_211, %shift_right_logical3A_212 : vector<16xi32>
        %min3A_214 = arith.constant 1023 : i32
        %min3A_215 = vector.broadcast %min3A_214 : i32 to vector<16xi32>
        %min3A_216 = arith.minsi %shift_right_logical3A_213, %min3A_215 : vector<16xi32>
        %add3A_217 = arith.addi %min3A_216, %mul3A_126 : vector<16xi32>
        tpu.vector_store_idx %arg10[%add3A_217], %broadcast_in_dim3A_123 masked %and3A_207 {add = true} : memref<16384xi32, #tpu.memory_space<vmem>>[vector<16xi32>], vector<16xi32>, vector<16xi1>
        %scan3A_218 = arith.constant 3 : i32
        %scan3A_219 = arith.addi %scan3A_160, %scan3A_218 : i32
        %get3A_220 = arith.index_cast %scan3A_219 : i32 to index
        %get3A_221 = arith.constant 0 : index
        %get3A_222 = tpu.vector_load %arg9[%get3A_220, %get3A_221] {strides = array<i32>} : memref<128x16xf32, #tpu.memory_space<vmem>>, vector<16xf32>,
        %bitcast3A_223 = vector.bitcast %get3A_222 : vector<16xf32> to vector<16xi32>
        %gt3A_224 = vector.broadcast %reduce_sum3A_6 : i32 to vector<16xi32>
        %gt3A_225 = arith.cmpi sgt, %bitcast3A_223, %gt3A_224 : vector<16xi32>
        %lt3A_226 = arith.cmpi slt, %scan3A_219, %sub3A_153 : i32
        %and3A_227 = vector.broadcast %lt3A_226 : i1 to vector<16xi1>
        %and3A_228 = arith.andi %gt3A_225, %and3A_227 : vector<16xi1>
        %add3A_229 = arith.constant 1 : i32
        %add3A_230 = arith.addi %reduce_sum3A_6, %add3A_229 : i32
        %sub3A_231 = vector.broadcast %add3A_230 : i32 to vector<16xi32>
        %sub3A_232 = arith.subi %bitcast3A_223, %sub3A_231 : vector<16xi32>
        %shift_right_logical3A_233 = vector.broadcast %reduce_sum3A_16 : i32 to vector<16xi32>
        %shift_right_logical3A_234 = arith.shrui %sub3A_232, %shift_right_logical3A_233 : vector<16xi32>
        %min3A_235 = arith.constant 1023 : i32
        %min3A_236 = vector.broadcast %min3A_235 : i32 to vector<16xi32>
        %min3A_237 = arith.minsi %shift_right_logical3A_234, %min3A_236 : vector<16xi32>
        %add3A_238 = arith.addi %min3A_237, %mul3A_126 : vector<16xi32>
        tpu.vector_store_idx %arg10[%add3A_238], %broadcast_in_dim3A_123 masked %and3A_228 {add = true} : memref<16384xi32, #tpu.memory_space<vmem>>[vector<16xi32>], vector<16xi32>, vector<16xi1>
        %scan3A_239 = arith.constant 4 : i32
        %scan3A_240 = arith.addi %scan3A_160, %scan3A_239 : i32
        %get3A_241 = arith.index_cast %scan3A_240 : i32 to index
        %get3A_242 = arith.constant 0 : index
        %get3A_243 = tpu.vector_load %arg9[%get3A_241, %get3A_242] {strides = array<i32>} : memref<128x16xf32, #tpu.memory_space<vmem>>, vector<16xf32>,
        %bitcast3A_244 = vector.bitcast %get3A_243 : vector<16xf32> to vector<16xi32>
        %gt3A_245 = vector.broadcast %reduce_sum3A_6 : i32 to vector<16xi32>
        %gt3A_246 = arith.cmpi sgt, %bitcast3A_244, %gt3A_245 : vector<16xi32>
        %lt3A_247 = arith.cmpi slt, %scan3A_240, %sub3A_153 : i32
        %and3A_248 = vector.broadcast %lt3A_247 : i1 to vector<16xi1>
        %and3A_249 = arith.andi %gt3A_246, %and3A_248 : vector<16xi1>
        %add3A_250 = arith.constant 1 : i32
        %add3A_251 = arith.addi %reduce_sum3A_6, %add3A_250 : i32
        %sub3A_252 = vector.broadcast %add3A_251 : i32 to vector<16xi32>
        %sub3A_253 = arith.subi %bitcast3A_244, %sub3A_252 : vector<16xi32>
        %shift_right_logical3A_254 = vector.broadcast %reduce_sum3A_16 : i32 to vector<16xi32>
        %shift_right_logical3A_255 = arith.shrui %sub3A_253, %shift_right_logical3A_254 : vector<16xi32>
        %min3A_256 = arith.constant 1023 : i32
        %min3A_257 = vector.broadcast %min3A_256 : i32 to vector<16xi32>
        %min3A_258 = arith.minsi %shift_right_logical3A_255, %min3A_257 : vector<16xi32>
        %add3A_259 = arith.addi %min3A_258, %mul3A_126 : vector<16xi32>
        tpu.vector_store_idx %arg10[%add3A_259], %broadcast_in_dim3A_123 masked %and3A_249 {add = true} : memref<16384xi32, #tpu.memory_space<vmem>>[vector<16xi32>], vector<16xi32>, vector<16xi1>
        %scan3A_260 = arith.constant 5 : i32
        %scan3A_261 = arith.addi %scan3A_160, %scan3A_260 : i32
        %get3A_262 = arith.index_cast %scan3A_261 : i32 to index
        %get3A_263 = arith.constant 0 : index
        %get3A_264 = tpu.vector_load %arg9[%get3A_262, %get3A_263] {strides = array<i32>} : memref<128x16xf32, #tpu.memory_space<vmem>>, vector<16xf32>,
        %bitcast3A_265 = vector.bitcast %get3A_264 : vector<16xf32> to vector<16xi32>
        %gt3A_266 = vector.broadcast %reduce_sum3A_6 : i32 to vector<16xi32>
        %gt3A_267 = arith.cmpi sgt, %bitcast3A_265, %gt3A_266 : vector<16xi32>
        %lt3A_268 = arith.cmpi slt, %scan3A_261, %sub3A_153 : i32
        %and3A_269 = vector.broadcast %lt3A_268 : i1 to vector<16xi1>
        %and3A_270 = arith.andi %gt3A_267, %and3A_269 : vector<16xi1>
        %add3A_271 = arith.constant 1 : i32
        %add3A_272 = arith.addi %reduce_sum3A_6, %add3A_271 : i32
        %sub3A_273 = vector.broadcast %add3A_272 : i32 to vector<16xi32>
        %sub3A_274 = arith.subi %bitcast3A_265, %sub3A_273 : vector<16xi32>
        %shift_right_logical3A_275 = vector.broadcast %reduce_sum3A_16 : i32 to vector<16xi32>
        %shift_right_logical3A_276 = arith.shrui %sub3A_274, %shift_right_logical3A_275 : vector<16xi32>
        %min3A_277 = arith.constant 1023 : i32
        %min3A_278 = vector.broadcast %min3A_277 : i32 to vector<16xi32>
        %min3A_279 = arith.minsi %shift_right_logical3A_276, %min3A_278 : vector<16xi32>
        %add3A_280 = arith.addi %min3A_279, %mul3A_126 : vector<16xi32>
        tpu.vector_store_idx %arg10[%add3A_280], %broadcast_in_dim3A_123 masked %and3A_270 {add = true} : memref<16384xi32, #tpu.memory_space<vmem>>[vector<16xi32>], vector<16xi32>, vector<16xi1>
        %scan3A_281 = arith.constant 6 : i32
        %scan3A_282 = arith.addi %scan3A_160, %scan3A_281 : i32
        %get3A_283 = arith.index_cast %scan3A_282 : i32 to index
        %get3A_284 = arith.constant 0 : index
        %get3A_285 = tpu.vector_load %arg9[%get3A_283, %get3A_284] {strides = array<i32>} : memref<128x16xf32, #tpu.memory_space<vmem>>, vector<16xf32>,
        %bitcast3A_286 = vector.bitcast %get3A_285 : vector<16xf32> to vector<16xi32>
        %gt3A_287 = vector.broadcast %reduce_sum3A_6 : i32 to vector<16xi32>
        %gt3A_288 = arith.cmpi sgt, %bitcast3A_286, %gt3A_287 : vector<16xi32>
        %lt3A_289 = arith.cmpi slt, %scan3A_282, %sub3A_153 : i32
        %and3A_290 = vector.broadcast %lt3A_289 : i1 to vector<16xi1>
        %and3A_291 = arith.andi %gt3A_288, %and3A_290 : vector<16xi1>
        %add3A_292 = arith.constant 1 : i32
        %add3A_293 = arith.addi %reduce_sum3A_6, %add3A_292 : i32
        %sub3A_294 = vector.broadcast %add3A_293 : i32 to vector<16xi32>
        %sub3A_295 = arith.subi %bitcast3A_286, %sub3A_294 : vector<16xi32>
        %shift_right_logical3A_296 = vector.broadcast %reduce_sum3A_16 : i32 to vector<16xi32>
        %shift_right_logical3A_297 = arith.shrui %sub3A_295, %shift_right_logical3A_296 : vector<16xi32>
        %min3A_298 = arith.constant 1023 : i32
        %min3A_299 = vector.broadcast %min3A_298 : i32 to vector<16xi32>
        %min3A_300 = arith.minsi %shift_right_logical3A_297, %min3A_299 : vector<16xi32>
        %add3A_301 = arith.addi %min3A_300, %mul3A_126 : vector<16xi32>
        tpu.vector_store_idx %arg10[%add3A_301], %broadcast_in_dim3A_123 masked %and3A_291 {add = true} : memref<16384xi32, #tpu.memory_space<vmem>>[vector<16xi32>], vector<16xi32>, vector<16xi1>
        %scan3A_302 = arith.constant 7 : i32
        %scan3A_303 = arith.addi %scan3A_160, %scan3A_302 : i32
        %get3A_304 = arith.index_cast %scan3A_303 : i32 to index
        %get3A_305 = arith.constant 0 : index
        %get3A_306 = tpu.vector_load %arg9[%get3A_304, %get3A_305] {strides = array<i32>} : memref<128x16xf32, #tpu.memory_space<vmem>>, vector<16xf32>,
        %bitcast3A_307 = vector.bitcast %get3A_306 : vector<16xf32> to vector<16xi32>
        %gt3A_308 = vector.broadcast %reduce_sum3A_6 : i32 to vector<16xi32>
        %gt3A_309 = arith.cmpi sgt, %bitcast3A_307, %gt3A_308 : vector<16xi32>
        %lt3A_310 = arith.cmpi slt, %scan3A_303, %sub3A_153 : i32
        %and3A_311 = vector.broadcast %lt3A_310 : i1 to vector<16xi1>
        %and3A_312 = arith.andi %gt3A_309, %and3A_311 : vector<16xi1>
        %add3A_313 = arith.constant 1 : i32
        %add3A_314 = arith.addi %reduce_sum3A_6, %add3A_313 : i32
        %sub3A_315 = vector.broadcast %add3A_314 : i32 to vector<16xi32>
        %sub3A_316 = arith.subi %bitcast3A_307, %sub3A_315 : vector<16xi32>
        %shift_right_logical3A_317 = vector.broadcast %reduce_sum3A_16 : i32 to vector<16xi32>
        %shift_right_logical3A_318 = arith.shrui %sub3A_316, %shift_right_logical3A_317 : vector<16xi32>
        %min3A_319 = arith.constant 1023 : i32
        %min3A_320 = vector.broadcast %min3A_319 : i32 to vector<16xi32>
        %min3A_321 = arith.minsi %shift_right_logical3A_318, %min3A_320 : vector<16xi32>
        %add3A_322 = arith.addi %min3A_321, %mul3A_126 : vector<16xi32>
        tpu.vector_store_idx %arg10[%add3A_322], %broadcast_in_dim3A_123 masked %and3A_312 {add = true} : memref<16384xi32, #tpu.memory_space<vmem>>[vector<16xi32>], vector<16xi32>, vector<16xi1>
      }
      %scan3A_159 = arith.constant 128 : i32
    }
    %while3A_135 = arith.constant 1 : i32
    scf.for %while3A_142 = %while3A_133 to %while3A_129 step %while3A_135  : i32 {
      %mul3A_143 = arith.constant 128 : i32
      %mul3A_144 = arith.muli %while3A_142, %mul3A_143 : i32
      %dma_start3A = tpu.memref_slice %arg8[%mul3A_144] : memref<24576xi32, #tpu.memory_space<vmem>> -> memref<128xi32, #tpu.memory_space<vmem>>
      %dma_start3A_145 = arith.constant 0 : i32
      %dma_start3A_146 = arith.constant 0 : i32
      %dma_start3A_147 = tpu.memref_slice %arg4[%dma_start3A_145, %dma_start3A_146] : memref<786432x16xf32, #tpu.memory_space<hbm>> -> memref<786432x16xf32, #tpu.memory_space<hbm>>
      tpu.enqueue_indirect_dma source(%dma_start3A_147 : memref<786432x16xf32, #tpu.memory_space<hbm>>) target(%arg9 : memref<128x16xf32, #tpu.memory_space<vmem>>) offsets(%dma_start3A : memref<128xi32, #tpu.memory_space<vmem>>) semaphore(%arg12 : memref<!tpu.dma_semaphore, #tpu.memory_space<semaphore_mem>>)
      %dma_wait3A = tpu.memref_slice %arg8[%mul3A_144] : memref<24576xi32, #tpu.memory_space<vmem>> -> memref<128xi32, #tpu.memory_space<vmem>>
      %dma_wait3A_148 = arith.constant 0 : i32
      %dma_wait3A_149 = arith.constant 0 : i32
      %dma_wait3A_150 = tpu.memref_slice %arg4[%dma_wait3A_148, %dma_wait3A_149] : memref<786432x16xf32, #tpu.memory_space<hbm>> -> memref<786432x16xf32, #tpu.memory_space<hbm>>
      tpu.wait_indirect_dma semaphore(%arg12 : memref<!tpu.dma_semaphore, #tpu.memory_space<semaphore_mem>>) src(%dma_wait3A_150 : memref<786432x16xf32, #tpu.memory_space<hbm>>) dst(%arg9 : memref<128x16xf32, #tpu.memory_space<vmem>>)
      %mul3A_151 = arith.constant 128 : i32
      %mul3A_152 = arith.muli %while3A_142, %mul3A_151 : i32
      %sub3A_153 = arith.subi %reduce_sum3A_41, %mul3A_152 : i32
      %scan3A_154 = arith.constant 0 : i32
      %scan3A_155 = arith.constant 0 : i32
      %scan3A_156 = arith.constant 128 : i32
      %scan3A_157 = arith.addi %scan3A_155, %scan3A_156 : i32
      %scan3A_158 = arith.constant 8 : i32
      scf.for %scan3A_160 = %scan3A_155 to %scan3A_157 step %scan3A_158  : i32 {
        %get3A_161 = arith.index_cast %scan3A_160 : i32 to index
        %get3A_162 = arith.constant 0 : index
        %get3A_163 = tpu.vector_load %arg9[%get3A_161, %get3A_162] {strides = array<i32>} : memref<128x16xf32, #tpu.memory_space<vmem>>, vector<16xf32>,
        %bitcast3A = vector.bitcast %get3A_163 : vector<16xf32> to vector<16xi32>
        %gt3A = vector.broadcast %reduce_sum3A_6 : i32 to vector<16xi32>
        %gt3A_164 = arith.cmpi sgt, %bitcast3A, %gt3A : vector<16xi32>
        %lt3A_165 = arith.cmpi slt, %scan3A_160, %sub3A_153 : i32
        %and3A_166 = vector.broadcast %lt3A_165 : i1 to vector<16xi1>
        %and3A_167 = arith.andi %gt3A_164, %and3A_166 : vector<16xi1>
        %add3A_168 = arith.constant 1 : i32
        %add3A_169 = arith.addi %reduce_sum3A_6, %add3A_168 : i32
        %sub3A_170 = vector.broadcast %add3A_169 : i32 to vector<16xi32>
        %sub3A_171 = arith.subi %bitcast3A, %sub3A_170 : vector<16xi32>
        %shift_right_logical3A = vector.broadcast %reduce_sum3A_16 : i32 to vector<16xi32>
        %shift_right_logical3A_172 = arith.shrui %sub3A_171, %shift_right_logical3A : vector<16xi32>
        %min3A = arith.constant 1023 : i32
        %min3A_173 = vector.broadcast %min3A : i32 to vector<16xi32>
        %min3A_174 = arith.minsi %shift_right_logical3A_172, %min3A_173 : vector<16xi32>
        %add3A_175 = arith.addi %min3A_174, %mul3A_126 : vector<16xi32>
        tpu.vector_store_idx %arg10[%add3A_175], %broadcast_in_dim3A_123 masked %and3A_167 {add = true} : memref<16384xi32, #tpu.memory_space<vmem>>[vector<16xi32>], vector<16xi32>, vector<16xi1>
        %scan3A_176 = arith.constant 1 : i32
        %scan3A_177 = arith.addi %scan3A_160, %scan3A_176 : i32
        %get3A_178 = arith.index_cast %scan3A_177 : i32 to index
        %get3A_179 = arith.constant 0 : index
        %get3A_180 = tpu.vector_load %arg9[%get3A_178, %get3A_179] {strides = array<i32>} : memref<128x16xf32, #tpu.memory_space<vmem>>, vector<16xf32>,
        %bitcast3A_181 = vector.bitcast %get3A_180 : vector<16xf32> to vector<16xi32>
        %gt3A_182 = vector.broadcast %reduce_sum3A_6 : i32 to vector<16xi32>
        %gt3A_183 = arith.cmpi sgt, %bitcast3A_181, %gt3A_182 : vector<16xi32>
        %lt3A_184 = arith.cmpi slt, %scan3A_177, %sub3A_153 : i32
        %and3A_185 = vector.broadcast %lt3A_184 : i1 to vector<16xi1>
        %and3A_186 = arith.andi %gt3A_183, %and3A_185 : vector<16xi1>
        %add3A_187 = arith.constant 1 : i32
        %add3A_188 = arith.addi %reduce_sum3A_6, %add3A_187 : i32
        %sub3A_189 = vector.broadcast %add3A_188 : i32 to vector<16xi32>
        %sub3A_190 = arith.subi %bitcast3A_181, %sub3A_189 : vector<16xi32>
        %shift_right_logical3A_191 = vector.broadcast %reduce_sum3A_16 : i32 to vector<16xi32>
        %shift_right_logical3A_192 = arith.shrui %sub3A_190, %shift_right_logical3A_191 : vector<16xi32>
        %min3A_193 = arith.constant 1023 : i32
        %min3A_194 = vector.broadcast %min3A_193 : i32 to vector<16xi32>
        %min3A_195 = arith.minsi %shift_right_logical3A_192, %min3A_194 : vector<16xi32>
        %add3A_196 = arith.addi %min3A_195, %mul3A_126 : vector<16xi32>
        tpu.vector_store_idx %arg10[%add3A_196], %broadcast_in_dim3A_123 masked %and3A_186 {add = true} : memref<16384xi32, #tpu.memory_space<vmem>>[vector<16xi32>], vector<16xi32>, vector<16xi1>
        %scan3A_197 = arith.constant 2 : i32
        %scan3A_198 = arith.addi %scan3A_160, %scan3A_197 : i32
        %get3A_199 = arith.index_cast %scan3A_198 : i32 to index
        %get3A_200 = arith.constant 0 : index
        %get3A_201 = tpu.vector_load %arg9[%get3A_199, %get3A_200] {strides = array<i32>} : memref<128x16xf32, #tpu.memory_space<vmem>>, vector<16xf32>,
        %bitcast3A_202 = vector.bitcast %get3A_201 : vector<16xf32> to vector<16xi32>
        %gt3A_203 = vector.broadcast %reduce_sum3A_6 : i32 to vector<16xi32>
        %gt3A_204 = arith.cmpi sgt, %bitcast3A_202, %gt3A_203 : vector<16xi32>
        %lt3A_205 = arith.cmpi slt, %scan3A_198, %sub3A_153 : i32
        %and3A_206 = vector.broadcast %lt3A_205 : i1 to vector<16xi1>
        %and3A_207 = arith.andi %gt3A_204, %and3A_206 : vector<16xi1>
        %add3A_208 = arith.constant 1 : i32
        %add3A_209 = arith.addi %reduce_sum3A_6, %add3A_208 : i32
        %sub3A_210 = vector.broadcast %add3A_209 : i32 to vector<16xi32>
        %sub3A_211 = arith.subi %bitcast3A_202, %sub3A_210 : vector<16xi32>
        %shift_right_logical3A_212 = vector.broadcast %reduce_sum3A_16 : i32 to vector<16xi32>
        %shift_right_logical3A_213 = arith.shrui %sub3A_211, %shift_right_logical3A_212 : vector<16xi32>
        %min3A_214 = arith.constant 1023 : i32
        %min3A_215 = vector.broadcast %min3A_214 : i32 to vector<16xi32>
        %min3A_216 = arith.minsi %shift_right_logical3A_213, %min3A_215 : vector<16xi32>
        %add3A_217 = arith.addi %min3A_216, %mul3A_126 : vector<16xi32>
        tpu.vector_store_idx %arg10[%add3A_217], %broadcast_in_dim3A_123 masked %and3A_207 {add = true} : memref<16384xi32, #tpu.memory_space<vmem>>[vector<16xi32>], vector<16xi32>, vector<16xi1>
        %scan3A_218 = arith.constant 3 : i32
        %scan3A_219 = arith.addi %scan3A_160, %scan3A_218 : i32
        %get3A_220 = arith.index_cast %scan3A_219 : i32 to index
        %get3A_221 = arith.constant 0 : index
        %get3A_222 = tpu.vector_load %arg9[%get3A_220, %get3A_221] {strides = array<i32>} : memref<128x16xf32, #tpu.memory_space<vmem>>, vector<16xf32>,
        %bitcast3A_223 = vector.bitcast %get3A_222 : vector<16xf32> to vector<16xi32>
        %gt3A_224 = vector.broadcast %reduce_sum3A_6 : i32 to vector<16xi32>
        %gt3A_225 = arith.cmpi sgt, %bitcast3A_223, %gt3A_224 : vector<16xi32>
        %lt3A_226 = arith.cmpi slt, %scan3A_219, %sub3A_153 : i32
        %and3A_227 = vector.broadcast %lt3A_226 : i1 to vector<16xi1>
        %and3A_228 = arith.andi %gt3A_225, %and3A_227 : vector<16xi1>
        %add3A_229 = arith.constant 1 : i32
        %add3A_230 = arith.addi %reduce_sum3A_6, %add3A_229 : i32
        %sub3A_231 = vector.broadcast %add3A_230 : i32 to vector<16xi32>
        %sub3A_232 = arith.subi %bitcast3A_223, %sub3A_231 : vector<16xi32>
        %shift_right_logical3A_233 = vector.broadcast %reduce_sum3A_16 : i32 to vector<16xi32>
        %shift_right_logical3A_234 = arith.shrui %sub3A_232, %shift_right_logical3A_233 : vector<16xi32>
        %min3A_235 = arith.constant 1023 : i32
        %min3A_236 = vector.broadcast %min3A_235 : i32 to vector<16xi32>
        %min3A_237 = arith.minsi %shift_right_logical3A_234, %min3A_236 : vector<16xi32>
        %add3A_238 = arith.addi %min3A_237, %mul3A_126 : vector<16xi32>
        tpu.vector_store_idx %arg10[%add3A_238], %broadcast_in_dim3A_123 masked %and3A_228 {add = true} : memref<16384xi32, #tpu.memory_space<vmem>>[vector<16xi32>], vector<16xi32>, vector<16xi1>
        %scan3A_239 = arith.constant 4 : i32
        %scan3A_240 = arith.addi %scan3A_160, %scan3A_239 : i32
        %get3A_241 = arith.index_cast %scan3A_240 : i32 to index
        %get3A_242 = arith.constant 0 : index
        %get3A_243 = tpu.vector_load %arg9[%get3A_241, %get3A_242] {strides = array<i32>} : memref<128x16xf32, #tpu.memory_space<vmem>>, vector<16xf32>,
        %bitcast3A_244 = vector.bitcast %get3A_243 : vector<16xf32> to vector<16xi32>
        %gt3A_245 = vector.broadcast %reduce_sum3A_6 : i32 to vector<16xi32>
        %gt3A_246 = arith.cmpi sgt, %bitcast3A_244, %gt3A_245 : vector<16xi32>
        %lt3A_247 = arith.cmpi slt, %scan3A_240, %sub3A_153 : i32
        %and3A_248 = vector.broadcast %lt3A_247 : i1 to vector<16xi1>
        %and3A_249 = arith.andi %gt3A_246, %and3A_248 : vector<16xi1>
        %add3A_250 = arith.constant 1 : i32
        %add3A_251 = arith.addi %reduce_sum3A_6, %add3A_250 : i32
        %sub3A_252 = vector.broadcast %add3A_251 : i32 to vector<16xi32>
        %sub3A_253 = arith.subi %bitcast3A_244, %sub3A_252 : vector<16xi32>
        %shift_right_logical3A_254 = vector.broadcast %reduce_sum3A_16 : i32 to vector<16xi32>
        %shift_right_logical3A_255 = arith.shrui %sub3A_253, %shift_right_logical3A_254 : vector<16xi32>
        %min3A_256 = arith.constant 1023 : i32
        %min3A_257 = vector.broadcast %min3A_256 : i32 to vector<16xi32>
        %min3A_258 = arith.minsi %shift_right_logical3A_255, %min3A_257 : vector<16xi32>
        %add3A_259 = arith.addi %min3A_258, %mul3A_126 : vector<16xi32>
        tpu.vector_store_idx %arg10[%add3A_259], %broadcast_in_dim3A_123 masked %and3A_249 {add = true} : memref<16384xi32, #tpu.memory_space<vmem>>[vector<16xi32>], vector<16xi32>, vector<16xi1>
        %scan3A_260 = arith.constant 5 : i32
        %scan3A_261 = arith.addi %scan3A_160, %scan3A_260 : i32
        %get3A_262 = arith.index_cast %scan3A_261 : i32 to index
        %get3A_263 = arith.constant 0 : index
        %get3A_264 = tpu.vector_load %arg9[%get3A_262, %get3A_263] {strides = array<i32>} : memref<128x16xf32, #tpu.memory_space<vmem>>, vector<16xf32>,
        %bitcast3A_265 = vector.bitcast %get3A_264 : vector<16xf32> to vector<16xi32>
        %gt3A_266 = vector.broadcast %reduce_sum3A_6 : i32 to vector<16xi32>
        %gt3A_267 = arith.cmpi sgt, %bitcast3A_265, %gt3A_266 : vector<16xi32>
        %lt3A_268 = arith.cmpi slt, %scan3A_261, %sub3A_153 : i32
        %and3A_269 = vector.broadcast %lt3A_268 : i1 to vector<16xi1>
        %and3A_270 = arith.andi %gt3A_267, %and3A_269 : vector<16xi1>
        %add3A_271 = arith.constant 1 : i32
        %add3A_272 = arith.addi %reduce_sum3A_6, %add3A_271 : i32
        %sub3A_273 = vector.broadcast %add3A_272 : i32 to vector<16xi32>
        %sub3A_274 = arith.subi %bitcast3A_265, %sub3A_273 : vector<16xi32>
        %shift_right_logical3A_275 = vector.broadcast %reduce_sum3A_16 : i32 to vector<16xi32>
        %shift_right_logical3A_276 = arith.shrui %sub3A_274, %shift_right_logical3A_275 : vector<16xi32>
        %min3A_277 = arith.constant 1023 : i32
        %min3A_278 = vector.broadcast %min3A_277 : i32 to vector<16xi32>
        %min3A_279 = arith.minsi %shift_right_logical3A_276, %min3A_278 : vector<16xi32>
        %add3A_280 = arith.addi %min3A_279, %mul3A_126 : vector<16xi32>
        tpu.vector_store_idx %arg10[%add3A_280], %broadcast_in_dim3A_123 masked %and3A_270 {add = true} : memref<16384xi32, #tpu.memory_space<vmem>>[vector<16xi32>], vector<16xi32>, vector<16xi1>
        %scan3A_281 = arith.constant 6 : i32
        %scan3A_282 = arith.addi %scan3A_160, %scan3A_281 : i32
        %get3A_283 = arith.index_cast %scan3A_282 : i32 to index
        %get3A_284 = arith.constant 0 : index
        %get3A_285 = tpu.vector_load %arg9[%get3A_283, %get3A_284] {strides = array<i32>} : memref<128x16xf32, #tpu.memory_space<vmem>>, vector<16xf32>,
        %bitcast3A_286 = vector.bitcast %get3A_285 : vector<16xf32> to vector<16xi32>
        %gt3A_287 = vector.broadcast %reduce_sum3A_6 : i32 to vector<16xi32>
        %gt3A_288 = arith.cmpi sgt, %bitcast3A_286, %gt3A_287 : vector<16xi32>
        %lt3A_289 = arith.cmpi slt, %scan3A_282, %sub3A_153 : i32
        %and3A_290 = vector.broadcast %lt3A_289 : i1 to vector<16xi1>
        %and3A_291 = arith.andi %gt3A_288, %and3A_290 : vector<16xi1>
        %add3A_292 = arith.constant 1 : i32
        %add3A_293 = arith.addi %reduce_sum3A_6, %add3A_292 : i32
        %sub3A_294 = vector.broadcast %add3A_293 : i32 to vector<16xi32>
        %sub3A_295 = arith.subi %bitcast3A_286, %sub3A_294 : vector<16xi32>
        %shift_right_logical3A_296 = vector.broadcast %reduce_sum3A_16 : i32 to vector<16xi32>
        %shift_right_logical3A_297 = arith.shrui %sub3A_295, %shift_right_logical3A_296 : vector<16xi32>
        %min3A_298 = arith.constant 1023 : i32
        %min3A_299 = vector.broadcast %min3A_298 : i32 to vector<16xi32>
        %min3A_300 = arith.minsi %shift_right_logical3A_297, %min3A_299 : vector<16xi32>
        %add3A_301 = arith.addi %min3A_300, %mul3A_126 : vector<16xi32>
        tpu.vector_store_idx %arg10[%add3A_301], %broadcast_in_dim3A_123 masked %and3A_291 {add = true} : memref<16384xi32, #tpu.memory_space<vmem>>[vector<16xi32>], vector<16xi32>, vector<16xi1>
        %scan3A_302 = arith.constant 7 : i32
        %scan3A_303 = arith.addi %scan3A_160, %scan3A_302 : i32
        %get3A_304 = arith.index_cast %scan3A_303 : i32 to index
        %get3A_305 = arith.constant 0 : index
        %get3A_306 = tpu.vector_load %arg9[%get3A_304, %get3A_305] {strides = array<i32>} : memref<128x16xf32, #tpu.memory_space<vmem>>, vector<16xf32>,
        %bitcast3A_307 = vector.bitcast %get3A_306 : vector<16xf32> to vector<16xi32>
        %gt3A_308 = vector.broadcast %reduce_sum3A_6 : i32 to vector<16xi32>
        %gt3A_309 = arith.cmpi sgt, %bitcast3A_307, %gt3A_308 : vector<16xi32>
        %lt3A_310 = arith.cmpi slt, %scan3A_303, %sub3A_153 : i32
        %and3A_311 = vector.broadcast %lt3A_310 : i1 to vector<16xi1>
        %and3A_312 = arith.andi %gt3A_309, %and3A_311 : vector<16xi1>
        %add3A_313 = arith.constant 1 : i32
        %add3A_314 = arith.addi %reduce_sum3A_6, %add3A_313 : i32
        %sub3A_315 = vector.broadcast %add3A_314 : i32 to vector<16xi32>
        %sub3A_316 = arith.subi %bitcast3A_307, %sub3A_315 : vector<16xi32>
        %shift_right_logical3A_317 = vector.broadcast %reduce_sum3A_16 : i32 to vector<16xi32>
        %shift_right_logical3A_318 = arith.shrui %sub3A_316, %shift_right_logical3A_317 : vector<16xi32>
        %min3A_319 = arith.constant 1023 : i32
        %min3A_320 = vector.broadcast %min3A_319 : i32 to vector<16xi32>
        %min3A_321 = arith.minsi %shift_right_logical3A_318, %min3A_320 : vector<16xi32>
        %add3A_322 = arith.addi %min3A_321, %mul3A_126 : vector<16xi32>
        tpu.vector_store_idx %arg10[%add3A_322], %broadcast_in_dim3A_123 masked %and3A_312 {add = true} : memref<16384xi32, #tpu.memory_space<vmem>>[vector<16xi32>], vector<16xi32>, vector<16xi1>
      }
      %scan3A_159 = arith.constant 128 : i32
    }
    %scan3A_136 = arith.constant 0 : i32
    %scan3A_137 = arith.constant 0 : i32
    %scan3A_138 = arith.constant 64 : i32
    %scan3A_139 = arith.addi %scan3A_137, %scan3A_138 : i32
    %scan3A_140 = arith.constant 1 : i32
    scf.for %scan3A_142 = %scan3A_137 to %scan3A_139 step %scan3A_140  : i32 {
      %broadcast_in_dim3A_143 = arith.constant 0 : i32
      %broadcast_in_dim3A_144 = vector.broadcast %broadcast_in_dim3A_143 : i32 to vector<16xi32>
      %mul3A_145 = arith.constant 16 : i32
      %mul3A_146 = arith.muli %scan3A_142, %mul3A_145 : i32
      %add3A_147 = arith.constant 0 : i32
      %add3A_148 = arith.addi %add3A_147, %mul3A_146 : i32
      %get3A_149 = arith.index_cast %add3A_148 : i32 to index
      %get3A_150 = tpu.vector_load %arg10[%get3A_149] {strides = array<i32>} : memref<16384xi32, #tpu.memory_space<vmem>>, vector<16xi32>,
      %add3A_151 = arith.addi %broadcast_in_dim3A_144, %get3A_150 : vector<16xi32>
      %mul3A_152 = arith.constant 16 : i32
      %mul3A_153 = arith.muli %scan3A_142, %mul3A_152 : i32
      %add3A_154 = arith.constant 1024 : i32
      %add3A_155 = arith.addi %add3A_154, %mul3A_153 : i32
      %get3A_156 = arith.index_cast %add3A_155 : i32 to index
      %get3A_157 = tpu.vector_load %arg10[%get3A_156] {strides = array<i32>} : memref<16384xi32, #tpu.memory_space<vmem>>, vector<16xi32>,
      %add3A_158 = arith.addi %add3A_151, %get3A_157 : vector<16xi32>
      %mul3A_159 = arith.constant 16 : i32
      %mul3A_160 = arith.muli %scan3A_142, %mul3A_159 : i32
      %add3A_161 = arith.constant 2048 : i32
      %add3A_162 = arith.addi %add3A_161, %mul3A_160 : i32
      %get3A_163 = arith.index_cast %add3A_162 : i32 to index
      %get3A_164 = tpu.vector_load %arg10[%get3A_163] {strides = array<i32>} : memref<16384xi32, #tpu.memory_space<vmem>>, vector<16xi32>,
      %add3A_165 = arith.addi %add3A_158, %get3A_164 : vector<16xi32>
      %mul3A_166 = arith.constant 16 : i32
      %mul3A_167 = arith.muli %scan3A_142, %mul3A_166 : i32
      %add3A_168 = arith.constant 3072 : i32
      %add3A_169 = arith.addi %add3A_168, %mul3A_167 : i32
      %get3A_170 = arith.index_cast %add3A_169 : i32 to index
      %get3A_171 = tpu.vector_load %arg10[%get3A_170] {strides = array<i32>} : memref<16384xi32, #tpu.memory_space<vmem>>, vector<16xi32>,
      %add3A_172 = arith.addi %add3A_165, %get3A_171 : vector<16xi32>
      %mul3A_173 = arith.constant 16 : i32
      %mul3A_174 = arith.muli %scan3A_142, %mul3A_173 : i32
      %add3A_175 = arith.constant 4096 : i32
      %add3A_176 = arith.addi %add3A_175, %mul3A_174 : i32
      %get3A_177 = arith.index_cast %add3A_176 : i32 to index
      %get3A_178 = tpu.vector_load %arg10[%get3A_177] {strides = array<i32>} : memref<16384xi32, #tpu.memory_space<vmem>>, vector<16xi32>,
      %add3A_179 = arith.addi %add3A_172, %get3A_178 : vector<16xi32>
      %mul3A_180 = arith.constant 16 : i32
      %mul3A_181 = arith.muli %scan3A_142, %mul3A_180 : i32
      %add3A_182 = arith.constant 5120 : i32
      %add3A_183 = arith.addi %add3A_182, %mul3A_181 : i32
      %get3A_184 = arith.index_cast %add3A_183 : i32 to index
      %get3A_185 = tpu.vector_load %arg10[%get3A_184] {strides = array<i32>} : memref<16384xi32, #tpu.memory_space<vmem>>, vector<16xi32>,
      %add3A_186 = arith.addi %add3A_179, %get3A_185 : vector<16xi32>
      %mul3A_187 = arith.constant 16 : i32
      %mul3A_188 = arith.muli %scan3A_142, %mul3A_187 : i32
      %add3A_189 = arith.constant 6144 : i32
      %add3A_190 = arith.addi %add3A_189, %mul3A_188 : i32
      %get3A_191 = arith.index_cast %add3A_190 : i32 to index
      %get3A_192 = tpu.vector_load %arg10[%get3A_191] {strides = array<i32>} : memref<16384xi32, #tpu.memory_space<vmem>>, vector<16xi32>,
      %add3A_193 = arith.addi %add3A_186, %get3A_192 : vector<16xi32>
      %mul3A_194 = arith.constant 16 : i32
      %mul3A_195 = arith.muli %scan3A_142, %mul3A_194 : i32
      %add3A_196 = arith.constant 7168 : i32
      %add3A_197 = arith.addi %add3A_196, %mul3A_195 : i32
      %get3A_198 = arith.index_cast %add3A_197 : i32 to index
      %get3A_199 = tpu.vector_load %arg10[%get3A_198] {strides = array<i32>} : memref<16384xi32, #tpu.memory_space<vmem>>, vector<16xi32>,
      %add3A_200 = arith.addi %add3A_193, %get3A_199 : vector<16xi32>
      %mul3A_201 = arith.constant 16 : i32
      %mul3A_202 = arith.muli %scan3A_142, %mul3A_201 : i32
      %add3A_203 = arith.constant 8192 : i32
      %add3A_204 = arith.addi %add3A_203, %mul3A_202 : i32
      %get3A_205 = arith.index_cast %add3A_204 : i32 to index
      %get3A_206 = tpu.vector_load %arg10[%get3A_205] {strides = array<i32>} : memref<16384xi32, #tpu.memory_space<vmem>>, vector<16xi32>,
      %add3A_207 = arith.addi %add3A_200, %get3A_206 : vector<16xi32>
      %mul3A_208 = arith.constant 16 : i32
      %mul3A_209 = arith.muli %scan3A_142, %mul3A_208 : i32
      %add3A_210 = arith.constant 9216 : i32
      %add3A_211 = arith.addi %add3A_210, %mul3A_209 : i32
      %get3A_212 = arith.index_cast %add3A_211 : i32 to index
      %get3A_213 = tpu.vector_load %arg10[%get3A_212] {strides = array<i32>} : memref<16384xi32, #tpu.memory_space<vmem>>, vector<16xi32>,
      %add3A_214 = arith.addi %add3A_207, %get3A_213 : vector<16xi32>
      %mul3A_215 = arith.constant 16 : i32
      %mul3A_216 = arith.muli %scan3A_142, %mul3A_215 : i32
      %add3A_217 = arith.constant 10240 : i32
      %add3A_218 = arith.addi %add3A_217, %mul3A_216 : i32
      %get3A_219 = arith.index_cast %add3A_218 : i32 to index
      %get3A_220 = tpu.vector_load %arg10[%get3A_219] {strides = array<i32>} : memref<16384xi32, #tpu.memory_space<vmem>>, vector<16xi32>,
      %add3A_221 = arith.addi %add3A_214, %get3A_220 : vector<16xi32>
      %mul3A_222 = arith.constant 16 : i32
      %mul3A_223 = arith.muli %scan3A_142, %mul3A_222 : i32
      %add3A_224 = arith.constant 11264 : i32
      %add3A_225 = arith.addi %add3A_224, %mul3A_223 : i32
      %get3A_226 = arith.index_cast %add3A_225 : i32 to index
      %get3A_227 = tpu.vector_load %arg10[%get3A_226] {strides = array<i32>} : memref<16384xi32, #tpu.memory_space<vmem>>, vector<16xi32>,
      %add3A_228 = arith.addi %add3A_221, %get3A_227 : vector<16xi32>
      %mul3A_229 = arith.constant 16 : i32
      %mul3A_230 = arith.muli %scan3A_142, %mul3A_229 : i32
      %add3A_231 = arith.constant 12288 : i32
      %add3A_232 = arith.addi %add3A_231, %mul3A_230 : i32
      %get3A_233 = arith.index_cast %add3A_232 : i32 to index
      %get3A_234 = tpu.vector_load %arg10[%get3A_233] {strides = array<i32>} : memref<16384xi32, #tpu.memory_space<vmem>>, vector<16xi32>,
      %add3A_235 = arith.addi %add3A_228, %get3A_234 : vector<16xi32>
      %mul3A_236 = arith.constant 16 : i32
      %mul3A_237 = arith.muli %scan3A_142, %mul3A_236 : i32
      %add3A_238 = arith.constant 13312 : i32
      %add3A_239 = arith.addi %add3A_238, %mul3A_237 : i32
      %get3A_240 = arith.index_cast %add3A_239 : i32 to index
      %get3A_241 = tpu.vector_load %arg10[%get3A_240] {strides = array<i32>} : memref<16384xi32, #tpu.memory_space<vmem>>, vector<16xi32>,
      %add3A_242 = arith.addi %add3A_235, %get3A_241 : vector<16xi32>
      %mul3A_243 = arith.constant 16 : i32
      %mul3A_244 = arith.muli %scan3A_142, %mul3A_243 : i32
      %add3A_245 = arith.constant 14336 : i32
      %add3A_246 = arith.addi %add3A_245, %mul3A_244 : i32
      %get3A_247 = arith.index_cast %add3A_246 : i32 to index
      %get3A_248 = tpu.vector_load %arg10[%get3A_247] {strides = array<i32>} : memref<16384xi32, #tpu.memory_space<vmem>>, vector<16xi32>,
      %add3A_249 = arith.addi %add3A_242, %get3A_248 : vector<16xi32>
      %mul3A_250 = arith.constant 16 : i32
      %mul3A_251 = arith.muli %scan3A_142, %mul3A_250 : i32
      %add3A_252 = arith.constant 15360 : i32
      %add3A_253 = arith.addi %add3A_252, %mul3A_251 : i32
      %get3A_254 = arith.index_cast %add3A_253 : i32 to index
      %get3A_255 = tpu.vector_load %arg10[%get3A_254] {strides = array<i32>} : memref<16384xi32, #tpu.memory_space<vmem>>, vector<16xi32>,
      %add3A_256 = arith.addi %add3A_249, %get3A_255 : vector<16xi32>
      %mul3A_257 = arith.constant 16 : i32
      %mul3A_258 = arith.muli %scan3A_142, %mul3A_257 : i32
      %swap3A = arith.index_cast %mul3A_258 : i32 to index
      %swap3A_259 = tpu.vector_load %arg11[%swap3A] {strides = array<i32>} : memref<1024xi32, #tpu.memory_space<vmem>>, vector<16xi32>,
      tpu.vector_store %arg11[%swap3A], %add3A_256 {strides = array<i32>} : memref<1024xi32, #tpu.memory_space<vmem>>, vector<16xi32>,
    }
    %scan3A_141 = arith.constant 64 : i32
    "tpu.region"() ({
      %run_scoped3A = tpu.sem_alloc : memref<!tpu.dma_semaphore, #tpu.memory_space<semaphore_mem>>
      %dma_start3A = arith.constant 0 : i32
      %dma_start3A_142 = tpu.memref_slice %arg5[%add3A, %dma_start3A] : memref<32x1024xi32, #tpu.memory_space<hbm>> -> memref<1x1024xi32, #tpu.memory_space<hbm>>
      %dma_start3A_143 = tpu.memref_squeeze %dma_start3A_142 : memref<1x1024xi32, #tpu.memory_space<hbm>> -> memref<1024xi32, #tpu.memory_space<hbm>>
      %dma_start3A_144 = arith.constant 0 : i32
      %dma_start3A_145 = tpu.memref_slice %arg5[%add3A, %dma_start3A_144] : memref<32x1024xi32, #tpu.memory_space<hbm>> -> memref<1x1024xi32, #tpu.memory_space<hbm>>
      %dma_start3A_146 = tpu.memref_squeeze %dma_start3A_145 : memref<1x1024xi32, #tpu.memory_space<hbm>> -> memref<1024xi32, #tpu.memory_space<hbm>>
      tpu.enqueue_dma source(%arg11 : memref<1024xi32, #tpu.memory_space<vmem>>) target(%dma_start3A_146 : memref<1024xi32, #tpu.memory_space<hbm>>) target_semaphore(%run_scoped3A : memref<!tpu.dma_semaphore, #tpu.memory_space<semaphore_mem>>)
      %dma_wait3A = arith.constant 0 : i32
      %dma_wait3A_147 = tpu.memref_slice %arg5[%add3A, %dma_wait3A] : memref<32x1024xi32, #tpu.memory_space<hbm>> -> memref<1x1024xi32, #tpu.memory_space<hbm>>
      %dma_wait3A_148 = tpu.memref_squeeze %dma_wait3A_147 : memref<1x1024xi32, #tpu.memory_space<hbm>> -> memref<1024xi32, #tpu.memory_space<hbm>>
      %dma_wait3A_149 = arith.constant 0 : i32
      %dma_wait3A_150 = tpu.memref_slice %arg5[%add3A, %dma_wait3A_149] : memref<32x1024xi32, #tpu.memory_space<hbm>> -> memref<1x1024xi32, #tpu.memory_space<hbm>>
      %dma_wait3A_151 = tpu.memref_squeeze %dma_wait3A_150 : memref<1x1024xi32, #tpu.memory_space<hbm>> -> memref<1024xi32, #tpu.memory_space<hbm>>
      tpu.wait_dma2 semaphore(%run_scoped3A : memref<!tpu.dma_semaphore, #tpu.memory_space<semaphore_mem>>) src(%arg11 : memref<1024xi32, #tpu.memory_space<vmem>>) dst(%dma_wait3A_151 : memref<1024xi32, #tpu.memory_space<hbm>>)
      tpu.yield
    }) : () -> ()
    return
  }
}

#map = affine_map<(d0, d1) -> (0)>
#map1 = affine_map<(d0, d1) -> (0, 0)>
module attributes {stable_mosaic.version = 14 : i64} {
  func.func @_sc_select_body(%arg0: i32, %arg1: i32, %arg2: memref<16xi32, #tpu.memory_space<hbm>>, %arg3: memref<786432xf32, #tpu.memory_space<hbm>>, %arg4: memref<786432x16xf32, #tpu.memory_space<hbm>>, %arg5: memref<32x1024xi32, #tpu.memory_space<hbm>>, %arg6: memref<16xi32, #tpu.memory_space<vmem>>, %arg7: memref<24576xf32, #tpu.memory_space<vmem>>, %arg8: memref<24576xi32, #tpu.memory_space<vmem>>, %arg9: memref<128x16xf32, #tpu.memory_space<vmem>>, %arg10: memref<16384xi32, #tpu.memory_space<vmem>>, %arg11: memref<1024xi32, #tpu.memory_space<vmem>>, %arg12: memref<!tpu.dma_semaphore, #tpu.memory_space<semaphore_mem>>) attributes {dimension_semantics = [#tpu.dimension_semantics<core_parallel>, #tpu.dimension_semantics<subcore_parallel>], iteration_bounds = array<i64: 2, 16>, scalar_prefetch = 0 : i64, scratch_operands = 7 : i64, tpu.core_type = #tpu.core_type<sc_vector_subcore>, window_params = [{transform_indices = #map}, {transform_indices = #map}, {transform_indices = #map1}, {transform_indices = #map1}]} {
    %mul3A = arith.constant 2 : i32
    %mul3A_0 = arith.muli %arg1, %mul3A : i32
    %add3A = arith.addi %mul3A_0, %arg0 : i32
    %iota3A = tpu.iota {dimensions = array<i32: 0>} : vector<16xi32>
    "tpu.region"() ({
      %run_scoped3A = tpu.sem_alloc : memref<!tpu.dma_semaphore, #tpu.memory_space<semaphore_mem>>
      tpu.enqueue_dma source(%arg2 : memref<16xi32, #tpu.memory_space<hbm>>) target(%arg6 : memref<16xi32, #tpu.memory_space<vmem>>) target_semaphore(%run_scoped3A : memref<!tpu.dma_semaphore, #tpu.memory_space<semaphore_mem>>)
      tpu.wait_dma2 semaphore(%run_scoped3A : memref<!tpu.dma_semaphore, #tpu.memory_space<semaphore_mem>>) src(%arg2 : memref<16xi32, #tpu.memory_space<hbm>>) dst(%arg6 : memref<16xi32, #tpu.memory_space<vmem>>)
      tpu.yield
    }) : () -> ()
    %get3A = arith.constant 0 : index
    %get3A_1 = tpu.vector_load %arg6[%get3A] {strides = array<i32>} : memref<16xi32, #tpu.memory_space<vmem>>, vector<16xi32>,
    %eq3A = arith.constant 0 : i32
    %eq3A_2 = vector.broadcast %eq3A : i32 to vector<16xi32>
    %eq3A_3 = arith.cmpi eq, %iota3A, %eq3A_2 : vector<16xi32>
    %jit3A = arith.constant 0 : i32
    %broadcast_in_dim3A = vector.broadcast %jit3A : i32 to vector<16xi32>
    %select_n3A = arith.select %eq3A_3, %get3A_1, %broadcast_in_dim3A : vector<16xi1>, vector<16xi32>
    %reduce_sum3A = arith.constant true
    %reduce_sum3A_4 = vector.broadcast %reduce_sum3A : i1 to vector<16xi1>
    %reduce_sum3A_5 = tpu.scan <sum>, %select_n3A masked %reduce_sum3A_4 : vector<16xi32>, vector<16xi1> -> vector<16xi32>
    %reduce_sum3A_6 = vector.extract %reduce_sum3A_5[15] : i32 from vector<16xi32>
    %eq3A_7 = arith.constant 1 : i32
    %eq3A_8 = vector.broadcast %eq3A_7 : i32 to vector<16xi32>
    %eq3A_9 = arith.cmpi eq, %iota3A, %eq3A_8 : vector<16xi32>
    %jit3A_10 = arith.constant 0 : i32
    %broadcast_in_dim3A_11 = vector.broadcast %jit3A_10 : i32 to vector<16xi32>
    %select_n3A_12 = arith.select %eq3A_9, %get3A_1, %broadcast_in_dim3A_11 : vector<16xi1>, vector<16xi32>
    %reduce_sum3A_13 = arith.constant true
    %reduce_sum3A_14 = vector.broadcast %reduce_sum3A_13 : i1 to vector<16xi1>
    %reduce_sum3A_15 = tpu.scan <sum>, %select_n3A_12 masked %reduce_sum3A_14 : vector<16xi32>, vector<16xi1> -> vector<16xi32>
    %reduce_sum3A_16 = vector.extract %reduce_sum3A_15[15] : i32 from vector<16xi32>
    %mul3A_17 = arith.constant 24576 : i32
    %mul3A_18 = arith.muli %add3A, %mul3A_17 : i32
    "tpu.region"() ({
      %run_scoped3A = tpu.sem_alloc : memref<!tpu.dma_semaphore, #tpu.memory_space<semaphore_mem>>
      %dma_start3A = tpu.memref_slice %arg3[%mul3A_18] : memref<786432xf32, #tpu.memory_space<hbm>> -> memref<24576xf32, #tpu.memory_space<hbm>>
      %dma_start3A_142 = tpu.memref_slice %arg3[%mul3A_18] : memref<786432xf32, #tpu.memory_space<hbm>> -> memref<24576xf32, #tpu.memory_space<hbm>>
      tpu.enqueue_dma source(%dma_start3A_142 : memref<24576xf32, #tpu.memory_space<hbm>>) target(%arg7 : memref<24576xf32, #tpu.memory_space<vmem>>) target_semaphore(%run_scoped3A : memref<!tpu.dma_semaphore, #tpu.memory_space<semaphore_mem>>)
      %dma_wait3A = tpu.memref_slice %arg3[%mul3A_18] : memref<786432xf32, #tpu.memory_space<hbm>> -> memref<24576xf32, #tpu.memory_space<hbm>>
      %dma_wait3A_143 = tpu.memref_slice %arg3[%mul3A_18] : memref<786432xf32, #tpu.memory_space<hbm>> -> memref<24576xf32, #tpu.memory_space<hbm>>
      tpu.wait_dma2 semaphore(%run_scoped3A : memref<!tpu.dma_semaphore, #tpu.memory_space<semaphore_mem>>) src(%dma_wait3A_143 : memref<24576xf32, #tpu.memory_space<hbm>>) dst(%arg7 : memref<24576xf32, #tpu.memory_space<vmem>>)
      tpu.yield
    }) : () -> ()
    %scan3A = arith.constant 0 : i32
    %scan3A_19 = arith.constant 0 : i32
    %scan3A_20 = arith.constant 1024 : i32
    %scan3A_21 = arith.addi %scan3A_19, %scan3A_20 : i32
    %scan3A_22 = arith.constant 8 : i32
    scf.for %scan3A_142 = %scan3A_19 to %scan3A_21 step %scan3A_22  : i32 {
      %broadcast_in_dim3A_143 = arith.constant 0 : i32
      %broadcast_in_dim3A_144 = vector.broadcast %broadcast_in_dim3A_143 : i32 to vector<16xi32>
      %mul3A_145 = arith.constant 16 : i32
      %mul3A_146 = arith.muli %scan3A_142, %mul3A_145 : i32
      %swap3A = arith.index_cast %mul3A_146 : i32 to index
      %swap3A_147 = tpu.vector_load %arg10[%swap3A] {strides = array<i32>} : memref<16384xi32, #tpu.memory_space<vmem>>, vector<16xi32>,
      tpu.vector_store %arg10[%swap3A], %broadcast_in_dim3A_144 {strides = array<i32>} : memref<16384xi32, #tpu.memory_space<vmem>>, vector<16xi32>,
      %scan3A_148 = arith.constant 1 : i32
      %scan3A_149 = arith.addi %scan3A_142, %scan3A_148 : i32
      %broadcast_in_dim3A_150 = arith.constant 0 : i32
      %broadcast_in_dim3A_151 = vector.broadcast %broadcast_in_dim3A_150 : i32 to vector<16xi32>
      %mul3A_152 = arith.constant 16 : i32
      %mul3A_153 = arith.muli %scan3A_149, %mul3A_152 : i32
      %swap3A_154 = arith.index_cast %mul3A_153 : i32 to index
      %swap3A_155 = tpu.vector_load %arg10[%swap3A_154] {strides = array<i32>} : memref<16384xi32, #tpu.memory_space<vmem>>, vector<16xi32>,
      tpu.vector_store %arg10[%swap3A_154], %broadcast_in_dim3A_151 {strides = array<i32>} : memref<16384xi32, #tpu.memory_space<vmem>>, vector<16xi32>,
      %scan3A_156 = arith.constant 2 : i32
      %scan3A_157 = arith.addi %scan3A_142, %scan3A_156 : i32
      %broadcast_in_dim3A_158 = arith.constant 0 : i32
      %broadcast_in_dim3A_159 = vector.broadcast %broadcast_in_dim3A_158 : i32 to vector<16xi32>
      %mul3A_160 = arith.constant 16 : i32
      %mul3A_161 = arith.muli %scan3A_157, %mul3A_160 : i32
      %swap3A_162 = arith.index_cast %mul3A_161 : i32 to index
      %swap3A_163 = tpu.vector_load %arg10[%swap3A_162] {strides = array<i32>} : memref<16384xi32, #tpu.memory_space<vmem>>, vector<16xi32>,
      tpu.vector_store %arg10[%swap3A_162], %broadcast_in_dim3A_159 {strides = array<i32>} : memref<16384xi32, #tpu.memory_space<vmem>>, vector<16xi32>,
      %scan3A_164 = arith.constant 3 : i32
      %scan3A_165 = arith.addi %scan3A_142, %scan3A_164 : i32
      %broadcast_in_dim3A_166 = arith.constant 0 : i32
      %broadcast_in_dim3A_167 = vector.broadcast %broadcast_in_dim3A_166 : i32 to vector<16xi32>
      %mul3A_168 = arith.constant 16 : i32
      %mul3A_169 = arith.muli %scan3A_165, %mul3A_168 : i32
      %swap3A_170 = arith.index_cast %mul3A_169 : i32 to index
      %swap3A_171 = tpu.vector_load %arg10[%swap3A_170] {strides = array<i32>} : memref<16384xi32, #tpu.memory_space<vmem>>, vector<16xi32>,
      tpu.vector_store %arg10[%swap3A_170], %broadcast_in_dim3A_167 {strides = array<i32>} : memref<16384xi32, #tpu.memory_space<vmem>>, vector<16xi32>,
      %scan3A_172 = arith.constant 4 : i32
      %scan3A_173 = arith.addi %scan3A_142, %scan3A_172 : i32
      %broadcast_in_dim3A_174 = arith.constant 0 : i32
      %broadcast_in_dim3A_175 = vector.broadcast %broadcast_in_dim3A_174 : i32 to vector<16xi32>
      %mul3A_176 = arith.constant 16 : i32
      %mul3A_177 = arith.muli %scan3A_173, %mul3A_176 : i32
      %swap3A_178 = arith.index_cast %mul3A_177 : i32 to index
      %swap3A_179 = tpu.vector_load %arg10[%swap3A_178] {strides = array<i32>} : memref<16384xi32, #tpu.memory_space<vmem>>, vector<16xi32>,
      tpu.vector_store %arg10[%swap3A_178], %broadcast_in_dim3A_175 {strides = array<i32>} : memref<16384xi32, #tpu.memory_space<vmem>>, vector<16xi32>,
      %scan3A_180 = arith.constant 5 : i32
      %scan3A_181 = arith.addi %scan3A_142, %scan3A_180 : i32
      %broadcast_in_dim3A_182 = arith.constant 0 : i32
      %broadcast_in_dim3A_183 = vector.broadcast %broadcast_in_dim3A_182 : i32 to vector<16xi32>
      %mul3A_184 = arith.constant 16 : i32
      %mul3A_185 = arith.muli %scan3A_181, %mul3A_184 : i32
      %swap3A_186 = arith.index_cast %mul3A_185 : i32 to index
      %swap3A_187 = tpu.vector_load %arg10[%swap3A_186] {strides = array<i32>} : memref<16384xi32, #tpu.memory_space<vmem>>, vector<16xi32>,
      tpu.vector_store %arg10[%swap3A_186], %broadcast_in_dim3A_183 {strides = array<i32>} : memref<16384xi32, #tpu.memory_space<vmem>>, vector<16xi32>,
      %scan3A_188 = arith.constant 6 : i32
      %scan3A_189 = arith.addi %scan3A_142, %scan3A_188 : i32
      %broadcast_in_dim3A_190 = arith.constant 0 : i32
      %broadcast_in_dim3A_191 = vector.broadcast %broadcast_in_dim3A_190 : i32 to vector<16xi32>
      %mul3A_192 = arith.constant 16 : i32
      %mul3A_193 = arith.muli %scan3A_189, %mul3A_192 : i32
      %swap3A_194 = arith.index_cast %mul3A_193 : i32 to index
      %swap3A_195 = tpu.vector_load %arg10[%swap3A_194] {strides = array<i32>} : memref<16384xi32, #tpu.memory_space<vmem>>, vector<16xi32>,
      tpu.vector_store %arg10[%swap3A_194], %broadcast_in_dim3A_191 {strides = array<i32>} : memref<16384xi32, #tpu.memory_space<vmem>>, vector<16xi32>,
      %scan3A_196 = arith.constant 7 : i32
      %scan3A_197 = arith.addi %scan3A_142, %scan3A_196 : i32
      %broadcast_in_dim3A_198 = arith.constant 0 : i32
      %broadcast_in_dim3A_199 = vector.broadcast %broadcast_in_dim3A_198 : i32 to vector<16xi32>
      %mul3A_200 = arith.constant 16 : i32
      %mul3A_201 = arith.muli %scan3A_197, %mul3A_200 : i32
      %swap3A_202 = arith.index_cast %mul3A_201 : i32 to index
      %swap3A_203 = tpu.vector_load %arg10[%swap3A_202] {strides = array<i32>} : memref<16384xi32, #tpu.memory_space<vmem>>, vector<16xi32>,
      tpu.vector_store %arg10[%swap3A_202], %broadcast_in_dim3A_199 {strides = array<i32>} : memref<16384xi32, #tpu.memory_space<vmem>>, vector<16xi32>,
    }
    %scan3A_23 = arith.constant 1024 : i32
    %broadcast_in_dim3A_24 = arith.constant 0 : i32
    %broadcast_in_dim3A_25 = vector.broadcast %broadcast_in_dim3A_24 : i32 to vector<16xi32>
    %scan3A_26 = arith.constant 0 : i32
    %scan3A_27 = arith.constant 1536 : i32
    %scan3A_28 = arith.addi %scan3A_26, %scan3A_27 : i32
    %scan3A_29 = arith.constant 4 : i32
    %scan3A_30 = scf.for %scan3A_142 = %scan3A_26 to %scan3A_28 step %scan3A_29 iter_args(%scan3A_143 = %broadcast_in_dim3A_25) -> (vector<16xi32>)  : i32 {
      %mul3A_144 = arith.constant 16 : i32
      %mul3A_145 = arith.muli %scan3A_142, %mul3A_144 : i32
      %get3A_146 = arith.index_cast %mul3A_145 : i32 to index
      %get3A_147 = tpu.vector_load %arg7[%get3A_146] {strides = array<i32>} : memref<24576xf32, #tpu.memory_space<vmem>>, vector<16xf32>,
      %bitcast3A = vector.bitcast %get3A_147 : vector<16xf32> to vector<16xi32>
      %gt3A = vector.broadcast %reduce_sum3A_6 : i32 to vector<16xi32>
      %gt3A_148 = arith.cmpi sgt, %bitcast3A, %gt3A : vector<16xi32>
      %jit3A_149 = arith.constant 1 : i32
      %jit3A_150 = arith.constant 0 : i32
      %broadcast_in_dim3A_151 = vector.broadcast %jit3A_149 : i32 to vector<16xi32>
      %broadcast_in_dim3A_152 = vector.broadcast %jit3A_150 : i32 to vector<16xi32>
      %select_n3A_153 = arith.select %gt3A_148, %broadcast_in_dim3A_151, %broadcast_in_dim3A_152 : vector<16xi1>, vector<16xi32>
      %broadcast_in_dim3A_154 = arith.constant true
      %broadcast_in_dim3A_155 = vector.broadcast %broadcast_in_dim3A_154 : i1 to vector<16xi1>
      %masked_cumsum3A = tpu.scan <sum>, %select_n3A_153 masked %broadcast_in_dim3A_155 : vector<16xi32>, vector<16xi1> -> vector<16xi32>
      %add3A_156 = arith.addi %scan3A_143, %masked_cumsum3A : vector<16xi32>
      %sub3A_157 = arith.constant 1 : i32
      %sub3A_158 = vector.broadcast %sub3A_157 : i32 to vector<16xi32>
      %sub3A_159 = arith.subi %add3A_156, %sub3A_158 : vector<16xi32>
      %mul3A_160 = arith.constant 24576 : i32
      %mul3A_161 = arith.muli %add3A, %mul3A_160 : i32
      %mul3A_162 = arith.constant 16 : i32
      %mul3A_163 = arith.muli %scan3A_142, %mul3A_162 : i32
      %add3A_164 = arith.addi %mul3A_161, %mul3A_163 : i32
      %add3A_165 = vector.broadcast %add3A_164 : i32 to vector<16xi32>
      %add3A_166 = arith.addi %add3A_165, %iota3A : vector<16xi32>
      tpu.vector_store_idx %arg8[%sub3A_159], %add3A_166 masked %gt3A_148 : memref<24576xi32, #tpu.memory_space<vmem>>[vector<16xi32>], vector<16xi32>, vector<16xi1>
      %all_reduce_population_count3A = tpu.all_reduce %gt3A_148 {dim = 0 : i64, kind = #tpu.reduction_kind<sum>} : vector<16xi1> -> vector<16xi32>
      %add3A_167 = arith.addi %scan3A_143, %all_reduce_population_count3A : vector<16xi32>
      %scan3A_168 = arith.constant 1 : i32
      %scan3A_169 = arith.addi %scan3A_142, %scan3A_168 : i32
      %mul3A_170 = arith.constant 16 : i32
      %mul3A_171 = arith.muli %scan3A_169, %mul3A_170 : i32
      %get3A_172 = arith.index_cast %mul3A_171 : i32 to index
      %get3A_173 = tpu.vector_load %arg7[%get3A_172] {strides = array<i32>} : memref<24576xf32, #tpu.memory_space<vmem>>, vector<16xf32>,
      %bitcast3A_174 = vector.bitcast %get3A_173 : vector<16xf32> to vector<16xi32>
      %gt3A_175 = vector.broadcast %reduce_sum3A_6 : i32 to vector<16xi32>
      %gt3A_176 = arith.cmpi sgt, %bitcast3A_174, %gt3A_175 : vector<16xi32>
      %jit3A_177 = arith.constant 1 : i32
      %jit3A_178 = arith.constant 0 : i32
      %broadcast_in_dim3A_179 = vector.broadcast %jit3A_177 : i32 to vector<16xi32>
      %broadcast_in_dim3A_180 = vector.broadcast %jit3A_178 : i32 to vector<16xi32>
      %select_n3A_181 = arith.select %gt3A_176, %broadcast_in_dim3A_179, %broadcast_in_dim3A_180 : vector<16xi1>, vector<16xi32>
      %broadcast_in_dim3A_182 = arith.constant true
      %broadcast_in_dim3A_183 = vector.broadcast %broadcast_in_dim3A_182 : i1 to vector<16xi1>
      %masked_cumsum3A_184 = tpu.scan <sum>, %select_n3A_181 masked %broadcast_in_dim3A_183 : vector<16xi32>, vector<16xi1> -> vector<16xi32>
      %add3A_185 = arith.addi %add3A_167, %masked_cumsum3A_184 : vector<16xi32>
      %sub3A_186 = arith.constant 1 : i32
      %sub3A_187 = vector.broadcast %sub3A_186 : i32 to vector<16xi32>
      %sub3A_188 = arith.subi %add3A_185, %sub3A_187 : vector<16xi32>
      %mul3A_189 = arith.constant 24576 : i32
      %mul3A_190 = arith.muli %add3A, %mul3A_189 : i32
      %mul3A_191 = arith.constant 16 : i32
      %mul3A_192 = arith.muli %scan3A_169, %mul3A_191 : i32
      %add3A_193 = arith.addi %mul3A_190, %mul3A_192 : i32
      %add3A_194 = vector.broadcast %add3A_193 : i32 to vector<16xi32>
      %add3A_195 = arith.addi %add3A_194, %iota3A : vector<16xi32>
      tpu.vector_store_idx %arg8[%sub3A_188], %add3A_195 masked %gt3A_176 : memref<24576xi32, #tpu.memory_space<vmem>>[vector<16xi32>], vector<16xi32>, vector<16xi1>
      %all_reduce_population_count3A_196 = tpu.all_reduce %gt3A_176 {dim = 0 : i64, kind = #tpu.reduction_kind<sum>} : vector<16xi1> -> vector<16xi32>
      %add3A_197 = arith.addi %add3A_167, %all_reduce_population_count3A_196 : vector<16xi32>
      %scan3A_198 = arith.constant 2 : i32
      %scan3A_199 = arith.addi %scan3A_142, %scan3A_198 : i32
      %mul3A_200 = arith.constant 16 : i32
      %mul3A_201 = arith.muli %scan3A_199, %mul3A_200 : i32
      %get3A_202 = arith.index_cast %mul3A_201 : i32 to index
      %get3A_203 = tpu.vector_load %arg7[%get3A_202] {strides = array<i32>} : memref<24576xf32, #tpu.memory_space<vmem>>, vector<16xf32>,
      %bitcast3A_204 = vector.bitcast %get3A_203 : vector<16xf32> to vector<16xi32>
      %gt3A_205 = vector.broadcast %reduce_sum3A_6 : i32 to vector<16xi32>
      %gt3A_206 = arith.cmpi sgt, %bitcast3A_204, %gt3A_205 : vector<16xi32>
      %jit3A_207 = arith.constant 1 : i32
      %jit3A_208 = arith.constant 0 : i32
      %broadcast_in_dim3A_209 = vector.broadcast %jit3A_207 : i32 to vector<16xi32>
      %broadcast_in_dim3A_210 = vector.broadcast %jit3A_208 : i32 to vector<16xi32>
      %select_n3A_211 = arith.select %gt3A_206, %broadcast_in_dim3A_209, %broadcast_in_dim3A_210 : vector<16xi1>, vector<16xi32>
      %broadcast_in_dim3A_212 = arith.constant true
      %broadcast_in_dim3A_213 = vector.broadcast %broadcast_in_dim3A_212 : i1 to vector<16xi1>
      %masked_cumsum3A_214 = tpu.scan <sum>, %select_n3A_211 masked %broadcast_in_dim3A_213 : vector<16xi32>, vector<16xi1> -> vector<16xi32>
      %add3A_215 = arith.addi %add3A_197, %masked_cumsum3A_214 : vector<16xi32>
      %sub3A_216 = arith.constant 1 : i32
      %sub3A_217 = vector.broadcast %sub3A_216 : i32 to vector<16xi32>
      %sub3A_218 = arith.subi %add3A_215, %sub3A_217 : vector<16xi32>
      %mul3A_219 = arith.constant 24576 : i32
      %mul3A_220 = arith.muli %add3A, %mul3A_219 : i32
      %mul3A_221 = arith.constant 16 : i32
      %mul3A_222 = arith.muli %scan3A_199, %mul3A_221 : i32
      %add3A_223 = arith.addi %mul3A_220, %mul3A_222 : i32
      %add3A_224 = vector.broadcast %add3A_223 : i32 to vector<16xi32>
      %add3A_225 = arith.addi %add3A_224, %iota3A : vector<16xi32>
      tpu.vector_store_idx %arg8[%sub3A_218], %add3A_225 masked %gt3A_206 : memref<24576xi32, #tpu.memory_space<vmem>>[vector<16xi32>], vector<16xi32>, vector<16xi1>
      %all_reduce_population_count3A_226 = tpu.all_reduce %gt3A_206 {dim = 0 : i64, kind = #tpu.reduction_kind<sum>} : vector<16xi1> -> vector<16xi32>
      %add3A_227 = arith.addi %add3A_197, %all_reduce_population_count3A_226 : vector<16xi32>
      %scan3A_228 = arith.constant 3 : i32
      %scan3A_229 = arith.addi %scan3A_142, %scan3A_228 : i32
      %mul3A_230 = arith.constant 16 : i32
      %mul3A_231 = arith.muli %scan3A_229, %mul3A_230 : i32
      %get3A_232 = arith.index_cast %mul3A_231 : i32 to index
      %get3A_233 = tpu.vector_load %arg7[%get3A_232] {strides = array<i32>} : memref<24576xf32, #tpu.memory_space<vmem>>, vector<16xf32>,
      %bitcast3A_234 = vector.bitcast %get3A_233 : vector<16xf32> to vector<16xi32>
      %gt3A_235 = vector.broadcast %reduce_sum3A_6 : i32 to vector<16xi32>
      %gt3A_236 = arith.cmpi sgt, %bitcast3A_234, %gt3A_235 : vector<16xi32>
      %jit3A_237 = arith.constant 1 : i32
      %jit3A_238 = arith.constant 0 : i32
      %broadcast_in_dim3A_239 = vector.broadcast %jit3A_237 : i32 to vector<16xi32>
      %broadcast_in_dim3A_240 = vector.broadcast %jit3A_238 : i32 to vector<16xi32>
      %select_n3A_241 = arith.select %gt3A_236, %broadcast_in_dim3A_239, %broadcast_in_dim3A_240 : vector<16xi1>, vector<16xi32>
      %broadcast_in_dim3A_242 = arith.constant true
      %broadcast_in_dim3A_243 = vector.broadcast %broadcast_in_dim3A_242 : i1 to vector<16xi1>
      %masked_cumsum3A_244 = tpu.scan <sum>, %select_n3A_241 masked %broadcast_in_dim3A_243 : vector<16xi32>, vector<16xi1> -> vector<16xi32>
      %add3A_245 = arith.addi %add3A_227, %masked_cumsum3A_244 : vector<16xi32>
      %sub3A_246 = arith.constant 1 : i32
      %sub3A_247 = vector.broadcast %sub3A_246 : i32 to vector<16xi32>
      %sub3A_248 = arith.subi %add3A_245, %sub3A_247 : vector<16xi32>
      %mul3A_249 = arith.constant 24576 : i32
      %mul3A_250 = arith.muli %add3A, %mul3A_249 : i32
      %mul3A_251 = arith.constant 16 : i32
      %mul3A_252 = arith.muli %scan3A_229, %mul3A_251 : i32
      %add3A_253 = arith.addi %mul3A_250, %mul3A_252 : i32
      %add3A_254 = vector.broadcast %add3A_253 : i32 to vector<16xi32>
      %add3A_255 = arith.addi %add3A_254, %iota3A : vector<16xi32>
      tpu.vector_store_idx %arg8[%sub3A_248], %add3A_255 masked %gt3A_236 : memref<24576xi32, #tpu.memory_space<vmem>>[vector<16xi32>], vector<16xi32>, vector<16xi1>
      %all_reduce_population_count3A_256 = tpu.all_reduce %gt3A_236 {dim = 0 : i64, kind = #tpu.reduction_kind<sum>} : vector<16xi1> -> vector<16xi32>
      %add3A_257 = arith.addi %add3A_227, %all_reduce_population_count3A_256 : vector<16xi32>
      scf.yield %add3A_257 : vector<16xi32>
    }
    %scan3A_31 = arith.constant 1536 : i32
    %eq3A_32 = arith.constant 0 : i32
    %eq3A_33 = vector.broadcast %eq3A_32 : i32 to vector<16xi32>
    %eq3A_34 = arith.cmpi eq, %iota3A, %eq3A_33 : vector<16xi32>
    %jit3A_35 = arith.constant 0 : i32
    %broadcast_in_dim3A_36 = vector.broadcast %jit3A_35 : i32 to vector<16xi32>
    %select_n3A_37 = arith.select %eq3A_34, %scan3A_30, %broadcast_in_dim3A_36 : vector<16xi1>, vector<16xi32>
    %reduce_sum3A_38 = arith.constant true
    %reduce_sum3A_39 = vector.broadcast %reduce_sum3A_38 : i1 to vector<16xi1>
    %reduce_sum3A_40 = tpu.scan <sum>, %select_n3A_37 masked %reduce_sum3A_39 : vector<16xi32>, vector<16xi1> -> vector<16xi32>
    %reduce_sum3A_41 = vector.extract %reduce_sum3A_40[15] : i32 from vector<16xi32>
    %mul3A_42 = arith.constant 24576 : i32
    %mul3A_43 = arith.muli %add3A, %mul3A_42 : i32
    %broadcast_in_dim3A_44 = vector.broadcast %mul3A_43 : i32 to vector<16xi32>
    %add3A_45 = arith.constant 0 : i32
    %add3A_46 = arith.addi %reduce_sum3A_41, %add3A_45 : i32
    %add3A_47 = vector.broadcast %add3A_46 : i32 to vector<16xi32>
    %add3A_48 = arith.addi %add3A_47, %iota3A : vector<16xi32>
    %lt3A = arith.constant 24576 : i32
    %lt3A_49 = vector.broadcast %lt3A : i32 to vector<16xi32>
    %lt3A_50 = arith.cmpi slt, %add3A_48, %lt3A_49 : vector<16xi32>
    tpu.vector_store_idx %arg8[%add3A_48], %broadcast_in_dim3A_44 masked %lt3A_50 : memref<24576xi32, #tpu.memory_space<vmem>>[vector<16xi32>], vector<16xi32>, vector<16xi1>
    %add3A_51 = arith.constant 16 : i32
    %add3A_52 = arith.addi %reduce_sum3A_41, %add3A_51 : i32
    %add3A_53 = vector.broadcast %add3A_52 : i32 to vector<16xi32>
    %add3A_54 = arith.addi %add3A_53, %iota3A : vector<16xi32>
    %lt3A_55 = arith.constant 24576 : i32
    %lt3A_56 = vector.broadcast %lt3A_55 : i32 to vector<16xi32>
    %lt3A_57 = arith.cmpi slt, %add3A_54, %lt3A_56 : vector<16xi32>
    tpu.vector_store_idx %arg8[%add3A_54], %broadcast_in_dim3A_44 masked %lt3A_57 : memref<24576xi32, #tpu.memory_space<vmem>>[vector<16xi32>], vector<16xi32>, vector<16xi1>
    %add3A_58 = arith.constant 32 : i32
    %add3A_59 = arith.addi %reduce_sum3A_41, %add3A_58 : i32
    %add3A_60 = vector.broadcast %add3A_59 : i32 to vector<16xi32>
    %add3A_61 = arith.addi %add3A_60, %iota3A : vector<16xi32>
    %lt3A_62 = arith.constant 24576 : i32
    %lt3A_63 = vector.broadcast %lt3A_62 : i32 to vector<16xi32>
    %lt3A_64 = arith.cmpi slt, %add3A_61, %lt3A_63 : vector<16xi32>
    tpu.vector_store_idx %arg8[%add3A_61], %broadcast_in_dim3A_44 masked %lt3A_64 : memref<24576xi32, #tpu.memory_space<vmem>>[vector<16xi32>], vector<16xi32>, vector<16xi1>
    %add3A_65 = arith.constant 48 : i32
    %add3A_66 = arith.addi %reduce_sum3A_41, %add3A_65 : i32
    %add3A_67 = vector.broadcast %add3A_66 : i32 to vector<16xi32>
    %add3A_68 = arith.addi %add3A_67, %iota3A : vector<16xi32>
    %lt3A_69 = arith.constant 24576 : i32
    %lt3A_70 = vector.broadcast %lt3A_69 : i32 to vector<16xi32>
    %lt3A_71 = arith.cmpi slt, %add3A_68, %lt3A_70 : vector<16xi32>
    tpu.vector_store_idx %arg8[%add3A_68], %broadcast_in_dim3A_44 masked %lt3A_71 : memref<24576xi32, #tpu.memory_space<vmem>>[vector<16xi32>], vector<16xi32>, vector<16xi1>
    %add3A_72 = arith.constant 64 : i32
    %add3A_73 = arith.addi %reduce_sum3A_41, %add3A_72 : i32
    %add3A_74 = vector.broadcast %add3A_73 : i32 to vector<16xi32>
    %add3A_75 = arith.addi %add3A_74, %iota3A : vector<16xi32>
    %lt3A_76 = arith.constant 24576 : i32
    %lt3A_77 = vector.broadcast %lt3A_76 : i32 to vector<16xi32>
    %lt3A_78 = arith.cmpi slt, %add3A_75, %lt3A_77 : vector<16xi32>
    tpu.vector_store_idx %arg8[%add3A_75], %broadcast_in_dim3A_44 masked %lt3A_78 : memref<24576xi32, #tpu.memory_space<vmem>>[vector<16xi32>], vector<16xi32>, vector<16xi1>
    %add3A_79 = arith.constant 80 : i32
    %add3A_80 = arith.addi %reduce_sum3A_41, %add3A_79 : i32
    %add3A_81 = vector.broadcast %add3A_80 : i32 to vector<16xi32>
    %add3A_82 = arith.addi %add3A_81, %iota3A : vector<16xi32>
    %lt3A_83 = arith.constant 24576 : i32
    %lt3A_84 = vector.broadcast %lt3A_83 : i32 to vector<16xi32>
    %lt3A_85 = arith.cmpi slt, %add3A_82, %lt3A_84 : vector<16xi32>
    tpu.vector_store_idx %arg8[%add3A_82], %broadcast_in_dim3A_44 masked %lt3A_85 : memref<24576xi32, #tpu.memory_space<vmem>>[vector<16xi32>], vector<16xi32>, vector<16xi1>
    %add3A_86 = arith.constant 96 : i32
    %add3A_87 = arith.addi %reduce_sum3A_41, %add3A_86 : i32
    %add3A_88 = vector.broadcast %add3A_87 : i32 to vector<16xi32>
    %add3A_89 = arith.addi %add3A_88, %iota3A : vector<16xi32>
    %lt3A_90 = arith.constant 24576 : i32
    %lt3A_91 = vector.broadcast %lt3A_90 : i32 to vector<16xi32>
    %lt3A_92 = arith.cmpi slt, %add3A_89, %lt3A_91 : vector<16xi32>
    tpu.vector_store_idx %arg8[%add3A_89], %broadcast_in_dim3A_44 masked %lt3A_92 : memref<24576xi32, #tpu.memory_space<vmem>>[vector<16xi32>], vector<16xi32>, vector<16xi1>
    %add3A_93 = arith.constant 112 : i32
    %add3A_94 = arith.addi %reduce_sum3A_41, %add3A_93 : i32
    %add3A_95 = vector.broadcast %add3A_94 : i32 to vector<16xi32>
    %add3A_96 = arith.addi %add3A_95, %iota3A : vector<16xi32>
    %lt3A_97 = arith.constant 24576 : i32
    %lt3A_98 = vector.broadcast %lt3A_97 : i32 to vector<16xi32>
    %lt3A_99 = arith.cmpi slt, %add3A_96, %lt3A_98 : vector<16xi32>
    tpu.vector_store_idx %arg8[%add3A_96], %broadcast_in_dim3A_44 masked %lt3A_99 : memref<24576xi32, #tpu.memory_space<vmem>>[vector<16xi32>], vector<16xi32>, vector<16xi1>
    %add3A_100 = arith.constant 128 : i32
    %add3A_101 = arith.addi %reduce_sum3A_41, %add3A_100 : i32
    %sub3A = arith.constant 1 : i32
    %sub3A_102 = arith.subi %add3A_101, %sub3A : i32
    %jit3A_103 = arith.constant 128 : i32
    %div3A = arith.divsi %sub3A_102, %jit3A_103 : i32
    %sign3A = arith.constant 0 : i32
    %sign3A_104 = arith.cmpi sgt, %sub3A_102, %sign3A : i32
    %sign3A_105 = arith.extui %sign3A_104 : i1 to i32
    %sign3A_106 = arith.constant 0 : i32
    %sign3A_107 = arith.cmpi slt, %sub3A_102, %sign3A_106 : i32
    %sign3A_108 = arith.extui %sign3A_107 : i1 to i32
    %sign3A_109 = arith.subi %sign3A_105, %sign3A_108 : i32
    %sign3A_110 = arith.constant 0 : i32
    %sign3A_111 = arith.cmpi sgt, %jit3A_103, %sign3A_110 : i32
    %sign3A_112 = arith.extui %sign3A_111 : i1 to i32
    %sign3A_113 = arith.constant 0 : i32
    %sign3A_114 = arith.cmpi slt, %jit3A_103, %sign3A_113 : i32
    %sign3A_115 = arith.extui %sign3A_114 : i1 to i32
    %sign3A_116 = arith.subi %sign3A_112, %sign3A_115 : i32
    %ne3A = arith.cmpi ne, %sign3A_109, %sign3A_116 : i32
    %rem3A = arith.remsi %sub3A_102, %jit3A_103 : i32
    %ne3A_117 = arith.constant 0 : i32
    %ne3A_118 = arith.cmpi ne, %rem3A, %ne3A_117 : i32
    %and3A = arith.andi %ne3A, %ne3A_118 : i1
    %sub3A_119 = arith.constant 1 : i32
    %sub3A_120 = arith.subi %div3A, %sub3A_119 : i32
    %select_n3A_121 = arith.select %and3A, %sub3A_120, %div3A : i32
    %broadcast_in_dim3A_122 = arith.constant 1 : i32
    %broadcast_in_dim3A_123 = vector.broadcast %broadcast_in_dim3A_122 : i32 to vector<16xi32>
    %mul3A_124 = arith.constant 1024 : i32
    %mul3A_125 = vector.broadcast %mul3A_124 : i32 to vector<16xi32>
    %mul3A_126 = arith.muli %iota3A, %mul3A_125 : vector<16xi32>
    %while3A = arith.constant 0 : i32
    %while3A_127 = arith.constant 0 : i32
    %while3A_128 = arith.subi %select_n3A_121, %while3A_127 : i32
    %while3A_129 = arith.addi %while3A_127, %while3A_128 : i32
    %while3A_130 = arith.constant 1 : i32
    %while3A_131 = arith.divsi %while3A_128, %while3A_130 : i32
    %while3A_132 = arith.muli %while3A_131, %while3A_130 : i32
    %while3A_133 = arith.addi %while3A_127, %while3A_132 : i32
    %while3A_134 = arith.constant 1 : i32
    scf.for %while3A_142 = %while3A_127 to %while3A_133 step %while3A_134  : i32 {
      %mul3A_143 = arith.constant 128 : i32
      %mul3A_144 = arith.muli %while3A_142, %mul3A_143 : i32
      %dma_start3A = tpu.memref_slice %arg8[%mul3A_144] : memref<24576xi32, #tpu.memory_space<vmem>> -> memref<128xi32, #tpu.memory_space<vmem>>
      %dma_start3A_145 = arith.constant 0 : i32
      %dma_start3A_146 = arith.constant 0 : i32
      %dma_start3A_147 = tpu.memref_slice %arg4[%dma_start3A_145, %dma_start3A_146] : memref<786432x16xf32, #tpu.memory_space<hbm>> -> memref<786432x16xf32, #tpu.memory_space<hbm>>
      tpu.enqueue_indirect_dma source(%dma_start3A_147 : memref<786432x16xf32, #tpu.memory_space<hbm>>) target(%arg9 : memref<128x16xf32, #tpu.memory_space<vmem>>) offsets(%dma_start3A : memref<128xi32, #tpu.memory_space<vmem>>) semaphore(%arg12 : memref<!tpu.dma_semaphore, #tpu.memory_space<semaphore_mem>>)
      %dma_wait3A = tpu.memref_slice %arg8[%mul3A_144] : memref<24576xi32, #tpu.memory_space<vmem>> -> memref<128xi32, #tpu.memory_space<vmem>>
      %dma_wait3A_148 = arith.constant 0 : i32
      %dma_wait3A_149 = arith.constant 0 : i32
      %dma_wait3A_150 = tpu.memref_slice %arg4[%dma_wait3A_148, %dma_wait3A_149] : memref<786432x16xf32, #tpu.memory_space<hbm>> -> memref<786432x16xf32, #tpu.memory_space<hbm>>
      tpu.wait_indirect_dma semaphore(%arg12 : memref<!tpu.dma_semaphore, #tpu.memory_space<semaphore_mem>>) src(%dma_wait3A_150 : memref<786432x16xf32, #tpu.memory_space<hbm>>) dst(%arg9 : memref<128x16xf32, #tpu.memory_space<vmem>>)
      %mul3A_151 = arith.constant 128 : i32
      %mul3A_152 = arith.muli %while3A_142, %mul3A_151 : i32
      %sub3A_153 = arith.subi %reduce_sum3A_41, %mul3A_152 : i32
      %scan3A_154 = arith.constant 0 : i32
      %scan3A_155 = arith.constant 0 : i32
      %scan3A_156 = arith.constant 128 : i32
      %scan3A_157 = arith.addi %scan3A_155, %scan3A_156 : i32
      %scan3A_158 = arith.constant 8 : i32
      scf.for %scan3A_160 = %scan3A_155 to %scan3A_157 step %scan3A_158  : i32 {
        %get3A_161 = arith.index_cast %scan3A_160 : i32 to index
        %get3A_162 = arith.constant 0 : index
        %get3A_163 = tpu.vector_load %arg9[%get3A_161, %get3A_162] {strides = array<i32>} : memref<128x16xf32, #tpu.memory_space<vmem>>, vector<16xf32>,
        %bitcast3A = vector.bitcast %get3A_163 : vector<16xf32> to vector<16xi32>
        %gt3A = vector.broadcast %reduce_sum3A_6 : i32 to vector<16xi32>
        %gt3A_164 = arith.cmpi sgt, %bitcast3A, %gt3A : vector<16xi32>
        %lt3A_165 = arith.cmpi slt, %scan3A_160, %sub3A_153 : i32
        %and3A_166 = vector.broadcast %lt3A_165 : i1 to vector<16xi1>
        %and3A_167 = arith.andi %gt3A_164, %and3A_166 : vector<16xi1>
        %add3A_168 = arith.constant 1 : i32
        %add3A_169 = arith.addi %reduce_sum3A_6, %add3A_168 : i32
        %sub3A_170 = vector.broadcast %add3A_169 : i32 to vector<16xi32>
        %sub3A_171 = arith.subi %bitcast3A, %sub3A_170 : vector<16xi32>
        %shift_right_logical3A = vector.broadcast %reduce_sum3A_16 : i32 to vector<16xi32>
        %shift_right_logical3A_172 = arith.shrui %sub3A_171, %shift_right_logical3A : vector<16xi32>
        %min3A = arith.constant 1023 : i32
        %min3A_173 = vector.broadcast %min3A : i32 to vector<16xi32>
        %min3A_174 = arith.minsi %shift_right_logical3A_172, %min3A_173 : vector<16xi32>
        %add3A_175 = arith.addi %min3A_174, %mul3A_126 : vector<16xi32>
        tpu.vector_store_idx %arg10[%add3A_175], %broadcast_in_dim3A_123 masked %and3A_167 {add = true} : memref<16384xi32, #tpu.memory_space<vmem>>[vector<16xi32>], vector<16xi32>, vector<16xi1>
        %scan3A_176 = arith.constant 1 : i32
        %scan3A_177 = arith.addi %scan3A_160, %scan3A_176 : i32
        %get3A_178 = arith.index_cast %scan3A_177 : i32 to index
        %get3A_179 = arith.constant 0 : index
        %get3A_180 = tpu.vector_load %arg9[%get3A_178, %get3A_179] {strides = array<i32>} : memref<128x16xf32, #tpu.memory_space<vmem>>, vector<16xf32>,
        %bitcast3A_181 = vector.bitcast %get3A_180 : vector<16xf32> to vector<16xi32>
        %gt3A_182 = vector.broadcast %reduce_sum3A_6 : i32 to vector<16xi32>
        %gt3A_183 = arith.cmpi sgt, %bitcast3A_181, %gt3A_182 : vector<16xi32>
        %lt3A_184 = arith.cmpi slt, %scan3A_177, %sub3A_153 : i32
        %and3A_185 = vector.broadcast %lt3A_184 : i1 to vector<16xi1>
        %and3A_186 = arith.andi %gt3A_183, %and3A_185 : vector<16xi1>
        %add3A_187 = arith.constant 1 : i32
        %add3A_188 = arith.addi %reduce_sum3A_6, %add3A_187 : i32
        %sub3A_189 = vector.broadcast %add3A_188 : i32 to vector<16xi32>
        %sub3A_190 = arith.subi %bitcast3A_181, %sub3A_189 : vector<16xi32>
        %shift_right_logical3A_191 = vector.broadcast %reduce_sum3A_16 : i32 to vector<16xi32>
        %shift_right_logical3A_192 = arith.shrui %sub3A_190, %shift_right_logical3A_191 : vector<16xi32>
        %min3A_193 = arith.constant 1023 : i32
        %min3A_194 = vector.broadcast %min3A_193 : i32 to vector<16xi32>
        %min3A_195 = arith.minsi %shift_right_logical3A_192, %min3A_194 : vector<16xi32>
        %add3A_196 = arith.addi %min3A_195, %mul3A_126 : vector<16xi32>
        tpu.vector_store_idx %arg10[%add3A_196], %broadcast_in_dim3A_123 masked %and3A_186 {add = true} : memref<16384xi32, #tpu.memory_space<vmem>>[vector<16xi32>], vector<16xi32>, vector<16xi1>
        %scan3A_197 = arith.constant 2 : i32
        %scan3A_198 = arith.addi %scan3A_160, %scan3A_197 : i32
        %get3A_199 = arith.index_cast %scan3A_198 : i32 to index
        %get3A_200 = arith.constant 0 : index
        %get3A_201 = tpu.vector_load %arg9[%get3A_199, %get3A_200] {strides = array<i32>} : memref<128x16xf32, #tpu.memory_space<vmem>>, vector<16xf32>,
        %bitcast3A_202 = vector.bitcast %get3A_201 : vector<16xf32> to vector<16xi32>
        %gt3A_203 = vector.broadcast %reduce_sum3A_6 : i32 to vector<16xi32>
        %gt3A_204 = arith.cmpi sgt, %bitcast3A_202, %gt3A_203 : vector<16xi32>
        %lt3A_205 = arith.cmpi slt, %scan3A_198, %sub3A_153 : i32
        %and3A_206 = vector.broadcast %lt3A_205 : i1 to vector<16xi1>
        %and3A_207 = arith.andi %gt3A_204, %and3A_206 : vector<16xi1>
        %add3A_208 = arith.constant 1 : i32
        %add3A_209 = arith.addi %reduce_sum3A_6, %add3A_208 : i32
        %sub3A_210 = vector.broadcast %add3A_209 : i32 to vector<16xi32>
        %sub3A_211 = arith.subi %bitcast3A_202, %sub3A_210 : vector<16xi32>
        %shift_right_logical3A_212 = vector.broadcast %reduce_sum3A_16 : i32 to vector<16xi32>
        %shift_right_logical3A_213 = arith.shrui %sub3A_211, %shift_right_logical3A_212 : vector<16xi32>
        %min3A_214 = arith.constant 1023 : i32
        %min3A_215 = vector.broadcast %min3A_214 : i32 to vector<16xi32>
        %min3A_216 = arith.minsi %shift_right_logical3A_213, %min3A_215 : vector<16xi32>
        %add3A_217 = arith.addi %min3A_216, %mul3A_126 : vector<16xi32>
        tpu.vector_store_idx %arg10[%add3A_217], %broadcast_in_dim3A_123 masked %and3A_207 {add = true} : memref<16384xi32, #tpu.memory_space<vmem>>[vector<16xi32>], vector<16xi32>, vector<16xi1>
        %scan3A_218 = arith.constant 3 : i32
        %scan3A_219 = arith.addi %scan3A_160, %scan3A_218 : i32
        %get3A_220 = arith.index_cast %scan3A_219 : i32 to index
        %get3A_221 = arith.constant 0 : index
        %get3A_222 = tpu.vector_load %arg9[%get3A_220, %get3A_221] {strides = array<i32>} : memref<128x16xf32, #tpu.memory_space<vmem>>, vector<16xf32>,
        %bitcast3A_223 = vector.bitcast %get3A_222 : vector<16xf32> to vector<16xi32>
        %gt3A_224 = vector.broadcast %reduce_sum3A_6 : i32 to vector<16xi32>
        %gt3A_225 = arith.cmpi sgt, %bitcast3A_223, %gt3A_224 : vector<16xi32>
        %lt3A_226 = arith.cmpi slt, %scan3A_219, %sub3A_153 : i32
        %and3A_227 = vector.broadcast %lt3A_226 : i1 to vector<16xi1>
        %and3A_228 = arith.andi %gt3A_225, %and3A_227 : vector<16xi1>
        %add3A_229 = arith.constant 1 : i32
        %add3A_230 = arith.addi %reduce_sum3A_6, %add3A_229 : i32
        %sub3A_231 = vector.broadcast %add3A_230 : i32 to vector<16xi32>
        %sub3A_232 = arith.subi %bitcast3A_223, %sub3A_231 : vector<16xi32>
        %shift_right_logical3A_233 = vector.broadcast %reduce_sum3A_16 : i32 to vector<16xi32>
        %shift_right_logical3A_234 = arith.shrui %sub3A_232, %shift_right_logical3A_233 : vector<16xi32>
        %min3A_235 = arith.constant 1023 : i32
        %min3A_236 = vector.broadcast %min3A_235 : i32 to vector<16xi32>
        %min3A_237 = arith.minsi %shift_right_logical3A_234, %min3A_236 : vector<16xi32>
        %add3A_238 = arith.addi %min3A_237, %mul3A_126 : vector<16xi32>
        tpu.vector_store_idx %arg10[%add3A_238], %broadcast_in_dim3A_123 masked %and3A_228 {add = true} : memref<16384xi32, #tpu.memory_space<vmem>>[vector<16xi32>], vector<16xi32>, vector<16xi1>
        %scan3A_239 = arith.constant 4 : i32
        %scan3A_240 = arith.addi %scan3A_160, %scan3A_239 : i32
        %get3A_241 = arith.index_cast %scan3A_240 : i32 to index
        %get3A_242 = arith.constant 0 : index
        %get3A_243 = tpu.vector_load %arg9[%get3A_241, %get3A_242] {strides = array<i32>} : memref<128x16xf32, #tpu.memory_space<vmem>>, vector<16xf32>,
        %bitcast3A_244 = vector.bitcast %get3A_243 : vector<16xf32> to vector<16xi32>
        %gt3A_245 = vector.broadcast %reduce_sum3A_6 : i32 to vector<16xi32>
        %gt3A_246 = arith.cmpi sgt, %bitcast3A_244, %gt3A_245 : vector<16xi32>
        %lt3A_247 = arith.cmpi slt, %scan3A_240, %sub3A_153 : i32
        %and3A_248 = vector.broadcast %lt3A_247 : i1 to vector<16xi1>
        %and3A_249 = arith.andi %gt3A_246, %and3A_248 : vector<16xi1>
        %add3A_250 = arith.constant 1 : i32
        %add3A_251 = arith.addi %reduce_sum3A_6, %add3A_250 : i32
        %sub3A_252 = vector.broadcast %add3A_251 : i32 to vector<16xi32>
        %sub3A_253 = arith.subi %bitcast3A_244, %sub3A_252 : vector<16xi32>
        %shift_right_logical3A_254 = vector.broadcast %reduce_sum3A_16 : i32 to vector<16xi32>
        %shift_right_logical3A_255 = arith.shrui %sub3A_253, %shift_right_logical3A_254 : vector<16xi32>
        %min3A_256 = arith.constant 1023 : i32
        %min3A_257 = vector.broadcast %min3A_256 : i32 to vector<16xi32>
        %min3A_258 = arith.minsi %shift_right_logical3A_255, %min3A_257 : vector<16xi32>
        %add3A_259 = arith.addi %min3A_258, %mul3A_126 : vector<16xi32>
        tpu.vector_store_idx %arg10[%add3A_259], %broadcast_in_dim3A_123 masked %and3A_249 {add = true} : memref<16384xi32, #tpu.memory_space<vmem>>[vector<16xi32>], vector<16xi32>, vector<16xi1>
        %scan3A_260 = arith.constant 5 : i32
        %scan3A_261 = arith.addi %scan3A_160, %scan3A_260 : i32
        %get3A_262 = arith.index_cast %scan3A_261 : i32 to index
        %get3A_263 = arith.constant 0 : index
        %get3A_264 = tpu.vector_load %arg9[%get3A_262, %get3A_263] {strides = array<i32>} : memref<128x16xf32, #tpu.memory_space<vmem>>, vector<16xf32>,
        %bitcast3A_265 = vector.bitcast %get3A_264 : vector<16xf32> to vector<16xi32>
        %gt3A_266 = vector.broadcast %reduce_sum3A_6 : i32 to vector<16xi32>
        %gt3A_267 = arith.cmpi sgt, %bitcast3A_265, %gt3A_266 : vector<16xi32>
        %lt3A_268 = arith.cmpi slt, %scan3A_261, %sub3A_153 : i32
        %and3A_269 = vector.broadcast %lt3A_268 : i1 to vector<16xi1>
        %and3A_270 = arith.andi %gt3A_267, %and3A_269 : vector<16xi1>
        %add3A_271 = arith.constant 1 : i32
        %add3A_272 = arith.addi %reduce_sum3A_6, %add3A_271 : i32
        %sub3A_273 = vector.broadcast %add3A_272 : i32 to vector<16xi32>
        %sub3A_274 = arith.subi %bitcast3A_265, %sub3A_273 : vector<16xi32>
        %shift_right_logical3A_275 = vector.broadcast %reduce_sum3A_16 : i32 to vector<16xi32>
        %shift_right_logical3A_276 = arith.shrui %sub3A_274, %shift_right_logical3A_275 : vector<16xi32>
        %min3A_277 = arith.constant 1023 : i32
        %min3A_278 = vector.broadcast %min3A_277 : i32 to vector<16xi32>
        %min3A_279 = arith.minsi %shift_right_logical3A_276, %min3A_278 : vector<16xi32>
        %add3A_280 = arith.addi %min3A_279, %mul3A_126 : vector<16xi32>
        tpu.vector_store_idx %arg10[%add3A_280], %broadcast_in_dim3A_123 masked %and3A_270 {add = true} : memref<16384xi32, #tpu.memory_space<vmem>>[vector<16xi32>], vector<16xi32>, vector<16xi1>
        %scan3A_281 = arith.constant 6 : i32
        %scan3A_282 = arith.addi %scan3A_160, %scan3A_281 : i32
        %get3A_283 = arith.index_cast %scan3A_282 : i32 to index
        %get3A_284 = arith.constant 0 : index
        %get3A_285 = tpu.vector_load %arg9[%get3A_283, %get3A_284] {strides = array<i32>} : memref<128x16xf32, #tpu.memory_space<vmem>>, vector<16xf32>,
        %bitcast3A_286 = vector.bitcast %get3A_285 : vector<16xf32> to vector<16xi32>
        %gt3A_287 = vector.broadcast %reduce_sum3A_6 : i32 to vector<16xi32>
        %gt3A_288 = arith.cmpi sgt, %bitcast3A_286, %gt3A_287 : vector<16xi32>
        %lt3A_289 = arith.cmpi slt, %scan3A_282, %sub3A_153 : i32
        %and3A_290 = vector.broadcast %lt3A_289 : i1 to vector<16xi1>
        %and3A_291 = arith.andi %gt3A_288, %and3A_290 : vector<16xi1>
        %add3A_292 = arith.constant 1 : i32
        %add3A_293 = arith.addi %reduce_sum3A_6, %add3A_292 : i32
        %sub3A_294 = vector.broadcast %add3A_293 : i32 to vector<16xi32>
        %sub3A_295 = arith.subi %bitcast3A_286, %sub3A_294 : vector<16xi32>
        %shift_right_logical3A_296 = vector.broadcast %reduce_sum3A_16 : i32 to vector<16xi32>
        %shift_right_logical3A_297 = arith.shrui %sub3A_295, %shift_right_logical3A_296 : vector<16xi32>
        %min3A_298 = arith.constant 1023 : i32
        %min3A_299 = vector.broadcast %min3A_298 : i32 to vector<16xi32>
        %min3A_300 = arith.minsi %shift_right_logical3A_297, %min3A_299 : vector<16xi32>
        %add3A_301 = arith.addi %min3A_300, %mul3A_126 : vector<16xi32>
        tpu.vector_store_idx %arg10[%add3A_301], %broadcast_in_dim3A_123 masked %and3A_291 {add = true} : memref<16384xi32, #tpu.memory_space<vmem>>[vector<16xi32>], vector<16xi32>, vector<16xi1>
        %scan3A_302 = arith.constant 7 : i32
        %scan3A_303 = arith.addi %scan3A_160, %scan3A_302 : i32
        %get3A_304 = arith.index_cast %scan3A_303 : i32 to index
        %get3A_305 = arith.constant 0 : index
        %get3A_306 = tpu.vector_load %arg9[%get3A_304, %get3A_305] {strides = array<i32>} : memref<128x16xf32, #tpu.memory_space<vmem>>, vector<16xf32>,
        %bitcast3A_307 = vector.bitcast %get3A_306 : vector<16xf32> to vector<16xi32>
        %gt3A_308 = vector.broadcast %reduce_sum3A_6 : i32 to vector<16xi32>
        %gt3A_309 = arith.cmpi sgt, %bitcast3A_307, %gt3A_308 : vector<16xi32>
        %lt3A_310 = arith.cmpi slt, %scan3A_303, %sub3A_153 : i32
        %and3A_311 = vector.broadcast %lt3A_310 : i1 to vector<16xi1>
        %and3A_312 = arith.andi %gt3A_309, %and3A_311 : vector<16xi1>
        %add3A_313 = arith.constant 1 : i32
        %add3A_314 = arith.addi %reduce_sum3A_6, %add3A_313 : i32
        %sub3A_315 = vector.broadcast %add3A_314 : i32 to vector<16xi32>
        %sub3A_316 = arith.subi %bitcast3A_307, %sub3A_315 : vector<16xi32>
        %shift_right_logical3A_317 = vector.broadcast %reduce_sum3A_16 : i32 to vector<16xi32>
        %shift_right_logical3A_318 = arith.shrui %sub3A_316, %shift_right_logical3A_317 : vector<16xi32>
        %min3A_319 = arith.constant 1023 : i32
        %min3A_320 = vector.broadcast %min3A_319 : i32 to vector<16xi32>
        %min3A_321 = arith.minsi %shift_right_logical3A_318, %min3A_320 : vector<16xi32>
        %add3A_322 = arith.addi %min3A_321, %mul3A_126 : vector<16xi32>
        tpu.vector_store_idx %arg10[%add3A_322], %broadcast_in_dim3A_123 masked %and3A_312 {add = true} : memref<16384xi32, #tpu.memory_space<vmem>>[vector<16xi32>], vector<16xi32>, vector<16xi1>
      }
      %scan3A_159 = arith.constant 128 : i32
    }
    %while3A_135 = arith.constant 1 : i32
    scf.for %while3A_142 = %while3A_133 to %while3A_129 step %while3A_135  : i32 {
      %mul3A_143 = arith.constant 128 : i32
      %mul3A_144 = arith.muli %while3A_142, %mul3A_143 : i32
      %dma_start3A = tpu.memref_slice %arg8[%mul3A_144] : memref<24576xi32, #tpu.memory_space<vmem>> -> memref<128xi32, #tpu.memory_space<vmem>>
      %dma_start3A_145 = arith.constant 0 : i32
      %dma_start3A_146 = arith.constant 0 : i32
      %dma_start3A_147 = tpu.memref_slice %arg4[%dma_start3A_145, %dma_start3A_146] : memref<786432x16xf32, #tpu.memory_space<hbm>> -> memref<786432x16xf32, #tpu.memory_space<hbm>>
      tpu.enqueue_indirect_dma source(%dma_start3A_147 : memref<786432x16xf32, #tpu.memory_space<hbm>>) target(%arg9 : memref<128x16xf32, #tpu.memory_space<vmem>>) offsets(%dma_start3A : memref<128xi32, #tpu.memory_space<vmem>>) semaphore(%arg12 : memref<!tpu.dma_semaphore, #tpu.memory_space<semaphore_mem>>)
      %dma_wait3A = tpu.memref_slice %arg8[%mul3A_144] : memref<24576xi32, #tpu.memory_space<vmem>> -> memref<128xi32, #tpu.memory_space<vmem>>
      %dma_wait3A_148 = arith.constant 0 : i32
      %dma_wait3A_149 = arith.constant 0 : i32
      %dma_wait3A_150 = tpu.memref_slice %arg4[%dma_wait3A_148, %dma_wait3A_149] : memref<786432x16xf32, #tpu.memory_space<hbm>> -> memref<786432x16xf32, #tpu.memory_space<hbm>>
      tpu.wait_indirect_dma semaphore(%arg12 : memref<!tpu.dma_semaphore, #tpu.memory_space<semaphore_mem>>) src(%dma_wait3A_150 : memref<786432x16xf32, #tpu.memory_space<hbm>>) dst(%arg9 : memref<128x16xf32, #tpu.memory_space<vmem>>)
      %mul3A_151 = arith.constant 128 : i32
      %mul3A_152 = arith.muli %while3A_142, %mul3A_151 : i32
      %sub3A_153 = arith.subi %reduce_sum3A_41, %mul3A_152 : i32
      %scan3A_154 = arith.constant 0 : i32
      %scan3A_155 = arith.constant 0 : i32
      %scan3A_156 = arith.constant 128 : i32
      %scan3A_157 = arith.addi %scan3A_155, %scan3A_156 : i32
      %scan3A_158 = arith.constant 8 : i32
      scf.for %scan3A_160 = %scan3A_155 to %scan3A_157 step %scan3A_158  : i32 {
        %get3A_161 = arith.index_cast %scan3A_160 : i32 to index
        %get3A_162 = arith.constant 0 : index
        %get3A_163 = tpu.vector_load %arg9[%get3A_161, %get3A_162] {strides = array<i32>} : memref<128x16xf32, #tpu.memory_space<vmem>>, vector<16xf32>,
        %bitcast3A = vector.bitcast %get3A_163 : vector<16xf32> to vector<16xi32>
        %gt3A = vector.broadcast %reduce_sum3A_6 : i32 to vector<16xi32>
        %gt3A_164 = arith.cmpi sgt, %bitcast3A, %gt3A : vector<16xi32>
        %lt3A_165 = arith.cmpi slt, %scan3A_160, %sub3A_153 : i32
        %and3A_166 = vector.broadcast %lt3A_165 : i1 to vector<16xi1>
        %and3A_167 = arith.andi %gt3A_164, %and3A_166 : vector<16xi1>
        %add3A_168 = arith.constant 1 : i32
        %add3A_169 = arith.addi %reduce_sum3A_6, %add3A_168 : i32
        %sub3A_170 = vector.broadcast %add3A_169 : i32 to vector<16xi32>
        %sub3A_171 = arith.subi %bitcast3A, %sub3A_170 : vector<16xi32>
        %shift_right_logical3A = vector.broadcast %reduce_sum3A_16 : i32 to vector<16xi32>
        %shift_right_logical3A_172 = arith.shrui %sub3A_171, %shift_right_logical3A : vector<16xi32>
        %min3A = arith.constant 1023 : i32
        %min3A_173 = vector.broadcast %min3A : i32 to vector<16xi32>
        %min3A_174 = arith.minsi %shift_right_logical3A_172, %min3A_173 : vector<16xi32>
        %add3A_175 = arith.addi %min3A_174, %mul3A_126 : vector<16xi32>
        tpu.vector_store_idx %arg10[%add3A_175], %broadcast_in_dim3A_123 masked %and3A_167 {add = true} : memref<16384xi32, #tpu.memory_space<vmem>>[vector<16xi32>], vector<16xi32>, vector<16xi1>
        %scan3A_176 = arith.constant 1 : i32
        %scan3A_177 = arith.addi %scan3A_160, %scan3A_176 : i32
        %get3A_178 = arith.index_cast %scan3A_177 : i32 to index
        %get3A_179 = arith.constant 0 : index
        %get3A_180 = tpu.vector_load %arg9[%get3A_178, %get3A_179] {strides = array<i32>} : memref<128x16xf32, #tpu.memory_space<vmem>>, vector<16xf32>,
        %bitcast3A_181 = vector.bitcast %get3A_180 : vector<16xf32> to vector<16xi32>
        %gt3A_182 = vector.broadcast %reduce_sum3A_6 : i32 to vector<16xi32>
        %gt3A_183 = arith.cmpi sgt, %bitcast3A_181, %gt3A_182 : vector<16xi32>
        %lt3A_184 = arith.cmpi slt, %scan3A_177, %sub3A_153 : i32
        %and3A_185 = vector.broadcast %lt3A_184 : i1 to vector<16xi1>
        %and3A_186 = arith.andi %gt3A_183, %and3A_185 : vector<16xi1>
        %add3A_187 = arith.constant 1 : i32
        %add3A_188 = arith.addi %reduce_sum3A_6, %add3A_187 : i32
        %sub3A_189 = vector.broadcast %add3A_188 : i32 to vector<16xi32>
        %sub3A_190 = arith.subi %bitcast3A_181, %sub3A_189 : vector<16xi32>
        %shift_right_logical3A_191 = vector.broadcast %reduce_sum3A_16 : i32 to vector<16xi32>
        %shift_right_logical3A_192 = arith.shrui %sub3A_190, %shift_right_logical3A_191 : vector<16xi32>
        %min3A_193 = arith.constant 1023 : i32
        %min3A_194 = vector.broadcast %min3A_193 : i32 to vector<16xi32>
        %min3A_195 = arith.minsi %shift_right_logical3A_192, %min3A_194 : vector<16xi32>
        %add3A_196 = arith.addi %min3A_195, %mul3A_126 : vector<16xi32>
        tpu.vector_store_idx %arg10[%add3A_196], %broadcast_in_dim3A_123 masked %and3A_186 {add = true} : memref<16384xi32, #tpu.memory_space<vmem>>[vector<16xi32>], vector<16xi32>, vector<16xi1>
        %scan3A_197 = arith.constant 2 : i32
        %scan3A_198 = arith.addi %scan3A_160, %scan3A_197 : i32
        %get3A_199 = arith.index_cast %scan3A_198 : i32 to index
        %get3A_200 = arith.constant 0 : index
        %get3A_201 = tpu.vector_load %arg9[%get3A_199, %get3A_200] {strides = array<i32>} : memref<128x16xf32, #tpu.memory_space<vmem>>, vector<16xf32>,
        %bitcast3A_202 = vector.bitcast %get3A_201 : vector<16xf32> to vector<16xi32>
        %gt3A_203 = vector.broadcast %reduce_sum3A_6 : i32 to vector<16xi32>
        %gt3A_204 = arith.cmpi sgt, %bitcast3A_202, %gt3A_203 : vector<16xi32>
        %lt3A_205 = arith.cmpi slt, %scan3A_198, %sub3A_153 : i32
        %and3A_206 = vector.broadcast %lt3A_205 : i1 to vector<16xi1>
        %and3A_207 = arith.andi %gt3A_204, %and3A_206 : vector<16xi1>
        %add3A_208 = arith.constant 1 : i32
        %add3A_209 = arith.addi %reduce_sum3A_6, %add3A_208 : i32
        %sub3A_210 = vector.broadcast %add3A_209 : i32 to vector<16xi32>
        %sub3A_211 = arith.subi %bitcast3A_202, %sub3A_210 : vector<16xi32>
        %shift_right_logical3A_212 = vector.broadcast %reduce_sum3A_16 : i32 to vector<16xi32>
        %shift_right_logical3A_213 = arith.shrui %sub3A_211, %shift_right_logical3A_212 : vector<16xi32>
        %min3A_214 = arith.constant 1023 : i32
        %min3A_215 = vector.broadcast %min3A_214 : i32 to vector<16xi32>
        %min3A_216 = arith.minsi %shift_right_logical3A_213, %min3A_215 : vector<16xi32>
        %add3A_217 = arith.addi %min3A_216, %mul3A_126 : vector<16xi32>
        tpu.vector_store_idx %arg10[%add3A_217], %broadcast_in_dim3A_123 masked %and3A_207 {add = true} : memref<16384xi32, #tpu.memory_space<vmem>>[vector<16xi32>], vector<16xi32>, vector<16xi1>
        %scan3A_218 = arith.constant 3 : i32
        %scan3A_219 = arith.addi %scan3A_160, %scan3A_218 : i32
        %get3A_220 = arith.index_cast %scan3A_219 : i32 to index
        %get3A_221 = arith.constant 0 : index
        %get3A_222 = tpu.vector_load %arg9[%get3A_220, %get3A_221] {strides = array<i32>} : memref<128x16xf32, #tpu.memory_space<vmem>>, vector<16xf32>,
        %bitcast3A_223 = vector.bitcast %get3A_222 : vector<16xf32> to vector<16xi32>
        %gt3A_224 = vector.broadcast %reduce_sum3A_6 : i32 to vector<16xi32>
        %gt3A_225 = arith.cmpi sgt, %bitcast3A_223, %gt3A_224 : vector<16xi32>
        %lt3A_226 = arith.cmpi slt, %scan3A_219, %sub3A_153 : i32
        %and3A_227 = vector.broadcast %lt3A_226 : i1 to vector<16xi1>
        %and3A_228 = arith.andi %gt3A_225, %and3A_227 : vector<16xi1>
        %add3A_229 = arith.constant 1 : i32
        %add3A_230 = arith.addi %reduce_sum3A_6, %add3A_229 : i32
        %sub3A_231 = vector.broadcast %add3A_230 : i32 to vector<16xi32>
        %sub3A_232 = arith.subi %bitcast3A_223, %sub3A_231 : vector<16xi32>
        %shift_right_logical3A_233 = vector.broadcast %reduce_sum3A_16 : i32 to vector<16xi32>
        %shift_right_logical3A_234 = arith.shrui %sub3A_232, %shift_right_logical3A_233 : vector<16xi32>
        %min3A_235 = arith.constant 1023 : i32
        %min3A_236 = vector.broadcast %min3A_235 : i32 to vector<16xi32>
        %min3A_237 = arith.minsi %shift_right_logical3A_234, %min3A_236 : vector<16xi32>
        %add3A_238 = arith.addi %min3A_237, %mul3A_126 : vector<16xi32>
        tpu.vector_store_idx %arg10[%add3A_238], %broadcast_in_dim3A_123 masked %and3A_228 {add = true} : memref<16384xi32, #tpu.memory_space<vmem>>[vector<16xi32>], vector<16xi32>, vector<16xi1>
        %scan3A_239 = arith.constant 4 : i32
        %scan3A_240 = arith.addi %scan3A_160, %scan3A_239 : i32
        %get3A_241 = arith.index_cast %scan3A_240 : i32 to index
        %get3A_242 = arith.constant 0 : index
        %get3A_243 = tpu.vector_load %arg9[%get3A_241, %get3A_242] {strides = array<i32>} : memref<128x16xf32, #tpu.memory_space<vmem>>, vector<16xf32>,
        %bitcast3A_244 = vector.bitcast %get3A_243 : vector<16xf32> to vector<16xi32>
        %gt3A_245 = vector.broadcast %reduce_sum3A_6 : i32 to vector<16xi32>
        %gt3A_246 = arith.cmpi sgt, %bitcast3A_244, %gt3A_245 : vector<16xi32>
        %lt3A_247 = arith.cmpi slt, %scan3A_240, %sub3A_153 : i32
        %and3A_248 = vector.broadcast %lt3A_247 : i1 to vector<16xi1>
        %and3A_249 = arith.andi %gt3A_246, %and3A_248 : vector<16xi1>
        %add3A_250 = arith.constant 1 : i32
        %add3A_251 = arith.addi %reduce_sum3A_6, %add3A_250 : i32
        %sub3A_252 = vector.broadcast %add3A_251 : i32 to vector<16xi32>
        %sub3A_253 = arith.subi %bitcast3A_244, %sub3A_252 : vector<16xi32>
        %shift_right_logical3A_254 = vector.broadcast %reduce_sum3A_16 : i32 to vector<16xi32>
        %shift_right_logical3A_255 = arith.shrui %sub3A_253, %shift_right_logical3A_254 : vector<16xi32>
        %min3A_256 = arith.constant 1023 : i32
        %min3A_257 = vector.broadcast %min3A_256 : i32 to vector<16xi32>
        %min3A_258 = arith.minsi %shift_right_logical3A_255, %min3A_257 : vector<16xi32>
        %add3A_259 = arith.addi %min3A_258, %mul3A_126 : vector<16xi32>
        tpu.vector_store_idx %arg10[%add3A_259], %broadcast_in_dim3A_123 masked %and3A_249 {add = true} : memref<16384xi32, #tpu.memory_space<vmem>>[vector<16xi32>], vector<16xi32>, vector<16xi1>
        %scan3A_260 = arith.constant 5 : i32
        %scan3A_261 = arith.addi %scan3A_160, %scan3A_260 : i32
        %get3A_262 = arith.index_cast %scan3A_261 : i32 to index
        %get3A_263 = arith.constant 0 : index
        %get3A_264 = tpu.vector_load %arg9[%get3A_262, %get3A_263] {strides = array<i32>} : memref<128x16xf32, #tpu.memory_space<vmem>>, vector<16xf32>,
        %bitcast3A_265 = vector.bitcast %get3A_264 : vector<16xf32> to vector<16xi32>
        %gt3A_266 = vector.broadcast %reduce_sum3A_6 : i32 to vector<16xi32>
        %gt3A_267 = arith.cmpi sgt, %bitcast3A_265, %gt3A_266 : vector<16xi32>
        %lt3A_268 = arith.cmpi slt, %scan3A_261, %sub3A_153 : i32
        %and3A_269 = vector.broadcast %lt3A_268 : i1 to vector<16xi1>
        %and3A_270 = arith.andi %gt3A_267, %and3A_269 : vector<16xi1>
        %add3A_271 = arith.constant 1 : i32
        %add3A_272 = arith.addi %reduce_sum3A_6, %add3A_271 : i32
        %sub3A_273 = vector.broadcast %add3A_272 : i32 to vector<16xi32>
        %sub3A_274 = arith.subi %bitcast3A_265, %sub3A_273 : vector<16xi32>
        %shift_right_logical3A_275 = vector.broadcast %reduce_sum3A_16 : i32 to vector<16xi32>
        %shift_right_logical3A_276 = arith.shrui %sub3A_274, %shift_right_logical3A_275 : vector<16xi32>
        %min3A_277 = arith.constant 1023 : i32
        %min3A_278 = vector.broadcast %min3A_277 : i32 to vector<16xi32>
        %min3A_279 = arith.minsi %shift_right_logical3A_276, %min3A_278 : vector<16xi32>
        %add3A_280 = arith.addi %min3A_279, %mul3A_126 : vector<16xi32>
        tpu.vector_store_idx %arg10[%add3A_280], %broadcast_in_dim3A_123 masked %and3A_270 {add = true} : memref<16384xi32, #tpu.memory_space<vmem>>[vector<16xi32>], vector<16xi32>, vector<16xi1>
        %scan3A_281 = arith.constant 6 : i32
        %scan3A_282 = arith.addi %scan3A_160, %scan3A_281 : i32
        %get3A_283 = arith.index_cast %scan3A_282 : i32 to index
        %get3A_284 = arith.constant 0 : index
        %get3A_285 = tpu.vector_load %arg9[%get3A_283, %get3A_284] {strides = array<i32>} : memref<128x16xf32, #tpu.memory_space<vmem>>, vector<16xf32>,
        %bitcast3A_286 = vector.bitcast %get3A_285 : vector<16xf32> to vector<16xi32>
        %gt3A_287 = vector.broadcast %reduce_sum3A_6 : i32 to vector<16xi32>
        %gt3A_288 = arith.cmpi sgt, %bitcast3A_286, %gt3A_287 : vector<16xi32>
        %lt3A_289 = arith.cmpi slt, %scan3A_282, %sub3A_153 : i32
        %and3A_290 = vector.broadcast %lt3A_289 : i1 to vector<16xi1>
        %and3A_291 = arith.andi %gt3A_288, %and3A_290 : vector<16xi1>
        %add3A_292 = arith.constant 1 : i32
        %add3A_293 = arith.addi %reduce_sum3A_6, %add3A_292 : i32
        %sub3A_294 = vector.broadcast %add3A_293 : i32 to vector<16xi32>
        %sub3A_295 = arith.subi %bitcast3A_286, %sub3A_294 : vector<16xi32>
        %shift_right_logical3A_296 = vector.broadcast %reduce_sum3A_16 : i32 to vector<16xi32>
        %shift_right_logical3A_297 = arith.shrui %sub3A_295, %shift_right_logical3A_296 : vector<16xi32>
        %min3A_298 = arith.constant 1023 : i32
        %min3A_299 = vector.broadcast %min3A_298 : i32 to vector<16xi32>
        %min3A_300 = arith.minsi %shift_right_logical3A_297, %min3A_299 : vector<16xi32>
        %add3A_301 = arith.addi %min3A_300, %mul3A_126 : vector<16xi32>
        tpu.vector_store_idx %arg10[%add3A_301], %broadcast_in_dim3A_123 masked %and3A_291 {add = true} : memref<16384xi32, #tpu.memory_space<vmem>>[vector<16xi32>], vector<16xi32>, vector<16xi1>
        %scan3A_302 = arith.constant 7 : i32
        %scan3A_303 = arith.addi %scan3A_160, %scan3A_302 : i32
        %get3A_304 = arith.index_cast %scan3A_303 : i32 to index
        %get3A_305 = arith.constant 0 : index
        %get3A_306 = tpu.vector_load %arg9[%get3A_304, %get3A_305] {strides = array<i32>} : memref<128x16xf32, #tpu.memory_space<vmem>>, vector<16xf32>,
        %bitcast3A_307 = vector.bitcast %get3A_306 : vector<16xf32> to vector<16xi32>
        %gt3A_308 = vector.broadcast %reduce_sum3A_6 : i32 to vector<16xi32>
        %gt3A_309 = arith.cmpi sgt, %bitcast3A_307, %gt3A_308 : vector<16xi32>
        %lt3A_310 = arith.cmpi slt, %scan3A_303, %sub3A_153 : i32
        %and3A_311 = vector.broadcast %lt3A_310 : i1 to vector<16xi1>
        %and3A_312 = arith.andi %gt3A_309, %and3A_311 : vector<16xi1>
        %add3A_313 = arith.constant 1 : i32
        %add3A_314 = arith.addi %reduce_sum3A_6, %add3A_313 : i32
        %sub3A_315 = vector.broadcast %add3A_314 : i32 to vector<16xi32>
        %sub3A_316 = arith.subi %bitcast3A_307, %sub3A_315 : vector<16xi32>
        %shift_right_logical3A_317 = vector.broadcast %reduce_sum3A_16 : i32 to vector<16xi32>
        %shift_right_logical3A_318 = arith.shrui %sub3A_316, %shift_right_logical3A_317 : vector<16xi32>
        %min3A_319 = arith.constant 1023 : i32
        %min3A_320 = vector.broadcast %min3A_319 : i32 to vector<16xi32>
        %min3A_321 = arith.minsi %shift_right_logical3A_318, %min3A_320 : vector<16xi32>
        %add3A_322 = arith.addi %min3A_321, %mul3A_126 : vector<16xi32>
        tpu.vector_store_idx %arg10[%add3A_322], %broadcast_in_dim3A_123 masked %and3A_312 {add = true} : memref<16384xi32, #tpu.memory_space<vmem>>[vector<16xi32>], vector<16xi32>, vector<16xi1>
      }
      %scan3A_159 = arith.constant 128 : i32
    }
    %scan3A_136 = arith.constant 0 : i32
    %scan3A_137 = arith.constant 0 : i32
    %scan3A_138 = arith.constant 64 : i32
    %scan3A_139 = arith.addi %scan3A_137, %scan3A_138 : i32
    %scan3A_140 = arith.constant 1 : i32
    scf.for %scan3A_142 = %scan3A_137 to %scan3A_139 step %scan3A_140  : i32 {
      %broadcast_in_dim3A_143 = arith.constant 0 : i32
      %broadcast_in_dim3A_144 = vector.broadcast %broadcast_in_dim3A_143 : i32 to vector<16xi32>
      %mul3A_145 = arith.constant 16 : i32
      %mul3A_146 = arith.muli %scan3A_142, %mul3A_145 : i32
      %add3A_147 = arith.constant 0 : i32
      %add3A_148 = arith.addi %add3A_147, %mul3A_146 : i32
      %get3A_149 = arith.index_cast %add3A_148 : i32 to index
      %get3A_150 = tpu.vector_load %arg10[%get3A_149] {strides = array<i32>} : memref<16384xi32, #tpu.memory_space<vmem>>, vector<16xi32>,
      %add3A_151 = arith.addi %broadcast_in_dim3A_144, %get3A_150 : vector<16xi32>
      %mul3A_152 = arith.constant 16 : i32
      %mul3A_153 = arith.muli %scan3A_142, %mul3A_152 : i32
      %add3A_154 = arith.constant 1024 : i32
      %add3A_155 = arith.addi %add3A_154, %mul3A_153 : i32
      %get3A_156 = arith.index_cast %add3A_155 : i32 to index
      %get3A_157 = tpu.vector_load %arg10[%get3A_156] {strides = array<i32>} : memref<16384xi32, #tpu.memory_space<vmem>>, vector<16xi32>,
      %add3A_158 = arith.addi %add3A_151, %get3A_157 : vector<16xi32>
      %mul3A_159 = arith.constant 16 : i32
      %mul3A_160 = arith.muli %scan3A_142, %mul3A_159 : i32
      %add3A_161 = arith.constant 2048 : i32
      %add3A_162 = arith.addi %add3A_161, %mul3A_160 : i32
      %get3A_163 = arith.index_cast %add3A_162 : i32 to index
      %get3A_164 = tpu.vector_load %arg10[%get3A_163] {strides = array<i32>} : memref<16384xi32, #tpu.memory_space<vmem>>, vector<16xi32>,
      %add3A_165 = arith.addi %add3A_158, %get3A_164 : vector<16xi32>
      %mul3A_166 = arith.constant 16 : i32
      %mul3A_167 = arith.muli %scan3A_142, %mul3A_166 : i32
      %add3A_168 = arith.constant 3072 : i32
      %add3A_169 = arith.addi %add3A_168, %mul3A_167 : i32
      %get3A_170 = arith.index_cast %add3A_169 : i32 to index
      %get3A_171 = tpu.vector_load %arg10[%get3A_170] {strides = array<i32>} : memref<16384xi32, #tpu.memory_space<vmem>>, vector<16xi32>,
      %add3A_172 = arith.addi %add3A_165, %get3A_171 : vector<16xi32>
      %mul3A_173 = arith.constant 16 : i32
      %mul3A_174 = arith.muli %scan3A_142, %mul3A_173 : i32
      %add3A_175 = arith.constant 4096 : i32
      %add3A_176 = arith.addi %add3A_175, %mul3A_174 : i32
      %get3A_177 = arith.index_cast %add3A_176 : i32 to index
      %get3A_178 = tpu.vector_load %arg10[%get3A_177] {strides = array<i32>} : memref<16384xi32, #tpu.memory_space<vmem>>, vector<16xi32>,
      %add3A_179 = arith.addi %add3A_172, %get3A_178 : vector<16xi32>
      %mul3A_180 = arith.constant 16 : i32
      %mul3A_181 = arith.muli %scan3A_142, %mul3A_180 : i32
      %add3A_182 = arith.constant 5120 : i32
      %add3A_183 = arith.addi %add3A_182, %mul3A_181 : i32
      %get3A_184 = arith.index_cast %add3A_183 : i32 to index
      %get3A_185 = tpu.vector_load %arg10[%get3A_184] {strides = array<i32>} : memref<16384xi32, #tpu.memory_space<vmem>>, vector<16xi32>,
      %add3A_186 = arith.addi %add3A_179, %get3A_185 : vector<16xi32>
      %mul3A_187 = arith.constant 16 : i32
      %mul3A_188 = arith.muli %scan3A_142, %mul3A_187 : i32
      %add3A_189 = arith.constant 6144 : i32
      %add3A_190 = arith.addi %add3A_189, %mul3A_188 : i32
      %get3A_191 = arith.index_cast %add3A_190 : i32 to index
      %get3A_192 = tpu.vector_load %arg10[%get3A_191] {strides = array<i32>} : memref<16384xi32, #tpu.memory_space<vmem>>, vector<16xi32>,
      %add3A_193 = arith.addi %add3A_186, %get3A_192 : vector<16xi32>
      %mul3A_194 = arith.constant 16 : i32
      %mul3A_195 = arith.muli %scan3A_142, %mul3A_194 : i32
      %add3A_196 = arith.constant 7168 : i32
      %add3A_197 = arith.addi %add3A_196, %mul3A_195 : i32
      %get3A_198 = arith.index_cast %add3A_197 : i32 to index
      %get3A_199 = tpu.vector_load %arg10[%get3A_198] {strides = array<i32>} : memref<16384xi32, #tpu.memory_space<vmem>>, vector<16xi32>,
      %add3A_200 = arith.addi %add3A_193, %get3A_199 : vector<16xi32>
      %mul3A_201 = arith.constant 16 : i32
      %mul3A_202 = arith.muli %scan3A_142, %mul3A_201 : i32
      %add3A_203 = arith.constant 8192 : i32
      %add3A_204 = arith.addi %add3A_203, %mul3A_202 : i32
      %get3A_205 = arith.index_cast %add3A_204 : i32 to index
      %get3A_206 = tpu.vector_load %arg10[%get3A_205] {strides = array<i32>} : memref<16384xi32, #tpu.memory_space<vmem>>, vector<16xi32>,
      %add3A_207 = arith.addi %add3A_200, %get3A_206 : vector<16xi32>
      %mul3A_208 = arith.constant 16 : i32
      %mul3A_209 = arith.muli %scan3A_142, %mul3A_208 : i32
      %add3A_210 = arith.constant 9216 : i32
      %add3A_211 = arith.addi %add3A_210, %mul3A_209 : i32
      %get3A_212 = arith.index_cast %add3A_211 : i32 to index
      %get3A_213 = tpu.vector_load %arg10[%get3A_212] {strides = array<i32>} : memref<16384xi32, #tpu.memory_space<vmem>>, vector<16xi32>,
      %add3A_214 = arith.addi %add3A_207, %get3A_213 : vector<16xi32>
      %mul3A_215 = arith.constant 16 : i32
      %mul3A_216 = arith.muli %scan3A_142, %mul3A_215 : i32
      %add3A_217 = arith.constant 10240 : i32
      %add3A_218 = arith.addi %add3A_217, %mul3A_216 : i32
      %get3A_219 = arith.index_cast %add3A_218 : i32 to index
      %get3A_220 = tpu.vector_load %arg10[%get3A_219] {strides = array<i32>} : memref<16384xi32, #tpu.memory_space<vmem>>, vector<16xi32>,
      %add3A_221 = arith.addi %add3A_214, %get3A_220 : vector<16xi32>
      %mul3A_222 = arith.constant 16 : i32
      %mul3A_223 = arith.muli %scan3A_142, %mul3A_222 : i32
      %add3A_224 = arith.constant 11264 : i32
      %add3A_225 = arith.addi %add3A_224, %mul3A_223 : i32
      %get3A_226 = arith.index_cast %add3A_225 : i32 to index
      %get3A_227 = tpu.vector_load %arg10[%get3A_226] {strides = array<i32>} : memref<16384xi32, #tpu.memory_space<vmem>>, vector<16xi32>,
      %add3A_228 = arith.addi %add3A_221, %get3A_227 : vector<16xi32>
      %mul3A_229 = arith.constant 16 : i32
      %mul3A_230 = arith.muli %scan3A_142, %mul3A_229 : i32
      %add3A_231 = arith.constant 12288 : i32
      %add3A_232 = arith.addi %add3A_231, %mul3A_230 : i32
      %get3A_233 = arith.index_cast %add3A_232 : i32 to index
      %get3A_234 = tpu.vector_load %arg10[%get3A_233] {strides = array<i32>} : memref<16384xi32, #tpu.memory_space<vmem>>, vector<16xi32>,
      %add3A_235 = arith.addi %add3A_228, %get3A_234 : vector<16xi32>
      %mul3A_236 = arith.constant 16 : i32
      %mul3A_237 = arith.muli %scan3A_142, %mul3A_236 : i32
      %add3A_238 = arith.constant 13312 : i32
      %add3A_239 = arith.addi %add3A_238, %mul3A_237 : i32
      %get3A_240 = arith.index_cast %add3A_239 : i32 to index
      %get3A_241 = tpu.vector_load %arg10[%get3A_240] {strides = array<i32>} : memref<16384xi32, #tpu.memory_space<vmem>>, vector<16xi32>,
      %add3A_242 = arith.addi %add3A_235, %get3A_241 : vector<16xi32>
      %mul3A_243 = arith.constant 16 : i32
      %mul3A_244 = arith.muli %scan3A_142, %mul3A_243 : i32
      %add3A_245 = arith.constant 14336 : i32
      %add3A_246 = arith.addi %add3A_245, %mul3A_244 : i32
      %get3A_247 = arith.index_cast %add3A_246 : i32 to index
      %get3A_248 = tpu.vector_load %arg10[%get3A_247] {strides = array<i32>} : memref<16384xi32, #tpu.memory_space<vmem>>, vector<16xi32>,
      %add3A_249 = arith.addi %add3A_242, %get3A_248 : vector<16xi32>
      %mul3A_250 = arith.constant 16 : i32
      %mul3A_251 = arith.muli %scan3A_142, %mul3A_250 : i32
      %add3A_252 = arith.constant 15360 : i32
      %add3A_253 = arith.addi %add3A_252, %mul3A_251 : i32
      %get3A_254 = arith.index_cast %add3A_253 : i32 to index
      %get3A_255 = tpu.vector_load %arg10[%get3A_254] {strides = array<i32>} : memref<16384xi32, #tpu.memory_space<vmem>>, vector<16xi32>,
      %add3A_256 = arith.addi %add3A_249, %get3A_255 : vector<16xi32>
      %mul3A_257 = arith.constant 16 : i32
      %mul3A_258 = arith.muli %scan3A_142, %mul3A_257 : i32
      %swap3A = arith.index_cast %mul3A_258 : i32 to index
      %swap3A_259 = tpu.vector_load %arg11[%swap3A] {strides = array<i32>} : memref<1024xi32, #tpu.memory_space<vmem>>, vector<16xi32>,
      tpu.vector_store %arg11[%swap3A], %add3A_256 {strides = array<i32>} : memref<1024xi32, #tpu.memory_space<vmem>>, vector<16xi32>,
    }
    %scan3A_141 = arith.constant 64 : i32
    "tpu.region"() ({
      %run_scoped3A = tpu.sem_alloc : memref<!tpu.dma_semaphore, #tpu.memory_space<semaphore_mem>>
      %dma_start3A = arith.constant 0 : i32
      %dma_start3A_142 = tpu.memref_slice %arg5[%add3A, %dma_start3A] : memref<32x1024xi32, #tpu.memory_space<hbm>> -> memref<1x1024xi32, #tpu.memory_space<hbm>>
      %dma_start3A_143 = tpu.memref_squeeze %dma_start3A_142 : memref<1x1024xi32, #tpu.memory_space<hbm>> -> memref<1024xi32, #tpu.memory_space<hbm>>
      %dma_start3A_144 = arith.constant 0 : i32
      %dma_start3A_145 = tpu.memref_slice %arg5[%add3A, %dma_start3A_144] : memref<32x1024xi32, #tpu.memory_space<hbm>> -> memref<1x1024xi32, #tpu.memory_space<hbm>>
      %dma_start3A_146 = tpu.memref_squeeze %dma_start3A_145 : memref<1x1024xi32, #tpu.memory_space<hbm>> -> memref<1024xi32, #tpu.memory_space<hbm>>
      tpu.enqueue_dma source(%arg11 : memref<1024xi32, #tpu.memory_space<vmem>>) target(%dma_start3A_146 : memref<1024xi32, #tpu.memory_space<hbm>>) target_semaphore(%run_scoped3A : memref<!tpu.dma_semaphore, #tpu.memory_space<semaphore_mem>>)
      %dma_wait3A = arith.constant 0 : i32
      %dma_wait3A_147 = tpu.memref_slice %arg5[%add3A, %dma_wait3A] : memref<32x1024xi32, #tpu.memory_space<hbm>> -> memref<1x1024xi32, #tpu.memory_space<hbm>>
      %dma_wait3A_148 = tpu.memref_squeeze %dma_wait3A_147 : memref<1x1024xi32, #tpu.memory_space<hbm>> -> memref<1024xi32, #tpu.memory_space<hbm>>
      %dma_wait3A_149 = arith.constant 0 : i32
      %dma_wait3A_150 = tpu.memref_slice %arg5[%add3A, %dma_wait3A_149] : memref<32x1024xi32, #tpu.memory_space<hbm>> -> memref<1x1024xi32, #tpu.memory_space<hbm>>
      %dma_wait3A_151 = tpu.memref_squeeze %dma_wait3A_150 : memref<1x1024xi32, #tpu.memory_space<hbm>> -> memref<1024xi32, #tpu.memory_space<hbm>>
      tpu.wait_dma2 semaphore(%run_scoped3A : memref<!tpu.dma_semaphore, #tpu.memory_space<semaphore_mem>>) src(%arg11 : memref<1024xi32, #tpu.memory_space<vmem>>) dst(%dma_wait3A_151 : memref<1024xi32, #tpu.memory_space<hbm>>)
      tpu.yield
    }) : () -> ()
    return
  }
}

module attributes {stable_mosaic.version = 14 : i64} {
  func.func @_encode_kernel(%arg0: i32, %arg1: i32, %arg2: memref<512x768xf32, #tpu.memory_space<vmem>>, %arg3: memref<768x1536xf32, #tpu.memory_space<vmem>>, %arg4: memref<1x768xf32, #tpu.memory_space<vmem>>, %arg5: memref<1536x96xf32, #tpu.memory_space<vmem>>, %arg6: memref<512x1536xf32, #tpu.memory_space<vmem>>, %arg7: memref<1x512x96xf32, #tpu.memory_space<vmem>>, %arg8: memref<6xi32, #tpu.memory_space<smem>>) attributes {dimension_semantics = [#tpu.dimension_semantics<arbitrary>, #tpu.dimension_semantics<arbitrary>], iteration_bounds = array<i64: 2, 8>, scalar_prefetch = 0 : i64, scratch_operands = 0 : i64, tpu.core_type = #tpu.core_type<tc>, window_params = [{transform_indices = @transform_0, window_bounds = array<i64: 512, 768>}, {transform_indices = @transform_1, window_bounds = array<i64: 768, 1536>}, {pipeline_mode = #tpu.pipeline_mode<synchronous>, transform_indices = @transform_2, window_bounds = array<i64: 1, 768>}, {pipeline_mode = #tpu.pipeline_mode<synchronous>, transform_indices = @transform_3, window_bounds = array<i64: 1536, 96>}, {transform_indices = @transform_4, window_bounds = array<i64: 512, 1536>}, {transform_indices = @transform_5, window_bounds = array<i64: 1, 512, 96>}, {transform_indices = @transform_6, window_bounds = array<i64: 6>}]} {
    %get3A = arith.constant 0 : index
    %get3A_0 = arith.constant 0 : index
    %get3A_1 = vector.load %arg2[%get3A, %get3A_0] : memref<512x768xf32, #tpu.memory_space<vmem>>, vector<512x768xf32>
    %get3A_2 = arith.constant 0 : index
    %get3A_3 = arith.constant 0 : index
    %get3A_4 = vector.load %arg4[%get3A_2, %get3A_3] : memref<1x768xf32, #tpu.memory_space<vmem>>, vector<1x768xf32>
    %sub3A = vector.broadcast %get3A_4 : vector<1x768xf32> to vector<512x768xf32>
    %sub3A_5 = arith.subf %get3A_1, %sub3A : vector<512x768xf32>
    %get3A_6 = arith.constant 0 : index
    %get3A_7 = arith.constant 0 : index
    %get3A_8 = vector.load %arg3[%get3A_6, %get3A_7] : memref<768x1536xf32, #tpu.memory_space<vmem>>, vector<768x1536xf32>
    %dot_general3A = arith.constant dense<0.000000e+00> : vector<512x1536xf32>
    %dot_general3A_9 = tpu.matmul %sub3A_5, %get3A_8, %dot_general3A {dimension_numbers = #tpu.dot_dimension_numbers<[1], [0], [0], [1], [0, 0, 1, 1], [], []>, transpose_lhs_hint = false} : vector<512x768xf32>, vector<768x1536xf32>, vector<512x1536xf32> -> vector<512x1536xf32>
    %max3A = arith.constant 0.000000e+00 : f32
    %max3A_10 = vector.broadcast %max3A : f32 to vector<512x1536xf32>
    %max3A_11 = arith.maximumf %dot_general3A_9, %max3A_10 : vector<512x1536xf32>
    %swap3A = arith.constant 0 : index
    %swap3A_12 = arith.constant 0 : index
    %swap3A_13 = vector.load %arg6[%swap3A, %swap3A_12] : memref<512x1536xf32, #tpu.memory_space<vmem>>, vector<512x1536xf32>
    tpu.vector_store %arg6[%swap3A, %swap3A_12], %max3A_11 {strides = array<i32>} : memref<512x1536xf32, #tpu.memory_space<vmem>>, vector<512x1536xf32>,
    %roll3A = arith.constant 8 : i32
    %roll3A_14 = tpu.dynamic_rotate %max3A_11 by %roll3A dim 1 : vector<512x1536xf32>, i32 -> vector<512x1536xf32>
    %max3A_15 = arith.maximumf %max3A_11, %roll3A_14 : vector<512x1536xf32>
    %roll3A_16 = arith.constant 4 : i32
    %roll3A_17 = tpu.dynamic_rotate %max3A_15 by %roll3A_16 dim 1 : vector<512x1536xf32>, i32 -> vector<512x1536xf32>
    %max3A_18 = arith.maximumf %max3A_15, %roll3A_17 : vector<512x1536xf32>
    %roll3A_19 = arith.constant 2 : i32
    %roll3A_20 = tpu.dynamic_rotate %max3A_18 by %roll3A_19 dim 1 : vector<512x1536xf32>, i32 -> vector<512x1536xf32>
    %max3A_21 = arith.maximumf %max3A_18, %roll3A_20 : vector<512x1536xf32>
    %roll3A_22 = arith.constant 1 : i32
    %roll3A_23 = tpu.dynamic_rotate %max3A_21 by %roll3A_22 dim 1 : vector<512x1536xf32>, i32 -> vector<512x1536xf32>
    %max3A_24 = arith.maximumf %max3A_21, %roll3A_23 : vector<512x1536xf32>
    %get3A_25 = arith.constant 0 : index
    %get3A_26 = arith.constant 0 : index
    %get3A_27 = vector.load %arg5[%get3A_25, %get3A_26] : memref<1536x96xf32, #tpu.memory_space<vmem>>, vector<1536x96xf32>
    %dot_general3A_28 = arith.constant dense<0.000000e+00> : vector<512x96xf32>
    %dot_general3A_29 = tpu.matmul %max3A_24, %get3A_27, %dot_general3A_28 {dimension_numbers = #tpu.dot_dimension_numbers<[1], [0], [0], [1], [0, 0, 1, 1], [], []>, transpose_lhs_hint = false} : vector<512x1536xf32>, vector<1536x96xf32>, vector<512x96xf32> -> vector<512x96xf32>
    %broadcast_in_dim3A = vector.shape_cast %dot_general3A_29 : vector<512x96xf32> to vector<1x512x96xf32>
    %swap3A_30 = arith.constant 0 : index
    %swap3A_31 = arith.constant 0 : index
    %swap3A_32 = arith.constant 0 : index
    %swap3A_33 = vector.load %arg7[%swap3A_30, %swap3A_31, %swap3A_32] : memref<1x512x96xf32, #tpu.memory_space<vmem>>, vector<1x512x96xf32>
    tpu.vector_store %arg7[%swap3A_30, %swap3A_31, %swap3A_32], %broadcast_in_dim3A {strides = array<i32>} : memref<1x512x96xf32, #tpu.memory_space<vmem>>, vector<1x512x96xf32>,
    %eq3A = arith.constant 0 : i32
    %eq3A_34 = arith.cmpi eq, %arg0, %eq3A : i32
    %eq3A_35 = arith.constant 0 : i32
    %eq3A_36 = arith.cmpi eq, %arg1, %eq3A_35 : i32
    %and3A = arith.andi %eq3A_34, %eq3A_36 : i1
    %convert_element_type3A = arith.extui %and3A : i1 to i32
    %cond3A = arith.constant 0 : i32
    %cond3A_37 = arith.cmpi ne, %convert_element_type3A, %cond3A : i32
    scf.if %cond3A_37 {
      %swap3A_119 = arith.constant 0 : i32
      %swap3A_120 = arith.constant 0 : index
      %swap3A_121 = memref.load %arg8[%swap3A_120] : memref<6xi32, #tpu.memory_space<smem>>
      memref.store %swap3A_119, %arg8[%swap3A_120] : memref<6xi32, #tpu.memory_space<smem>>
      %swap3A_122 = arith.constant 0 : i32
      %swap3A_123 = arith.constant 1 : index
      %swap3A_124 = memref.load %arg8[%swap3A_123] : memref<6xi32, #tpu.memory_space<smem>>
      memref.store %swap3A_122, %arg8[%swap3A_123] : memref<6xi32, #tpu.memory_space<smem>>
      %swap3A_125 = arith.constant 0 : i32
      %swap3A_126 = arith.constant 2 : index
      %swap3A_127 = memref.load %arg8[%swap3A_126] : memref<6xi32, #tpu.memory_space<smem>>
      memref.store %swap3A_125, %arg8[%swap3A_126] : memref<6xi32, #tpu.memory_space<smem>>
      %swap3A_128 = arith.constant 0 : i32
      %swap3A_129 = arith.constant 3 : index
      %swap3A_130 = memref.load %arg8[%swap3A_129] : memref<6xi32, #tpu.memory_space<smem>>
      memref.store %swap3A_128, %arg8[%swap3A_129] : memref<6xi32, #tpu.memory_space<smem>>
      %swap3A_131 = arith.constant 0 : i32
      %swap3A_132 = arith.constant 4 : index
      %swap3A_133 = memref.load %arg8[%swap3A_132] : memref<6xi32, #tpu.memory_space<smem>>
      memref.store %swap3A_131, %arg8[%swap3A_132] : memref<6xi32, #tpu.memory_space<smem>>
      %swap3A_134 = arith.constant 0 : i32
      %swap3A_135 = arith.constant 5 : index
      %swap3A_136 = memref.load %arg8[%swap3A_135] : memref<6xi32, #tpu.memory_space<smem>>
      memref.store %swap3A_134, %arg8[%swap3A_135] : memref<6xi32, #tpu.memory_space<smem>>
    } else {
    }
    %bitcast_convert_type3A = tpu.bitcast %max3A_11 : vector<512x1536xf32> -> vector<512x1536xi32>
    %get3A_38 = arith.constant 0 : index
    %get3A_39 = memref.load %arg8[%get3A_38] : memref<6xi32, #tpu.memory_space<smem>>
    %gt3A = arith.constant 0 : i32
    %gt3A_40 = vector.broadcast %gt3A : i32 to vector<512x1536xi32>
    %gt3A_41 = arith.cmpi sgt, %bitcast_convert_type3A, %gt3A_40 : vector<512x1536xi32>
    %convert_element_type3A_42 = arith.extui %gt3A_41 : vector<512x1536xi1> to vector<512x1536xi32>
    %reduce_sum3A = vector.shape_cast %convert_element_type3A_42 : vector<512x1536xi32> to vector<1x512x1536xi32>
    %reduce_sum3A_43 = arith.constant dense<0> : vector<1xi32>
    %reduce_sum3A_44 = vector.multi_reduction <add>, %reduce_sum3A, %reduce_sum3A_43 [1, 2] : vector<1x512x1536xi32> to vector<1xi32>
    %reduce_sum3A_45 = vector.shape_cast %reduce_sum3A_44 : vector<1xi32> to vector<1x1x1xi32>
    %reduce_sum3A_46 = vector.extract %reduce_sum3A_45[0, 0, 0] : i32 from vector<1x1x1xi32>
    %add3A = arith.addi %get3A_39, %reduce_sum3A_46 : i32
    %swap3A_47 = arith.constant 0 : index
    %swap3A_48 = memref.load %arg8[%swap3A_47] : memref<6xi32, #tpu.memory_space<smem>>
    memref.store %add3A, %arg8[%swap3A_47] : memref<6xi32, #tpu.memory_space<smem>>
    %get3A_49 = arith.constant 1 : index
    %get3A_50 = memref.load %arg8[%get3A_49] : memref<6xi32, #tpu.memory_space<smem>>
    %gt3A_51 = arith.constant 1056964608 : i32
    %gt3A_52 = vector.broadcast %gt3A_51 : i32 to vector<512x1536xi32>
    %gt3A_53 = arith.cmpi sgt, %bitcast_convert_type3A, %gt3A_52 : vector<512x1536xi32>
    %convert_element_type3A_54 = arith.extui %gt3A_53 : vector<512x1536xi1> to vector<512x1536xi32>
    %reduce_sum3A_55 = vector.shape_cast %convert_element_type3A_54 : vector<512x1536xi32> to vector<1x512x1536xi32>
    %reduce_sum3A_56 = arith.constant dense<0> : vector<1xi32>
    %reduce_sum3A_57 = vector.multi_reduction <add>, %reduce_sum3A_55, %reduce_sum3A_56 [1, 2] : vector<1x512x1536xi32> to vector<1xi32>
    %reduce_sum3A_58 = vector.shape_cast %reduce_sum3A_57 : vector<1xi32> to vector<1x1x1xi32>
    %reduce_sum3A_59 = vector.extract %reduce_sum3A_58[0, 0, 0] : i32 from vector<1x1x1xi32>
    %add3A_60 = arith.addi %get3A_50, %reduce_sum3A_59 : i32
    %swap3A_61 = arith.constant 1 : index
    %swap3A_62 = memref.load %arg8[%swap3A_61] : memref<6xi32, #tpu.memory_space<smem>>
    memref.store %add3A_60, %arg8[%swap3A_61] : memref<6xi32, #tpu.memory_space<smem>>
    %get3A_63 = arith.constant 2 : index
    %get3A_64 = memref.load %arg8[%get3A_63] : memref<6xi32, #tpu.memory_space<smem>>
    %gt3A_65 = arith.constant 1063423836 : i32
    %gt3A_66 = vector.broadcast %gt3A_65 : i32 to vector<512x1536xi32>
    %gt3A_67 = arith.cmpi sgt, %bitcast_convert_type3A, %gt3A_66 : vector<512x1536xi32>
    %convert_element_type3A_68 = arith.extui %gt3A_67 : vector<512x1536xi1> to vector<512x1536xi32>
    %reduce_sum3A_69 = vector.shape_cast %convert_element_type3A_68 : vector<512x1536xi32> to vector<1x512x1536xi32>
    %reduce_sum3A_70 = arith.constant dense<0> : vector<1xi32>
    %reduce_sum3A_71 = vector.multi_reduction <add>, %reduce_sum3A_69, %reduce_sum3A_70 [1, 2] : vector<1x512x1536xi32> to vector<1xi32>
    %reduce_sum3A_72 = vector.shape_cast %reduce_sum3A_71 : vector<1xi32> to vector<1x1x1xi32>
    %reduce_sum3A_73 = vector.extract %reduce_sum3A_72[0, 0, 0] : i32 from vector<1x1x1xi32>
    %add3A_74 = arith.addi %get3A_64, %reduce_sum3A_73 : i32
    %swap3A_75 = arith.constant 2 : index
    %swap3A_76 = memref.load %arg8[%swap3A_75] : memref<6xi32, #tpu.memory_space<smem>>
    memref.store %add3A_74, %arg8[%swap3A_75] : memref<6xi32, #tpu.memory_space<smem>>
    %get3A_77 = arith.constant 3 : index
    %get3A_78 = memref.load %arg8[%get3A_77] : memref<6xi32, #tpu.memory_space<smem>>
    %gt3A_79 = arith.constant 1064094925 : i32
    %gt3A_80 = vector.broadcast %gt3A_79 : i32 to vector<512x1536xi32>
    %gt3A_81 = arith.cmpi sgt, %bitcast_convert_type3A, %gt3A_80 : vector<512x1536xi32>
    %convert_element_type3A_82 = arith.extui %gt3A_81 : vector<512x1536xi1> to vector<512x1536xi32>
    %reduce_sum3A_83 = vector.shape_cast %convert_element_type3A_82 : vector<512x1536xi32> to vector<1x512x1536xi32>
    %reduce_sum3A_84 = arith.constant dense<0> : vector<1xi32>
    %reduce_sum3A_85 = vector.multi_reduction <add>, %reduce_sum3A_83, %reduce_sum3A_84 [1, 2] : vector<1x512x1536xi32> to vector<1xi32>
    %reduce_sum3A_86 = vector.shape_cast %reduce_sum3A_85 : vector<1xi32> to vector<1x1x1xi32>
    %reduce_sum3A_87 = vector.extract %reduce_sum3A_86[0, 0, 0] : i32 from vector<1x1x1xi32>
    %add3A_88 = arith.addi %get3A_78, %reduce_sum3A_87 : i32
    %swap3A_89 = arith.constant 3 : index
    %swap3A_90 = memref.load %arg8[%swap3A_89] : memref<6xi32, #tpu.memory_space<smem>>
    memref.store %add3A_88, %arg8[%swap3A_89] : memref<6xi32, #tpu.memory_space<smem>>
    %get3A_91 = arith.constant 4 : index
    %get3A_92 = memref.load %arg8[%get3A_91] : memref<6xi32, #tpu.memory_space<smem>>
    %gt3A_93 = arith.constant 1069547520 : i32
    %gt3A_94 = vector.broadcast %gt3A_93 : i32 to vector<512x1536xi32>
    %gt3A_95 = arith.cmpi sgt, %bitcast_convert_type3A, %gt3A_94 : vector<512x1536xi32>
    %convert_element_type3A_96 = arith.extui %gt3A_95 : vector<512x1536xi1> to vector<512x1536xi32>
    %reduce_sum3A_97 = vector.shape_cast %convert_element_type3A_96 : vector<512x1536xi32> to vector<1x512x1536xi32>
    %reduce_sum3A_98 = arith.constant dense<0> : vector<1xi32>
    %reduce_sum3A_99 = vector.multi_reduction <add>, %reduce_sum3A_97, %reduce_sum3A_98 [1, 2] : vector<1x512x1536xi32> to vector<1xi32>
    %reduce_sum3A_100 = vector.shape_cast %reduce_sum3A_99 : vector<1xi32> to vector<1x1x1xi32>
    %reduce_sum3A_101 = vector.extract %reduce_sum3A_100[0, 0, 0] : i32 from vector<1x1x1xi32>
    %add3A_102 = arith.addi %get3A_92, %reduce_sum3A_101 : i32
    %swap3A_103 = arith.constant 4 : index
    %swap3A_104 = memref.load %arg8[%swap3A_103] : memref<6xi32, #tpu.memory_space<smem>>
    memref.store %add3A_102, %arg8[%swap3A_103] : memref<6xi32, #tpu.memory_space<smem>>
    %get3A_105 = arith.constant 5 : index
    %get3A_106 = memref.load %arg8[%get3A_105] : memref<6xi32, #tpu.memory_space<smem>>
    %gt3A_107 = arith.constant 1090519040 : i32
    %gt3A_108 = vector.broadcast %gt3A_107 : i32 to vector<512x1536xi32>
    %gt3A_109 = arith.cmpi sgt, %bitcast_convert_type3A, %gt3A_108 : vector<512x1536xi32>
    %convert_element_type3A_110 = arith.extui %gt3A_109 : vector<512x1536xi1> to vector<512x1536xi32>
    %reduce_sum3A_111 = vector.shape_cast %convert_element_type3A_110 : vector<512x1536xi32> to vector<1x512x1536xi32>
    %reduce_sum3A_112 = arith.constant dense<0> : vector<1xi32>
    %reduce_sum3A_113 = vector.multi_reduction <add>, %reduce_sum3A_111, %reduce_sum3A_112 [1, 2] : vector<1x512x1536xi32> to vector<1xi32>
    %reduce_sum3A_114 = vector.shape_cast %reduce_sum3A_113 : vector<1xi32> to vector<1x1x1xi32>
    %reduce_sum3A_115 = vector.extract %reduce_sum3A_114[0, 0, 0] : i32 from vector<1x1x1xi32>
    %add3A_116 = arith.addi %get3A_106, %reduce_sum3A_115 : i32
    %swap3A_117 = arith.constant 5 : index
    %swap3A_118 = memref.load %arg8[%swap3A_117] : memref<6xi32, #tpu.memory_space<smem>>
    memref.store %add3A_116, %arg8[%swap3A_117] : memref<6xi32, #tpu.memory_space<smem>>
    return
  }
  func.func @transform_0(%arg0: i32, %arg1: i32) -> (i32, i32) {
    %c0_i32 = arith.constant 0 : i32
    %c0_i32_0 = arith.constant 0 : i32
    return %arg0, %c0_i32 : i32, i32
  }
  func.func @transform_1(%arg0: i32, %arg1: i32) -> (i32, i32) {
    %c0_i32 = arith.constant 0 : i32
    %c0_i32_0 = arith.constant 0 : i32
    return %c0_i32, %arg1 : i32, i32
  }
  func.func @transform_2(%arg0: i32, %arg1: i32) -> (i32, i32) {
    %c0_i32 = arith.constant 0 : i32
    %c0_i32_0 = arith.constant 0 : i32
    %c0_i32_1 = arith.constant 0 : i32
    return %c0_i32, %c0_i32_0 : i32, i32
  }
  func.func @transform_3(%arg0: i32, %arg1: i32) -> (i32, i32) {
    %c0_i32 = arith.constant 0 : i32
    %c0_i32_0 = arith.constant 0 : i32
    %c0_i32_1 = arith.constant 0 : i32
    return %c0_i32, %c0_i32_0 : i32, i32
  }
  func.func @transform_4(%arg0: i32, %arg1: i32) -> (i32, i32) {
    %c0_i32 = arith.constant 0 : i32
    return %arg0, %arg1 : i32, i32
  }
  func.func @transform_5(%arg0: i32, %arg1: i32) -> (i32, i32, i32) {
    %c0_i32 = arith.constant 0 : i32
    %c0_i32_0 = arith.constant 0 : i32
    return %arg1, %arg0, %c0_i32 : i32, i32, i32
  }
  func.func @transform_6(%arg0: i32, %arg1: i32) -> i32 {
    %c0_i32 = arith.constant 0 : i32
    %c0_i32_0 = arith.constant 0 : i32
    return %c0_i32 : i32
  }
}

module attributes {stable_mosaic.version = 14 : i64} {
  func.func @_decode_kernel(%arg0: i32, %arg1: i32, %arg2: memref<1xi32, #tpu.memory_space<smem>>, %arg3: memref<512x1536xf32, #tpu.memory_space<vmem>>, %arg4: memref<1536x768xf32, #tpu.memory_space<vmem>>, %arg5: memref<1x768xf32, #tpu.memory_space<vmem>>, %arg6: memref<512x768xf32, #tpu.memory_space<vmem>>, %arg7: memref<512x1536xf32, #tpu.memory_space<vmem>>, %arg8: memref<512x768xf32, #tpu.memory_space<vmem>>, %arg9: memref<8xf32, #tpu.memory_space<smem>>, %arg10: memref<512x768xf32, #tpu.memory_space<vmem>>) attributes {dimension_semantics = [#tpu.dimension_semantics<arbitrary>, #tpu.dimension_semantics<arbitrary>], iteration_bounds = array<i64: 2, 8>, scalar_prefetch = 0 : i64, scratch_operands = 1 : i64, tpu.core_type = #tpu.core_type<tc>, window_params = [{transform_indices = @transform_0, window_bounds = array<i64: 1>}, {transform_indices = @transform_1, window_bounds = array<i64: 512, 1536>}, {transform_indices = @transform_2, window_bounds = array<i64: 1536, 768>}, {pipeline_mode = #tpu.pipeline_mode<synchronous>, transform_indices = @transform_3, window_bounds = array<i64: 1, 768>}, {transform_indices = @transform_4, window_bounds = array<i64: 512, 768>}, {transform_indices = @transform_5, window_bounds = array<i64: 512, 1536>}, {transform_indices = @transform_6, window_bounds = array<i64: 512, 768>}, {transform_indices = @transform_7, window_bounds = array<i64: 8>}]} {
    %get3A = arith.constant 0 : index
    %get3A_0 = arith.constant 0 : index
    %get3A_1 = vector.load %arg3[%get3A, %get3A_0] : memref<512x1536xf32, #tpu.memory_space<vmem>>, vector<512x1536xf32>
    %bitcast_convert_type3A = tpu.bitcast %get3A_1 : vector<512x1536xf32> -> vector<512x1536xi32>
    %get3A_2 = arith.constant 0 : index
    %get3A_3 = memref.load %arg2[%get3A_2] : memref<1xi32, #tpu.memory_space<smem>>
    %ge3A = vector.broadcast %get3A_3 : i32 to vector<512x1536xi32>
    %ge3A_4 = arith.cmpi sge, %bitcast_convert_type3A, %ge3A : vector<512x1536xi32>
    %jit3A = arith.constant 0.000000e+00 : f32
    %broadcast_in_dim3A = vector.broadcast %jit3A : f32 to vector<512x1536xf32>
    %select_n3A = arith.select %ge3A_4, %get3A_1, %broadcast_in_dim3A : vector<512x1536xi1>, vector<512x1536xf32>
    %swap3A = arith.constant 0 : index
    %swap3A_5 = arith.constant 0 : index
    %swap3A_6 = vector.load %arg7[%swap3A, %swap3A_5] : memref<512x1536xf32, #tpu.memory_space<vmem>>, vector<512x1536xf32>
    tpu.vector_store %arg7[%swap3A, %swap3A_5], %select_n3A {strides = array<i32>} : memref<512x1536xf32, #tpu.memory_space<vmem>>, vector<512x1536xf32>,
    %eq3A = arith.constant 0 : i32
    %eq3A_7 = arith.cmpi eq, %arg1, %eq3A : i32
    %convert_element_type3A = arith.extui %eq3A_7 : i1 to i32
    %cond3A = arith.constant 0 : i32
    %cond3A_8 = arith.cmpi ne, %convert_element_type3A, %cond3A : i32
    scf.if %cond3A_8 {
      %broadcast_in_dim3A_68 = arith.constant 0.000000e+00 : f32
      %broadcast_in_dim3A_69 = vector.broadcast %broadcast_in_dim3A_68 : f32 to vector<512x768xf32>
      %swap3A_70 = arith.constant 0 : index
      %swap3A_71 = arith.constant 0 : index
      %swap3A_72 = vector.load %arg10[%swap3A_70, %swap3A_71] : memref<512x768xf32, #tpu.memory_space<vmem>>, vector<512x768xf32>
      tpu.vector_store %arg10[%swap3A_70, %swap3A_71], %broadcast_in_dim3A_69 {strides = array<i32>} : memref<512x768xf32, #tpu.memory_space<vmem>>, vector<512x768xf32>,
    } else {
    }
    %get3A_9 = arith.constant 0 : index
    %get3A_10 = arith.constant 0 : index
    %get3A_11 = vector.load %arg10[%get3A_9, %get3A_10] : memref<512x768xf32, #tpu.memory_space<vmem>>, vector<512x768xf32>
    %get3A_12 = arith.constant 0 : index
    %get3A_13 = arith.constant 0 : index
    %get3A_14 = vector.load %arg4[%get3A_12, %get3A_13] : memref<1536x768xf32, #tpu.memory_space<vmem>>, vector<1536x768xf32>
    %dot_general3A = arith.constant dense<0.000000e+00> : vector<512x768xf32>
    %dot_general3A_15 = tpu.matmul %select_n3A, %get3A_14, %dot_general3A {dimension_numbers = #tpu.dot_dimension_numbers<[1], [0], [0], [1], [0, 0, 1, 1], [], []>, transpose_lhs_hint = false} : vector<512x1536xf32>, vector<1536x768xf32>, vector<512x768xf32> -> vector<512x768xf32>
    %add3A = arith.addf %get3A_11, %dot_general3A_15 : vector<512x768xf32>
    %swap3A_16 = arith.constant 0 : index
    %swap3A_17 = arith.constant 0 : index
    %swap3A_18 = vector.load %arg10[%swap3A_16, %swap3A_17] : memref<512x768xf32, #tpu.memory_space<vmem>>, vector<512x768xf32>
    tpu.vector_store %arg10[%swap3A_16, %swap3A_17], %add3A {strides = array<i32>} : memref<512x768xf32, #tpu.memory_space<vmem>>, vector<512x768xf32>,
    %eq3A_19 = arith.constant 0 : i32
    %eq3A_20 = arith.cmpi eq, %arg0, %eq3A_19 : i32
    %eq3A_21 = arith.constant 0 : i32
    %eq3A_22 = arith.cmpi eq, %arg1, %eq3A_21 : i32
    %and3A = arith.andi %eq3A_20, %eq3A_22 : i1
    %convert_element_type3A_23 = arith.extui %and3A : i1 to i32
    %cond3A_24 = arith.constant 0 : i32
    %cond3A_25 = arith.cmpi ne, %convert_element_type3A_23, %cond3A_24 : i32
    scf.if %cond3A_25 {
      %swap3A_68 = arith.constant 0.000000e+00 : f32
      %swap3A_69 = arith.constant 0 : index
      %swap3A_70 = memref.load %arg9[%swap3A_69] : memref<8xf32, #tpu.memory_space<smem>>
      memref.store %swap3A_68, %arg9[%swap3A_69] : memref<8xf32, #tpu.memory_space<smem>>
      %swap3A_71 = arith.constant 0.000000e+00 : f32
      %swap3A_72 = arith.constant 1 : index
      %swap3A_73 = memref.load %arg9[%swap3A_72] : memref<8xf32, #tpu.memory_space<smem>>
      memref.store %swap3A_71, %arg9[%swap3A_72] : memref<8xf32, #tpu.memory_space<smem>>
      %swap3A_74 = arith.constant 0x7F800000 : f32
      %swap3A_75 = arith.constant 2 : index
      %swap3A_76 = memref.load %arg9[%swap3A_75] : memref<8xf32, #tpu.memory_space<smem>>
      memref.store %swap3A_74, %arg9[%swap3A_75] : memref<8xf32, #tpu.memory_space<smem>>
      %swap3A_77 = arith.constant 0.000000e+00 : f32
      %swap3A_78 = arith.constant 3 : index
      %swap3A_79 = memref.load %arg9[%swap3A_78] : memref<8xf32, #tpu.memory_space<smem>>
      memref.store %swap3A_77, %arg9[%swap3A_78] : memref<8xf32, #tpu.memory_space<smem>>
    } else {
    }
    %get3A_26 = arith.constant 0 : index
    %get3A_27 = memref.load %arg9[%get3A_26] : memref<8xf32, #tpu.memory_space<smem>>
    %reduce_sum3A = vector.shape_cast %select_n3A : vector<512x1536xf32> to vector<1x512x1536xf32>
    %reduce_sum3A_28 = arith.constant dense<0.000000e+00> : vector<1xf32>
    %reduce_sum3A_29 = vector.multi_reduction <add>, %reduce_sum3A, %reduce_sum3A_28 [1, 2] : vector<1x512x1536xf32> to vector<1xf32>
    %reduce_sum3A_30 = vector.shape_cast %reduce_sum3A_29 : vector<1xf32> to vector<1x1x1xf32>
    %reduce_sum3A_31 = vector.extract %reduce_sum3A_30[0, 0, 0] : f32 from vector<1x1x1xf32>
    %add3A_32 = arith.addf %get3A_27, %reduce_sum3A_31 : f32
    %swap3A_33 = arith.constant 0 : index
    %swap3A_34 = memref.load %arg9[%swap3A_33] : memref<8xf32, #tpu.memory_space<smem>>
    memref.store %add3A_32, %arg9[%swap3A_33] : memref<8xf32, #tpu.memory_space<smem>>
    %get3A_35 = arith.constant 1 : index
    %get3A_36 = memref.load %arg9[%get3A_35] : memref<8xf32, #tpu.memory_space<smem>>
    %gt3A = arith.constant 0.000000e+00 : f32
    %gt3A_37 = vector.broadcast %gt3A : f32 to vector<512x1536xf32>
    %gt3A_38 = arith.cmpf ogt, %select_n3A, %gt3A_37 : vector<512x1536xf32>
    %convert_element_type3A_39 = arith.extui %gt3A_38 : vector<512x1536xi1> to vector<512x1536xi32>
    %convert_element_type3A_40 = arith.sitofp %convert_element_type3A_39 : vector<512x1536xi32> to vector<512x1536xf32>
    %reduce_sum3A_41 = vector.shape_cast %convert_element_type3A_40 : vector<512x1536xf32> to vector<1x512x1536xf32>
    %reduce_sum3A_42 = arith.constant dense<0.000000e+00> : vector<1xf32>
    %reduce_sum3A_43 = vector.multi_reduction <add>, %reduce_sum3A_41, %reduce_sum3A_42 [1, 2] : vector<1x512x1536xf32> to vector<1xf32>
    %reduce_sum3A_44 = vector.shape_cast %reduce_sum3A_43 : vector<1xf32> to vector<1x1x1xf32>
    %reduce_sum3A_45 = vector.extract %reduce_sum3A_44[0, 0, 0] : f32 from vector<1x1x1xf32>
    %add3A_46 = arith.addf %get3A_36, %reduce_sum3A_45 : f32
    %swap3A_47 = arith.constant 1 : index
    %swap3A_48 = memref.load %arg9[%swap3A_47] : memref<8xf32, #tpu.memory_space<smem>>
    memref.store %add3A_46, %arg9[%swap3A_47] : memref<8xf32, #tpu.memory_space<smem>>
    %get3A_49 = arith.constant 2 : index
    %get3A_50 = memref.load %arg9[%get3A_49] : memref<8xf32, #tpu.memory_space<smem>>
    %gt3A_51 = arith.constant 0.000000e+00 : f32
    %gt3A_52 = vector.broadcast %gt3A_51 : f32 to vector<512x1536xf32>
    %gt3A_53 = arith.cmpf ogt, %select_n3A, %gt3A_52 : vector<512x1536xf32>
    %jit3A_54 = arith.constant 0x7F800000 : f32
    %broadcast_in_dim3A_55 = vector.broadcast %jit3A_54 : f32 to vector<512x1536xf32>
    %select_n3A_56 = arith.select %gt3A_53, %select_n3A, %broadcast_in_dim3A_55 : vector<512x1536xi1>, vector<512x1536xf32>
    %reduce_min3A = vector.shape_cast %select_n3A_56 : vector<512x1536xf32> to vector<1x512x1536xf32>
    %reduce_min3A_57 = arith.constant dense<0x7F800000> : vector<1xf32>
    %reduce_min3A_58 = vector.multi_reduction <minimumf>, %reduce_min3A, %reduce_min3A_57 [1, 2] : vector<1x512x1536xf32> to vector<1xf32>
    %reduce_min3A_59 = vector.shape_cast %reduce_min3A_58 : vector<1xf32> to vector<1x1x1xf32>
    %reduce_min3A_60 = vector.extract %reduce_min3A_59[0, 0, 0] : f32 from vector<1x1x1xf32>
    %min3A = arith.minimumf %get3A_50, %reduce_min3A_60 : f32
    %swap3A_61 = arith.constant 2 : index
    %swap3A_62 = memref.load %arg9[%swap3A_61] : memref<8xf32, #tpu.memory_space<smem>>
    memref.store %min3A, %arg9[%swap3A_61] : memref<8xf32, #tpu.memory_space<smem>>
    %eq3A_63 = arith.constant 7 : i32
    %eq3A_64 = arith.cmpi eq, %arg1, %eq3A_63 : i32
    %convert_element_type3A_65 = arith.extui %eq3A_64 : i1 to i32
    %cond3A_66 = arith.constant 0 : i32
    %cond3A_67 = arith.cmpi ne, %convert_element_type3A_65, %cond3A_66 : i32
    scf.if %cond3A_67 {
      %get3A_68 = arith.constant 0 : index
      %get3A_69 = arith.constant 0 : index
      %get3A_70 = vector.load %arg10[%get3A_68, %get3A_69] : memref<512x768xf32, #tpu.memory_space<vmem>>, vector<512x768xf32>
      %get3A_71 = arith.constant 0 : index
      %get3A_72 = arith.constant 0 : index
      %get3A_73 = vector.load %arg5[%get3A_71, %get3A_72] : memref<1x768xf32, #tpu.memory_space<vmem>>, vector<1x768xf32>
      %add3A_74 = vector.broadcast %get3A_73 : vector<1x768xf32> to vector<512x768xf32>
      %add3A_75 = arith.addf %get3A_70, %add3A_74 : vector<512x768xf32>
      %swap3A_76 = arith.constant 0 : index
      %swap3A_77 = arith.constant 0 : index
      %swap3A_78 = vector.load %arg8[%swap3A_76, %swap3A_77] : memref<512x768xf32, #tpu.memory_space<vmem>>, vector<512x768xf32>
      tpu.vector_store %arg8[%swap3A_76, %swap3A_77], %add3A_75 {strides = array<i32>} : memref<512x768xf32, #tpu.memory_space<vmem>>, vector<512x768xf32>,
      %get3A_79 = arith.constant 0 : index
      %get3A_80 = arith.constant 0 : index
      %get3A_81 = vector.load %arg6[%get3A_79, %get3A_80] : memref<512x768xf32, #tpu.memory_space<vmem>>, vector<512x768xf32>
      %sub3A = arith.subf %add3A_75, %get3A_81 : vector<512x768xf32>
      %get3A_82 = arith.constant 3 : index
      %get3A_83 = memref.load %arg9[%get3A_82] : memref<8xf32, #tpu.memory_space<smem>>
      %mul3A = arith.mulf %sub3A, %sub3A : vector<512x768xf32>
      %reduce_sum3A_84 = vector.shape_cast %mul3A : vector<512x768xf32> to vector<1x512x768xf32>
      %reduce_sum3A_85 = arith.constant dense<0.000000e+00> : vector<1xf32>
      %reduce_sum3A_86 = vector.multi_reduction <add>, %reduce_sum3A_84, %reduce_sum3A_85 [1, 2] : vector<1x512x768xf32> to vector<1xf32>
      %reduce_sum3A_87 = vector.shape_cast %reduce_sum3A_86 : vector<1xf32> to vector<1x1x1xf32>
      %reduce_sum3A_88 = vector.extract %reduce_sum3A_87[0, 0, 0] : f32 from vector<1x1x1xf32>
      %add3A_89 = arith.addf %get3A_83, %reduce_sum3A_88 : f32
      %swap3A_90 = arith.constant 3 : index
      %swap3A_91 = memref.load %arg9[%swap3A_90] : memref<8xf32, #tpu.memory_space<smem>>
      memref.store %add3A_89, %arg9[%swap3A_90] : memref<8xf32, #tpu.memory_space<smem>>
    } else {
    }
    return
  }
  func.func @transform_0(%arg0: i32, %arg1: i32) -> i32 {
    %c0_i32 = arith.constant 0 : i32
    %c0_i32_0 = arith.constant 0 : i32
    return %c0_i32 : i32
  }
  func.func @transform_1(%arg0: i32, %arg1: i32) -> (i32, i32) {
    %c0_i32 = arith.constant 0 : i32
    return %arg0, %arg1 : i32, i32
  }
  func.func @transform_2(%arg0: i32, %arg1: i32) -> (i32, i32) {
    %c0_i32 = arith.constant 0 : i32
    %c0_i32_0 = arith.constant 0 : i32
    return %arg1, %c0_i32 : i32, i32
  }
  func.func @transform_3(%arg0: i32, %arg1: i32) -> (i32, i32) {
    %c0_i32 = arith.constant 0 : i32
    %c0_i32_0 = arith.constant 0 : i32
    %c0_i32_1 = arith.constant 0 : i32
    return %c0_i32, %c0_i32_0 : i32, i32
  }
  func.func @transform_4(%arg0: i32, %arg1: i32) -> (i32, i32) {
    %c0_i32 = arith.constant 0 : i32
    %c0_i32_0 = arith.constant 0 : i32
    return %arg0, %c0_i32 : i32, i32
  }
  func.func @transform_5(%arg0: i32, %arg1: i32) -> (i32, i32) {
    %c0_i32 = arith.constant 0 : i32
    return %arg0, %arg1 : i32, i32
  }
  func.func @transform_6(%arg0: i32, %arg1: i32) -> (i32, i32) {
    %c0_i32 = arith.constant 0 : i32
    %c0_i32_0 = arith.constant 0 : i32
    return %arg0, %c0_i32 : i32, i32
  }
  func.func @transform_7(%arg0: i32, %arg1: i32) -> i32 {
    %c0_i32 = arith.constant 0 : i32
    %c0_i32_0 = arith.constant 0 : i32
    return %c0_i32 : i32
  }
}

</mosaic_0001>

<sc_bundles>
// kernel: kernel.10.cloned.1.call-start
scs
__scs_entry_jumppad:
0x0: {  	(pc) =	sbr.rel $0x88, $3  }
0x1: {  	(tag) =	ssettag $0x0;
	lr =	simm.s32 $0x1  }
0x2: {  	[smem:$0x3F9D] =	sst lr;
	_ =	strace $0xD0000000  }
0x3: {  	_ = 	snop  }
0x4: {  	_ = 	snop  }
0x5: {  	_ = 	snop  }
0x6: {  	_ = 	snop  }
0x7: {  	_ = 	snop  }
__scs_overlays_trampoline_lowered:
0x8: {  	[smem:$0x3FAC] =	sst s0  }
0x9: {  	[smem:$0x3FAD] =	sst s1  }
0xa: {  	[smem:$0x3FAE] =	sst s2  }
0xb: {  	[smem:$0x3FAF] =	sst s3  }
0xc: {  	[smem:$0x3FB0] =	sst s4  }
0xd: {  	[smem:$0x3FB1] =	sst s5  }
0xe: {  	[smem:$0x3FB2] =	sst s6  }
0xf: {  	[smem:$0x3FB3] =	sst s7  }
0x10: {  	[smem:$0x3FB4] =	sst s8  }
0x11: {  	[smem:$0x3FB5] =	sst s9;
	s0 =	simm.s32 @!p0 $0x0  }
0x12: {  	s1 =	sld [smem:$0x3F9B];
	s0 =	simm.s32 @p0 $0x1  }
0x13: {  	[smem:$0x3FB6] =	sst s0;
	s0 =	simm.s32 @!p1 $0x0  }
0x14: {  	s2 =	sld [smem:$0x3F9A];
	s0 =	simm.s32 @p1 $0x1  }
0x15: {  	[smem:$0x3FB7] =	sst s0;
	s0 =	simm.s32 @!p2 $0x0  }
0x16: {  	s3 =	sld [smem:$0x3FDB];
	s0 =	simm.s32 @p2 $0x1  }
0x17: {  	s4 =	simm.s32 $0x1BF5;
	[smem:$0x3FB9] =	sst s0  }
0x18: {  	s0 =	sld [smem:$0x3F9C];
	_ =	swait.ge [sflag:s4], $0x0  }
0x19: {  	s7 =	sld [smem:$0x3F9D]  }
0x1a: {  	s8 =	sadd.s32 $0xFFFFE003, lr  }
0x1b: {  	s9 =	sadd.s32 $0xFFFFFEF7, lr;
	s5 =	simm.s32 $0xFFFFFFFF;
	p2 =	slt.u32 s8, $0xFFFFF086  }
0x1c: {  	p1 =	slt.u32 s9, $0xF7A;
	s5 =	simm.s32 @!p2 $0x0  }
0x1d: {  	s5 =	simm.s32 @p1 $0x1;
	p0 =	seq.s32 s7, s2  }
0x1e: {  	s7 =	smul.u32 @!p0 $0xF7A, s2;
	p2 =	seq.s32 @!p0 s5, $0x0  }
0x1f: {  	s9 =	smul.u32 $0xF7A, s1;
	s8 =	simm.s32 @!p0 $0x1BF5;
	p2 =	por !p2, p0  }
0x20: {  	[sflag:s8] =	ssyncset.s32 @!p0 $0xFFFFF086;
	s6 =	sadd.s32 @!p0 s3, s7;
	s7 =	simm.s32 @!p0 $0x108  }
0x21: {  	s3 =	sadd.s32 s3, s9;
	s6 =	sadd.s32 @!p0 $0x88, s6;
	s7 =	simm.s32 @p2 $0x1082  }
0x22: {  	[simem:s7], [sflag:s8] =	dma.local @!p0 [hbm:s6], $0xF7A  }
0x23: {  	s9 =	sor.u32 $0xD0000000, s2;
	s6 =	simm.s32 $0x108;
	_ =	swait.ge @!p0 [sflag:s8], $0x0  }
0x24: {  	s3 =	sadd.s32 $0x88, s3;
	s6 =	simm.s32 @!p1 $0x1082;
	[sflag:s4] =	ssyncset.s32 $0xFFFFF086  }
0x25: {  	[simem:s6], [sflag:s4] =	dma.local [hbm:s3], $0xF7A  }
0x26: {  	[smem:$0x3F9D] =	sst s1;
	(tag) =	ssettag s2;
	_ =	strace s9  }
0x27: {  	s1 =	sld [smem:$0x3FAD]  }
0x28: {  	s2 =	sld [smem:$0x3FAE]  }
0x29: {  	s4 =	sld [smem:$0x3FB0]  }
0x2a: {  	p0 =	seq.s32 s5, $0x0;
	s5 =	sld [smem:$0x3FB1]  }
0x2b: {  	s6 =	sld [smem:$0x3FB2]  }
0x2c: {  	s7 =	sld [smem:$0x3FB3]  }
0x2d: {  	s3 =	simm.s32 $0x108;
	s8 =	sld [smem:$0x3FB4]  }
0x2e: {  	s3 =	simm.s32 @!p0 $0x1082;
	s9 =	sld [smem:$0x3FB5]  }
0x2f: {  	lr =	sadd.s32 s0, s3;
	s0 =	sld [smem:$0x3FAC]  }
0x30: {  	s3 =	sld [smem:$0x3FAF]  }
0x31: {  	[smem:$0x3FB8] =	sst s10  }
0x32: {  	s10 =	sld [smem:$0x3FB6];
	_ =	sdelay $0x3  }
0x33: {  	p0 =	seq.s32 s10, $0x1;
	s10 =	sld [smem:$0x3FB8];
	_ =	sdelay $0x3  }
0x34: {  	[smem:$0x3FB8] =	sst s10  }
0x35: {  	s10 =	sld [smem:$0x3FB7];
	_ =	sdelay $0x3  }
0x36: {  	p1 =	seq.s32 s10, $0x1;
	s10 =	sld [smem:$0x3FB8];
	_ =	sdelay $0x3  }
0x37: {  	[smem:$0x3FB8] =	sst s10  }
0x38: {  	s10 =	sld [smem:$0x3FB9]  }
0x39: {  	_ = 	snop;
	(pc) =	sbr.ind lr, $3  }
0x3a: {  	_ = 	snop  }
0x3b: {  	_ = 	snop  }
0x3c: {  	p2 =	seq.s32 s10, $0x1;
	s10 =	sld [smem:$0x3FB8]  }
0x3d: {  	_ =	shalt  }
0x3e: {  	_ =	shalt  }
0x3f: {  	_ =	shalt  }
0x40: {  	_ =	shalt  }
0x41: {  	_ =	shalt  }
0x42: {  	_ =	shalt  }
0x43: {  	_ =	shalt  }
0x44: {  	_ =	shalt  }
0x45: {  	_ =	shalt  }
0x46: {  	_ =	shalt  }
0x47: {  	_ =	shalt  }
0x48: {  	_ =	shalt  }
0x49: {  	_ =	shalt  }
0x4a: {  	_ =	shalt  }
0x4b: {  	_ =	shalt  }
0x4c: {  	_ =	shalt  }
0x4d: {  	_ =	shalt  }
0x4e: {  	_ =	shalt  }
0x4f: {  	_ =	shalt  }
0x50: {  	_ =	shalt  }
0x51: {  	_ =	shalt  }
0x52: {  	_ =	shalt  }
0x53: {  	_ =	shalt  }
0x54: {  	_ =	shalt  }
0x55: {  	_ =	shalt  }
0x56: {  	_ =	shalt  }
0x57: {  	_ =	shalt  }
0x58: {  	_ =	shalt  }
0x59: {  	_ =	shalt  }
0x5a: {  	_ =	shalt  }
0x5b: {  	_ =	shalt  }
0x5c: {  	_ =	shalt  }
0x5d: {  	_ =	shalt  }
0x5e: {  	_ =	shalt  }
0x5f: {  	_ =	shalt  }
0x60: {  	_ =	shalt  }
0x61: {  	_ =	shalt  }
0x62: {  	_ =	shalt  }
0x63: {  	_ =	shalt  }
0x64: {  	_ =	shalt  }
0x65: {  	_ =	shalt  }
0x66: {  	_ =	shalt  }
0x67: {  	_ =	shalt  }
0x68: {  	_ =	shalt  }
0x69: {  	_ =	shalt  }
0x6a: {  	_ =	shalt  }
0x6b: {  	_ =	shalt  }
0x6c: {  	_ =	shalt  }
0x6d: {  	_ =	shalt  }
0x6e: {  	_ =	shalt  }
0x6f: {  	_ =	shalt  }
0x70: {  	_ =	shalt  }
0x71: {  	_ =	shalt  }
0x72: {  	_ =	shalt  }
0x73: {  	_ =	shalt  }
0x74: {  	_ =	shalt  }
0x75: {  	_ =	shalt  }
0x76: {  	_ =	shalt  }
0x77: {  	_ =	shalt  }
0x78: {  	_ =	shalt  }
0x79: {  	_ =	shalt  }
0x7a: {  	_ =	shalt  }
0x7b: {  	_ =	shalt  }
0x7c: {  	_ =	shalt  }
0x7d: {  	_ =	shalt  }
0x7e: {  	_ =	shalt  }
0x7f: {  	_ =	shalt  }
0x80: {  	_ =	shalt  }
0x81: {  	_ =	shalt  }
0x82: {  	_ =	shalt  }
0x83: {  	_ =	shalt  }
0x84: {  	_ =	shalt  }
0x85: {  	_ =	shalt  }
0x86: {  	_ =	shalt  }
0x87: {  	_ =	shalt  }
.Lfunc_end0:
.L_simem_size_0:
called_computation.2_lowered:
.L_overlay_start_0:
0x88: {  	s2 =	sld [smem:$0x3FD9]  }
0x89: {  	s3 =	sld [smem:$0x3FFE];
	_ =	sdelay $0x1  }
0x8a: {  	s1 =	srdreg.scid  }
0x8b: {  	s0 =	sand.u32 $0x1, s1  }
0x8c: {  	s14 =	sshll.u32 s0, $0xA;
	s2 =	sadd.s32 s3, s2  }
0x8d: {  	s2 =	sadd.s32 s2, s14  }
0x8e: {  	[smem:$0x3FC4] =	sst s2  }
0x8f: {  	_ = 	snop  }
0x90: {  	s2 =	sld [smem:$0x3FD0];
	_ =	sdelay $0x2  }
0x91: {  	s15 =	simm.s32 $0xA;
	s4 =	simm.s32 $0x10  }
0x92: {  	[smem:s4], [sflag:s15] =	dma.local [hbm:s2], $0x1  }
0x93: {  	_ =	swait.eq [sflag:s15], $0x1  }
0x94: {  	s16 =	sld [smem:$0x10];
	[sflag:s15] =	ssyncset.done $0x0  }
0x95: {  	s17 =	sld [smem:$0x11];
	[sflag:s15] =	ssyncadd.s32 $0xFFFFFFFF  }
0x96: {  	s18 =	sld [smem:$0x14];
	(tm) =	ssettm $0x1  }
0x97: {  	s5 =	sld [smem:$0x3FFB];
	_ =	sdelay $0x3  }
0x98: {  	_ =	strace s5  }
0x99: {  	s5 =	sld [smem:$0x3FFC];
	_ =	sdelay $0x3  }
0x9a: {  	_ =	strace s5  }
0x9b: {  	s5 =	sld [smem:$0x3FFD];
	_ =	sdelay $0x3  }
0x9c: {  	_ =	strace s5  }
0x9d: {  	_ =	strace $0x8FFFFFFF  }
0x9e: {  	s19 =	sld [smem:$0x3FDB];
	_ =	sdelay $0x1  }
0x9f: {  	s6 =	simm.s32 $_scs_section_size  }
0xa0: {  	s7 =	simm.s32 $_size__tile_overlayer_lowered;
	s8 =	simm.s32 $_tile_overlayer_lowered  }
0xa1: {  	s22 =	simm.s32 $0x1BFF;
	s21 =	sshll.u32 s8, $0x1;
	s5 =	sadd.s32 s6, s19  }
0xa2: {  	s9 =	simm.s32 $0x0;
	s20 =	sshll.u32 s7, $0x1;
	s7 =	sadd.s32 s21, s5  }
0xa3: {  	[timem:s9], [sflag:s22] =	dma.local [hbm:s7], s20  }
0xa4: {  	_ =	swait.ge [sflag:s22], s20  }
0xa5: {  	s6 =	ssub.s32 $0x0, s20;
	[sflag:s22] =	ssyncset.done $0x0  }
0xa6: {  	[sflag:s22] =	ssyncadd.s32 s6;
	_ =	sdelay $0x1  }
0xa7: {  	s23 =	simm.s32 $0x1B8B  }
0xa8: {  	_ =	swait.ge [sflag:s23], $0x1  }
0xa9: {  	[sflag:s23] =	ssyncset.done $0x0  }
0xaa: {  	s25 =	simm.s32 $0x1B8E;
	s24 =	sld [smem:$0x3FFE];
	[sflag:s23] =	ssyncadd.s32 $0xFFFFFFFF  }
0xab: {  	s26 =	simm.s32 $execute0_lowered;
	[smem:$0x3FD2] =	sst s25  }
0xac: {  	s7 =	sshll.u32 s26, $0x1;
	_ =	strace $0x8000004C;
	[dreg:$0x1] =	wrdreg $0xFFFFFFFF  }
0xad: {  	s28 =	simm.s32 $_size_execute0_lowered;
	s5 =	sadd.s32 s5, s7;
	[dreg:$0x0] =	wrdreg $0x0  }
0xae: {  	s7 =	sshll.u32 s28, $0x1;
	[dreg:$0x2] =	wrdreg s5  }
0xaf: {  	[dreg:$0x3] =	wrdreg s7  }
0xb0: {  	[dreg:$0x4] =	wrdreg $0xC0  }
0xb1: {  	_ =	task [dreg:s9], $0x5FFFF  }
0xb2: {  	[dreg:$0x1] =	wrdreg $0xFFFFFFFF  }
0xb3: {  	[dreg:$0x0] =	wrdreg $0x60  }
0xb4: {  	[dreg:$0x2] =	wrdreg s18  }
0xb5: {  	[dreg:$0x3] =	wrdreg s16  }
0xb6: {  	[dreg:$0x4] =	wrdreg s17  }
0xb7: {  	[dreg:$0x5] =	wrdreg s24  }
0xb8: {  	[dreg:$0x6] =	wrdreg $0x9  }
0xb9: {  	_ =	task.clear_ibuf [dreg:s9], $0x7FFFF;
	_ =	strace $0x9000004C  }
0xba: {  	s29 =	simm.s32 $0x9;
	_ =	strace $0x8000004E  }
0xbb: {  	_ =	swait.ge [sflag:s29], $0x1  }
0xbc: {  	[sflag:s29] =	ssyncadd.s32 $0xFFFFFFFF  }
0xbd: {  	_ =	strace $0x9000004E  }
0xbe: {  	_ =	sfence  }
0xbf: {  	s30 =	sld [smem:$0x0];
	_ =	sdelay $0x2  }
0xc0: {  	s31 =	sshll.u32 s1, $0xD;
	s1 =	sshrl.u32 s1, $0x2  }
0xc1: {  	s3 =	sand.u32 $0x4000, s31;
	s1 =	sadd.s32 s1, s30  }
0xc2: {  	s0 =	sor.u32 s3, s0;
	s1 =	sshll.u32 s1, $0x11  }
0xc3: {  	s0 =	sor.u32 s1, s0  }
0xc4: {  	s0 =	sadd.s32 $0x8F2B, s0  }
0xc5: {  	[sflag:s0] =	ssyncadd.remote.s32 $0x1  }
0xc6: {  	_ =	sfence.sel $0xFFFF  }
0xc7: {  	[dreg:$0x0] =	wrdreg $0xFFFFFFFF;
	(pc) =	sbr.abs _section_cstart, $3  }
0xc8: {  	[dreg:$0x1] =	wrdreg $0xFFFFFFFF  }
0xc9: {  	_ =	task.clear_ibuf [dreg:s9], $0x2FFFF;
	_ =	strace $0x9FFFFFFF  }
0xca: {  	(tm) =	ssettm $0x7FFFFFFF  }
0xcb: {  	_ =	shalt  }
tec
execute0_lowered:
.L_overlay_start_1:
0x0: {  	(tag) =	ssettag $0x1  }
0x1: {  	s1 =	rddreg [dreg:$0x0]  }
0x2: {  	s5 =	rddreg [dreg:$0x1]  }
0x3: {  	s3 =	rddreg [dreg:$0x2]  }
0x4: {  	s6 =	rddreg [dreg:$0x3]  }
0x5: {  	s0 =	rddreg [dreg:$0x4]  }
0x6: {  	s7 =	srdreg.scid;
	s2 =	stileid.u32;
	s4 =	simm.s32 $0x0  }
0x7: {  	s15 =	simm.s32 $0xC810;
	s16 =	simm.s32 $0x10810;
	s17 =	simm.s32 $0x0  }
0x8: {  	s7 =	sand.u32 $0x1, s7;
	s8 =	sshll.u32 s2, $0x1;
	s11 =	smul.u32 $0xC000, s2  }
0x9: {  	[smem:$0x7FF] =	sst s4;
	s8 =	sor.u32 s7, s8;
	s14 =	smul.u32 $0x6000, s7  }
0xa: {  	s10 =	ssub.s32 $0x2, s7;
	s9 =	smul.u32 $0x6000, s8;
	s8 =	sshll.u32 s8, $0x7  }
0xb: {  	_ =	strace $0x8000004D;
	s12 =	sshrl.u32 s10, $0x1;
	s6 =	sadd.s32 s8, s6  }
0xc: {  	s31 =	ssub.s32 s10, s12;
	s8 =	sadd.s32 s14, s11;
	s10 =	simm.s32 $0x10  }
0xd: {  	v1 =	vimm.s32 $0x0;
	vm0 =	vmmov $0x1;
	s11 =	simm.s32 $0x6010;
	s12 =	simm.s32 $0x1;
	s14 =	simm.s32 $0xC010  }
0xe: {  	v2 =	vlaneseq.u32;
	vm1 =	vcmask $0x308;
	vm2 =	vmxor vm2, vm2;
	s13 =	sshrl.u32 s9, $0x3;
	s6 =	sadd.s32 $0x180200, s6;
	s7 =	smax.u32 s31, $0x1  }
0xf: {  	v4 =	vimm.s32 $0x1;
	v3 =	vmul.u32 $0x400, v2;
	v0 =	vmov s9;
	s9 =	simm.s32 $0x2;
	s5 =	sadd.s32 s5, s13;
	s13 =	simm.s32 $0x80  }
.LBB2_1:
0x10: {  	[tilespmem:s4], [sflag:$0x2] =	stream.linear.gather [hbm4b:s1+s4], $0x10, $0x38;
	[tilespmem:$0x10C10] =	vst v63  }
0x11: {  	_ =	swait.ge [sflag:s9], $0x10  }
0x12: {  	[sflag:s9] =	ssyncset.done $0x0  }
0x13: {  	[sflag:s9] =	ssyncadd.s32 $0xFFFFFFF0  }
0x14: {  	v6 =	vld [tilespmem:$0x0];
	[tilespmem:s10], [sflag:$0x2] =	stream.linear.gather [hbm4b:s5+s4], $0x6000, $0x38  }
0x15: {  	_ =	swait.ge [sflag:s9], $0x6000  }
0x16: {  	[sflag:s9] =	ssyncset.done $0x0  }
0x17: {  	s18 =	simm.s32 $0xC850;
	[sflag:s9] =	ssyncadd.s32 $0xFFFFA000  }
0x18: {  	[tilespmem:s18+$0xFFFFFFC0] =	vst v1  }
0x19: {  	[tilespmem:s18+$0x30] =	vst v1  }
0x1a: {  	[tilespmem:s18+$0x20] =	vst v1  }
0x1b: {  	[tilespmem:s18+$0x10] =	vst v1  }
0x1c: {  	[tilespmem:s18+$0x0] =	vst v1  }
0x1d: {  	[tilespmem:s18+$0xFFFFFFF0] =	vst v1  }
0x1e: {  	s19 =	simm.s32 $0x0;
	[tilespmem:s18+$0xFFFFFFE0] =	vst v1  }
.LBB2_2:
0x1f: {  	s19 =	sadd.s32 $0x8, s19;
	[tilespmem:s18+$0xFFFFFFD0] =	vst v1;
	s18 =	sadd.s32 $0x80, s18  }
0x20: {  	[tilespmem:s18+$0xFFFFFFC0] =	vst v1;
	p0 =	slt.u32 s19, $0x3F8  }
0x21: {  	[tilespmem:s18+$0x30] =	vst v1  }
.Ltmp0:
0x22: {  	[tilespmem:s18+$0x20] =	vst v1;
	(pc) =	sbr.rel @p0 .LBB2_2-.Ltmp0, $4  }
0x23: {  	[tilespmem:s18+$0x10] =	vst v1  }
0x24: {  	[tilespmem:s18+$0x0] =	vst v1  }
0x25: {  	[tilespmem:s18+$0xFFFFFFF0] =	vst v1  }
0x26: {  	[tilespmem:s18+$0xFFFFFFE0] =	vst v1  }
0x27: {  	v5 =	vnsel vm0, $0x0, v6  }
0x28: {  	(xrf0) =	vadd.scan.msk.s32 $0xffff, v5;
	_ =	sdelay $0x5  }
0x29: {  	v7, _, _ =	vpop (xrf0)  }
0x2a: {  	[tilespmem:s18+$0xFFFFFFD0] =	vst v1;
	v8 =	vimm.s32 $0x0;
	s18 =	simm.s32 $0xFFFFFFFC;
	s19 =	simm.s32 $0x30;
	s20 =	smov.u32 s8;
	v5 =	vbroadcast v7, $0xF  }
.LBB2_4:
0x2b: {  	v9 =	vld [tilespmem:s19+$0xFFFFFFE0];
	_ =	sdelay $0x4  }
0x2c: {  	vm3 =	vgt.s32 v9, v5  }
0x2d: {  	v9 =	vsel vm3, $0x1, v1  }
0x2e: {  	(xrf0) =	vadd.scan.msk.s32 $0xffff, v9;
	_ =	sdelay $0x5  }
0x2f: {  	v9, _, _ =	vpop (xrf0)  }
0x30: {  	v9 =	vadd.s32 v9, v8  }
0x31: {  	v9 =	vadd.s32 $0xFFFFFFFF, v9;
	_ =	sdelay $0x3  }
0x32: {  	v10 =	vor.u32 s20, v2  }
0x33: {  	[tilespmem:v9+s11+$0x0] =	vst.idx.msk vm3, v10  }
0x34: {  	v9 =	vld [tilespmem:s19+$0xFFFFFFF0];
	_ =	sdelay $0x4  }
0x35: {  	vm4 =	vgt.s32 v9, v5  }
0x36: {  	v9 =	vsel vm4, $0x1, v1  }
0x37: {  	(xrf0) =	vadd.scan.msk.s32 $0xffff, v9;
	_ =	sdelay $0x1  }
0x38: {  	v9 =	vmpcnt.ones.xlane vm3;
	_ =	sdelay $0x3  }
0x39: {  	v8 =	vadd.s32 v8, v9;
	v9, _, _ =	vpop (xrf0)  }
0x3a: {  	v9 =	vadd.s32 v9, v8  }
0x3b: {  	v9 =	vadd.s32 $0xFFFFFFFF, v9;
	_ =	sdelay $0x2  }
0x3c: {  	s21 =	sadd.s32 $0x10, s20  }
0x3d: {  	v10 =	vor.u32 s21, v2  }
0x3e: {  	[tilespmem:v9+s11+$0x0] =	vst.idx.msk vm4, v10  }
0x3f: {  	v9 =	vld [tilespmem:s19+$0x0];
	_ =	sdelay $0x4  }
0x40: {  	vm3 =	vgt.s32 v9, v5  }
0x41: {  	v9 =	vsel vm3, $0x1, v1  }
0x42: {  	(xrf0) =	vadd.scan.msk.s32 $0xffff, v9;
	_ =	sdelay $0x1  }
0x43: {  	v9 =	vmpcnt.ones.xlane vm4;
	_ =	sdelay $0x3  }
0x44: {  	v8 =	vadd.s32 v8, v9;
	v9, _, _ =	vpop (xrf0)  }
0x45: {  	v9 =	vadd.s32 v9, v8  }
0x46: {  	v9 =	vadd.s32 $0xFFFFFFFF, v9;
	_ =	sdelay $0x2  }
0x47: {  	s30 =	sadd.s32 $0x20, s20  }
0x48: {  	v10 =	vor.u32 s30, v2  }
0x49: {  	[tilespmem:v9+s11+$0x0] =	vst.idx.msk vm3, v10  }
0x4a: {  	v9 =	vld [tilespmem:s19+$0x10];
	_ =	sdelay $0x4  }
0x4b: {  	vm15 =	vgt.s32 v9, v5  }
0x4c: {  	v9 =	vsel vm15, $0x1, v1  }
0x4d: {  	(xrf0) =	vadd.scan.msk.s32 $0xffff, v9;
	_ =	sdelay $0x1  }
0x4e: {  	v9 =	vmpcnt.ones.xlane vm3;
	_ =	sdelay $0x3  }
0x4f: {  	v8 =	vadd.s32 v8, v9;
	v9, _, _ =	vpop (xrf0)  }
0x50: {  	s18 =	sadd.s32 $0x4, s18;
	v9 =	vadd.s32 v9, v8  }
0x51: {  	p0 =	slt.u32 s18, $0x5FC;
	v9 =	vadd.s32 $0xFFFFFFFF, v9  }
.Ltmp1:
0x52: {  	_ = 	snop;
	(pc) =	sbr.rel @p0 .LBB2_4-.Ltmp1, $4  }
0x53: {  	_ = 	snop  }
0x54: {  	s31 =	sadd.s32 $0x30, s20;
	v10 =	vmpcnt.ones.xlane vm15  }
0x55: {  	v11 =	vor.u32 s31, v2  }
0x56: {  	s20 =	sadd.s32 $0x40, s20;
	s19 =	sadd.s32 $0x40, s19;
	v8 =	vadd.s32 v8, v10;
	[tilespmem:v9+s11+$0x0] =	vst.idx.msk vm15, v11  }
0x57: {  	v8 =	vnsel vm0, $0x0, v8  }
0x58: {  	(xrf0) =	vadd.scan.msk.s32 $0xffff, v8;
	_ =	sdelay $0x5  }
0x59: {  	v8, _, _ =	vpop (xrf0)  }
0x5a: {  	(v2sf) =	vpush v8, $0xF;
	_ =	sdelay $0xd  }
0x5b: {  	v8 =	vbroadcast v8, $0xF  }
0x5c: {  	s18 =	spop (v2sf)  }
0x5d: {  	v8 =	vadd.s32 v2, v8;
	s19 =	sadd.s32 $0x10, s18  }
0x5e: {  	vm3 =	vlt.s32 v8, $0x6000;
	s23 =	sadd.s32 $0x20, s18;
	v9 =	vadd.s32 s19, v2  }
0x5f: {  	s24 =	sadd.s32 $0x30, s18;
	s25 =	sadd.s32 $0x40, s18;
	s20 =	sadd.s32 $0x7F, s18;
	v10 =	vadd.s32 s23, v2;
	vm4 =	vlt.s32 v9, $0x6000  }
0x60: {  	s26 =	sadd.s32 $0x50, s18;
	s28 =	sadd.s32 $0x60, s18;
	v11 =	vadd.s32 s24, v2;
	s30 =	sand.u32 $0x7F, s20;
	vm5 =	vlt.s32 v10, $0x6000  }
0x61: {  	v12 =	vadd.s32 s25, v2;
	s31 =	sshra.s32 s20, $0x1F;
	p1 =	slt.s32 s20, $0x1;
	vm6 =	vlt.s32 v11, $0x6000;
	p0 =	sne.s32 s30, $0x0  }
0x62: {  	s29 =	sadd.s32 $0x70, s18;
	v13 =	vadd.s32 s26, v2;
	vm7 =	vlt.s32 v12, $0x6000;
	s19 =	sshrl.u32 s31, $0x19;
	p0 =	por !p1, !p0  }
0x63: {  	v14 =	vadd.s32 s28, v2;
	vm8 =	vlt.s32 v13, $0x6000;
	s19 =	sadd.s32 s19, s20;
	s20 =	simm.s32 $0x1;
	p0 =	por !p0, !p0  }
0x64: {  	[tilespmem:v8+s11+$0x0] =	vst.idx.msk vm3, v0;
	v8 =	vadd.s32 s29, v2;
	vm3 =	vlt.s32 v14, $0x6000;
	s19 =	sshra.s32 s19, $0x7;
	s20 =	simm.s32 @!p0 $0x0  }
0x65: {  	vm15 =	vlt.s32 v8, $0x6000;
	s19 =	ssub.s32 s19, s20;
	[tilespmem:v9+s11+$0x0] =	vst.idx.msk vm4, v0  }
0x66: {  	p0 =	slt.s32 s19, $0x1;
	[tilespmem:v10+s11+$0x0] =	vst.idx.msk vm5, v0  }
.Ltmp2:
0x67: {  	[tilespmem:v11+s11+$0x0] =	vst.idx.msk vm6, v0;
	(pc) =	sbr.rel @p0 .LBB2_10-.Ltmp2, $4  }
0x68: {  	[tilespmem:v12+s11+$0x0] =	vst.idx.msk vm7, v0  }
0x69: {  	[tilespmem:v13+s11+$0x0] =	vst.idx.msk vm8, v0  }
0x6a: {  	[tilespmem:v14+s11+$0x0] =	vst.idx.msk vm3, v0  }
0x6b: {  	[tilespmem:v8+s11+$0x0] =	vst.idx.msk vm15, v0  }
0x6c: {  	(v2sf) =	vpush v7, $0xF;
	_ =	sdelay $0x8  }
0x6d: {  	v6 =	vsel vm1, $0x0, v6  }
0x6e: {  	(xrf0) =	vadd.scan.msk.s32 $0xffff, v6;
	_ =	sdelay $0x4  }
0x6f: {  	s20 =	spop (v2sf)  }
0x70: {  	v7, _, _ =	vpop (xrf0);
	s20 =	sadd.s32 $0x1, s20  }
0x71: {  	v7 =	vbroadcast v7, $0xF;
	v6 =	vmov s20;
	s20 =	simm.s32 $0x0  }
.LBB2_7:
0x72: {  	s21 =	sshll.u32 s20, $0x7  }
0x73: {  	s22 =	sadd.s32 $0x6010, s21  }
0x74: {  	[tilespmem:s14], [sflag:$0x1] =	stream.indirect.gather [hbm4b:s3+s13], $0x10, s22, s13, $0xb8;
	[tilespmem:$0x10C10] =	vst v63  }
0x75: {  	_ =	swait.ge [sflag:s12], $0x800  }
0x76: {  	s23 =	simm.s32 $0x0;
	[sflag:s12] =	ssyncset.done $0x0  }
0x77: {  	s21 =	ssub.s32 s18, s21;
	s22 =	simm.s32 $0xC050;
	[sflag:s12] =	ssyncadd.s32 $0xFFFFF800  }
.LBB2_8:
0x78: {  	v8 =	vld [tilespmem:s22+$0xFFFFFFC0];
	_ =	sdelay $0x4  }
0x79: {  	v9 =	vsub.s32 v8, v6  }
0x7a: {  	p0 =	slt.s32 s23, s21;
	vm3 =	vmmov vm2;
	v9 =	vshrl.u32 v9, v7  }
0x7b: {  	vm3 =	vmneg @p0 vm3;
	vm4 =	vgt.s32 v8, v5;
	vm5 =	vlt.s32 v9, $0x3FF  }
0x7c: {  	vm3 =	vmand vm3, vm4;
	v8 =	vnsel vm5, $0x3FF, v9  }
0x7d: {  	v8 =	vadd.s32 v3, v8;
	_ =	sdelay $0x4  }
0x7e: {  	[tilespmem:v8+s15+$0x0] =	vst.idx.add.s32.msk vm3, v4  }
0x7f: {  	v8 =	vld [tilespmem:s22+$0xFFFFFFD0];
	_ =	sdelay $0x4  }
0x80: {  	s24 =	sadd.s32 $0x1, s23;
	v57 =	vsub.s32 v8, v6  }
0x81: {  	p0 =	slt.s32 s24, s21;
	vm3 =	vmmov vm2;
	v9 =	vshrl.u32 v57, v7  }
0x82: {  	vm3 =	vmneg @p0 vm3;
	vm10 =	vgt.s32 v8, v5;
	vm11 =	vlt.s32 v9, $0x3FF  }
0x83: {  	vm3 =	vmand vm3, vm10;
	v8 =	vnsel vm11, $0x3FF, v9  }
0x84: {  	v8 =	vadd.s32 v3, v8;
	_ =	sdelay $0x4  }
0x85: {  	[tilespmem:v8+s15+$0x0] =	vst.idx.add.s32.msk vm3, v4  }
0x86: {  	v8 =	vld [tilespmem:s22+$0xFFFFFFE0];
	_ =	sdelay $0x4  }
0x87: {  	s25 =	sadd.s32 $0x2, s23;
	v58 =	vsub.s32 v8, v6  }
0x88: {  	p0 =	slt.s32 s25, s21;
	vm3 =	vmmov vm2;
	v9 =	vshrl.u32 v58, v7  }
0x89: {  	vm3 =	vmneg @p0 vm3;
	vm12 =	vgt.s32 v8, v5;
	vm13 =	vlt.s32 v9, $0x3FF  }
0x8a: {  	vm3 =	vmand vm3, vm12;
	v8 =	vnsel vm13, $0x3FF, v9  }
0x8b: {  	v8 =	vadd.s32 v3, v8;
	_ =	sdelay $0x4  }
0x8c: {  	[tilespmem:v8+s15+$0x0] =	vst.idx.add.s32.msk vm3, v4  }
0x8d: {  	v8 =	vld [tilespmem:s22+$0xFFFFFFF0];
	_ =	sdelay $0x4  }
0x8e: {  	s26 =	sadd.s32 $0x3, s23;
	v59 =	vsub.s32 v8, v6  }
0x8f: {  	p0 =	slt.s32 s26, s21;
	vm3 =	vmmov vm2;
	v9 =	vshrl.u32 v59, v7  }
0x90: {  	vm3 =	vmneg @p0 vm3;
	vm14 =	vgt.s32 v8, v5;
	vm15 =	vlt.s32 v9, $0x3FF  }
0x91: {  	vm3 =	vmand vm3, vm14;
	v8 =	vnsel vm15, $0x3FF, v9  }
0x92: {  	v8 =	vadd.s32 v3, v8;
	_ =	sdelay $0x4  }
0x93: {  	[tilespmem:v8+s15+$0x0] =	vst.idx.add.s32.msk vm3, v4  }
0x94: {  	v8 =	vld [tilespmem:s22+$0x0];
	_ =	sdelay $0x4  }
0x95: {  	s28 =	sadd.s32 $0x4, s23;
	v60 =	vsub.s32 v8, v6  }
0x96: {  	p0 =	slt.s32 s28, s21;
	vm3 =	vmmov vm2;
	v9 =	vshrl.u32 v60, v7  }
0x97: {  	vm3 =	vmneg @p0 vm3;
	vm8 =	vgt.s32 v8, v5;
	vm9 =	vlt.s32 v9, $0x3FF  }
0x98: {  	vm3 =	vmand vm3, vm8;
	v8 =	vnsel vm9, $0x3FF, v9  }
0x99: {  	v8 =	vadd.s32 v3, v8;
	_ =	sdelay $0x4  }
0x9a: {  	[tilespmem:v8+s15+$0x0] =	vst.idx.add.s32.msk vm3, v4  }
0x9b: {  	v8 =	vld [tilespmem:s22+$0x10];
	_ =	sdelay $0x4  }
0x9c: {  	s29 =	sadd.s32 $0x5, s23;
	v61 =	vsub.s32 v8, v6  }
0x9d: {  	p0 =	slt.s32 s29, s21;
	vm3 =	vmmov vm2;
	v9 =	vshrl.u32 v61, v7  }
0x9e: {  	vm3 =	vmneg @p0 vm3;
	vm10 =	vgt.s32 v8, v5;
	vm11 =	vlt.s32 v9, $0x3FF  }
0x9f: {  	vm3 =	vmand vm3, vm10;
	v8 =	vnsel vm11, $0x3FF, v9  }
0xa0: {  	v8 =	vadd.s32 v3, v8;
	_ =	sdelay $0x4  }
0xa1: {  	[tilespmem:v8+s15+$0x0] =	vst.idx.add.s32.msk vm3, v4  }
0xa2: {  	v8 =	vld [tilespmem:s22+$0x20];
	_ =	sdelay $0x4  }
0xa3: {  	s30 =	sadd.s32 $0x6, s23;
	v62 =	vsub.s32 v8, v6  }
0xa4: {  	p0 =	slt.s32 s30, s21;
	vm3 =	vmmov vm2;
	v9 =	vshrl.u32 v62, v7  }
0xa5: {  	vm3 =	vmneg @p0 vm3;
	vm12 =	vgt.s32 v8, v5;
	vm13 =	vlt.s32 v9, $0x3FF  }
0xa6: {  	vm3 =	vmand vm3, vm12;
	v8 =	vnsel vm13, $0x3FF, v9  }
0xa7: {  	v8 =	vadd.s32 v3, v8;
	_ =	sdelay $0x4  }
0xa8: {  	[tilespmem:v8+s15+$0x0] =	vst.idx.add.s32.msk vm3, v4  }
0xa9: {  	v8 =	vld [tilespmem:s22+$0x30];
	_ =	sdelay $0x4  }
0xaa: {  	s31 =	sadd.s32 $0x7, s23;
	v63 =	vsub.s32 v8, v6  }
0xab: {  	p0 =	slt.s32 s31, s21;
	vm3 =	vmmov vm2;
	v9 =	vshrl.u32 v63, v7  }
0xac: {  	vm3 =	vmneg @p0 vm3;
	vm14 =	vgt.s32 v8, v5;
	vm15 =	vlt.s32 v9, $0x3FF  }
0xad: {  	vm3 =	vmand vm3, vm14;
	v8 =	vnsel vm15, $0x3FF, v9  }
0xae: {  	p0 =	slt.u32 s23, $0x78;
	v8 =	vadd.s32 v3, v8  }
.Ltmp3:
0xaf: {  	_ = 	snop;
	(pc) =	sbr.rel @p0 .LBB2_8-.Ltmp3, $2  }
0xb0: {  	_ =	sdelay $0x2  }
0xb1: {  	s22 =	sadd.s32 $0x80, s22;
	s23 =	sadd.s32 $0x8, s23;
	[tilespmem:v8+s15+$0x0] =	vst.idx.add.s32.msk vm3, v4  }
0xb2: {  	s20 =	sadd.s32 $0x1, s20  }
0xb3: {  	p0 =	sne.s32 s20, s19  }
.Ltmp4:
0xb4: {  	_ = 	snop;
	(pc) =	sbr.rel @p0 .LBB2_7-.Ltmp4, $1  }
0xb5: {  	_ =	sdelay $0x3  }
.LBB2_10:
0xb6: {  	s18 =	simm.s32 $0x0  }
0xb7: {  	v5 =	vld [tilespmem:s18+$0xC810]  }
0xb8: {  	v6 =	vld [tilespmem:s18+$0xCC10]  }
0xb9: {  	v7 =	vld [tilespmem:s18+$0xD010]  }
0xba: {  	v8 =	vld [tilespmem:s18+$0xD410]  }
0xbb: {  	v9 =	vld [tilespmem:s18+$0xD810]  }
0xbc: {  	v10 =	vld [tilespmem:s18+$0xDC10]  }
0xbd: {  	v5 =	vadd.s32 v5, v6;
	v6 =	vld [tilespmem:s18+$0xE010]  }
0xbe: {  	v5 =	vadd.s32 v7, v5;
	v7 =	vld [tilespmem:s18+$0xE410]  }
0xbf: {  	v5 =	vadd.s32 v8, v5;
	v8 =	vld [tilespmem:s18+$0xE810]  }
0xc0: {  	v5 =	vadd.s32 v9, v5;
	v9 =	vld [tilespmem:s18+$0xEC10]  }
0xc1: {  	v5 =	vadd.s32 v10, v5;
	v10 =	vld [tilespmem:s18+$0xF010]  }
0xc2: {  	v11 =	vld [tilespmem:s18+$0xF410];
	v5 =	vadd.s32 v6, v5  }
0xc3: {  	v6 =	vld [tilespmem:s18+$0xF810];
	v5 =	vadd.s32 v7, v5  }
0xc4: {  	v7 =	vld [tilespmem:s18+$0xFC10];
	v5 =	vadd.s32 v8, v5  }
0xc5: {  	v8 =	vld [tilespmem:s18+$0x10010];
	v5 =	vadd.s32 v9, v5  }
0xc6: {  	s19 =	simm.s32 $0x10;
	v9 =	vld [tilespmem:s18+$0x10410];
	v10 =	vadd.s32 v10, v5  }
0xc7: {  	s20 =	simm.s32 $0x80;
	v5 =	vld [tilespmem:s19+$0xC810];
	v10 =	vadd.s32 v11, v10  }
.LBB2_11:
0xc8: {  	p0 =	sne.s32 s20, $0xFC0;
	v11 =	vld [tilespmem:s19+$0xCC10];
	v6 =	vadd.s32 v6, v10  }
0xc9: {  	v10 =	vld [tilespmem:s19+$0xD010];
	v6 =	vadd.s32 v7, v6  }
0xca: {  	v7 =	vld [tilespmem:s19+$0xD410];
	v6 =	vadd.s32 v8, v6  }
0xcb: {  	v8 =	vld [tilespmem:s19+$0xD810];
	v6 =	vadd.s32 v9, v6  }
0xcc: {  	v9 =	vld [tilespmem:s19+$0xDC10];
	[tilespmem:s18+$0x10810] =	vst v6;
	s18 =	smov.u32 s19  }
0xcd: {  	v5 =	vadd.s32 v5, v11;
	v6 =	vld [tilespmem:s18+$0xE010]  }
0xce: {  	v5 =	vadd.s32 v10, v5;
	v10 =	vld [tilespmem:s18+$0xE410]  }
0xcf: {  	v5 =	vadd.s32 v7, v5;
	v7 =	vld [tilespmem:s18+$0xE810]  }
0xd0: {  	v5 =	vadd.s32 v8, v5;
	v8 =	vld [tilespmem:s18+$0xEC10]  }
0xd1: {  	v5 =	vadd.s32 v9, v5;
	v9 =	vld [tilespmem:s18+$0xF010]  }
0xd2: {  	v5 =	vadd.s32 v6, v5;
	v11 =	vld [tilespmem:s18+$0xF410]  }
.Ltmp5:
0xd3: {  	v5 =	vadd.s32 v10, v5;
	v6 =	vld [tilespmem:s18+$0xF810];
	(pc) =	sbr.rel @p0 .LBB2_11-.Ltmp5, $4  }
0xd4: {  	v5 =	vadd.s32 v7, v5;
	v7 =	vld [tilespmem:s18+$0xFC10]  }
0xd5: {  	v5 =	vadd.s32 v8, v5;
	v8 =	vld [tilespmem:s18+$0x10010]  }
0xd6: {  	s19 =	sshra.s32 s20, $0x2;
	v10 =	vadd.s32 v9, v5;
	v9 =	vld [tilespmem:s18+$0x10410]  }
0xd7: {  	s20 =	sadd.s32 $0x40, s20;
	v5 =	vld [tilespmem:s19+$0xC810];
	v10 =	vadd.s32 v11, v10  }
0xd8: {  	v11 =	vld [tilespmem:s19+$0xCC10];
	v6 =	vadd.s32 v6, v10  }
0xd9: {  	v55 =	vld [tilespmem:s19+$0xD010];
	v6 =	vadd.s32 v7, v6  }
0xda: {  	v7 =	vld [tilespmem:s19+$0xD410];
	v6 =	vadd.s32 v8, v6  }
0xdb: {  	v56 =	vld [tilespmem:s19+$0xD810];
	v6 =	vadd.s32 v9, v6  }
0xdc: {  	v57 =	vld [tilespmem:s19+$0xDC10];
	[tilespmem:s18+$0x10810] =	vst v6  }
0xdd: {  	v5 =	vadd.s32 v5, v11;
	v6 =	vld [tilespmem:s19+$0xE010]  }
0xde: {  	v58 =	vld [tilespmem:s19+$0xE410];
	v5 =	vadd.s32 v55, v5  }
0xdf: {  	v5 =	vadd.s32 v7, v5;
	v7 =	vld [tilespmem:s19+$0xE810]  }
0xe0: {  	v59 =	vld [tilespmem:s19+$0xEC10];
	v5 =	vadd.s32 v56, v5  }
0xe1: {  	v60 =	vld [tilespmem:s19+$0xF010];
	v5 =	vadd.s32 v57, v5  }
0xe2: {  	v5 =	vadd.s32 v6, v5;
	v6 =	vld [tilespmem:s19+$0xF410]  }
0xe3: {  	v61 =	vld [tilespmem:s19+$0xF810];
	v5 =	vadd.s32 v58, v5  }
0xe4: {  	v5 =	vadd.s32 v7, v5;
	v7 =	vld [tilespmem:s19+$0xFC10]  }
0xe5: {  	v62 =	vld [tilespmem:s19+$0x10010];
	v5 =	vadd.s32 v59, v5  }
0xe6: {  	v63 =	vld [tilespmem:s19+$0x10410];
	v5 =	vadd.s32 v60, v5  }
0xe7: {  	v5 =	vadd.s32 v6, v5  }
0xe8: {  	v5 =	vadd.s32 v61, v5  }
0xe9: {  	v5 =	vadd.s32 v7, v5  }
0xea: {  	s17 =	sadd.s32 $0x1, s17;
	v5 =	vadd.s32 v62, v5  }
0xeb: {  	p0 =	sne.s32 s17, s7;
	v5 =	vadd.s32 v63, v5  }
.Ltmp6:
0xec: {  	[tilespmem:s19+$0x10810] =	vst v5;
	(pc) =	sbr.rel @p0 .LBB2_1-.Ltmp6, $4  }
0xed: {  	[hbm4b:s6+s4] =	stream.linear.scatter [tilespmem:s16], [sflag:$0x2], $0x400, $0x38;
	[tilespmem:$0x10C10] =	vst v63  }
0xee: {  	_ =	swait.ge [sflag:s9], $0x400  }
0xef: {  	[sflag:s9] =	ssyncset.done $0x0  }
0xf0: {  	[sflag:s9] =	ssyncadd.s32 $0xFFFFFC00  }
0xf1: {  	_ =	sfence.sel $0x180000  }
0xf2: {  	[bflag:$0x0] =	sbarrier.arrive $0xFFFF  }
0xf3: {  	p0 =	sne.s32 s2, $0x0;
	_ =	strace $0x9000004D  }
0xf4: {  	s0 =	sadd.s32 @!p0 $0x100000, s0;
	[bflag:$0x2] =	sbarrier.arrive $0xFFFF  }
0xf5: {  	[sflag:s0] =	ssyncadd.tile.s32 @!p0 $0x1;
	_ =	shalt  }
.Lfunc_end2:
_tile_overlayer_lowered:
.L_overlay_start_2:
0xf6: {  	(tag) =	ssettag $0x2  }
0xf7: {  	s0 =	rddreg [dreg:$0x0];
	s2 =	stileid.u32  }
0xf8: {  	s1 =	rddreg [dreg:$0x1];
	p0 =	sne.s32 s2, $0x0  }
0xf9: {  	s3 =	rddreg [dreg:$0x2];
	[bflag:$0x3] =	sbarrier.arrive $0xFFFF;
	s2 =	simm.s32 @!p0 $0x1C02  }
0xfa: {  	[timem:s3], [sflag:s2] =	dma.local @!p0 [hbm:s0], s1  }
0xfb: {  	s0 =	simm.s32 @!p0 $0x2  }
0xfc: {  	_ =	swait.ge @!p0 [sflag:s0], s1  }
0xfd: {  	s1 =	ssub.s32 @!p0 $0x0, s1;
	[sflag:s0] =	ssyncset.done @!p0 $0x0  }
0xfe: {  	[sflag:s0] =	ssyncadd.s32 @!p0 s1  }
0xff: {  	[bflag:$0x3] =	sbarrier.arrive $0xFFFF  }
0x100: {  	_ =	shalt  }

// kernel: kernel.13.cloned.1.call-start
scs
__scs_entry_jumppad:
0x0: {  	(pc) =	sbr.rel $0x88, $3  }
0x1: {  	(tag) =	ssettag $0x0;
	lr =	simm.s32 $0x1  }
0x2: {  	[smem:$0x3F9D] =	sst lr;
	_ =	strace $0xD0000000  }
0x3: {  	_ = 	snop  }
0x4: {  	_ = 	snop  }
0x5: {  	_ = 	snop  }
0x6: {  	_ = 	snop  }
0x7: {  	_ = 	snop  }
__scs_overlays_trampoline_lowered:
0x8: {  	[smem:$0x3FAC] =	sst s0  }
0x9: {  	[smem:$0x3FAD] =	sst s1  }
0xa: {  	[smem:$0x3FAE] =	sst s2  }
0xb: {  	[smem:$0x3FAF] =	sst s3  }
0xc: {  	[smem:$0x3FB0] =	sst s4  }
0xd: {  	[smem:$0x3FB1] =	sst s5  }
0xe: {  	[smem:$0x3FB2] =	sst s6  }
0xf: {  	[smem:$0x3FB3] =	sst s7  }
0x10: {  	[smem:$0x3FB4] =	sst s8  }
0x11: {  	[smem:$0x3FB5] =	sst s9;
	s0 =	simm.s32 @!p0 $0x0  }
0x12: {  	s1 =	sld [smem:$0x3F9B];
	s0 =	simm.s32 @p0 $0x1  }
0x13: {  	[smem:$0x3FB6] =	sst s0;
	s0 =	simm.s32 @!p1 $0x0  }
0x14: {  	s2 =	sld [smem:$0x3F9A];
	s0 =	simm.s32 @p1 $0x1  }
0x15: {  	[smem:$0x3FB7] =	sst s0;
	s0 =	simm.s32 @!p2 $0x0  }
0x16: {  	s3 =	sld [smem:$0x3FDB];
	s0 =	simm.s32 @p2 $0x1  }
0x17: {  	s4 =	simm.s32 $0x1BF5;
	[smem:$0x3FB9] =	sst s0  }
0x18: {  	s0 =	sld [smem:$0x3F9C];
	_ =	swait.ge [sflag:s4], $0x0  }
0x19: {  	s7 =	sld [smem:$0x3F9D]  }
0x1a: {  	s8 =	sadd.s32 $0xFFFFE003, lr  }
0x1b: {  	s9 =	sadd.s32 $0xFFFFFEF7, lr;
	s5 =	simm.s32 $0xFFFFFFFF;
	p2 =	slt.u32 s8, $0xFFFFF086  }
0x1c: {  	p1 =	slt.u32 s9, $0xF7A;
	s5 =	simm.s32 @!p2 $0x0  }
0x1d: {  	s5 =	simm.s32 @p1 $0x1;
	p0 =	seq.s32 s7, s2  }
0x1e: {  	s7 =	smul.u32 @!p0 $0xF7A, s2;
	p2 =	seq.s32 @!p0 s5, $0x0  }
0x1f: {  	s9 =	smul.u32 $0xF7A, s1;
	s8 =	simm.s32 @!p0 $0x1BF5;
	p2 =	por !p2, p0  }
0x20: {  	[sflag:s8] =	ssyncset.s32 @!p0 $0xFFFFF086;
	s6 =	sadd.s32 @!p0 s3, s7;
	s7 =	simm.s32 @!p0 $0x108  }
0x21: {  	s3 =	sadd.s32 s3, s9;
	s6 =	sadd.s32 @!p0 $0x88, s6;
	s7 =	simm.s32 @p2 $0x1082  }
0x22: {  	[simem:s7], [sflag:s8] =	dma.local @!p0 [hbm:s6], $0xF7A  }
0x23: {  	s9 =	sor.u32 $0xD0000000, s2;
	s6 =	simm.s32 $0x108;
	_ =	swait.ge @!p0 [sflag:s8], $0x0  }
0x24: {  	s3 =	sadd.s32 $0x88, s3;
	s6 =	simm.s32 @!p1 $0x1082;
	[sflag:s4] =	ssyncset.s32 $0xFFFFF086  }
0x25: {  	[simem:s6], [sflag:s4] =	dma.local [hbm:s3], $0xF7A  }
0x26: {  	[smem:$0x3F9D] =	sst s1;
	(tag) =	ssettag s2;
	_ =	strace s9  }
0x27: {  	s1 =	sld [smem:$0x3FAD]  }
0x28: {  	s2 =	sld [smem:$0x3FAE]  }
0x29: {  	s4 =	sld [smem:$0x3FB0]  }
0x2a: {  	p0 =	seq.s32 s5, $0x0;
	s5 =	sld [smem:$0x3FB1]  }
0x2b: {  	s6 =	sld [smem:$0x3FB2]  }
0x2c: {  	s7 =	sld [smem:$0x3FB3]  }
0x2d: {  	s3 =	simm.s32 $0x108;
	s8 =	sld [smem:$0x3FB4]  }
0x2e: {  	s3 =	simm.s32 @!p0 $0x1082;
	s9 =	sld [smem:$0x3FB5]  }
0x2f: {  	lr =	sadd.s32 s0, s3;
	s0 =	sld [smem:$0x3FAC]  }
0x30: {  	s3 =	sld [smem:$0x3FAF]  }
0x31: {  	[smem:$0x3FB8] =	sst s10  }
0x32: {  	s10 =	sld [smem:$0x3FB6];
	_ =	sdelay $0x3  }
0x33: {  	p0 =	seq.s32 s10, $0x1;
	s10 =	sld [smem:$0x3FB8];
	_ =	sdelay $0x3  }
0x34: {  	[smem:$0x3FB8] =	sst s10  }
0x35: {  	s10 =	sld [smem:$0x3FB7];
	_ =	sdelay $0x3  }
0x36: {  	p1 =	seq.s32 s10, $0x1;
	s10 =	sld [smem:$0x3FB8];
	_ =	sdelay $0x3  }
0x37: {  	[smem:$0x3FB8] =	sst s10  }
0x38: {  	s10 =	sld [smem:$0x3FB9]  }
0x39: {  	_ = 	snop;
	(pc) =	sbr.ind lr, $3  }
0x3a: {  	_ = 	snop  }
0x3b: {  	_ = 	snop  }
0x3c: {  	p2 =	seq.s32 s10, $0x1;
	s10 =	sld [smem:$0x3FB8]  }
0x3d: {  	_ =	shalt  }
0x3e: {  	_ =	shalt  }
0x3f: {  	_ =	shalt  }
0x40: {  	_ =	shalt  }
0x41: {  	_ =	shalt  }
0x42: {  	_ =	shalt  }
0x43: {  	_ =	shalt  }
0x44: {  	_ =	shalt  }
0x45: {  	_ =	shalt  }
0x46: {  	_ =	shalt  }
0x47: {  	_ =	shalt  }
0x48: {  	_ =	shalt  }
0x49: {  	_ =	shalt  }
0x4a: {  	_ =	shalt  }
0x4b: {  	_ =	shalt  }
0x4c: {  	_ =	shalt  }
0x4d: {  	_ =	shalt  }
0x4e: {  	_ =	shalt  }
0x4f: {  	_ =	shalt  }
0x50: {  	_ =	shalt  }
0x51: {  	_ =	shalt  }
0x52: {  	_ =	shalt  }
0x53: {  	_ =	shalt  }
0x54: {  	_ =	shalt  }
0x55: {  	_ =	shalt  }
0x56: {  	_ =	shalt  }
0x57: {  	_ =	shalt  }
0x58: {  	_ =	shalt  }
0x59: {  	_ =	shalt  }
0x5a: {  	_ =	shalt  }
0x5b: {  	_ =	shalt  }
0x5c: {  	_ =	shalt  }
0x5d: {  	_ =	shalt  }
0x5e: {  	_ =	shalt  }
0x5f: {  	_ =	shalt  }
0x60: {  	_ =	shalt  }
0x61: {  	_ =	shalt  }
0x62: {  	_ =	shalt  }
0x63: {  	_ =	shalt  }
0x64: {  	_ =	shalt  }
0x65: {  	_ =	shalt  }
0x66: {  	_ =	shalt  }
0x67: {  	_ =	shalt  }
0x68: {  	_ =	shalt  }
0x69: {  	_ =	shalt  }
0x6a: {  	_ =	shalt  }
0x6b: {  	_ =	shalt  }
0x6c: {  	_ =	shalt  }
0x6d: {  	_ =	shalt  }
0x6e: {  	_ =	shalt  }
0x6f: {  	_ =	shalt  }
0x70: {  	_ =	shalt  }
0x71: {  	_ =	shalt  }
0x72: {  	_ =	shalt  }
0x73: {  	_ =	shalt  }
0x74: {  	_ =	shalt  }
0x75: {  	_ =	shalt  }
0x76: {  	_ =	shalt  }
0x77: {  	_ =	shalt  }
0x78: {  	_ =	shalt  }
0x79: {  	_ =	shalt  }
0x7a: {  	_ =	shalt  }
0x7b: {  	_ =	shalt  }
0x7c: {  	_ =	shalt  }
0x7d: {  	_ =	shalt  }
0x7e: {  	_ =	shalt  }
0x7f: {  	_ =	shalt  }
0x80: {  	_ =	shalt  }
0x81: {  	_ =	shalt  }
0x82: {  	_ =	shalt  }
0x83: {  	_ =	shalt  }
0x84: {  	_ =	shalt  }
0x85: {  	_ =	shalt  }
0x86: {  	_ =	shalt  }
0x87: {  	_ =	shalt  }
.Lfunc_end0:
.L_simem_size_0:
called_computation.3_lowered:
.L_overlay_start_0:
0x88: {  	s2 =	sld [smem:$0x3FD9]  }
0x89: {  	s3 =	sld [smem:$0x3FFE];
	_ =	sdelay $0x1  }
0x8a: {  	s1 =	srdreg.scid  }
0x8b: {  	s0 =	sand.u32 $0x1, s1  }
0x8c: {  	s14 =	sshll.u32 s0, $0xA;
	s2 =	sadd.s32 s3, s2  }
0x8d: {  	s2 =	sadd.s32 s2, s14  }
0x8e: {  	[smem:$0x3FC4] =	sst s2  }
0x8f: {  	_ = 	snop  }
0x90: {  	s2 =	sld [smem:$0x3FD0];
	_ =	sdelay $0x2  }
0x91: {  	s15 =	simm.s32 $0xA;
	s4 =	simm.s32 $0x10  }
0x92: {  	[smem:s4], [sflag:s15] =	dma.local [hbm:s2], $0x1  }
0x93: {  	_ =	swait.eq [sflag:s15], $0x1  }
0x94: {  	s16 =	sld [smem:$0x10];
	[sflag:s15] =	ssyncset.done $0x0  }
0x95: {  	s17 =	sld [smem:$0x11];
	[sflag:s15] =	ssyncadd.s32 $0xFFFFFFFF  }
0x96: {  	s18 =	sld [smem:$0x13];
	(tm) =	ssettm $0x1  }
0x97: {  	s5 =	sld [smem:$0x3FFB];
	_ =	sdelay $0x3  }
0x98: {  	_ =	strace s5  }
0x99: {  	s5 =	sld [smem:$0x3FFC];
	_ =	sdelay $0x3  }
0x9a: {  	_ =	strace s5  }
0x9b: {  	s5 =	sld [smem:$0x3FFD];
	_ =	sdelay $0x3  }
0x9c: {  	_ =	strace s5  }
0x9d: {  	_ =	strace $0x8FFFFFFF  }
0x9e: {  	s19 =	sld [smem:$0x3FDB];
	_ =	sdelay $0x1  }
0x9f: {  	s6 =	simm.s32 $_scs_section_size  }
0xa0: {  	s7 =	simm.s32 $_size__tile_overlayer_lowered;
	s8 =	simm.s32 $_tile_overlayer_lowered  }
0xa1: {  	s22 =	simm.s32 $0x1BFF;
	s21 =	sshll.u32 s8, $0x1;
	s5 =	sadd.s32 s6, s19  }
0xa2: {  	s9 =	simm.s32 $0x0;
	s20 =	sshll.u32 s7, $0x1;
	s7 =	sadd.s32 s21, s5  }
0xa3: {  	[timem:s9], [sflag:s22] =	dma.local [hbm:s7], s20  }
0xa4: {  	_ =	swait.ge [sflag:s22], s20  }
0xa5: {  	s6 =	ssub.s32 $0x0, s20;
	[sflag:s22] =	ssyncset.done $0x0  }
0xa6: {  	[sflag:s22] =	ssyncadd.s32 s6;
	_ =	sdelay $0x1  }
0xa7: {  	s23 =	simm.s32 $0x1B8B  }
0xa8: {  	_ =	swait.ge [sflag:s23], $0x1  }
0xa9: {  	[sflag:s23] =	ssyncset.done $0x0  }
0xaa: {  	s25 =	simm.s32 $0x1B8E;
	s24 =	sld [smem:$0x3FFE];
	[sflag:s23] =	ssyncadd.s32 $0xFFFFFFFF  }
0xab: {  	s26 =	simm.s32 $execute0_lowered;
	[smem:$0x3FD2] =	sst s25  }
0xac: {  	s7 =	sshll.u32 s26, $0x1;
	_ =	strace $0x8000004F;
	[dreg:$0x1] =	wrdreg $0xFFFFFFFF  }
0xad: {  	s28 =	simm.s32 $_size_execute0_lowered;
	s5 =	sadd.s32 s5, s7;
	[dreg:$0x0] =	wrdreg $0x0  }
0xae: {  	s7 =	sshll.u32 s28, $0x1;
	[dreg:$0x2] =	wrdreg s5  }
0xaf: {  	[dreg:$0x3] =	wrdreg s7  }
0xb0: {  	[dreg:$0x4] =	wrdreg $0xC0  }
0xb1: {  	_ =	task [dreg:s9], $0x5FFFF  }
0xb2: {  	[dreg:$0x1] =	wrdreg $0xFFFFFFFF  }
0xb3: {  	[dreg:$0x0] =	wrdreg $0x60  }
0xb4: {  	[dreg:$0x2] =	wrdreg s18  }
0xb5: {  	[dreg:$0x3] =	wrdreg s16  }
0xb6: {  	[dreg:$0x4] =	wrdreg s17  }
0xb7: {  	[dreg:$0x5] =	wrdreg s24  }
0xb8: {  	[dreg:$0x6] =	wrdreg $0x9  }
0xb9: {  	_ =	task.clear_ibuf [dreg:s9], $0x7FFFF;
	_ =	strace $0x9000004F  }
0xba: {  	s29 =	simm.s32 $0x9;
	_ =	strace $0x80000051  }
0xbb: {  	_ =	swait.ge [sflag:s29], $0x1  }
0xbc: {  	[sflag:s29] =	ssyncadd.s32 $0xFFFFFFFF  }
0xbd: {  	_ =	strace $0x90000051  }
0xbe: {  	_ =	sfence  }
0xbf: {  	s30 =	sld [smem:$0x0];
	_ =	sdelay $0x2  }
0xc0: {  	s31 =	sshll.u32 s1, $0xD;
	s1 =	sshrl.u32 s1, $0x2  }
0xc1: {  	s3 =	sand.u32 $0x4000, s31;
	s1 =	sadd.s32 s1, s30  }
0xc2: {  	s0 =	sor.u32 s3, s0;
	s1 =	sshll.u32 s1, $0x11  }
0xc3: {  	s0 =	sor.u32 s1, s0  }
0xc4: {  	s0 =	sadd.s32 $0x8F2B, s0  }
0xc5: {  	[sflag:s0] =	ssyncadd.remote.s32 $0x1  }
0xc6: {  	_ =	sfence.sel $0xFFFF  }
0xc7: {  	[dreg:$0x0] =	wrdreg $0xFFFFFFFF;
	(pc) =	sbr.abs _section_cstart, $3  }
0xc8: {  	[dreg:$0x1] =	wrdreg $0xFFFFFFFF  }
0xc9: {  	_ =	task.clear_ibuf [dreg:s9], $0x2FFFF;
	_ =	strace $0x9FFFFFFF  }
0xca: {  	(tm) =	ssettm $0x7FFFFFFF  }
0xcb: {  	_ =	shalt  }
tec
execute0_lowered:
.L_overlay_start_1:
0x0: {  	(tag) =	ssettag $0x1  }
0x1: {  	s1 =	rddreg [dreg:$0x0]  }
0x2: {  	s5 =	rddreg [dreg:$0x1]  }
0x3: {  	s3 =	rddreg [dreg:$0x2]  }
0x4: {  	s6 =	rddreg [dreg:$0x3]  }
0x5: {  	s0 =	rddreg [dreg:$0x4]  }
0x6: {  	s7 =	srdreg.scid;
	s2 =	stileid.u32;
	s4 =	simm.s32 $0x0  }
0x7: {  	s15 =	simm.s32 $0xC810;
	s16 =	simm.s32 $0x10810;
	s17 =	simm.s32 $0x0  }
0x8: {  	s7 =	sand.u32 $0x1, s7;
	s8 =	sshll.u32 s2, $0x1;
	s11 =	smul.u32 $0xC000, s2  }
0x9: {  	[smem:$0x7FF] =	sst s4;
	s8 =	sor.u32 s7, s8;
	s14 =	smul.u32 $0x6000, s7  }
0xa: {  	s10 =	ssub.s32 $0x2, s7;
	s9 =	smul.u32 $0x6000, s8;
	s8 =	sshll.u32 s8, $0x7  }
0xb: {  	_ =	strace $0x80000050;
	s12 =	sshrl.u32 s10, $0x1;
	s6 =	sadd.s32 s8, s6  }
0xc: {  	s31 =	ssub.s32 s10, s12;
	s8 =	sadd.s32 s14, s11;
	s10 =	simm.s32 $0x10  }
0xd: {  	v1 =	vimm.s32 $0x0;
	vm0 =	vmmov $0x1;
	s11 =	simm.s32 $0x6010;
	s12 =	simm.s32 $0x1;
	s14 =	simm.s32 $0xC010  }
0xe: {  	v2 =	vlaneseq.u32;
	vm1 =	vcmask $0x308;
	vm2 =	vmxor vm2, vm2;
	s13 =	sshrl.u32 s9, $0x3;
	s6 =	sadd.s32 $0x180200, s6;
	s7 =	smax.u32 s31, $0x1  }
0xf: {  	v4 =	vimm.s32 $0x1;
	v3 =	vmul.u32 $0x400, v2;
	v0 =	vmov s9;
	s9 =	simm.s32 $0x2;
	s5 =	sadd.s32 s5, s13;
	s13 =	simm.s32 $0x80  }
.LBB2_1:
0x10: {  	[tilespmem:s4], [sflag:$0x2] =	stream.linear.gather [hbm4b:s1+s4], $0x10, $0x38;
	[tilespmem:$0x10C10] =	vst v63  }
0x11: {  	_ =	swait.ge [sflag:s9], $0x10  }
0x12: {  	[sflag:s9] =	ssyncset.done $0x0  }
0x13: {  	[sflag:s9] =	ssyncadd.s32 $0xFFFFFFF0  }
0x14: {  	v6 =	vld [tilespmem:$0x0];
	[tilespmem:s10], [sflag:$0x2] =	stream.linear.gather [hbm4b:s5+s4], $0x6000, $0x38  }
0x15: {  	_ =	swait.ge [sflag:s9], $0x6000  }
0x16: {  	[sflag:s9] =	ssyncset.done $0x0  }
0x17: {  	s18 =	simm.s32 $0xC850;
	[sflag:s9] =	ssyncadd.s32 $0xFFFFA000  }
0x18: {  	[tilespmem:s18+$0xFFFFFFC0] =	vst v1  }
0x19: {  	[tilespmem:s18+$0x30] =	vst v1  }
0x1a: {  	[tilespmem:s18+$0x20] =	vst v1  }
0x1b: {  	[tilespmem:s18+$0x10] =	vst v1  }
0x1c: {  	[tilespmem:s18+$0x0] =	vst v1  }
0x1d: {  	[tilespmem:s18+$0xFFFFFFF0] =	vst v1  }
0x1e: {  	s19 =	simm.s32 $0x0;
	[tilespmem:s18+$0xFFFFFFE0] =	vst v1  }
.LBB2_2:
0x1f: {  	s19 =	sadd.s32 $0x8, s19;
	[tilespmem:s18+$0xFFFFFFD0] =	vst v1;
	s18 =	sadd.s32 $0x80, s18  }
0x20: {  	[tilespmem:s18+$0xFFFFFFC0] =	vst v1;
	p0 =	slt.u32 s19, $0x3F8  }
0x21: {  	[tilespmem:s18+$0x30] =	vst v1  }
.Ltmp0:
0x22: {  	[tilespmem:s18+$0x20] =	vst v1;
	(pc) =	sbr.rel @p0 .LBB2_2-.Ltmp0, $4  }
0x23: {  	[tilespmem:s18+$0x10] =	vst v1  }
0x24: {  	[tilespmem:s18+$0x0] =	vst v1  }
0x25: {  	[tilespmem:s18+$0xFFFFFFF0] =	vst v1  }
0x26: {  	[tilespmem:s18+$0xFFFFFFE0] =	vst v1  }
0x27: {  	v5 =	vnsel vm0, $0x0, v6  }
0x28: {  	(xrf0) =	vadd.scan.msk.s32 $0xffff, v5;
	_ =	sdelay $0x5  }
0x29: {  	v7, _, _ =	vpop (xrf0)  }
0x2a: {  	[tilespmem:s18+$0xFFFFFFD0] =	vst v1;
	v8 =	vimm.s32 $0x0;
	s18 =	simm.s32 $0xFFFFFFFC;
	s19 =	simm.s32 $0x30;
	s20 =	smov.u32 s8;
	v5 =	vbroadcast v7, $0xF  }
.LBB2_4:
0x2b: {  	v9 =	vld [tilespmem:s19+$0xFFFFFFE0];
	_ =	sdelay $0x4  }
0x2c: {  	vm3 =	vgt.s32 v9, v5  }
0x2d: {  	v9 =	vsel vm3, $0x1, v1  }
0x2e: {  	(xrf0) =	vadd.scan.msk.s32 $0xffff, v9;
	_ =	sdelay $0x5  }
0x2f: {  	v9, _, _ =	vpop (xrf0)  }
0x30: {  	v9 =	vadd.s32 v9, v8  }
0x31: {  	v9 =	vadd.s32 $0xFFFFFFFF, v9;
	_ =	sdelay $0x3  }
0x32: {  	v10 =	vor.u32 s20, v2  }
0x33: {  	[tilespmem:v9+s11+$0x0] =	vst.idx.msk vm3, v10  }
0x34: {  	v9 =	vld [tilespmem:s19+$0xFFFFFFF0];
	_ =	sdelay $0x4  }
0x35: {  	vm4 =	vgt.s32 v9, v5  }
0x36: {  	v9 =	vsel vm4, $0x1, v1  }
0x37: {  	(xrf0) =	vadd.scan.msk.s32 $0xffff, v9;
	_ =	sdelay $0x1  }
0x38: {  	v9 =	vmpcnt.ones.xlane vm3;
	_ =	sdelay $0x3  }
0x39: {  	v8 =	vadd.s32 v8, v9;
	v9, _, _ =	vpop (xrf0)  }
0x3a: {  	v9 =	vadd.s32 v9, v8  }
0x3b: {  	v9 =	vadd.s32 $0xFFFFFFFF, v9;
	_ =	sdelay $0x2  }
0x3c: {  	s21 =	sadd.s32 $0x10, s20  }
0x3d: {  	v10 =	vor.u32 s21, v2  }
0x3e: {  	[tilespmem:v9+s11+$0x0] =	vst.idx.msk vm4, v10  }
0x3f: {  	v9 =	vld [tilespmem:s19+$0x0];
	_ =	sdelay $0x4  }
0x40: {  	vm3 =	vgt.s32 v9, v5  }
0x41: {  	v9 =	vsel vm3, $0x1, v1  }
0x42: {  	(xrf0) =	vadd.scan.msk.s32 $0xffff, v9;
	_ =	sdelay $0x1  }
0x43: {  	v9 =	vmpcnt.ones.xlane vm4;
	_ =	sdelay $0x3  }
0x44: {  	v8 =	vadd.s32 v8, v9;
	v9, _, _ =	vpop (xrf0)  }
0x45: {  	v9 =	vadd.s32 v9, v8  }
0x46: {  	v9 =	vadd.s32 $0xFFFFFFFF, v9;
	_ =	sdelay $0x2  }
0x47: {  	s30 =	sadd.s32 $0x20, s20  }
0x48: {  	v10 =	vor.u32 s30, v2  }
0x49: {  	[tilespmem:v9+s11+$0x0] =	vst.idx.msk vm3, v10  }
0x4a: {  	v9 =	vld [tilespmem:s19+$0x10];
	_ =	sdelay $0x4  }
0x4b: {  	vm15 =	vgt.s32 v9, v5  }
0x4c: {  	v9 =	vsel vm15, $0x1, v1  }
0x4d: {  	(xrf0) =	vadd.scan.msk.s32 $0xffff, v9;
	_ =	sdelay $0x1  }
0x4e: {  	v9 =	vmpcnt.ones.xlane vm3;
	_ =	sdelay $0x3  }
0x4f: {  	v8 =	vadd.s32 v8, v9;
	v9, _, _ =	vpop (xrf0)  }
0x50: {  	s18 =	sadd.s32 $0x4, s18;
	v9 =	vadd.s32 v9, v8  }
0x51: {  	p0 =	slt.u32 s18, $0x5FC;
	v9 =	vadd.s32 $0xFFFFFFFF, v9  }
.Ltmp1:
0x52: {  	_ = 	snop;
	(pc) =	sbr.rel @p0 .LBB2_4-.Ltmp1, $4  }
0x53: {  	_ = 	snop  }
0x54: {  	s31 =	sadd.s32 $0x30, s20;
	v10 =	vmpcnt.ones.xlane vm15  }
0x55: {  	v11 =	vor.u32 s31, v2  }
0x56: {  	s20 =	sadd.s32 $0x40, s20;
	s19 =	sadd.s32 $0x40, s19;
	v8 =	vadd.s32 v8, v10;
	[tilespmem:v9+s11+$0x0] =	vst.idx.msk vm15, v11  }
0x57: {  	v8 =	vnsel vm0, $0x0, v8  }
0x58: {  	(xrf0) =	vadd.scan.msk.s32 $0xffff, v8;
	_ =	sdelay $0x5  }
0x59: {  	v8, _, _ =	vpop (xrf0)  }
0x5a: {  	(v2sf) =	vpush v8, $0xF;
	_ =	sdelay $0xd  }
0x5b: {  	v8 =	vbroadcast v8, $0xF  }
0x5c: {  	s18 =	spop (v2sf)  }
0x5d: {  	v8 =	vadd.s32 v2, v8;
	s19 =	sadd.s32 $0x10, s18  }
0x5e: {  	vm3 =	vlt.s32 v8, $0x6000;
	s23 =	sadd.s32 $0x20, s18;
	v9 =	vadd.s32 s19, v2  }
0x5f: {  	s24 =	sadd.s32 $0x30, s18;
	s25 =	sadd.s32 $0x40, s18;
	s20 =	sadd.s32 $0x7F, s18;
	v10 =	vadd.s32 s23, v2;
	vm4 =	vlt.s32 v9, $0x6000  }
0x60: {  	s26 =	sadd.s32 $0x50, s18;
	s28 =	sadd.s32 $0x60, s18;
	v11 =	vadd.s32 s24, v2;
	s30 =	sand.u32 $0x7F, s20;
	vm5 =	vlt.s32 v10, $0x6000  }
0x61: {  	v12 =	vadd.s32 s25, v2;
	s31 =	sshra.s32 s20, $0x1F;
	p1 =	slt.s32 s20, $0x1;
	vm6 =	vlt.s32 v11, $0x6000;
	p0 =	sne.s32 s30, $0x0  }
0x62: {  	s29 =	sadd.s32 $0x70, s18;
	v13 =	vadd.s32 s26, v2;
	vm7 =	vlt.s32 v12, $0x6000;
	s19 =	sshrl.u32 s31, $0x19;
	p0 =	por !p1, !p0  }
0x63: {  	v14 =	vadd.s32 s28, v2;
	vm8 =	vlt.s32 v13, $0x6000;
	s19 =	sadd.s32 s19, s20;
	s20 =	simm.s32 $0x1;
	p0 =	por !p0, !p0  }
0x64: {  	[tilespmem:v8+s11+$0x0] =	vst.idx.msk vm3, v0;
	v8 =	vadd.s32 s29, v2;
	vm3 =	vlt.s32 v14, $0x6000;
	s19 =	sshra.s32 s19, $0x7;
	s20 =	simm.s32 @!p0 $0x0  }
0x65: {  	vm15 =	vlt.s32 v8, $0x6000;
	s19 =	ssub.s32 s19, s20;
	[tilespmem:v9+s11+$0x0] =	vst.idx.msk vm4, v0  }
0x66: {  	p0 =	slt.s32 s19, $0x1;
	[tilespmem:v10+s11+$0x0] =	vst.idx.msk vm5, v0  }
.Ltmp2:
0x67: {  	[tilespmem:v11+s11+$0x0] =	vst.idx.msk vm6, v0;
	(pc) =	sbr.rel @p0 .LBB2_10-.Ltmp2, $4  }
0x68: {  	[tilespmem:v12+s11+$0x0] =	vst.idx.msk vm7, v0  }
0x69: {  	[tilespmem:v13+s11+$0x0] =	vst.idx.msk vm8, v0  }
0x6a: {  	[tilespmem:v14+s11+$0x0] =	vst.idx.msk vm3, v0  }
0x6b: {  	[tilespmem:v8+s11+$0x0] =	vst.idx.msk vm15, v0  }
0x6c: {  	(v2sf) =	vpush v7, $0xF;
	_ =	sdelay $0x8  }
0x6d: {  	v6 =	vsel vm1, $0x0, v6  }
0x6e: {  	(xrf0) =	vadd.scan.msk.s32 $0xffff, v6;
	_ =	sdelay $0x4  }
0x6f: {  	s20 =	spop (v2sf)  }
0x70: {  	v7, _, _ =	vpop (xrf0);
	s20 =	sadd.s32 $0x1, s20  }
0x71: {  	v7 =	vbroadcast v7, $0xF;
	v6 =	vmov s20;
	s20 =	simm.s32 $0x0  }
.LBB2_7:
0x72: {  	s21 =	sshll.u32 s20, $0x7  }
0x73: {  	s22 =	sadd.s32 $0x6010, s21  }
0x74: {  	[tilespmem:s14], [sflag:$0x1] =	stream.indirect.gather [hbm4b:s3+s13], $0x10, s22, s13, $0xb8;
	[tilespmem:$0x10C10] =	vst v63  }
0x75: {  	_ =	swait.ge [sflag:s12], $0x800  }
0x76: {  	s23 =	simm.s32 $0x0;
	[sflag:s12] =	ssyncset.done $0x0  }
0x77: {  	s21 =	ssub.s32 s18, s21;
	s22 =	simm.s32 $0xC050;
	[sflag:s12] =	ssyncadd.s32 $0xFFFFF800  }
.LBB2_8:
0x78: {  	v8 =	vld [tilespmem:s22+$0xFFFFFFC0];
	_ =	sdelay $0x4  }
0x79: {  	v9 =	vsub.s32 v8, v6  }
0x7a: {  	p0 =	slt.s32 s23, s21;
	vm3 =	vmmov vm2;
	v9 =	vshrl.u32 v9, v7  }
0x7b: {  	vm3 =	vmneg @p0 vm3;
	vm4 =	vgt.s32 v8, v5;
	vm5 =	vlt.s32 v9, $0x3FF  }
0x7c: {  	vm3 =	vmand vm3, vm4;
	v8 =	vnsel vm5, $0x3FF, v9  }
0x7d: {  	v8 =	vadd.s32 v3, v8;
	_ =	sdelay $0x4  }
0x7e: {  	[tilespmem:v8+s15+$0x0] =	vst.idx.add.s32.msk vm3, v4  }
0x7f: {  	v8 =	vld [tilespmem:s22+$0xFFFFFFD0];
	_ =	sdelay $0x4  }
0x80: {  	s24 =	sadd.s32 $0x1, s23;
	v57 =	vsub.s32 v8, v6  }
0x81: {  	p0 =	slt.s32 s24, s21;
	vm3 =	vmmov vm2;
	v9 =	vshrl.u32 v57, v7  }
0x82: {  	vm3 =	vmneg @p0 vm3;
	vm10 =	vgt.s32 v8, v5;
	vm11 =	vlt.s32 v9, $0x3FF  }
0x83: {  	vm3 =	vmand vm3, vm10;
	v8 =	vnsel vm11, $0x3FF, v9  }
0x84: {  	v8 =	vadd.s32 v3, v8;
	_ =	sdelay $0x4  }
0x85: {  	[tilespmem:v8+s15+$0x0] =	vst.idx.add.s32.msk vm3, v4  }
0x86: {  	v8 =	vld [tilespmem:s22+$0xFFFFFFE0];
	_ =	sdelay $0x4  }
0x87: {  	s25 =	sadd.s32 $0x2, s23;
	v58 =	vsub.s32 v8, v6  }
0x88: {  	p0 =	slt.s32 s25, s21;
	vm3 =	vmmov vm2;
	v9 =	vshrl.u32 v58, v7  }
0x89: {  	vm3 =	vmneg @p0 vm3;
	vm12 =	vgt.s32 v8, v5;
	vm13 =	vlt.s32 v9, $0x3FF  }
0x8a: {  	vm3 =	vmand vm3, vm12;
	v8 =	vnsel vm13, $0x3FF, v9  }
0x8b: {  	v8 =	vadd.s32 v3, v8;
	_ =	sdelay $0x4  }
0x8c: {  	[tilespmem:v8+s15+$0x0] =	vst.idx.add.s32.msk vm3, v4  }
0x8d: {  	v8 =	vld [tilespmem:s22+$0xFFFFFFF0];
	_ =	sdelay $0x4  }
0x8e: {  	s26 =	sadd.s32 $0x3, s23;
	v59 =	vsub.s32 v8, v6  }
0x8f: {  	p0 =	slt.s32 s26, s21;
	vm3 =	vmmov vm2;
	v9 =	vshrl.u32 v59, v7  }
0x90: {  	vm3 =	vmneg @p0 vm3;
	vm14 =	vgt.s32 v8, v5;
	vm15 =	vlt.s32 v9, $0x3FF  }
0x91: {  	vm3 =	vmand vm3, vm14;
	v8 =	vnsel vm15, $0x3FF, v9  }
0x92: {  	v8 =	vadd.s32 v3, v8;
	_ =	sdelay $0x4  }
0x93: {  	[tilespmem:v8+s15+$0x0] =	vst.idx.add.s32.msk vm3, v4  }
0x94: {  	v8 =	vld [tilespmem:s22+$0x0];
	_ =	sdelay $0x4  }
0x95: {  	s28 =	sadd.s32 $0x4, s23;
	v60 =	vsub.s32 v8, v6  }
0x96: {  	p0 =	slt.s32 s28, s21;
	vm3 =	vmmov vm2;
	v9 =	vshrl.u32 v60, v7  }
0x97: {  	vm3 =	vmneg @p0 vm3;
	vm8 =	vgt.s32 v8, v5;
	vm9 =	vlt.s32 v9, $0x3FF  }
0x98: {  	vm3 =	vmand vm3, vm8;
	v8 =	vnsel vm9, $0x3FF, v9  }
0x99: {  	v8 =	vadd.s32 v3, v8;
	_ =	sdelay $0x4  }
0x9a: {  	[tilespmem:v8+s15+$0x0] =	vst.idx.add.s32.msk vm3, v4  }
0x9b: {  	v8 =	vld [tilespmem:s22+$0x10];
	_ =	sdelay $0x4  }
0x9c: {  	s29 =	sadd.s32 $0x5, s23;
	v61 =	vsub.s32 v8, v6  }
0x9d: {  	p0 =	slt.s32 s29, s21;
	vm3 =	vmmov vm2;
	v9 =	vshrl.u32 v61, v7  }
0x9e: {  	vm3 =	vmneg @p0 vm3;
	vm10 =	vgt.s32 v8, v5;
	vm11 =	vlt.s32 v9, $0x3FF  }
0x9f: {  	vm3 =	vmand vm3, vm10;
	v8 =	vnsel vm11, $0x3FF, v9  }
0xa0: {  	v8 =	vadd.s32 v3, v8;
	_ =	sdelay $0x4  }
0xa1: {  	[tilespmem:v8+s15+$0x0] =	vst.idx.add.s32.msk vm3, v4  }
0xa2: {  	v8 =	vld [tilespmem:s22+$0x20];
	_ =	sdelay $0x4  }
0xa3: {  	s30 =	sadd.s32 $0x6, s23;
	v62 =	vsub.s32 v8, v6  }
0xa4: {  	p0 =	slt.s32 s30, s21;
	vm3 =	vmmov vm2;
	v9 =	vshrl.u32 v62, v7  }
0xa5: {  	vm3 =	vmneg @p0 vm3;
	vm12 =	vgt.s32 v8, v5;
	vm13 =	vlt.s32 v9, $0x3FF  }
0xa6: {  	vm3 =	vmand vm3, vm12;
	v8 =	vnsel vm13, $0x3FF, v9  }
0xa7: {  	v8 =	vadd.s32 v3, v8;
	_ =	sdelay $0x4  }
0xa8: {  	[tilespmem:v8+s15+$0x0] =	vst.idx.add.s32.msk vm3, v4  }
0xa9: {  	v8 =	vld [tilespmem:s22+$0x30];
	_ =	sdelay $0x4  }
0xaa: {  	s31 =	sadd.s32 $0x7, s23;
	v63 =	vsub.s32 v8, v6  }
0xab: {  	p0 =	slt.s32 s31, s21;
	vm3 =	vmmov vm2;
	v9 =	vshrl.u32 v63, v7  }
0xac: {  	vm3 =	vmneg @p0 vm3;
	vm14 =	vgt.s32 v8, v5;
	vm15 =	vlt.s32 v9, $0x3FF  }
0xad: {  	vm3 =	vmand vm3, vm14;
	v8 =	vnsel vm15, $0x3FF, v9  }
0xae: {  	p0 =	slt.u32 s23, $0x78;
	v8 =	vadd.s32 v3, v8  }
.Ltmp3:
0xaf: {  	_ = 	snop;
	(pc) =	sbr.rel @p0 .LBB2_8-.Ltmp3, $2  }
0xb0: {  	_ =	sdelay $0x2  }
0xb1: {  	s22 =	sadd.s32 $0x80, s22;
	s23 =	sadd.s32 $0x8, s23;
	[tilespmem:v8+s15+$0x0] =	vst.idx.add.s32.msk vm3, v4  }
0xb2: {  	s20 =	sadd.s32 $0x1, s20  }
0xb3: {  	p0 =	sne.s32 s20, s19  }
.Ltmp4:
0xb4: {  	_ = 	snop;
	(pc) =	sbr.rel @p0 .LBB2_7-.Ltmp4, $1  }
0xb5: {  	_ =	sdelay $0x3  }
.LBB2_10:
0xb6: {  	s18 =	simm.s32 $0x0  }
0xb7: {  	v5 =	vld [tilespmem:s18+$0xC810]  }
0xb8: {  	v6 =	vld [tilespmem:s18+$0xCC10]  }
0xb9: {  	v7 =	vld [tilespmem:s18+$0xD010]  }
0xba: {  	v8 =	vld [tilespmem:s18+$0xD410]  }
0xbb: {  	v9 =	vld [tilespmem:s18+$0xD810]  }
0xbc: {  	v10 =	vld [tilespmem:s18+$0xDC10]  }
0xbd: {  	v5 =	vadd.s32 v5, v6;
	v6 =	vld [tilespmem:s18+$0xE010]  }
0xbe: {  	v5 =	vadd.s32 v7, v5;
	v7 =	vld [tilespmem:s18+$0xE410]  }
0xbf: {  	v5 =	vadd.s32 v8, v5;
	v8 =	vld [tilespmem:s18+$0xE810]  }
0xc0: {  	v5 =	vadd.s32 v9, v5;
	v9 =	vld [tilespmem:s18+$0xEC10]  }
0xc1: {  	v5 =	vadd.s32 v10, v5;
	v10 =	vld [tilespmem:s18+$0xF010]  }
0xc2: {  	v11 =	vld [tilespmem:s18+$0xF410];
	v5 =	vadd.s32 v6, v5  }
0xc3: {  	v6 =	vld [tilespmem:s18+$0xF810];
	v5 =	vadd.s32 v7, v5  }
0xc4: {  	v7 =	vld [tilespmem:s18+$0xFC10];
	v5 =	vadd.s32 v8, v5  }
0xc5: {  	v8 =	vld [tilespmem:s18+$0x10010];
	v5 =	vadd.s32 v9, v5  }
0xc6: {  	s19 =	simm.s32 $0x10;
	v9 =	vld [tilespmem:s18+$0x10410];
	v10 =	vadd.s32 v10, v5  }
0xc7: {  	s20 =	simm.s32 $0x80;
	v5 =	vld [tilespmem:s19+$0xC810];
	v10 =	vadd.s32 v11, v10  }
.LBB2_11:
0xc8: {  	p0 =	sne.s32 s20, $0xFC0;
	v11 =	vld [tilespmem:s19+$0xCC10];
	v6 =	vadd.s32 v6, v10  }
0xc9: {  	v10 =	vld [tilespmem:s19+$0xD010];
	v6 =	vadd.s32 v7, v6  }
0xca: {  	v7 =	vld [tilespmem:s19+$0xD410];
	v6 =	vadd.s32 v8, v6  }
0xcb: {  	v8 =	vld [tilespmem:s19+$0xD810];
	v6 =	vadd.s32 v9, v6  }
0xcc: {  	v9 =	vld [tilespmem:s19+$0xDC10];
	[tilespmem:s18+$0x10810] =	vst v6;
	s18 =	smov.u32 s19  }
0xcd: {  	v5 =	vadd.s32 v5, v11;
	v6 =	vld [tilespmem:s18+$0xE010]  }
0xce: {  	v5 =	vadd.s32 v10, v5;
	v10 =	vld [tilespmem:s18+$0xE410]  }
0xcf: {  	v5 =	vadd.s32 v7, v5;
	v7 =	vld [tilespmem:s18+$0xE810]  }
0xd0: {  	v5 =	vadd.s32 v8, v5;
	v8 =	vld [tilespmem:s18+$0xEC10]  }
0xd1: {  	v5 =	vadd.s32 v9, v5;
	v9 =	vld [tilespmem:s18+$0xF010]  }
0xd2: {  	v5 =	vadd.s32 v6, v5;
	v11 =	vld [tilespmem:s18+$0xF410]  }
.Ltmp5:
0xd3: {  	v5 =	vadd.s32 v10, v5;
	v6 =	vld [tilespmem:s18+$0xF810];
	(pc) =	sbr.rel @p0 .LBB2_11-.Ltmp5, $4  }
0xd4: {  	v5 =	vadd.s32 v7, v5;
	v7 =	vld [tilespmem:s18+$0xFC10]  }
0xd5: {  	v5 =	vadd.s32 v8, v5;
	v8 =	vld [tilespmem:s18+$0x10010]  }
0xd6: {  	s19 =	sshra.s32 s20, $0x2;
	v10 =	vadd.s32 v9, v5;
	v9 =	vld [tilespmem:s18+$0x10410]  }
0xd7: {  	s20 =	sadd.s32 $0x40, s20;
	v5 =	vld [tilespmem:s19+$0xC810];
	v10 =	vadd.s32 v11, v10  }
0xd8: {  	v11 =	vld [tilespmem:s19+$0xCC10];
	v6 =	vadd.s32 v6, v10  }
0xd9: {  	v55 =	vld [tilespmem:s19+$0xD010];
	v6 =	vadd.s32 v7, v6  }
0xda: {  	v7 =	vld [tilespmem:s19+$0xD410];
	v6 =	vadd.s32 v8, v6  }
0xdb: {  	v56 =	vld [tilespmem:s19+$0xD810];
	v6 =	vadd.s32 v9, v6  }
0xdc: {  	v57 =	vld [tilespmem:s19+$0xDC10];
	[tilespmem:s18+$0x10810] =	vst v6  }
0xdd: {  	v5 =	vadd.s32 v5, v11;
	v6 =	vld [tilespmem:s19+$0xE010]  }
0xde: {  	v58 =	vld [tilespmem:s19+$0xE410];
	v5 =	vadd.s32 v55, v5  }
0xdf: {  	v5 =	vadd.s32 v7, v5;
	v7 =	vld [tilespmem:s19+$0xE810]  }
0xe0: {  	v59 =	vld [tilespmem:s19+$0xEC10];
	v5 =	vadd.s32 v56, v5  }
0xe1: {  	v60 =	vld [tilespmem:s19+$0xF010];
	v5 =	vadd.s32 v57, v5  }
0xe2: {  	v5 =	vadd.s32 v6, v5;
	v6 =	vld [tilespmem:s19+$0xF410]  }
0xe3: {  	v61 =	vld [tilespmem:s19+$0xF810];
	v5 =	vadd.s32 v58, v5  }
0xe4: {  	v5 =	vadd.s32 v7, v5;
	v7 =	vld [tilespmem:s19+$0xFC10]  }
0xe5: {  	v62 =	vld [tilespmem:s19+$0x10010];
	v5 =	vadd.s32 v59, v5  }
0xe6: {  	v63 =	vld [tilespmem:s19+$0x10410];
	v5 =	vadd.s32 v60, v5  }
0xe7: {  	v5 =	vadd.s32 v6, v5  }
0xe8: {  	v5 =	vadd.s32 v61, v5  }
0xe9: {  	v5 =	vadd.s32 v7, v5  }
0xea: {  	s17 =	sadd.s32 $0x1, s17;
	v5 =	vadd.s32 v62, v5  }
0xeb: {  	p0 =	sne.s32 s17, s7;
	v5 =	vadd.s32 v63, v5  }
.Ltmp6:
0xec: {  	[tilespmem:s19+$0x10810] =	vst v5;
	(pc) =	sbr.rel @p0 .LBB2_1-.Ltmp6, $4  }
0xed: {  	[hbm4b:s6+s4] =	stream.linear.scatter [tilespmem:s16], [sflag:$0x2], $0x400, $0x38;
	[tilespmem:$0x10C10] =	vst v63  }
0xee: {  	_ =	swait.ge [sflag:s9], $0x400  }
0xef: {  	[sflag:s9] =	ssyncset.done $0x0  }
0xf0: {  	[sflag:s9] =	ssyncadd.s32 $0xFFFFFC00  }
0xf1: {  	_ =	sfence.sel $0x180000  }
0xf2: {  	[bflag:$0x0] =	sbarrier.arrive $0xFFFF  }
0xf3: {  	p0 =	sne.s32 s2, $0x0;
	_ =	strace $0x90000050  }
0xf4: {  	s0 =	sadd.s32 @!p0 $0x100000, s0;
	[bflag:$0x2] =	sbarrier.arrive $0xFFFF  }
0xf5: {  	[sflag:s0] =	ssyncadd.tile.s32 @!p0 $0x1;
	_ =	shalt  }
.Lfunc_end2:
_tile_overlayer_lowered:
.L_overlay_start_2:
0xf6: {  	(tag) =	ssettag $0x2  }
0xf7: {  	s0 =	rddreg [dreg:$0x0];
	s2 =	stileid.u32  }
0xf8: {  	s1 =	rddreg [dreg:$0x1];
	p0 =	sne.s32 s2, $0x0  }
0xf9: {  	s3 =	rddreg [dreg:$0x2];
	[bflag:$0x3] =	sbarrier.arrive $0xFFFF;
	s2 =	simm.s32 @!p0 $0x1C02  }
0xfa: {  	[timem:s3], [sflag:s2] =	dma.local @!p0 [hbm:s0], s1  }
0xfb: {  	s0 =	simm.s32 @!p0 $0x2  }
0xfc: {  	_ =	swait.ge @!p0 [sflag:s0], s1  }
0xfd: {  	s1 =	ssub.s32 @!p0 $0x0, s1;
	[sflag:s0] =	ssyncset.done @!p0 $0x0  }
0xfe: {  	[sflag:s0] =	ssyncadd.s32 @!p0 s1  }
0xff: {  	[bflag:$0x3] =	sbarrier.arrive $0xFFFF  }
0x100: {  	_ =	shalt  }

// kernel: kernel.7.cloned.1.call-start
scs
__scs_entry_jumppad:
0x0: {  	(pc) =	sbr.rel $0x88, $3  }
0x1: {  	(tag) =	ssettag $0x0;
	lr =	simm.s32 $0x1  }
0x2: {  	[smem:$0x3F9D] =	sst lr;
	_ =	strace $0xD0000000  }
0x3: {  	_ = 	snop  }
0x4: {  	_ = 	snop  }
0x5: {  	_ = 	snop  }
0x6: {  	_ = 	snop  }
0x7: {  	_ = 	snop  }
__scs_overlays_trampoline_lowered:
0x8: {  	[smem:$0x3FAC] =	sst s0  }
0x9: {  	[smem:$0x3FAD] =	sst s1  }
0xa: {  	[smem:$0x3FAE] =	sst s2  }
0xb: {  	[smem:$0x3FAF] =	sst s3  }
0xc: {  	[smem:$0x3FB0] =	sst s4  }
0xd: {  	[smem:$0x3FB1] =	sst s5  }
0xe: {  	[smem:$0x3FB2] =	sst s6  }
0xf: {  	[smem:$0x3FB3] =	sst s7  }
0x10: {  	[smem:$0x3FB4] =	sst s8  }
0x11: {  	[smem:$0x3FB5] =	sst s9;
	s0 =	simm.s32 @!p0 $0x0  }
0x12: {  	s1 =	sld [smem:$0x3F9B];
	s0 =	simm.s32 @p0 $0x1  }
0x13: {  	[smem:$0x3FB6] =	sst s0;
	s0 =	simm.s32 @!p1 $0x0  }
0x14: {  	s2 =	sld [smem:$0x3F9A];
	s0 =	simm.s32 @p1 $0x1  }
0x15: {  	[smem:$0x3FB7] =	sst s0;
	s0 =	simm.s32 @!p2 $0x0  }
0x16: {  	s3 =	sld [smem:$0x3FDB];
	s0 =	simm.s32 @p2 $0x1  }
0x17: {  	s4 =	simm.s32 $0x1BF5;
	[smem:$0x3FB9] =	sst s0  }
0x18: {  	s0 =	sld [smem:$0x3F9C];
	_ =	swait.ge [sflag:s4], $0x0  }
0x19: {  	s7 =	sld [smem:$0x3F9D]  }
0x1a: {  	s8 =	sadd.s32 $0xFFFFE003, lr  }
0x1b: {  	s9 =	sadd.s32 $0xFFFFFEF7, lr;
	s5 =	simm.s32 $0xFFFFFFFF;
	p2 =	slt.u32 s8, $0xFFFFF086  }
0x1c: {  	p1 =	slt.u32 s9, $0xF7A;
	s5 =	simm.s32 @!p2 $0x0  }
0x1d: {  	s5 =	simm.s32 @p1 $0x1;
	p0 =	seq.s32 s7, s2  }
0x1e: {  	s7 =	smul.u32 @!p0 $0xF7A, s2;
	p2 =	seq.s32 @!p0 s5, $0x0  }
0x1f: {  	s9 =	smul.u32 $0xF7A, s1;
	s8 =	simm.s32 @!p0 $0x1BF5;
	p2 =	por !p2, p0  }
0x20: {  	[sflag:s8] =	ssyncset.s32 @!p0 $0xFFFFF086;
	s6 =	sadd.s32 @!p0 s3, s7;
	s7 =	simm.s32 @!p0 $0x108  }
0x21: {  	s3 =	sadd.s32 s3, s9;
	s6 =	sadd.s32 @!p0 $0x88, s6;
	s7 =	simm.s32 @p2 $0x1082  }
0x22: {  	[simem:s7], [sflag:s8] =	dma.local @!p0 [hbm:s6], $0xF7A  }
0x23: {  	s9 =	sor.u32 $0xD0000000, s2;
	s6 =	simm.s32 $0x108;
	_ =	swait.ge @!p0 [sflag:s8], $0x0  }
0x24: {  	s3 =	sadd.s32 $0x88, s3;
	s6 =	simm.s32 @!p1 $0x1082;
	[sflag:s4] =	ssyncset.s32 $0xFFFFF086  }
0x25: {  	[simem:s6], [sflag:s4] =	dma.local [hbm:s3], $0xF7A  }
0x26: {  	[smem:$0x3F9D] =	sst s1;
	(tag) =	ssettag s2;
	_ =	strace s9  }
0x27: {  	s1 =	sld [smem:$0x3FAD]  }
0x28: {  	s2 =	sld [smem:$0x3FAE]  }
0x29: {  	s4 =	sld [smem:$0x3FB0]  }
0x2a: {  	p0 =	seq.s32 s5, $0x0;
	s5 =	sld [smem:$0x3FB1]  }
0x2b: {  	s6 =	sld [smem:$0x3FB2]  }
0x2c: {  	s7 =	sld [smem:$0x3FB3]  }
0x2d: {  	s3 =	simm.s32 $0x108;
	s8 =	sld [smem:$0x3FB4]  }
0x2e: {  	s3 =	simm.s32 @!p0 $0x1082;
	s9 =	sld [smem:$0x3FB5]  }
0x2f: {  	lr =	sadd.s32 s0, s3;
	s0 =	sld [smem:$0x3FAC]  }
0x30: {  	s3 =	sld [smem:$0x3FAF]  }
0x31: {  	[smem:$0x3FB8] =	sst s10  }
0x32: {  	s10 =	sld [smem:$0x3FB6];
	_ =	sdelay $0x3  }
0x33: {  	p0 =	seq.s32 s10, $0x1;
	s10 =	sld [smem:$0x3FB8];
	_ =	sdelay $0x3  }
0x34: {  	[smem:$0x3FB8] =	sst s10  }
0x35: {  	s10 =	sld [smem:$0x3FB7];
	_ =	sdelay $0x3  }
0x36: {  	p1 =	seq.s32 s10, $0x1;
	s10 =	sld [smem:$0x3FB8];
	_ =	sdelay $0x3  }
0x37: {  	[smem:$0x3FB8] =	sst s10  }
0x38: {  	s10 =	sld [smem:$0x3FB9]  }
0x39: {  	_ = 	snop;
	(pc) =	sbr.ind lr, $3  }
0x3a: {  	_ = 	snop  }
0x3b: {  	_ = 	snop  }
0x3c: {  	p2 =	seq.s32 s10, $0x1;
	s10 =	sld [smem:$0x3FB8]  }
0x3d: {  	_ =	shalt  }
0x3e: {  	_ =	shalt  }
0x3f: {  	_ =	shalt  }
0x40: {  	_ =	shalt  }
0x41: {  	_ =	shalt  }
0x42: {  	_ =	shalt  }
0x43: {  	_ =	shalt  }
0x44: {  	_ =	shalt  }
0x45: {  	_ =	shalt  }
0x46: {  	_ =	shalt  }
0x47: {  	_ =	shalt  }
0x48: {  	_ =	shalt  }
0x49: {  	_ =	shalt  }
0x4a: {  	_ =	shalt  }
0x4b: {  	_ =	shalt  }
0x4c: {  	_ =	shalt  }
0x4d: {  	_ =	shalt  }
0x4e: {  	_ =	shalt  }
0x4f: {  	_ =	shalt  }
0x50: {  	_ =	shalt  }
0x51: {  	_ =	shalt  }
0x52: {  	_ =	shalt  }
0x53: {  	_ =	shalt  }
0x54: {  	_ =	shalt  }
0x55: {  	_ =	shalt  }
0x56: {  	_ =	shalt  }
0x57: {  	_ =	shalt  }
0x58: {  	_ =	shalt  }
0x59: {  	_ =	shalt  }
0x5a: {  	_ =	shalt  }
0x5b: {  	_ =	shalt  }
0x5c: {  	_ =	shalt  }
0x5d: {  	_ =	shalt  }
0x5e: {  	_ =	shalt  }
0x5f: {  	_ =	shalt  }
0x60: {  	_ =	shalt  }
0x61: {  	_ =	shalt  }
0x62: {  	_ =	shalt  }
0x63: {  	_ =	shalt  }
0x64: {  	_ =	shalt  }
0x65: {  	_ =	shalt  }
0x66: {  	_ =	shalt  }
0x67: {  	_ =	shalt  }
0x68: {  	_ =	shalt  }
0x69: {  	_ =	shalt  }
0x6a: {  	_ =	shalt  }
0x6b: {  	_ =	shalt  }
0x6c: {  	_ =	shalt  }
0x6d: {  	_ =	shalt  }
0x6e: {  	_ =	shalt  }
0x6f: {  	_ =	shalt  }
0x70: {  	_ =	shalt  }
0x71: {  	_ =	shalt  }
0x72: {  	_ =	shalt  }
0x73: {  	_ =	shalt  }
0x74: {  	_ =	shalt  }
0x75: {  	_ =	shalt  }
0x76: {  	_ =	shalt  }
0x77: {  	_ =	shalt  }
0x78: {  	_ =	shalt  }
0x79: {  	_ =	shalt  }
0x7a: {  	_ =	shalt  }
0x7b: {  	_ =	shalt  }
0x7c: {  	_ =	shalt  }
0x7d: {  	_ =	shalt  }
0x7e: {  	_ =	shalt  }
0x7f: {  	_ =	shalt  }
0x80: {  	_ =	shalt  }
0x81: {  	_ =	shalt  }
0x82: {  	_ =	shalt  }
0x83: {  	_ =	shalt  }
0x84: {  	_ =	shalt  }
0x85: {  	_ =	shalt  }
0x86: {  	_ =	shalt  }
0x87: {  	_ =	shalt  }
.Lfunc_end0:
.L_simem_size_0:
called_computation.1_lowered:
.L_overlay_start_0:
0x88: {  	s2 =	sld [smem:$0x3FD9]  }
0x89: {  	s3 =	sld [smem:$0x3FFE];
	_ =	sdelay $0x1  }
0x8a: {  	s1 =	srdreg.scid  }
0x8b: {  	s0 =	sand.u32 $0x1, s1  }
0x8c: {  	s14 =	sshll.u32 s0, $0xA;
	s2 =	sadd.s32 s3, s2  }
0x8d: {  	s2 =	sadd.s32 s2, s14  }
0x8e: {  	[smem:$0x3FC4] =	sst s2  }
0x8f: {  	_ = 	snop  }
0x90: {  	s2 =	sld [smem:$0x3FD0];
	_ =	sdelay $0x2  }
0x91: {  	s15 =	simm.s32 $0xA;
	s4 =	simm.s32 $0x10  }
0x92: {  	[smem:s4], [sflag:s15] =	dma.local [hbm:s2], $0x1  }
0x93: {  	_ =	swait.eq [sflag:s15], $0x1  }
0x94: {  	s16 =	sld [smem:$0x10];
	[sflag:s15] =	ssyncset.done $0x0  }
0x95: {  	s17 =	sld [smem:$0x11];
	[sflag:s15] =	ssyncadd.s32 $0xFFFFFFFF  }
0x96: {  	s18 =	sld [smem:$0x12];
	(tm) =	ssettm $0x1  }
0x97: {  	s5 =	sld [smem:$0x3FFB];
	_ =	sdelay $0x3  }
0x98: {  	_ =	strace s5  }
0x99: {  	s5 =	sld [smem:$0x3FFC];
	_ =	sdelay $0x3  }
0x9a: {  	_ =	strace s5  }
0x9b: {  	s5 =	sld [smem:$0x3FFD];
	_ =	sdelay $0x3  }
0x9c: {  	_ =	strace s5  }
0x9d: {  	_ =	strace $0x8FFFFFFF  }
0x9e: {  	s19 =	sld [smem:$0x3FDB];
	_ =	sdelay $0x1  }
0x9f: {  	s6 =	simm.s32 $_scs_section_size  }
0xa0: {  	s7 =	simm.s32 $_size__tile_overlayer_lowered;
	s8 =	simm.s32 $_tile_overlayer_lowered  }
0xa1: {  	s22 =	simm.s32 $0x1BFF;
	s21 =	sshll.u32 s8, $0x1;
	s5 =	sadd.s32 s6, s19  }
0xa2: {  	s9 =	simm.s32 $0x0;
	s20 =	sshll.u32 s7, $0x1;
	s7 =	sadd.s32 s21, s5  }
0xa3: {  	[timem:s9], [sflag:s22] =	dma.local [hbm:s7], s20  }
0xa4: {  	_ =	swait.ge [sflag:s22], s20  }
0xa5: {  	s6 =	ssub.s32 $0x0, s20;
	[sflag:s22] =	ssyncset.done $0x0  }
0xa6: {  	[sflag:s22] =	ssyncadd.s32 s6;
	_ =	sdelay $0x1  }
0xa7: {  	s23 =	simm.s32 $0x1B8B  }
0xa8: {  	_ =	swait.ge [sflag:s23], $0x1  }
0xa9: {  	[sflag:s23] =	ssyncset.done $0x0  }
0xaa: {  	s25 =	simm.s32 $0x1B8E;
	s24 =	sld [smem:$0x3FFE];
	[sflag:s23] =	ssyncadd.s32 $0xFFFFFFFF  }
0xab: {  	s26 =	simm.s32 $execute0_lowered;
	[smem:$0x3FD2] =	sst s25  }
0xac: {  	s7 =	sshll.u32 s26, $0x1;
	_ =	strace $0x80000049;
	[dreg:$0x1] =	wrdreg $0xFFFFFFFF  }
0xad: {  	s28 =	simm.s32 $_size_execute0_lowered;
	s5 =	sadd.s32 s5, s7;
	[dreg:$0x0] =	wrdreg $0x0  }
0xae: {  	s7 =	sshll.u32 s28, $0x1;
	[dreg:$0x2] =	wrdreg s5  }
0xaf: {  	[dreg:$0x3] =	wrdreg s7  }
0xb0: {  	[dreg:$0x4] =	wrdreg $0xC0  }
0xb1: {  	_ =	task [dreg:s9], $0x5FFFF  }
0xb2: {  	[dreg:$0x1] =	wrdreg $0xFFFFFFFF  }
0xb3: {  	[dreg:$0x0] =	wrdreg $0x60  }
0xb4: {  	[dreg:$0x2] =	wrdreg s18  }
0xb5: {  	[dreg:$0x3] =	wrdreg s16  }
0xb6: {  	[dreg:$0x4] =	wrdreg s17  }
0xb7: {  	[dreg:$0x5] =	wrdreg s24  }
0xb8: {  	[dreg:$0x6] =	wrdreg $0x9  }
0xb9: {  	_ =	task.clear_ibuf [dreg:s9], $0x7FFFF;
	_ =	strace $0x90000049  }
0xba: {  	s29 =	simm.s32 $0x9;
	_ =	strace $0x8000004B  }
0xbb: {  	_ =	swait.ge [sflag:s29], $0x1  }
0xbc: {  	[sflag:s29] =	ssyncadd.s32 $0xFFFFFFFF  }
0xbd: {  	_ =	strace $0x9000004B  }
0xbe: {  	_ =	sfence  }
0xbf: {  	s30 =	sld [smem:$0x0];
	_ =	sdelay $0x2  }
0xc0: {  	s31 =	sshll.u32 s1, $0xD;
	s1 =	sshrl.u32 s1, $0x2  }
0xc1: {  	s3 =	sand.u32 $0x4000, s31;
	s1 =	sadd.s32 s1, s30  }
0xc2: {  	s0 =	sor.u32 s3, s0;
	s1 =	sshll.u32 s1, $0x11  }
0xc3: {  	s0 =	sor.u32 s1, s0  }
0xc4: {  	s0 =	sadd.s32 $0x8F2B, s0  }
0xc5: {  	[sflag:s0] =	ssyncadd.remote.s32 $0x1  }
0xc6: {  	_ =	sfence.sel $0xFFFF  }
0xc7: {  	[dreg:$0x0] =	wrdreg $0xFFFFFFFF;
	(pc) =	sbr.abs _section_cstart, $3  }
0xc8: {  	[dreg:$0x1] =	wrdreg $0xFFFFFFFF  }
0xc9: {  	_ =	task.clear_ibuf [dreg:s9], $0x2FFFF;
	_ =	strace $0x9FFFFFFF  }
0xca: {  	(tm) =	ssettm $0x7FFFFFFF  }
0xcb: {  	_ =	shalt  }
tec
execute0_lowered:
.L_overlay_start_1:
0x0: {  	(tag) =	ssettag $0x1  }
0x1: {  	s1 =	rddreg [dreg:$0x0]  }
0x2: {  	s5 =	rddreg [dreg:$0x1]  }
0x3: {  	s3 =	rddreg [dreg:$0x2]  }
0x4: {  	s6 =	rddreg [dreg:$0x3]  }
0x5: {  	s0 =	rddreg [dreg:$0x4]  }
0x6: {  	s7 =	srdreg.scid;
	s2 =	stileid.u32;
	s4 =	simm.s32 $0x0  }
0x7: {  	s15 =	simm.s32 $0xC810;
	s16 =	simm.s32 $0x10810;
	s17 =	simm.s32 $0x0  }
0x8: {  	s7 =	sand.u32 $0x1, s7;
	s8 =	sshll.u32 s2, $0x1;
	s11 =	smul.u32 $0xC000, s2  }
0x9: {  	[smem:$0x7FF] =	sst s4;
	s8 =	sor.u32 s7, s8;
	s14 =	smul.u32 $0x6000, s7  }
0xa: {  	s10 =	ssub.s32 $0x2, s7;
	s9 =	smul.u32 $0x6000, s8;
	s8 =	sshll.u32 s8, $0x7  }
0xb: {  	_ =	strace $0x8000004A;
	s12 =	sshrl.u32 s10, $0x1;
	s6 =	sadd.s32 s8, s6  }
0xc: {  	s31 =	ssub.s32 s10, s12;
	s8 =	sadd.s32 s14, s11;
	s10 =	simm.s32 $0x10  }
0xd: {  	v1 =	vimm.s32 $0x0;
	vm0 =	vmmov $0x1;
	s11 =	simm.s32 $0x6010;
	s12 =	simm.s32 $0x1;
	s14 =	simm.s32 $0xC010  }
0xe: {  	v2 =	vlaneseq.u32;
	vm1 =	vcmask $0x308;
	vm2 =	vmxor vm2, vm2;
	s13 =	sshrl.u32 s9, $0x3;
	s6 =	sadd.s32 $0x180200, s6;
	s7 =	smax.u32 s31, $0x1  }
0xf: {  	v4 =	vimm.s32 $0x1;
	v3 =	vmul.u32 $0x400, v2;
	v0 =	vmov s9;
	s9 =	simm.s32 $0x2;
	s5 =	sadd.s32 s5, s13;
	s13 =	simm.s32 $0x80  }
.LBB2_1:
0x10: {  	[tilespmem:s4], [sflag:$0x2] =	stream.linear.gather [hbm4b:s1+s4], $0x10, $0x38;
	[tilespmem:$0x10C10] =	vst v63  }
0x11: {  	_ =	swait.ge [sflag:s9], $0x10  }
0x12: {  	[sflag:s9] =	ssyncset.done $0x0  }
0x13: {  	[sflag:s9] =	ssyncadd.s32 $0xFFFFFFF0  }
0x14: {  	v6 =	vld [tilespmem:$0x0];
	[tilespmem:s10], [sflag:$0x2] =	stream.linear.gather [hbm4b:s5+s4], $0x6000, $0x38  }
0x15: {  	_ =	swait.ge [sflag:s9], $0x6000  }
0x16: {  	[sflag:s9] =	ssyncset.done $0x0  }
0x17: {  	s18 =	simm.s32 $0xC850;
	[sflag:s9] =	ssyncadd.s32 $0xFFFFA000  }
0x18: {  	[tilespmem:s18+$0xFFFFFFC0] =	vst v1  }
0x19: {  	[tilespmem:s18+$0x30] =	vst v1  }
0x1a: {  	[tilespmem:s18+$0x20] =	vst v1  }
0x1b: {  	[tilespmem:s18+$0x10] =	vst v1  }
0x1c: {  	[tilespmem:s18+$0x0] =	vst v1  }
0x1d: {  	[tilespmem:s18+$0xFFFFFFF0] =	vst v1  }
0x1e: {  	s19 =	simm.s32 $0x0;
	[tilespmem:s18+$0xFFFFFFE0] =	vst v1  }
.LBB2_2:
0x1f: {  	s19 =	sadd.s32 $0x8, s19;
	[tilespmem:s18+$0xFFFFFFD0] =	vst v1;
	s18 =	sadd.s32 $0x80, s18  }
0x20: {  	[tilespmem:s18+$0xFFFFFFC0] =	vst v1;
	p0 =	slt.u32 s19, $0x3F8  }
0x21: {  	[tilespmem:s18+$0x30] =	vst v1  }
.Ltmp0:
0x22: {  	[tilespmem:s18+$0x20] =	vst v1;
	(pc) =	sbr.rel @p0 .LBB2_2-.Ltmp0, $4  }
0x23: {  	[tilespmem:s18+$0x10] =	vst v1  }
0x24: {  	[tilespmem:s18+$0x0] =	vst v1  }
0x25: {  	[tilespmem:s18+$0xFFFFFFF0] =	vst v1  }
0x26: {  	[tilespmem:s18+$0xFFFFFFE0] =	vst v1  }
0x27: {  	v5 =	vnsel vm0, $0x0, v6  }
0x28: {  	(xrf0) =	vadd.scan.msk.s32 $0xffff, v5;
	_ =	sdelay $0x5  }
0x29: {  	v7, _, _ =	vpop (xrf0)  }
0x2a: {  	[tilespmem:s18+$0xFFFFFFD0] =	vst v1;
	v8 =	vimm.s32 $0x0;
	s18 =	simm.s32 $0xFFFFFFFC;
	s19 =	simm.s32 $0x30;
	s20 =	smov.u32 s8;
	v5 =	vbroadcast v7, $0xF  }
.LBB2_4:
0x2b: {  	v9 =	vld [tilespmem:s19+$0xFFFFFFE0];
	_ =	sdelay $0x4  }
0x2c: {  	vm3 =	vgt.s32 v9, v5  }
0x2d: {  	v9 =	vsel vm3, $0x1, v1  }
0x2e: {  	(xrf0) =	vadd.scan.msk.s32 $0xffff, v9;
	_ =	sdelay $0x5  }
0x2f: {  	v9, _, _ =	vpop (xrf0)  }
0x30: {  	v9 =	vadd.s32 v9, v8  }
0x31: {  	v9 =	vadd.s32 $0xFFFFFFFF, v9;
	_ =	sdelay $0x3  }
0x32: {  	v10 =	vor.u32 s20, v2  }
0x33: {  	[tilespmem:v9+s11+$0x0] =	vst.idx.msk vm3, v10  }
0x34: {  	v9 =	vld [tilespmem:s19+$0xFFFFFFF0];
	_ =	sdelay $0x4  }
0x35: {  	vm4 =	vgt.s32 v9, v5  }
0x36: {  	v9 =	vsel vm4, $0x1, v1  }
0x37: {  	(xrf0) =	vadd.scan.msk.s32 $0xffff, v9;
	_ =	sdelay $0x1  }
0x38: {  	v9 =	vmpcnt.ones.xlane vm3;
	_ =	sdelay $0x3  }
0x39: {  	v8 =	vadd.s32 v8, v9;
	v9, _, _ =	vpop (xrf0)  }
0x3a: {  	v9 =	vadd.s32 v9, v8  }
0x3b: {  	v9 =	vadd.s32 $0xFFFFFFFF, v9;
	_ =	sdelay $0x2  }
0x3c: {  	s21 =	sadd.s32 $0x10, s20  }
0x3d: {  	v10 =	vor.u32 s21, v2  }
0x3e: {  	[tilespmem:v9+s11+$0x0] =	vst.idx.msk vm4, v10  }
0x3f: {  	v9 =	vld [tilespmem:s19+$0x0];
	_ =	sdelay $0x4  }
0x40: {  	vm3 =	vgt.s32 v9, v5  }
0x41: {  	v9 =	vsel vm3, $0x1, v1  }
0x42: {  	(xrf0) =	vadd.scan.msk.s32 $0xffff, v9;
	_ =	sdelay $0x1  }
0x43: {  	v9 =	vmpcnt.ones.xlane vm4;
	_ =	sdelay $0x3  }
0x44: {  	v8 =	vadd.s32 v8, v9;
	v9, _, _ =	vpop (xrf0)  }
0x45: {  	v9 =	vadd.s32 v9, v8  }
0x46: {  	v9 =	vadd.s32 $0xFFFFFFFF, v9;
	_ =	sdelay $0x2  }
0x47: {  	s30 =	sadd.s32 $0x20, s20  }
0x48: {  	v10 =	vor.u32 s30, v2  }
0x49: {  	[tilespmem:v9+s11+$0x0] =	vst.idx.msk vm3, v10  }
0x4a: {  	v9 =	vld [tilespmem:s19+$0x10];
	_ =	sdelay $0x4  }
0x4b: {  	vm15 =	vgt.s32 v9, v5  }
0x4c: {  	v9 =	vsel vm15, $0x1, v1  }
0x4d: {  	(xrf0) =	vadd.scan.msk.s32 $0xffff, v9;
	_ =	sdelay $0x1  }
0x4e: {  	v9 =	vmpcnt.ones.xlane vm3;
	_ =	sdelay $0x3  }
0x4f: {  	v8 =	vadd.s32 v8, v9;
	v9, _, _ =	vpop (xrf0)  }
0x50: {  	s18 =	sadd.s32 $0x4, s18;
	v9 =	vadd.s32 v9, v8  }
0x51: {  	p0 =	slt.u32 s18, $0x5FC;
	v9 =	vadd.s32 $0xFFFFFFFF, v9  }
.Ltmp1:
0x52: {  	_ = 	snop;
	(pc) =	sbr.rel @p0 .LBB2_4-.Ltmp1, $4  }
0x53: {  	_ = 	snop  }
0x54: {  	s31 =	sadd.s32 $0x30, s20;
	v10 =	vmpcnt.ones.xlane vm15  }
0x55: {  	v11 =	vor.u32 s31, v2  }
0x56: {  	s20 =	sadd.s32 $0x40, s20;
	s19 =	sadd.s32 $0x40, s19;
	v8 =	vadd.s32 v8, v10;
	[tilespmem:v9+s11+$0x0] =	vst.idx.msk vm15, v11  }
0x57: {  	v8 =	vnsel vm0, $0x0, v8  }
0x58: {  	(xrf0) =	vadd.scan.msk.s32 $0xffff, v8;
	_ =	sdelay $0x5  }
0x59: {  	v8, _, _ =	vpop (xrf0)  }
0x5a: {  	(v2sf) =	vpush v8, $0xF;
	_ =	sdelay $0xd  }
0x5b: {  	v8 =	vbroadcast v8, $0xF  }
0x5c: {  	s18 =	spop (v2sf)  }
0x5d: {  	v8 =	vadd.s32 v2, v8;
	s19 =	sadd.s32 $0x10, s18  }
0x5e: {  	vm3 =	vlt.s32 v8, $0x6000;
	s23 =	sadd.s32 $0x20, s18;
	v9 =	vadd.s32 s19, v2  }
0x5f: {  	s24 =	sadd.s32 $0x30, s18;
	s25 =	sadd.s32 $0x40, s18;
	s20 =	sadd.s32 $0x7F, s18;
	v10 =	vadd.s32 s23, v2;
	vm4 =	vlt.s32 v9, $0x6000  }
0x60: {  	s26 =	sadd.s32 $0x50, s18;
	s28 =	sadd.s32 $0x60, s18;
	v11 =	vadd.s32 s24, v2;
	s30 =	sand.u32 $0x7F, s20;
	vm5 =	vlt.s32 v10, $0x6000  }
0x61: {  	v12 =	vadd.s32 s25, v2;
	s31 =	sshra.s32 s20, $0x1F;
	p1 =	slt.s32 s20, $0x1;
	vm6 =	vlt.s32 v11, $0x6000;
	p0 =	sne.s32 s30, $0x0  }
0x62: {  	s29 =	sadd.s32 $0x70, s18;
	v13 =	vadd.s32 s26, v2;
	vm7 =	vlt.s32 v12, $0x6000;
	s19 =	sshrl.u32 s31, $0x19;
	p0 =	por !p1, !p0  }
0x63: {  	v14 =	vadd.s32 s28, v2;
	vm8 =	vlt.s32 v13, $0x6000;
	s19 =	sadd.s32 s19, s20;
	s20 =	simm.s32 $0x1;
	p0 =	por !p0, !p0  }
0x64: {  	[tilespmem:v8+s11+$0x0] =	vst.idx.msk vm3, v0;
	v8 =	vadd.s32 s29, v2;
	vm3 =	vlt.s32 v14, $0x6000;
	s19 =	sshra.s32 s19, $0x7;
	s20 =	simm.s32 @!p0 $0x0  }
0x65: {  	vm15 =	vlt.s32 v8, $0x6000;
	s19 =	ssub.s32 s19, s20;
	[tilespmem:v9+s11+$0x0] =	vst.idx.msk vm4, v0  }
0x66: {  	p0 =	slt.s32 s19, $0x1;
	[tilespmem:v10+s11+$0x0] =	vst.idx.msk vm5, v0  }
.Ltmp2:
0x67: {  	[tilespmem:v11+s11+$0x0] =	vst.idx.msk vm6, v0;
	(pc) =	sbr.rel @p0 .LBB2_10-.Ltmp2, $4  }
0x68: {  	[tilespmem:v12+s11+$0x0] =	vst.idx.msk vm7, v0  }
0x69: {  	[tilespmem:v13+s11+$0x0] =	vst.idx.msk vm8, v0  }
0x6a: {  	[tilespmem:v14+s11+$0x0] =	vst.idx.msk vm3, v0  }
0x6b: {  	[tilespmem:v8+s11+$0x0] =	vst.idx.msk vm15, v0  }
0x6c: {  	(v2sf) =	vpush v7, $0xF;
	_ =	sdelay $0x8  }
0x6d: {  	v6 =	vsel vm1, $0x0, v6  }
0x6e: {  	(xrf0) =	vadd.scan.msk.s32 $0xffff, v6;
	_ =	sdelay $0x4  }
0x6f: {  	s20 =	spop (v2sf)  }
0x70: {  	v7, _, _ =	vpop (xrf0);
	s20 =	sadd.s32 $0x1, s20  }
0x71: {  	v7 =	vbroadcast v7, $0xF;
	v6 =	vmov s20;
	s20 =	simm.s32 $0x0  }
.LBB2_7:
0x72: {  	s21 =	sshll.u32 s20, $0x7  }
0x73: {  	s22 =	sadd.s32 $0x6010, s21  }
0x74: {  	[tilespmem:s14], [sflag:$0x1] =	stream.indirect.gather [hbm4b:s3+s13], $0x10, s22, s13, $0xb8;
	[tilespmem:$0x10C10] =	vst v63  }
0x75: {  	_ =	swait.ge [sflag:s12], $0x800  }
0x76: {  	s23 =	simm.s32 $0x0;
	[sflag:s12] =	ssyncset.done $0x0  }
0x77: {  	s21 =	ssub.s32 s18, s21;
	s22 =	simm.s32 $0xC050;
	[sflag:s12] =	ssyncadd.s32 $0xFFFFF800  }
.LBB2_8:
0x78: {  	v8 =	vld [tilespmem:s22+$0xFFFFFFC0];
	_ =	sdelay $0x4  }
0x79: {  	v9 =	vsub.s32 v8, v6  }
0x7a: {  	p0 =	slt.s32 s23, s21;
	vm3 =	vmmov vm2;
	v9 =	vshrl.u32 v9, v7  }
0x7b: {  	vm3 =	vmneg @p0 vm3;
	vm4 =	vgt.s32 v8, v5;
	vm5 =	vlt.s32 v9, $0x3FF  }
0x7c: {  	vm3 =	vmand vm3, vm4;
	v8 =	vnsel vm5, $0x3FF, v9  }
0x7d: {  	v8 =	vadd.s32 v3, v8;
	_ =	sdelay $0x4  }
0x7e: {  	[tilespmem:v8+s15+$0x0] =	vst.idx.add.s32.msk vm3, v4  }
0x7f: {  	v8 =	vld [tilespmem:s22+$0xFFFFFFD0];
	_ =	sdelay $0x4  }
0x80: {  	s24 =	sadd.s32 $0x1, s23;
	v57 =	vsub.s32 v8, v6  }
0x81: {  	p0 =	slt.s32 s24, s21;
	vm3 =	vmmov vm2;
	v9 =	vshrl.u32 v57, v7  }
0x82: {  	vm3 =	vmneg @p0 vm3;
	vm10 =	vgt.s32 v8, v5;
	vm11 =	vlt.s32 v9, $0x3FF  }
0x83: {  	vm3 =	vmand vm3, vm10;
	v8 =	vnsel vm11, $0x3FF, v9  }
0x84: {  	v8 =	vadd.s32 v3, v8;
	_ =	sdelay $0x4  }
0x85: {  	[tilespmem:v8+s15+$0x0] =	vst.idx.add.s32.msk vm3, v4  }
0x86: {  	v8 =	vld [tilespmem:s22+$0xFFFFFFE0];
	_ =	sdelay $0x4  }
0x87: {  	s25 =	sadd.s32 $0x2, s23;
	v58 =	vsub.s32 v8, v6  }
0x88: {  	p0 =	slt.s32 s25, s21;
	vm3 =	vmmov vm2;
	v9 =	vshrl.u32 v58, v7  }
0x89: {  	vm3 =	vmneg @p0 vm3;
	vm12 =	vgt.s32 v8, v5;
	vm13 =	vlt.s32 v9, $0x3FF  }
0x8a: {  	vm3 =	vmand vm3, vm12;
	v8 =	vnsel vm13, $0x3FF, v9  }
0x8b: {  	v8 =	vadd.s32 v3, v8;
	_ =	sdelay $0x4  }
0x8c: {  	[tilespmem:v8+s15+$0x0] =	vst.idx.add.s32.msk vm3, v4  }
0x8d: {  	v8 =	vld [tilespmem:s22+$0xFFFFFFF0];
	_ =	sdelay $0x4  }
0x8e: {  	s26 =	sadd.s32 $0x3, s23;
	v59 =	vsub.s32 v8, v6  }
0x8f: {  	p0 =	slt.s32 s26, s21;
	vm3 =	vmmov vm2;
	v9 =	vshrl.u32 v59, v7  }
0x90: {  	vm3 =	vmneg @p0 vm3;
	vm14 =	vgt.s32 v8, v5;
	vm15 =	vlt.s32 v9, $0x3FF  }
0x91: {  	vm3 =	vmand vm3, vm14;
	v8 =	vnsel vm15, $0x3FF, v9  }
0x92: {  	v8 =	vadd.s32 v3, v8;
	_ =	sdelay $0x4  }
0x93: {  	[tilespmem:v8+s15+$0x0] =	vst.idx.add.s32.msk vm3, v4  }
0x94: {  	v8 =	vld [tilespmem:s22+$0x0];
	_ =	sdelay $0x4  }
0x95: {  	s28 =	sadd.s32 $0x4, s23;
	v60 =	vsub.s32 v8, v6  }
0x96: {  	p0 =	slt.s32 s28, s21;
	vm3 =	vmmov vm2;
	v9 =	vshrl.u32 v60, v7  }
0x97: {  	vm3 =	vmneg @p0 vm3;
	vm8 =	vgt.s32 v8, v5;
	vm9 =	vlt.s32 v9, $0x3FF  }
0x98: {  	vm3 =	vmand vm3, vm8;
	v8 =	vnsel vm9, $0x3FF, v9  }
0x99: {  	v8 =	vadd.s32 v3, v8;
	_ =	sdelay $0x4  }
0x9a: {  	[tilespmem:v8+s15+$0x0] =	vst.idx.add.s32.msk vm3, v4  }
0x9b: {  	v8 =	vld [tilespmem:s22+$0x10];
	_ =	sdelay $0x4  }
0x9c: {  	s29 =	sadd.s32 $0x5, s23;
	v61 =	vsub.s32 v8, v6  }
0x9d: {  	p0 =	slt.s32 s29, s21;
	vm3 =	vmmov vm2;
	v9 =	vshrl.u32 v61, v7  }
0x9e: {  	vm3 =	vmneg @p0 vm3;
	vm10 =	vgt.s32 v8, v5;
	vm11 =	vlt.s32 v9, $0x3FF  }
0x9f: {  	vm3 =	vmand vm3, vm10;
	v8 =	vnsel vm11, $0x3FF, v9  }
0xa0: {  	v8 =	vadd.s32 v3, v8;
	_ =	sdelay $0x4  }
0xa1: {  	[tilespmem:v8+s15+$0x0] =	vst.idx.add.s32.msk vm3, v4  }
0xa2: {  	v8 =	vld [tilespmem:s22+$0x20];
	_ =	sdelay $0x4  }
0xa3: {  	s30 =	sadd.s32 $0x6, s23;
	v62 =	vsub.s32 v8, v6  }
0xa4: {  	p0 =	slt.s32 s30, s21;
	vm3 =	vmmov vm2;
	v9 =	vshrl.u32 v62, v7  }
0xa5: {  	vm3 =	vmneg @p0 vm3;
	vm12 =	vgt.s32 v8, v5;
	vm13 =	vlt.s32 v9, $0x3FF  }
0xa6: {  	vm3 =	vmand vm3, vm12;
	v8 =	vnsel vm13, $0x3FF, v9  }
0xa7: {  	v8 =	vadd.s32 v3, v8;
	_ =	sdelay $0x4  }
0xa8: {  	[tilespmem:v8+s15+$0x0] =	vst.idx.add.s32.msk vm3, v4  }
0xa9: {  	v8 =	vld [tilespmem:s22+$0x30];
	_ =	sdelay $0x4  }
0xaa: {  	s31 =	sadd.s32 $0x7, s23;
	v63 =	vsub.s32 v8, v6  }
0xab: {  	p0 =	slt.s32 s31, s21;
	vm3 =	vmmov vm2;
	v9 =	vshrl.u32 v63, v7  }
0xac: {  	vm3 =	vmneg @p0 vm3;
	vm14 =	vgt.s32 v8, v5;
	vm15 =	vlt.s32 v9, $0x3FF  }
0xad: {  	vm3 =	vmand vm3, vm14;
	v8 =	vnsel vm15, $0x3FF, v9  }
0xae: {  	p0 =	slt.u32 s23, $0x78;
	v8 =	vadd.s32 v3, v8  }
.Ltmp3:
0xaf: {  	_ = 	snop;
	(pc) =	sbr.rel @p0 .LBB2_8-.Ltmp3, $2  }
0xb0: {  	_ =	sdelay $0x2  }
0xb1: {  	s22 =	sadd.s32 $0x80, s22;
	s23 =	sadd.s32 $0x8, s23;
	[tilespmem:v8+s15+$0x0] =	vst.idx.add.s32.msk vm3, v4  }
0xb2: {  	s20 =	sadd.s32 $0x1, s20  }
0xb3: {  	p0 =	sne.s32 s20, s19  }
.Ltmp4:
0xb4: {  	_ = 	snop;
	(pc) =	sbr.rel @p0 .LBB2_7-.Ltmp4, $1  }
0xb5: {  	_ =	sdelay $0x3  }
.LBB2_10:
0xb6: {  	s18 =	simm.s32 $0x0  }
0xb7: {  	v5 =	vld [tilespmem:s18+$0xC810]  }
0xb8: {  	v6 =	vld [tilespmem:s18+$0xCC10]  }
0xb9: {  	v7 =	vld [tilespmem:s18+$0xD010]  }
0xba: {  	v8 =	vld [tilespmem:s18+$0xD410]  }
0xbb: {  	v9 =	vld [tilespmem:s18+$0xD810]  }
0xbc: {  	v10 =	vld [tilespmem:s18+$0xDC10]  }
0xbd: {  	v5 =	vadd.s32 v5, v6;
	v6 =	vld [tilespmem:s18+$0xE010]  }
0xbe: {  	v5 =	vadd.s32 v7, v5;
	v7 =	vld [tilespmem:s18+$0xE410]  }
0xbf: {  	v5 =	vadd.s32 v8, v5;
	v8 =	vld [tilespmem:s18+$0xE810]  }
0xc0: {  	v5 =	vadd.s32 v9, v5;
	v9 =	vld [tilespmem:s18+$0xEC10]  }
0xc1: {  	v5 =	vadd.s32 v10, v5;
	v10 =	vld [tilespmem:s18+$0xF010]  }
0xc2: {  	v11 =	vld [tilespmem:s18+$0xF410];
	v5 =	vadd.s32 v6, v5  }
0xc3: {  	v6 =	vld [tilespmem:s18+$0xF810];
	v5 =	vadd.s32 v7, v5  }
0xc4: {  	v7 =	vld [tilespmem:s18+$0xFC10];
	v5 =	vadd.s32 v8, v5  }
0xc5: {  	v8 =	vld [tilespmem:s18+$0x10010];
	v5 =	vadd.s32 v9, v5  }
0xc6: {  	s19 =	simm.s32 $0x10;
	v9 =	vld [tilespmem:s18+$0x10410];
	v10 =	vadd.s32 v10, v5  }
0xc7: {  	s20 =	simm.s32 $0x80;
	v5 =	vld [tilespmem:s19+$0xC810];
	v10 =	vadd.s32 v11, v10  }
.LBB2_11:
0xc8: {  	p0 =	sne.s32 s20, $0xFC0;
	v11 =	vld [tilespmem:s19+$0xCC10];
	v6 =	vadd.s32 v6, v10  }
0xc9: {  	v10 =	vld [tilespmem:s19+$0xD010];
	v6 =	vadd.s32 v7, v6  }
0xca: {  	v7 =	vld [tilespmem:s19+$0xD410];
	v6 =	vadd.s32 v8, v6  }
0xcb: {  	v8 =	vld [tilespmem:s19+$0xD810];
	v6 =	vadd.s32 v9, v6  }
0xcc: {  	v9 =	vld [tilespmem:s19+$0xDC10];
	[tilespmem:s18+$0x10810] =	vst v6;
	s18 =	smov.u32 s19  }
0xcd: {  	v5 =	vadd.s32 v5, v11;
	v6 =	vld [tilespmem:s18+$0xE010]  }
0xce: {  	v5 =	vadd.s32 v10, v5;
	v10 =	vld [tilespmem:s18+$0xE410]  }
0xcf: {  	v5 =	vadd.s32 v7, v5;
	v7 =	vld [tilespmem:s18+$0xE810]  }
0xd0: {  	v5 =	vadd.s32 v8, v5;
	v8 =	vld [tilespmem:s18+$0xEC10]  }
0xd1: {  	v5 =	vadd.s32 v9, v5;
	v9 =	vld [tilespmem:s18+$0xF010]  }
0xd2: {  	v5 =	vadd.s32 v6, v5;
	v11 =	vld [tilespmem:s18+$0xF410]  }
.Ltmp5:
0xd3: {  	v5 =	vadd.s32 v10, v5;
	v6 =	vld [tilespmem:s18+$0xF810];
	(pc) =	sbr.rel @p0 .LBB2_11-.Ltmp5, $4  }
0xd4: {  	v5 =	vadd.s32 v7, v5;
	v7 =	vld [tilespmem:s18+$0xFC10]  }
0xd5: {  	v5 =	vadd.s32 v8, v5;
	v8 =	vld [tilespmem:s18+$0x10010]  }
0xd6: {  	s19 =	sshra.s32 s20, $0x2;
	v10 =	vadd.s32 v9, v5;
	v9 =	vld [tilespmem:s18+$0x10410]  }
0xd7: {  	s20 =	sadd.s32 $0x40, s20;
	v5 =	vld [tilespmem:s19+$0xC810];
	v10 =	vadd.s32 v11, v10  }
0xd8: {  	v11 =	vld [tilespmem:s19+$0xCC10];
	v6 =	vadd.s32 v6, v10  }
0xd9: {  	v55 =	vld [tilespmem:s19+$0xD010];
	v6 =	vadd.s32 v7, v6  }
0xda: {  	v7 =	vld [tilespmem:s19+$0xD410];
	v6 =	vadd.s32 v8, v6  }
0xdb: {  	v56 =	vld [tilespmem:s19+$0xD810];
	v6 =	vadd.s32 v9, v6  }
0xdc: {  	v57 =	vld [tilespmem:s19+$0xDC10];
	[tilespmem:s18+$0x10810] =	vst v6  }
0xdd: {  	v5 =	vadd.s32 v5, v11;
	v6 =	vld [tilespmem:s19+$0xE010]  }
0xde: {  	v58 =	vld [tilespmem:s19+$0xE410];
	v5 =	vadd.s32 v55, v5  }
0xdf: {  	v5 =	vadd.s32 v7, v5;
	v7 =	vld [tilespmem:s19+$0xE810]  }
0xe0: {  	v59 =	vld [tilespmem:s19+$0xEC10];
	v5 =	vadd.s32 v56, v5  }
0xe1: {  	v60 =	vld [tilespmem:s19+$0xF010];
	v5 =	vadd.s32 v57, v5  }
0xe2: {  	v5 =	vadd.s32 v6, v5;
	v6 =	vld [tilespmem:s19+$0xF410]  }
0xe3: {  	v61 =	vld [tilespmem:s19+$0xF810];
	v5 =	vadd.s32 v58, v5  }
0xe4: {  	v5 =	vadd.s32 v7, v5;
	v7 =	vld [tilespmem:s19+$0xFC10]  }
0xe5: {  	v62 =	vld [tilespmem:s19+$0x10010];
	v5 =	vadd.s32 v59, v5  }
0xe6: {  	v63 =	vld [tilespmem:s19+$0x10410];
	v5 =	vadd.s32 v60, v5  }
0xe7: {  	v5 =	vadd.s32 v6, v5  }
0xe8: {  	v5 =	vadd.s32 v61, v5  }
0xe9: {  	v5 =	vadd.s32 v7, v5  }
0xea: {  	s17 =	sadd.s32 $0x1, s17;
	v5 =	vadd.s32 v62, v5  }
0xeb: {  	p0 =	sne.s32 s17, s7;
	v5 =	vadd.s32 v63, v5  }
.Ltmp6:
0xec: {  	[tilespmem:s19+$0x10810] =	vst v5;
	(pc) =	sbr.rel @p0 .LBB2_1-.Ltmp6, $4  }
0xed: {  	[hbm4b:s6+s4] =	stream.linear.scatter [tilespmem:s16], [sflag:$0x2], $0x400, $0x38;
	[tilespmem:$0x10C10] =	vst v63  }
0xee: {  	_ =	swait.ge [sflag:s9], $0x400  }
0xef: {  	[sflag:s9] =	ssyncset.done $0x0  }
0xf0: {  	[sflag:s9] =	ssyncadd.s32 $0xFFFFFC00  }
0xf1: {  	_ =	sfence.sel $0x180000  }
0xf2: {  	[bflag:$0x0] =	sbarrier.arrive $0xFFFF  }
0xf3: {  	p0 =	sne.s32 s2, $0x0;
	_ =	strace $0x9000004A  }
0xf4: {  	s0 =	sadd.s32 @!p0 $0x100000, s0;
	[bflag:$0x2] =	sbarrier.arrive $0xFFFF  }
0xf5: {  	[sflag:s0] =	ssyncadd.tile.s32 @!p0 $0x1;
	_ =	shalt  }
.Lfunc_end2:
_tile_overlayer_lowered:
.L_overlay_start_2:
0xf6: {  	(tag) =	ssettag $0x2  }
0xf7: {  	s0 =	rddreg [dreg:$0x0];
	s2 =	stileid.u32  }
0xf8: {  	s1 =	rddreg [dreg:$0x1];
	p0 =	sne.s32 s2, $0x0  }
0xf9: {  	s3 =	rddreg [dreg:$0x2];
	[bflag:$0x3] =	sbarrier.arrive $0xFFFF;
	s2 =	simm.s32 @!p0 $0x1C02  }
0xfa: {  	[timem:s3], [sflag:s2] =	dma.local @!p0 [hbm:s0], s1  }
0xfb: {  	s0 =	simm.s32 @!p0 $0x2  }
0xfc: {  	_ =	swait.ge @!p0 [sflag:s0], s1  }
0xfd: {  	s1 =	ssub.s32 @!p0 $0x0, s1;
	[sflag:s0] =	ssyncset.done @!p0 $0x0  }
0xfe: {  	[sflag:s0] =	ssyncadd.s32 @!p0 s1  }
0xff: {  	[bflag:$0x3] =	sbarrier.arrive $0xFFFF  }
0x100: {  	_ =	shalt  }

// kernel: sparse-core-data-format-call.cloned.1.call-start
scs
called_computation_lowered:
.L_overlay_start_0:
0x0: {  	s2 =	sld [smem:$0x3FD9]  }
0x1: {  	s3 =	sld [smem:$0x3FFE];
	_ =	sdelay $0x1  }
0x2: {  	s1 =	srdreg.scid  }
0x3: {  	s0 =	sand.u32 $0x1, s1  }
0x4: {  	s15 =	sshll.u32 s0, $0xA;
	s2 =	sadd.s32 s3, s2  }
0x5: {  	s2 =	sadd.s32 s2, s15  }
0x6: {  	[smem:$0x3FC4] =	sst s2  }
0x7: {  	_ = 	snop  }
0x8: {  	s2 =	sld [smem:$0x3FD0];
	_ =	sdelay $0x2  }
0x9: {  	s16 =	simm.s32 $0xA;
	s4 =	simm.s32 $0x10  }
0xa: {  	[smem:s4], [sflag:s16] =	dma.local [hbm:s2], $0x1  }
0xb: {  	_ =	swait.eq [sflag:s16], $0x1  }
0xc: {  	[sflag:s16] =	ssyncset.done $0x0  }
0xd: {  	[sflag:s16] =	ssyncadd.s32 $0xFFFFFFFF  }
0xe: {  	s17 =	sld [smem:$0x11];
	(tm) =	ssettm $0x1  }
0xf: {  	s18 =	sld [smem:$0x3FFB];
	_ =	sdelay $0x3  }
0x10: {  	_ =	strace s18  }
0x11: {  	s3 =	sld [smem:$0x3FFC];
	_ =	sdelay $0x3  }
0x12: {  	_ =	strace s3  }
0x13: {  	s3 =	sld [smem:$0x3FFD];
	_ =	sdelay $0x3  }
0x14: {  	_ =	strace s3  }
0x15: {  	_ =	strace $0x8FFFFFFF  }
0x16: {  	s19 =	sld [smem:$0x3FDB];
	_ =	sdelay $0x1  }
0x17: {  	s20 =	simm.s32 $_scs_section_size  }
0x18: {  	s5 =	simm.s32 $_size__tile_overlayer_lowered;
	s6 =	simm.s32 $_tile_overlayer_lowered  }
0x19: {  	s23 =	simm.s32 $0x1BFF;
	s22 =	sshll.u32 s6, $0x1;
	s3 =	sadd.s32 s20, s19  }
0x1a: {  	s7 =	simm.s32 $0x0;
	s21 =	sshll.u32 s5, $0x1;
	s5 =	sadd.s32 s22, s3  }
0x1b: {  	[timem:s7], [sflag:s23] =	dma.local [hbm:s5], s21  }
0x1c: {  	_ =	swait.ge [sflag:s23], s21  }
0x1d: {  	s4 =	ssub.s32 $0x0, s21;
	[sflag:s23] =	ssyncset.done $0x0  }
0x1e: {  	[sflag:s23] =	ssyncadd.s32 s4;
	_ =	sdelay $0x1  }
0x1f: {  	s24 =	simm.s32 $0x1B8B  }
0x20: {  	_ =	swait.ge [sflag:s24], $0x1  }
0x21: {  	[sflag:s24] =	ssyncset.done $0x0  }
0x22: {  	s26 =	simm.s32 $0x1B8E;
	s25 =	sld [smem:$0x3FFE];
	[sflag:s24] =	ssyncadd.s32 $0xFFFFFFFF  }
0x23: {  	s27 =	simm.s32 $execute0_lowered;
	[smem:$0x3FD2] =	sst s26  }
0x24: {  	s5 =	sshll.u32 s27, $0x1;
	_ =	strace $0x80000046;
	[dreg:$0x1] =	wrdreg $0xFFFFFFFF  }
0x25: {  	s28 =	simm.s32 $_size_execute0_lowered;
	s3 =	sadd.s32 s3, s5;
	[dreg:$0x0] =	wrdreg $0x0  }
0x26: {  	s5 =	sshll.u32 s28, $0x1;
	[dreg:$0x2] =	wrdreg s3  }
0x27: {  	[dreg:$0x3] =	wrdreg s5  }
0x28: {  	[dreg:$0x4] =	wrdreg $0xC0  }
0x29: {  	_ =	task [dreg:s7], $0x5FFFF  }
0x2a: {  	[dreg:$0x1] =	wrdreg $0xFFFFFFFF  }
0x2b: {  	[dreg:$0x0] =	wrdreg $0x60  }
0x2c: {  	[dreg:$0x2] =	wrdreg s25  }
0x2d: {  	[dreg:$0x3] =	wrdreg s17  }
0x2e: {  	[dreg:$0x4] =	wrdreg $0x9  }
0x2f: {  	_ =	task.clear_ibuf [dreg:s7], $0x5FFFF;
	_ =	strace $0x90000046  }
0x30: {  	s29 =	simm.s32 $0x9;
	_ =	strace $0x80000048  }
0x31: {  	_ =	swait.ge [sflag:s29], $0x1  }
0x32: {  	[sflag:s29] =	ssyncadd.s32 $0xFFFFFFFF  }
0x33: {  	_ =	strace $0x90000048  }
0x34: {  	_ =	sfence  }
0x35: {  	s30 =	sld [smem:$0x0];
	_ =	sdelay $0x2  }
0x36: {  	s31 =	sshll.u32 s1, $0xD;
	s1 =	sshrl.u32 s1, $0x2  }
0x37: {  	s3 =	sand.u32 $0x4000, s31;
	s1 =	sadd.s32 s1, s30  }
0x38: {  	s0 =	sor.u32 s3, s0;
	s1 =	sshll.u32 s1, $0x11  }
0x39: {  	s0 =	sor.u32 s1, s0  }
0x3a: {  	s0 =	sadd.s32 $0x8F2B, s0  }
0x3b: {  	[sflag:s0] =	ssyncadd.remote.s32 $0x1  }
0x3c: {  	_ =	sfence.sel $0xFFFF  }
0x3d: {  	[dreg:$0x0] =	wrdreg $0xFFFFFFFF;
	(pc) =	sbr.abs _section_cstart, $3  }
0x3e: {  	[dreg:$0x1] =	wrdreg $0xFFFFFFFF  }
0x3f: {  	_ =	task.clear_ibuf [dreg:s7], $0x2FFFF;
	_ =	strace $0x9FFFFFFF  }
0x40: {  	(tm) =	ssettm $0x7FFFFFFF  }
0x41: {  	_ =	shalt  }
tec
execute0_lowered:
.L_overlay_start_1:
0x0: {  	(tag) =	ssettag $0x1  }
0x1: {  	s1 =	rddreg [dreg:$0x0]  }
0x2: {  	s2 =	rddreg [dreg:$0x1]  }
0x3: {  	s0 =	rddreg [dreg:$0x2];
	_ =	strace $0x80000047;
	s4 =	srdreg.scid  }
0x4: {  	s6 =	simm.s32 $0x2;
	s11 =	simm.s32 $0x0;
	p0 =	por $0x0, $0x0  }
.Ltmp0:
0x5: {  	s7 =	simm.s32 $0x3000;
	s12 =	simm.s32 $0x0;
	(pc) =	sbr.rel .LBB1_1-.Ltmp0, $4  }
0x6: {  	s9 =	simm.s32 $0x0;
	s3 =	sadd.s32 $0x200, s1;
	s5 =	sshll.u32 s4, $0x4  }
0x7: {  	s1 =	stileid.u32;
	s4 =	simm.s32 $0x1;
	s5 =	sand.u32 $0x10, s5  }
0x8: {  	s8 =	simm.s32 $0x0;
	[sflag:s4] =	ssyncpa.u1 $0x0;
	s5 =	sor.u32 s1, s5  }
0x9: {  	[sflag:s6] =	ssyncpa.u1 $0x0;
	s6 =	simm.s32 $0x800;
	s10 =	smov.u32 s5  }
.LBB1_7:
0xa: {  	s13 =	sadd.s32 $0x10, s9  }
0xb: {  	s11 =	sadd.s32 $0x20, s10;
	s15 =	smov.u32 s10;
	p2 =	sgt.s32 s13, $0x5F  }
0xc: {  	p1 =	slt.u32 s8, $0x2;
	s15 =	smov.u32 @p2 s11  }
0xd: {  	s8 =	sadd.s32 $0x1, s8;
	s13 =	simm.s32 @p2 $0x0;
	p2 =	sgt.s32 s15, $0x7F  }
0xe: {  	s15 =	smov.u32 @p2 s5;
	p2 =	sne.s32 s8, $0x1A  }
.Ltmp1:
0xf: {  	_ = 	snop;
	(pc) =	sbr.rel @!p2 .LBB1_8-.Ltmp1, $4  }
0x10: {  	s14 =	simm.s32 @!p1 $0x2  }
0x11: {  	s12 =	smov.u32 s10;
	_ =	swait.ge @!p1 [sflag:s14], $0x4000  }
0x12: {  	p0 =	por !p0, !p0;
	s11 =	smov.u32 s9;
	[sflag:s14] =	ssyncset.done @!p1 $0x0  }
0x13: {  	s9 =	smov.u32 s13;
	[sflag:s14] =	ssyncadd.s32 @!p1 $0xFFFFC000;
	s10 =	smov.u32 s15  }
.LBB1_1:
0x14: {  	p1 =	sgt.u32 s8, $0x17  }
0x15: {  	s13 =	smul.u32 @!p1 $0x3000, s10  }
0x16: {  	s14 =	sxor.u32 @!p1 $0xFFFFFFFF, s8  }
0x17: {  	s15 =	sshll.u32 @!p1 s9, $0x7;
	s14 =	sshll.u32 @!p1 s14, $0xE;
	s13 =	sadd.s32 @!p1 s3, s13  }
0x18: {  	s14 =	sand.u32 @!p1 $0x4000, s14;
	s13 =	sadd.s32 @!p1 s15, s13;
	s15 =	simm.s32 @!p1 $0x0  }
0x19: {  	[tilespmem:s14], [sflag:$0x1] =	stream.linear.gather @!p1 [hbm4b:s13+s15], $0x4000, $0x38;
	[tilespmem:$0x10000] =	vst v63  }
0x1a: {  	p1 =	seq.s32 s8, $0x0  }
0x1b: {  	p2 =	seq.s32 @!p1 s8, $0x19  }
0x1c: {  	p1 =	por p1, p2  }
.Ltmp2:
0x1d: {  	_ = 	snop;
	(pc) =	sbr.rel @p1 .LBB1_7-.Ltmp2, $1  }
0x1e: {  	_ =	sdelay $0x3  }
0x1f: {  	s13 =	simm.s32 $0x1;
	_ =	swait.ge [sflag:s4], $0x4000;
	s16 =	sshll.u32 s8, $0xE  }
0x20: {  	s13 =	simm.s32 @!p0 $0x0;
	[sflag:s4] =	ssyncset.done $0x0;
	s31 =	sand.u32 $0x4000, s16  }
0x21: {  	s16 =	simm.s32 $0x0;
	s13 =	sshll.u32 s13, $0xE;
	[sflag:s4] =	ssyncadd.s32 $0xFFFFC000  }
0x22: {  	s14 =	sor.u32 $0x8040, s13;
	s15 =	sor.u32 $0x40, s13;
	s13 =	sor.u32 $0x8000, s31  }
.LBB1_3:
0x23: {  	v0 =	vmov s15;
	_ =	sdelay $0x3  }
0x24: {  	s18 =	simm.s32 $0x0  }
0x25: {  	v6 =	vld.idx.msk [tilespmem:v0+s18+$0x30 ss:$0x1], $0xffff  }
0x26: {  	v7 =	vld.idx.msk [tilespmem:v0+s18+$0xFFFFFFC0 ss:$0x1], $0xffff  }
0x27: {  	v5 =	vld.idx.msk [tilespmem:v0+s18+$0xFFFFFFD0 ss:$0x1], $0xffff  }
0x28: {  	v4 =	vld.idx.msk [tilespmem:v0+s18+$0xFFFFFFE0 ss:$0x1], $0xffff  }
0x29: {  	v3 =	vld.idx.msk [tilespmem:v0+s18+$0xFFFFFFF0 ss:$0x1], $0xffff  }
0x2a: {  	v1 =	vld.idx.msk [tilespmem:v0+s18+$0x0 ss:$0x1], $0xffff  }
0x2b: {  	v2 =	vld.idx.msk [tilespmem:v0+s18+$0x10 ss:$0x1], $0xffff;
	[tilespmem:s14+$0x30] =	vst v6  }
0x2c: {  	s17 =	simm.s32 $0x80;
	s19 =	simm.s32 $0x400;
	[tilespmem:s14+$0xFFFFFFC0] =	vst v7;
	v6 =	vld.idx.msk [tilespmem:v0+s18+$0x20 ss:$0x1], $0xffff;
	s18 =	smov.u32 s14  }
.LBB1_4:
0x2d: {  	p1 =	sne.s32 s19, $0xE00;
	v7 =	vld.idx.msk [tilespmem:v0+s17+$0x30 ss:$0x1], $0xffff;
	[tilespmem:s18+$0xFFFFFFD0] =	vst v5  }
0x2e: {  	v8 =	vld.idx.msk [tilespmem:v0+s17+$0xFFFFFFC0 ss:$0x1], $0xffff;
	[tilespmem:s18+$0xFFFFFFE0] =	vst v4  }
0x2f: {  	v5 =	vld.idx.msk [tilespmem:v0+s17+$0xFFFFFFD0 ss:$0x1], $0xffff;
	[tilespmem:s18+$0xFFFFFFF0] =	vst v3  }
.Ltmp3:
0x30: {  	v4 =	vld.idx.msk [tilespmem:v0+s17+$0xFFFFFFE0 ss:$0x1], $0xffff;
	[tilespmem:s18+$0x0] =	vst v1;
	(pc) =	sbr.rel @p1 .LBB1_4-.Ltmp3, $4  }
0x31: {  	v3 =	vld.idx.msk [tilespmem:v0+s17+$0xFFFFFFF0 ss:$0x1], $0xffff;
	[tilespmem:s18+$0x10] =	vst v2  }
0x32: {  	v1 =	vld.idx.msk [tilespmem:v0+s17+$0x0 ss:$0x1], $0xffff;
	[tilespmem:s18+$0x20] =	vst v6;
	s18 =	sadd.s32 $0x800, s18  }
0x33: {  	v2 =	vld.idx.msk [tilespmem:v0+s17+$0x10 ss:$0x1], $0xffff;
	[tilespmem:s18+$0x30] =	vst v7  }
0x34: {  	[tilespmem:s18+$0xFFFFFFC0] =	vst v8;
	v6 =	vld.idx.msk [tilespmem:v0+s17+$0x20 ss:$0x1], $0xffff;
	s17 =	sshra.s32 s19, $0x2;
	s19 =	sadd.s32 $0x200, s19  }
0x35: {  	_ =	sdelay $0x2  }
0x36: {  	[tilespmem:s18+$0xFFFFFFD0] =	vst v5  }
0x37: {  	v56 =	vld.idx.msk [tilespmem:v0+s17+$0x30 ss:$0x1], $0xffff;
	[tilespmem:s18+$0xFFFFFFE0] =	vst v4  }
0x38: {  	v57 =	vld.idx.msk [tilespmem:v0+s17+$0xFFFFFFC0 ss:$0x1], $0xffff;
	[tilespmem:s18+$0xFFFFFFF0] =	vst v3  }
0x39: {  	v58 =	vld.idx.msk [tilespmem:v0+s17+$0xFFFFFFD0 ss:$0x1], $0xffff;
	[tilespmem:s18+$0x0] =	vst v1  }
0x3a: {  	v59 =	vld.idx.msk [tilespmem:v0+s17+$0xFFFFFFE0 ss:$0x1], $0xffff;
	[tilespmem:s18+$0x10] =	vst v2  }
0x3b: {  	v60 =	vld.idx.msk [tilespmem:v0+s17+$0xFFFFFFF0 ss:$0x1], $0xffff;
	s31 =	sadd.s32 $0x800, s18;
	[tilespmem:s18+$0x20] =	vst v6  }
0x3c: {  	v61 =	vld.idx.msk [tilespmem:v0+s17+$0x0 ss:$0x1], $0xffff;
	[tilespmem:s31+$0x30] =	vst v56  }
0x3d: {  	v62 =	vld.idx.msk [tilespmem:v0+s17+$0x10 ss:$0x1], $0xffff;
	s16 =	sadd.s32 $0x1, s16;
	[tilespmem:s31+$0xFFFFFFC0] =	vst v57  }
0x3e: {  	v63 =	vld.idx.msk [tilespmem:v0+s17+$0x20 ss:$0x1], $0xffff;
	p1 =	sne.s32 s16, $0x10;
	[tilespmem:s31+$0xFFFFFFD0] =	vst v58  }
.Ltmp4:
0x3f: {  	[tilespmem:s31+$0xFFFFFFE0] =	vst v59;
	(pc) =	sbr.rel @p1 .LBB1_3-.Ltmp4, $4  }
0x40: {  	[tilespmem:s31+$0xFFFFFFF0] =	vst v60  }
0x41: {  	[tilespmem:s31+$0x0] =	vst v61  }
0x42: {  	[tilespmem:s31+$0x10] =	vst v62  }
0x43: {  	s14 =	sadd.s32 $0x80, s14;
	s15 =	sadd.s32 $0x400, s15;
	[tilespmem:s31+$0x20] =	vst v63  }
0x44: {  	s11 =	sand.u32 $0x1FFFFFF, s11  }
0x45: {  	s14 =	smulhi.u32 $0x2AAAAAB, s11  }
0x46: {  	s12 =	smul.u32 $0x3000, s12  }
0x47: {  	s14 =	smul.u32 $0x60, s14  }
.Ltmp5:
0x48: {  	_ = 	snop;
	(pc) =	sbr.rel .LBB1_7-.Ltmp5, $4  }
0x49: {  	s11 =	ssub.s32 s11, s14  }
0x4a: {  	s12 =	sadd.s32 s2, s12;
	s11 =	sshll.u32 s11, $0x4  }
0x4b: {  	s11 =	sadd.s32 s11, s12  }
0x4c: {  	[hbm4b:s11+s6] =	stream.strided.scatter [tilespmem:s13], [sflag:$0x2], $0x4000, s7, s6, $0x38;
	[tilespmem:$0x10000] =	vst v63  }
.LBB1_8:
0x4d: {  	_ =	sfence.sel $0x180000  }
0x4e: {  	s2 =	simm.s32 $0x1;
	[bflag:$0x0] =	sbarrier.arrive $0xFFFF  }
0x4f: {  	s31 =	simm.s32 $0x2;
	[sflag:s2] =	ssyncpa.u1 $0x1  }
0x50: {  	[sflag:s31] =	ssyncpa.u1 $0x1  }
0x51: {  	p0 =	sne.s32 s1, $0x0;
	_ =	strace $0x90000047  }
0x52: {  	s0 =	sadd.s32 @!p0 $0x100000, s0;
	[bflag:$0x2] =	sbarrier.arrive $0xFFFF  }
0x53: {  	[sflag:s0] =	ssyncadd.tile.s32 @!p0 $0x1;
	_ =	shalt  }
.Lfunc_end1:
_tile_overlayer_lowered:
.L_overlay_start_2:
0x54: {  	(tag) =	ssettag $0x2  }
0x55: {  	s0 =	rddreg [dreg:$0x0];
	s2 =	stileid.u32  }
0x56: {  	s1 =	rddreg [dreg:$0x1];
	p0 =	sne.s32 s2, $0x0  }
0x57: {  	s3 =	rddreg [dreg:$0x2];
	[bflag:$0x3] =	sbarrier.arrive $0xFFFF;
	s2 =	simm.s32 @!p0 $0x1C01  }
0x58: {  	[timem:s3], [sflag:s2] =	dma.local @!p0 [hbm:s0], s1  }
0x59: {  	s0 =	simm.s32 @!p0 $0x1  }
0x5a: {  	_ =	swait.ge @!p0 [sflag:s0], s1  }
0x5b: {  	s1 =	ssub.s32 @!p0 $0x0, s1;
	[sflag:s0] =	ssyncset.done @!p0 $0x0  }
0x5c: {  	[sflag:s0] =	ssyncadd.s32 @!p0 s1  }
0x5d: {  	[bflag:$0x3] =	sbarrier.arrive $0xFFFF  }
0x5e: {  	_ =	shalt  }

</sc_bundles>
